<compile_context>
chip_gen: v7x
topology: tpu7x:2x2x1
jax: 0.10.2.dev20260603
libtpu: 0.0.44.dev20260713+nightly
codegen_flags: <defaults>
</compile_context>

<pallas_src>
import functools

import jax
import jax.numpy as jnp
from jax import lax
from jax.experimental import pallas as pl
from jax.experimental.pallas import tpu as pltpu
from jax.experimental.pallas import tpu_sc as plsc

N = 10000
E = 320000
D = 128

NC = 2
NS = 16
L = 16
NW = NC * NS
EPW = 10240
EPAD = NW * EPW
K = 80
SCK = 16
SCE = SCK * K
NSUP = EPW // SCE
RPT = 624
CB = 80
CT = RPT - 7 * CB

BN = 2000
BNZ = 1000


def _proj_body(x_ref, w_ref, as_ref, at_ref, h_ref, s_ref, t_ref,
               smax_ref, tmax_ref):
    i = pl.program_id(0)
    xb = x_ref[...]
    hb = lax.dot_general(xb, w_ref[...], (((1,), (1,)), ((), ())),
                         preferred_element_type=jnp.float32)
    h_ref[...] = hb
    sb = lax.dot_general(hb, as_ref[...], (((1,), (0,)), ((), ())),
                         preferred_element_type=jnp.float32)
    tb = lax.dot_general(hb, at_ref[...], (((1,), (0,)), ((), ())),
                         preferred_element_type=jnp.float32)
    s_ref[...] = sb
    t_ref[...] = tb

    @pl.when(i == 0)
    def _():
        smax_ref[...] = jnp.full((1, 1), -jnp.inf, jnp.float32)
        tmax_ref[...] = jnp.full((1, 1), -jnp.inf, jnp.float32)

    smax_ref[...] = jnp.maximum(smax_ref[...], jnp.max(sb))
    tmax_ref[...] = jnp.maximum(tmax_ref[...], jnp.max(tb))


_proj_call = pl.pallas_call(
    _proj_body,
    grid=(N // BN,),
    in_specs=[
        pl.BlockSpec((BN, D), lambda i: (i, 0)),
        pl.BlockSpec((D, D), lambda i: (0, 0)),
        pl.BlockSpec((D, 1), lambda i: (0, 0)),
        pl.BlockSpec((D, 1), lambda i: (0, 0)),
    ],
    out_specs=[
        pl.BlockSpec((BN, D), lambda i: (i, 0)),
        pl.BlockSpec((BN, 1), lambda i: (i, 0)),
        pl.BlockSpec((BN, 1), lambda i: (i, 0)),
        pl.BlockSpec((1, 1), lambda i: (0, 0)),
        pl.BlockSpec((1, 1), lambda i: (0, 0)),
    ],
    out_shape=[
        jax.ShapeDtypeStruct((N, D), jnp.float32),
        jax.ShapeDtypeStruct((N, 1), jnp.float32),
        jax.ShapeDtypeStruct((N, 1), jnp.float32),
        jax.ShapeDtypeStruct((1, 1), jnp.float32),
        jax.ShapeDtypeStruct((1, 1), jnp.float32),
    ],
)


def _sc_body(h_hbm, s_hbm, t_hbm, src_hbm, tgt_hbm, c_hbm,
             part_hbm, zp_hbm,
             z_v, w_v, src_v, tgt_v, c_v,
             acc_sh, g0, g1, sc0, sc1):
    cid = lax.axis_index("c")
    sid = lax.axis_index("s")
    wid = cid * NS + sid

    pltpu.sync_copy(c_hbm, c_v)

    zeros = jnp.zeros((L,), jnp.float32)

    def _zz(i, carry):
        z_v[pl.ds(i * L, L)] = zeros
        return carry
    lax.fori_loop(0, N // L, _zz, 0)

    cvec = c_v[...]
    lane = lax.iota(jnp.int32, L)
    nch = jnp.where(sid == NS - 1, 8, 7)

    def _phase_a(s_v, t_v):
        pltpu.sync_copy(s_hbm, s_v)
        pltpu.sync_copy(t_hbm, t_v)

        def _super(g, carry):
            pltpu.sync_copy(src_hbm.at[wid, g], src_v)
            pltpu.sync_copy(tgt_hbm.at[wid, g], tgt_v)
            ebase = (wid * NSUP + g) * SCE

            def _pa(j, carry1):
                def _pa_inner(k, carry2):
                    sl = pl.ds(k * L, L)
                    ti = tgt_v[j, sl]
                    sv = plsc.load_gather(s_v, [src_v[j, sl]])
                    tv = plsc.load_gather(t_v, [ti])
                    e = sv + tv
                    e = jnp.where(e > 0, e, 0.2 * e)
                    w = jnp.exp(e - cvec)
                    w = jnp.where(ebase + j * K + k * L + lane < E, w, 0.0)
                    w_v[pl.ds(ebase - wid * EPW + j * K + k * L, L)] = w
                    plsc.addupdate_scatter(z_v, [ti], w)
                    return carry2
                return lax.fori_loop(0, K // L, _pa_inner, carry1)
            return lax.fori_loop(0, SCK, _pa, carry)
        lax.fori_loop(0, NSUP, _super, 0)

    pl.run_scoped(_phase_a,
                  pltpu.VMEM((N,), jnp.float32),
                  pltpu.VMEM((N,), jnp.float32))

    def _phase_b(b0, b1):
        def _zc(i, carry):
            b0[i // (D // L), pl.ds((i % (D // L)) * L, L)] = zeros
            return carry
        lax.fori_loop(0, K * D // L, _zc, 0)

        def _za(m, carry):
            pltpu.sync_copy(b0, acc_sh.at[pl.ds(sid * RPT + m * CB, CB)])
            return carry
        lax.fori_loop(0, nch, _za, 0)

        @pl.when(sid < NS - 1)
        def _():
            pltpu.sync_copy(b0.at[pl.ds(0, CT)],
                            acc_sh.at[pl.ds(sid * RPT + 7 * CB, CT)])

        plsc.subcore_barrier()

        def _scale(buf, base):
            def _grp(q, carry):
                wv = w_v[pl.ds(base + q * L, L)]
                for r16 in range(L):
                    w = wv[r16]
                    r = q * L + r16
                    for c in range(D // L):
                        sl = pl.ds(c * L, L)
                        buf[r, sl] = buf[r, sl] * w
                return carry
            lax.fori_loop(0, K // L, _grp, 0)

        def _super(g, carry):
            pltpu.sync_copy(src_hbm.at[wid, g], src_v)
            pltpu.sync_copy(tgt_hbm.at[wid, g], tgt_v)
            gbase = g * SCE

            pltpu.async_copy(h_hbm.at[src_v.at[0]], b0, g0)
            pltpu.async_copy(h_hbm.at[src_v.at[1]], b1, g1)

            def _pb(j2, carry1):
                e = 2 * j2
                o = e + 1
                pltpu.make_async_copy(h_hbm.at[src_v.at[e]], b0, g0).wait()
                _scale(b0, gbase + e * K)
                pltpu.async_copy(b0, acc_sh.at[tgt_v.at[e]], sc0, add=True)
                pltpu.make_async_copy(h_hbm.at[src_v.at[o]], b1, g1).wait()
                _scale(b1, gbase + o * K)
                pltpu.async_copy(b1, acc_sh.at[tgt_v.at[o]], sc1, add=True)

                @pl.when(j2 < SCK // 2 - 1)
                def _():
                    pltpu.make_async_copy(b0, acc_sh.at[tgt_v.at[e]],
                                          sc0).wait()
                    pltpu.async_copy(h_hbm.at[src_v.at[e + 2]], b0, g0)
                    pltpu.make_async_copy(b1, acc_sh.at[tgt_v.at[o]],
                                          sc1).wait()
                    pltpu.async_copy(h_hbm.at[src_v.at[o + 2]], b1, g1)
                return carry1
            lax.fori_loop(0, SCK // 2, _pb, 0)

            pltpu.make_async_copy(b0, acc_sh.at[tgt_v.at[SCK - 2]],
                                  sc0).wait()
            pltpu.make_async_copy(b1, acc_sh.at[tgt_v.at[SCK - 1]],
                                  sc1).wait()
            return carry
        lax.fori_loop(0, NSUP, _super, 0)

        plsc.subcore_barrier()

        def _out(m, carry):
            base = sid * RPT + m * CB
            pltpu.sync_copy(acc_sh.at[pl.ds(base, CB)], b0)
            pltpu.sync_copy(b0, part_hbm.at[cid, pl.ds(base, CB)])
            return carry
        lax.fori_loop(0, nch, _out, 0)

        @pl.when(sid < NS - 1)
        def _():
            base = sid * RPT + 7 * CB
            pltpu.sync_copy(acc_sh.at[pl.ds(base, CT)], b0.at[pl.ds(0, CT)])
            pltpu.sync_copy(b0.at[pl.ds(0, CT)],
                            part_hbm.at[cid, pl.ds(base, CT)])

    pl.run_scoped(_phase_b,
                  pltpu.VMEM((K, D), jnp.float32),
                  pltpu.VMEM((K, D), jnp.float32))

    def _zout(m, carry):
        pltpu.sync_copy(z_v.at[pl.ds(m * BNZ, BNZ)], zp_hbm.at[m, wid, 0])
        return carry
    lax.fori_loop(0, N // BNZ, _zout, 0)


@functools.cache
def _make_sc_call():
  return pl.kernel(
    _sc_body,
    out_type=[
        jax.ShapeDtypeStruct((NC, N, D), jnp.float32),
        jax.ShapeDtypeStruct((N // BNZ, NW, 1, BNZ), jnp.float32),
    ],
    mesh=plsc.VectorSubcoreMesh(core_axis_name="c", subcore_axis_name="s",
                                num_cores=NC, num_subcores=NS),
    compiler_params=pltpu.CompilerParams(needs_layout_passes=False),
    scratch_types=[
        pltpu.VMEM((N,), jnp.float32),
        pltpu.VMEM((EPW,), jnp.float32),
        pltpu.VMEM((SCK, K), jnp.int32),
        pltpu.VMEM((SCK, K), jnp.int32),
        pltpu.VMEM((L,), jnp.float32),
        pltpu.VMEM_SHARED((N, D), jnp.float32),
        pltpu.SemaphoreType.DMA,
        pltpu.SemaphoreType.DMA,
        pltpu.SemaphoreType.DMA,
        pltpu.SemaphoreType.DMA,
    ],
  )


def _norm_body(part_ref, zp_ref, eye_ref, out_ref):
    p = part_ref[...]
    zl = jnp.sum(zp_ref[...], axis=(0, 1, 2)).reshape(1, BNZ)
    recip = 1.0 / (zl + 1e-10)
    diag = eye_ref[...] * recip
    psum = p[0] + p[1]
    out_ref[...] = lax.dot_general(diag, psum, (((1,), (0,)), ((), ())),
                                   preferred_element_type=jnp.float32)


_norm_call = pl.pallas_call(
    _norm_body,
    grid=(N // BNZ,),
    in_specs=[
        pl.BlockSpec((NC, BNZ, D), lambda i: (0, i, 0)),
        pl.BlockSpec((1, NW, 1, BNZ), lambda i: (i, 0, 0, 0)),
        pl.BlockSpec((BNZ, BNZ), lambda i: (0, 0)),
    ],
    out_specs=pl.BlockSpec((BNZ, D), lambda i: (i, 0)),
    out_shape=jax.ShapeDtypeStruct((N, D), jnp.float32),
)


def kernel(x, edge_index, W, a_src, a_tgt):
    h, s, t, smax, tmax = _proj_call(x, W, a_src, a_tgt)
    c16 = jnp.broadcast_to(smax[0, 0] + tmax[0, 0], (L,))
    pad = jnp.broadcast_to(jnp.arange(EPAD - E, dtype=jnp.int32) % N,
                           (2, EPAD - E))
    ei = jnp.concatenate([edge_index, pad], axis=1)
    src_r = ei[0].reshape(NW, NSUP, SCK, K)
    tgt_r = ei[1].reshape(NW, NSUP, SCK, K)
    part, zp = _make_sc_call()(h, s.reshape(N), t.reshape(N), src_r, tgt_r, c16)
    return _norm_call(part, zp, jnp.eye(BNZ, dtype=jnp.float32))

# --- scband reference (transcript-rebuilt; emitter-appended) ---
"""Pipeline reference for scband-gatlayer-80513456931225 (READ-ONLY COPY).

The authoritative reference and input builder live on the scoring server;
editing this copy changes nothing except your own understanding.
"""

import jax, jax.numpy as jnp
import numpy as np

N = 10000
E = 320000
D_IN = 128
D_OUT = 128


def _leaky_relu(v, slope=0.2):
    return jnp.where(v > 0, v, slope * v)


def setup_inputs(seed: int = 0) -> dict:
    key = jax.random.key(seed)
    k1, k2, k3, k4, k5 = jax.random.split(key, 5)
    x = jax.random.normal(k1, (N, D_IN), dtype=jnp.float32)
    edge_index = jax.random.randint(k2, (2, E), 0, N, dtype=jnp.int32)
    # nn.Linear(in_dim, out_dim, bias=False): weight shape (out_dim, in_dim)
    W = jax.random.normal(k3, (D_OUT, D_IN), dtype=jnp.float32) * (1.0 / np.sqrt(D_IN))
    # xavier_uniform on (out_dim, 1)
    bound = np.sqrt(6.0 / (D_OUT + 1))
    a_src = jax.random.uniform(k4, (D_OUT, 1), minval=-bound, maxval=bound, dtype=jnp.float32)
    a_tgt = jax.random.uniform(k5, (D_OUT, 1), minval=-bound, maxval=bound, dtype=jnp.float32)
    return {"x": x, "edge_index": edge_index, "W": W, "a_src": a_src, "a_tgt": a_tgt}


def reference(x, edge_index, W, a_src, a_tgt):
    # h = self.W(x)
    h = x @ W.T
    src = edge_index[0]
    tgt = edge_index[1]
    e_src = (h[src] @ a_src)[:, 0]
    e_tgt = (h[tgt] @ a_tgt)[:, 0]
    e = _leaky_relu(e_src + e_tgt)
    # numerically-stable edge softmax over incoming edges of each target node
    e_max = jax.ops.segment_max(e, tgt, num_segments=N)
    e_exp = jnp.exp(e - e_max[tgt])
    e_sum = jax.ops.segment_sum(e_exp, tgt, num_segments=N)
    alpha = e_exp / (e_sum[tgt] + 1e-10)
    out = jax.ops.segment_sum(alpha[:, None] * h[src], tgt, num_segments=N)
    # dropout is identity in eval / with p=0.0
    return out

if __name__ == "__main__":
    import jax
    _d = setup_inputs()
    print(jax.jit(kernel)(*tuple(_d.values())))

</pallas_src>

<mosaic_0001>
#map = affine_map<(d0, d1) -> (0, 0)>
#map1 = affine_map<(d0, d1) -> (0)>
#map2 = affine_map<(d0, d1) -> (0, 0, 0, 0)>
#map3 = affine_map<(d0, d1) -> (0, 0, 0)>
module attributes {stable_mosaic.version = 14 : i64} {
  func.func @_sc_body(%arg0: i32, %arg1: i32, %arg2: memref<10000x128xf32, #tpu.memory_space<hbm>>, %arg3: memref<10000xf32, #tpu.memory_space<hbm>>, %arg4: memref<10000xf32, #tpu.memory_space<hbm>>, %arg5: memref<32x8x16x80xi32, #tpu.memory_space<hbm>>, %arg6: memref<32x8x16x80xi32, #tpu.memory_space<hbm>>, %arg7: memref<16xf32, #tpu.memory_space<hbm>>, %arg8: memref<2x10000x128xf32, #tpu.memory_space<hbm>>, %arg9: memref<10x32x1x1000xf32, #tpu.memory_space<hbm>>, %arg10: memref<10000xf32, #tpu.memory_space<vmem>>, %arg11: memref<10240xf32, #tpu.memory_space<vmem>>, %arg12: memref<16x80xi32, #tpu.memory_space<vmem>>, %arg13: memref<16x80xi32, #tpu.memory_space<vmem>>, %arg14: memref<16xf32, #tpu.memory_space<vmem>>, %arg15: memref<10000x128xf32, #tpu.memory_space<vmem_shared>>, %arg16: memref<!tpu.dma_semaphore, #tpu.memory_space<semaphore_mem>>, %arg17: memref<!tpu.dma_semaphore, #tpu.memory_space<semaphore_mem>>, %arg18: memref<!tpu.dma_semaphore, #tpu.memory_space<semaphore_mem>>, %arg19: memref<!tpu.dma_semaphore, #tpu.memory_space<semaphore_mem>>) attributes {dimension_semantics = [#tpu.dimension_semantics<core_parallel>, #tpu.dimension_semantics<subcore_parallel>], iteration_bounds = array<i64: 2, 16>, scalar_prefetch = 0 : i64, scratch_operands = 10 : i64, tpu.core_type = #tpu.core_type<sc_vector_subcore>, window_params = [{transform_indices = #map}, {transform_indices = #map1}, {transform_indices = #map1}, {transform_indices = #map2}, {transform_indices = #map2}, {transform_indices = #map1}, {transform_indices = #map3}, {transform_indices = #map2}]} {
    %mul3A = arith.constant 16 : i32
    %mul3A_0 = arith.muli %arg0, %mul3A : i32
    %add3A = arith.addi %mul3A_0, %arg1 : i32
    "tpu.region"() ({
      %run_scoped3A = tpu.sem_alloc : memref<!tpu.dma_semaphore, #tpu.memory_space<semaphore_mem>>
      tpu.enqueue_dma source(%arg7 : memref<16xf32, #tpu.memory_space<hbm>>) target(%arg14 : memref<16xf32, #tpu.memory_space<vmem>>) target_semaphore(%run_scoped3A : memref<!tpu.dma_semaphore, #tpu.memory_space<semaphore_mem>>)
      tpu.wait_dma2 semaphore(%run_scoped3A : memref<!tpu.dma_semaphore, #tpu.memory_space<semaphore_mem>>) src(%arg7 : memref<16xf32, #tpu.memory_space<hbm>>) dst(%arg14 : memref<16xf32, #tpu.memory_space<vmem>>)
      tpu.yield
    }) : () -> ()
    %broadcast_in_dim3A = arith.constant 0.000000e+00 : f32
    %broadcast_in_dim3A_1 = vector.broadcast %broadcast_in_dim3A : f32 to vector<16xf32>
    %scan3A = arith.constant 0 : i32
    %scan3A_2 = arith.constant 0 : i32
    %scan3A_3 = arith.constant 625 : i32
    %scan3A_4 = arith.addi %scan3A_2, %scan3A_3 : i32
    %scan3A_5 = arith.constant 1 : i32
    scf.for %scan3A_16 = %scan3A_2 to %scan3A_4 step %scan3A_5  : i32 {
      %mul3A_17 = arith.constant 16 : i32
      %mul3A_18 = arith.muli %scan3A_16, %mul3A_17 : i32
      %swap3A = arith.index_cast %mul3A_18 : i32 to index
      %swap3A_19 = tpu.vector_load %arg10[%swap3A] {strides = array<i32>} : memref<10000xf32, #tpu.memory_space<vmem>>, vector<16xf32>,
      tpu.vector_store %arg10[%swap3A], %broadcast_in_dim3A_1 {strides = array<i32>} : memref<10000xf32, #tpu.memory_space<vmem>>, vector<16xf32>,
    }
    %scan3A_6 = arith.constant 625 : i32
    %get3A = arith.constant 0 : index
    %get3A_7 = tpu.vector_load %arg14[%get3A] {strides = array<i32>} : memref<16xf32, #tpu.memory_space<vmem>>, vector<16xf32>,
    %iota3A = tpu.iota {dimensions = array<i32: 0>} : vector<16xi32>
    %eq3A = arith.constant 15 : i32
    %eq3A_8 = arith.cmpi eq, %arg1, %eq3A : i32
    %jit3A = arith.constant 8 : i32
    %jit3A_9 = arith.constant 7 : i32
    %select_n3A = arith.select %eq3A_8, %jit3A, %jit3A_9 : i32
    "tpu.region"() ({
      %run_scoped3A = memref.alloca() : memref<10000xf32, #tpu.memory_space<vmem>>
      %run_scoped3A_16 = memref.alloca() : memref<10000xf32, #tpu.memory_space<vmem>>
      "tpu.region"() ({
        %run_scoped3A_23 = tpu.sem_alloc : memref<!tpu.dma_semaphore, #tpu.memory_space<semaphore_mem>>
        tpu.enqueue_dma source(%arg3 : memref<10000xf32, #tpu.memory_space<hbm>>) target(%run_scoped3A : memref<10000xf32, #tpu.memory_space<vmem>>) target_semaphore(%run_scoped3A_23 : memref<!tpu.dma_semaphore, #tpu.memory_space<semaphore_mem>>)
        tpu.wait_dma2 semaphore(%run_scoped3A_23 : memref<!tpu.dma_semaphore, #tpu.memory_space<semaphore_mem>>) src(%arg3 : memref<10000xf32, #tpu.memory_space<hbm>>) dst(%run_scoped3A : memref<10000xf32, #tpu.memory_space<vmem>>)
        tpu.yield
      }) : () -> ()
      "tpu.region"() ({
        %run_scoped3A_23 = tpu.sem_alloc : memref<!tpu.dma_semaphore, #tpu.memory_space<semaphore_mem>>
        tpu.enqueue_dma source(%arg4 : memref<10000xf32, #tpu.memory_space<hbm>>) target(%run_scoped3A_16 : memref<10000xf32, #tpu.memory_space<vmem>>) target_semaphore(%run_scoped3A_23 : memref<!tpu.dma_semaphore, #tpu.memory_space<semaphore_mem>>)
        tpu.wait_dma2 semaphore(%run_scoped3A_23 : memref<!tpu.dma_semaphore, #tpu.memory_space<semaphore_mem>>) src(%arg4 : memref<10000xf32, #tpu.memory_space<hbm>>) dst(%run_scoped3A_16 : memref<10000xf32, #tpu.memory_space<vmem>>)
        tpu.yield
      }) : () -> ()
      %scan3A_17 = arith.constant 0 : i32
      %scan3A_18 = arith.constant 0 : i32
      %scan3A_19 = arith.constant 8 : i32
      %scan3A_20 = arith.addi %scan3A_18, %scan3A_19 : i32
      %scan3A_21 = arith.constant 1 : i32
      scf.for %scan3A_23 = %scan3A_18 to %scan3A_20 step %scan3A_21  : i32 {
        "tpu.region"() ({
          %run_scoped3A_34 = tpu.sem_alloc : memref<!tpu.dma_semaphore, #tpu.memory_space<semaphore_mem>>
          %dma_start3A = arith.constant 0 : i32
          %dma_start3A_35 = arith.constant 0 : i32
          %dma_start3A_36 = tpu.memref_slice %arg5[%add3A, %scan3A_23, %dma_start3A, %dma_start3A_35] : memref<32x8x16x80xi32, #tpu.memory_space<hbm>> -> memref<1x1x16x80xi32, #tpu.memory_space<hbm>>
          %dma_start3A_37 = tpu.memref_squeeze %dma_start3A_36 : memref<1x1x16x80xi32, #tpu.memory_space<hbm>> -> memref<16x80xi32, #tpu.memory_space<hbm>>
          %dma_start3A_38 = arith.constant 0 : i32
          %dma_start3A_39 = arith.constant 0 : i32
          %dma_start3A_40 = tpu.memref_slice %arg5[%add3A, %scan3A_23, %dma_start3A_38, %dma_start3A_39] : memref<32x8x16x80xi32, #tpu.memory_space<hbm>> -> memref<1x1x16x80xi32, #tpu.memory_space<hbm>>
          %dma_start3A_41 = tpu.memref_squeeze %dma_start3A_40 : memref<1x1x16x80xi32, #tpu.memory_space<hbm>> -> memref<16x80xi32, #tpu.memory_space<hbm>>
          tpu.enqueue_dma source(%dma_start3A_41 : memref<16x80xi32, #tpu.memory_space<hbm>>) target(%arg12 : memref<16x80xi32, #tpu.memory_space<vmem>>) target_semaphore(%run_scoped3A_34 : memref<!tpu.dma_semaphore, #tpu.memory_space<semaphore_mem>>)
          %dma_wait3A = arith.constant 0 : i32
          %dma_wait3A_42 = arith.constant 0 : i32
          %dma_wait3A_43 = tpu.memref_slice %arg5[%add3A, %scan3A_23, %dma_wait3A, %dma_wait3A_42] : memref<32x8x16x80xi32, #tpu.memory_space<hbm>> -> memref<1x1x16x80xi32, #tpu.memory_space<hbm>>
          %dma_wait3A_44 = tpu.memref_squeeze %dma_wait3A_43 : memref<1x1x16x80xi32, #tpu.memory_space<hbm>> -> memref<16x80xi32, #tpu.memory_space<hbm>>
          %dma_wait3A_45 = arith.constant 0 : i32
          %dma_wait3A_46 = arith.constant 0 : i32
          %dma_wait3A_47 = tpu.memref_slice %arg5[%add3A, %scan3A_23, %dma_wait3A_45, %dma_wait3A_46] : memref<32x8x16x80xi32, #tpu.memory_space<hbm>> -> memref<1x1x16x80xi32, #tpu.memory_space<hbm>>
          %dma_wait3A_48 = tpu.memref_squeeze %dma_wait3A_47 : memref<1x1x16x80xi32, #tpu.memory_space<hbm>> -> memref<16x80xi32, #tpu.memory_space<hbm>>
          tpu.wait_dma2 semaphore(%run_scoped3A_34 : memref<!tpu.dma_semaphore, #tpu.memory_space<semaphore_mem>>) src(%dma_wait3A_48 : memref<16x80xi32, #tpu.memory_space<hbm>>) dst(%arg12 : memref<16x80xi32, #tpu.memory_space<vmem>>)
          tpu.yield
        }) : () -> ()
        "tpu.region"() ({
          %run_scoped3A_34 = tpu.sem_alloc : memref<!tpu.dma_semaphore, #tpu.memory_space<semaphore_mem>>
          %dma_start3A = arith.constant 0 : i32
          %dma_start3A_35 = arith.constant 0 : i32
          %dma_start3A_36 = tpu.memref_slice %arg6[%add3A, %scan3A_23, %dma_start3A, %dma_start3A_35] : memref<32x8x16x80xi32, #tpu.memory_space<hbm>> -> memref<1x1x16x80xi32, #tpu.memory_space<hbm>>
          %dma_start3A_37 = tpu.memref_squeeze %dma_start3A_36 : memref<1x1x16x80xi32, #tpu.memory_space<hbm>> -> memref<16x80xi32, #tpu.memory_space<hbm>>
          %dma_start3A_38 = arith.constant 0 : i32
          %dma_start3A_39 = arith.constant 0 : i32
          %dma_start3A_40 = tpu.memref_slice %arg6[%add3A, %scan3A_23, %dma_start3A_38, %dma_start3A_39] : memref<32x8x16x80xi32, #tpu.memory_space<hbm>> -> memref<1x1x16x80xi32, #tpu.memory_space<hbm>>
          %dma_start3A_41 = tpu.memref_squeeze %dma_start3A_40 : memref<1x1x16x80xi32, #tpu.memory_space<hbm>> -> memref<16x80xi32, #tpu.memory_space<hbm>>
          tpu.enqueue_dma source(%dma_start3A_41 : memref<16x80xi32, #tpu.memory_space<hbm>>) target(%arg13 : memref<16x80xi32, #tpu.memory_space<vmem>>) target_semaphore(%run_scoped3A_34 : memref<!tpu.dma_semaphore, #tpu.memory_space<semaphore_mem>>)
          %dma_wait3A = arith.constant 0 : i32
          %dma_wait3A_42 = arith.constant 0 : i32
          %dma_wait3A_43 = tpu.memref_slice %arg6[%add3A, %scan3A_23, %dma_wait3A, %dma_wait3A_42] : memref<32x8x16x80xi32, #tpu.memory_space<hbm>> -> memref<1x1x16x80xi32, #tpu.memory_space<hbm>>
          %dma_wait3A_44 = tpu.memref_squeeze %dma_wait3A_43 : memref<1x1x16x80xi32, #tpu.memory_space<hbm>> -> memref<16x80xi32, #tpu.memory_space<hbm>>
          %dma_wait3A_45 = arith.constant 0 : i32
          %dma_wait3A_46 = arith.constant 0 : i32
          %dma_wait3A_47 = tpu.memref_slice %arg6[%add3A, %scan3A_23, %dma_wait3A_45, %dma_wait3A_46] : memref<32x8x16x80xi32, #tpu.memory_space<hbm>> -> memref<1x1x16x80xi32, #tpu.memory_space<hbm>>
          %dma_wait3A_48 = tpu.memref_squeeze %dma_wait3A_47 : memref<1x1x16x80xi32, #tpu.memory_space<hbm>> -> memref<16x80xi32, #tpu.memory_space<hbm>>
          tpu.wait_dma2 semaphore(%run_scoped3A_34 : memref<!tpu.dma_semaphore, #tpu.memory_space<semaphore_mem>>) src(%dma_wait3A_48 : memref<16x80xi32, #tpu.memory_space<hbm>>) dst(%arg13 : memref<16x80xi32, #tpu.memory_space<vmem>>)
          tpu.yield
        }) : () -> ()
        %mul3A_24 = arith.constant 8 : i32
        %mul3A_25 = arith.muli %add3A, %mul3A_24 : i32
        %add3A_26 = arith.addi %mul3A_25, %scan3A_23 : i32
        %mul3A_27 = arith.constant 1280 : i32
        %mul3A_28 = arith.muli %add3A_26, %mul3A_27 : i32
        %scan3A_29 = arith.constant 0 : i32
        %scan3A_30 = arith.constant 16 : i32
        %scan3A_31 = arith.addi %scan3A_29, %scan3A_30 : i32
        %scan3A_32 = arith.constant 1 : i32
        scf.for %scan3A_34 = %scan3A_29 to %scan3A_31 step %scan3A_32  : i32 {
          %scan3A_35 = arith.constant 0 : i32
          %scan3A_36 = arith.constant 5 : i32
          %scan3A_37 = arith.addi %scan3A_35, %scan3A_36 : i32
          %scan3A_38 = arith.constant 1 : i32
          scf.for %scan3A_40 = %scan3A_35 to %scan3A_37 step %scan3A_38  : i32 {
            %mul3A_41 = arith.constant 16 : i32
            %mul3A_42 = arith.muli %scan3A_40, %mul3A_41 : i32
            %get3A_43 = arith.index_cast %scan3A_34 : i32 to index
            %get3A_44 = arith.index_cast %mul3A_42 : i32 to index
            %get3A_45 = tpu.vector_load %arg13[%get3A_43, %get3A_44] {strides = array<i32>} : memref<16x80xi32, #tpu.memory_space<vmem>>, vector<16xi32>,
            %get3A_46 = arith.index_cast %scan3A_34 : i32 to index
            %get3A_47 = arith.index_cast %mul3A_42 : i32 to index
            %get3A_48 = tpu.vector_load %arg12[%get3A_46, %get3A_47] {strides = array<i32>} : memref<16x80xi32, #tpu.memory_space<vmem>>, vector<16xi32>,
            %gather3A = tpu.vector_load_idx %run_scoped3A[%get3A_48] : memref<10000xf32, #tpu.memory_space<vmem>>[vector<16xi32>], vector<16xf32>,
            %gather3A_49 = tpu.vector_load_idx %run_scoped3A_16[%get3A_45] : memref<10000xf32, #tpu.memory_space<vmem>>[vector<16xi32>], vector<16xf32>,
            %add3A_50 = arith.addf %gather3A, %gather3A_49 : vector<16xf32>
            %gt3A = arith.constant 0.000000e+00 : f32
            %gt3A_51 = vector.broadcast %gt3A : f32 to vector<16xf32>
            %gt3A_52 = arith.cmpf ogt, %add3A_50, %gt3A_51 : vector<16xf32>
            %mul3A_53 = arith.constant 2.000000e-01 : f32
            %mul3A_54 = vector.broadcast %mul3A_53 : f32 to vector<16xf32>
            %mul3A_55 = arith.mulf %mul3A_54, %add3A_50 : vector<16xf32>
            %select_n3A_56 = arith.select %gt3A_52, %add3A_50, %mul3A_55 : vector<16xi1>, vector<16xf32>
            %sub3A = arith.subf %select_n3A_56, %get3A_7 : vector<16xf32>
            %exp3A = math.exp %sub3A : vector<16xf32>
            %mul3A_57 = arith.constant 80 : i32
            %mul3A_58 = arith.muli %scan3A_34, %mul3A_57 : i32
            %add3A_59 = arith.addi %mul3A_28, %mul3A_58 : i32
            %mul3A_60 = arith.constant 16 : i32
            %mul3A_61 = arith.muli %scan3A_40, %mul3A_60 : i32
            %add3A_62 = arith.addi %add3A_59, %mul3A_61 : i32
            %add3A_63 = vector.broadcast %add3A_62 : i32 to vector<16xi32>
            %add3A_64 = arith.addi %add3A_63, %iota3A : vector<16xi32>
            %lt3A = arith.constant 320000 : i32
            %lt3A_65 = vector.broadcast %lt3A : i32 to vector<16xi32>
            %lt3A_66 = arith.cmpi slt, %add3A_64, %lt3A_65 : vector<16xi32>
            %jit3A_67 = arith.constant 0.000000e+00 : f32
            %broadcast_in_dim3A_68 = vector.broadcast %jit3A_67 : f32 to vector<16xf32>
            %select_n3A_69 = arith.select %lt3A_66, %exp3A, %broadcast_in_dim3A_68 : vector<16xi1>, vector<16xf32>
            %mul3A_70 = arith.constant 10240 : i32
            %mul3A_71 = arith.muli %add3A, %mul3A_70 : i32
            %sub3A_72 = arith.subi %mul3A_28, %mul3A_71 : i32
            %mul3A_73 = arith.constant 80 : i32
            %mul3A_74 = arith.muli %scan3A_34, %mul3A_73 : i32
            %add3A_75 = arith.addi %sub3A_72, %mul3A_74 : i32
            %mul3A_76 = arith.constant 16 : i32
            %mul3A_77 = arith.muli %scan3A_40, %mul3A_76 : i32
            %add3A_78 = arith.addi %add3A_75, %mul3A_77 : i32
            %swap3A = arith.index_cast %add3A_78 : i32 to index
            %swap3A_79 = tpu.vector_load %arg11[%swap3A] {strides = array<i32>} : memref<10240xf32, #tpu.memory_space<vmem>>, vector<16xf32>,
            tpu.vector_store %arg11[%swap3A], %select_n3A_69 {strides = array<i32>} : memref<10240xf32, #tpu.memory_space<vmem>>, vector<16xf32>,
            tpu.vector_store_idx %arg10[%get3A_45], %select_n3A_69 {add = true} : memref<10000xf32, #tpu.memory_space<vmem>>[vector<16xi32>], vector<16xf32>,
          }
          %scan3A_39 = arith.constant 5 : i32
        }
        %scan3A_33 = arith.constant 16 : i32
      }
      %scan3A_22 = arith.constant 8 : i32
      tpu.yield
    }) : () -> ()
    "tpu.region"() ({
      %run_scoped3A = memref.alloca() : memref<80x128xf32, #tpu.memory_space<vmem>>
      %run_scoped3A_16 = memref.alloca() : memref<80x128xf32, #tpu.memory_space<vmem>>
      %scan3A_17 = arith.constant 0 : i32
      %scan3A_18 = arith.constant 0 : i32
      %scan3A_19 = arith.constant 640 : i32
      %scan3A_20 = arith.addi %scan3A_18, %scan3A_19 : i32
      %scan3A_21 = arith.constant 1 : i32
      scf.for %scan3A_56 = %scan3A_18 to %scan3A_20 step %scan3A_21  : i32 {
        %jit3A_57 = arith.constant 8 : i32
        %div3A = arith.divsi %scan3A_56, %jit3A_57 : i32
        %sign3A = arith.constant 0 : i32
        %sign3A_58 = arith.cmpi sgt, %scan3A_56, %sign3A : i32
        %sign3A_59 = arith.extui %sign3A_58 : i1 to i32
        %sign3A_60 = arith.constant 0 : i32
        %sign3A_61 = arith.cmpi slt, %scan3A_56, %sign3A_60 : i32
        %sign3A_62 = arith.extui %sign3A_61 : i1 to i32
        %sign3A_63 = arith.subi %sign3A_59, %sign3A_62 : i32
        %sign3A_64 = arith.constant 0 : i32
        %sign3A_65 = arith.cmpi sgt, %jit3A_57, %sign3A_64 : i32
        %sign3A_66 = arith.extui %sign3A_65 : i1 to i32
        %sign3A_67 = arith.constant 0 : i32
        %sign3A_68 = arith.cmpi slt, %jit3A_57, %sign3A_67 : i32
        %sign3A_69 = arith.extui %sign3A_68 : i1 to i32
        %sign3A_70 = arith.subi %sign3A_66, %sign3A_69 : i32
        %ne3A = arith.cmpi ne, %sign3A_63, %sign3A_70 : i32
        %rem3A = arith.remsi %scan3A_56, %jit3A_57 : i32
        %ne3A_71 = arith.constant 0 : i32
        %ne3A_72 = arith.cmpi ne, %rem3A, %ne3A_71 : i32
        %and3A = arith.andi %ne3A, %ne3A_72 : i1
        %sub3A = arith.constant 1 : i32
        %sub3A_73 = arith.subi %div3A, %sub3A : i32
        %select_n3A_74 = arith.select %and3A, %sub3A_73, %div3A : i32
        %jit3A_75 = arith.constant 8 : i32
        %eq3A_76 = arith.constant 0 : i32
        %eq3A_77 = arith.cmpi eq, %jit3A_75, %eq3A_76 : i32
        %jit3A_78 = arith.constant 1 : i32
        %select_n3A_79 = arith.select %eq3A_77, %jit3A_78, %jit3A_75 : i32
        %rem3A_80 = arith.remsi %scan3A_56, %select_n3A_79 : i32
        %ne3A_81 = arith.constant 0 : i32
        %ne3A_82 = arith.cmpi ne, %rem3A_80, %ne3A_81 : i32
        %lt3A_83 = arith.constant 0 : i32
        %lt3A_84 = arith.cmpi slt, %rem3A_80, %lt3A_83 : i32
        %lt3A_85 = arith.constant 0 : i32
        %lt3A_86 = arith.cmpi slt, %select_n3A_79, %lt3A_85 : i32
        %ne3A_87 = arith.xori %lt3A_84, %lt3A_86 : i1
        %and3A_88 = arith.andi %ne3A_87, %ne3A_82 : i1
        %add3A_89 = arith.addi %rem3A_80, %select_n3A_79 : i32
        %select_n3A_90 = arith.select %and3A_88, %add3A_89, %rem3A_80 : i32
        %mul3A_91 = arith.constant 16 : i32
        %mul3A_92 = arith.muli %select_n3A_90, %mul3A_91 : i32
        %swap3A = arith.index_cast %select_n3A_74 : i32 to index
        %swap3A_93 = arith.index_cast %mul3A_92 : i32 to index
        %swap3A_94 = tpu.vector_load %run_scoped3A[%swap3A, %swap3A_93] {strides = array<i32>} : memref<80x128xf32, #tpu.memory_space<vmem>>, vector<16xf32>,
        tpu.vector_store %run_scoped3A[%swap3A, %swap3A_93], %broadcast_in_dim3A_1 {strides = array<i32>} : memref<80x128xf32, #tpu.memory_space<vmem>>, vector<16xf32>,
      }
      %scan3A_22 = arith.constant 640 : i32
      %while3A = arith.constant 0 : i32
      %while3A_23 = arith.constant 0 : i32
      %while3A_24 = arith.subi %select_n3A, %while3A_23 : i32
      %while3A_25 = arith.addi %while3A_23, %while3A_24 : i32
      %while3A_26 = arith.constant 1 : i32
      %while3A_27 = arith.divsi %while3A_24, %while3A_26 : i32
      %while3A_28 = arith.muli %while3A_27, %while3A_26 : i32
      %while3A_29 = arith.addi %while3A_23, %while3A_28 : i32
      %while3A_30 = arith.constant 1 : i32
      scf.for %while3A_56 = %while3A_23 to %while3A_29 step %while3A_30  : i32 {
        %mul3A_57 = arith.constant 624 : i32
        %mul3A_58 = arith.muli %arg1, %mul3A_57 : i32
        %mul3A_59 = arith.constant 80 : i32
        %mul3A_60 = arith.muli %while3A_56, %mul3A_59 : i32
        %add3A_61 = arith.addi %mul3A_58, %mul3A_60 : i32
        "tpu.region"() ({
          %run_scoped3A_62 = tpu.sem_alloc : memref<!tpu.dma_semaphore, #tpu.memory_space<semaphore_mem>>
          %dma_start3A = arith.constant 0 : i32
          %dma_start3A_63 = tpu.memref_slice %arg15[%add3A_61, %dma_start3A] : memref<10000x128xf32, #tpu.memory_space<vmem_shared>> -> memref<80x128xf32, #tpu.memory_space<vmem_shared>>
          %dma_start3A_64 = arith.constant 0 : i32
          %dma_start3A_65 = tpu.memref_slice %arg15[%add3A_61, %dma_start3A_64] : memref<10000x128xf32, #tpu.memory_space<vmem_shared>> -> memref<80x128xf32, #tpu.memory_space<vmem_shared>>
          tpu.enqueue_dma source(%run_scoped3A : memref<80x128xf32, #tpu.memory_space<vmem>>) target(%dma_start3A_65 : memref<80x128xf32, #tpu.memory_space<vmem_shared>>) target_semaphore(%run_scoped3A_62 : memref<!tpu.dma_semaphore, #tpu.memory_space<semaphore_mem>>)
          %dma_wait3A = arith.constant 0 : i32
          %dma_wait3A_66 = tpu.memref_slice %arg15[%add3A_61, %dma_wait3A] : memref<10000x128xf32, #tpu.memory_space<vmem_shared>> -> memref<80x128xf32, #tpu.memory_space<vmem_shared>>
          %dma_wait3A_67 = arith.constant 0 : i32
          %dma_wait3A_68 = tpu.memref_slice %arg15[%add3A_61, %dma_wait3A_67] : memref<10000x128xf32, #tpu.memory_space<vmem_shared>> -> memref<80x128xf32, #tpu.memory_space<vmem_shared>>
          tpu.wait_dma2 semaphore(%run_scoped3A_62 : memref<!tpu.dma_semaphore, #tpu.memory_space<semaphore_mem>>) src(%run_scoped3A : memref<80x128xf32, #tpu.memory_space<vmem>>) dst(%dma_wait3A_68 : memref<80x128xf32, #tpu.memory_space<vmem_shared>>)
          tpu.yield
        }) : () -> ()
      }
      %while3A_31 = arith.constant 1 : i32
      scf.for %while3A_56 = %while3A_29 to %while3A_25 step %while3A_31  : i32 {
        %mul3A_57 = arith.constant 624 : i32
        %mul3A_58 = arith.muli %arg1, %mul3A_57 : i32
        %mul3A_59 = arith.constant 80 : i32
        %mul3A_60 = arith.muli %while3A_56, %mul3A_59 : i32
        %add3A_61 = arith.addi %mul3A_58, %mul3A_60 : i32
        "tpu.region"() ({
          %run_scoped3A_62 = tpu.sem_alloc : memref<!tpu.dma_semaphore, #tpu.memory_space<semaphore_mem>>
          %dma_start3A = arith.constant 0 : i32
          %dma_start3A_63 = tpu.memref_slice %arg15[%add3A_61, %dma_start3A] : memref<10000x128xf32, #tpu.memory_space<vmem_shared>> -> memref<80x128xf32, #tpu.memory_space<vmem_shared>>
          %dma_start3A_64 = arith.constant 0 : i32
          %dma_start3A_65 = tpu.memref_slice %arg15[%add3A_61, %dma_start3A_64] : memref<10000x128xf32, #tpu.memory_space<vmem_shared>> -> memref<80x128xf32, #tpu.memory_space<vmem_shared>>
          tpu.enqueue_dma source(%run_scoped3A : memref<80x128xf32, #tpu.memory_space<vmem>>) target(%dma_start3A_65 : memref<80x128xf32, #tpu.memory_space<vmem_shared>>) target_semaphore(%run_scoped3A_62 : memref<!tpu.dma_semaphore, #tpu.memory_space<semaphore_mem>>)
          %dma_wait3A = arith.constant 0 : i32
          %dma_wait3A_66 = tpu.memref_slice %arg15[%add3A_61, %dma_wait3A] : memref<10000x128xf32, #tpu.memory_space<vmem_shared>> -> memref<80x128xf32, #tpu.memory_space<vmem_shared>>
          %dma_wait3A_67 = arith.constant 0 : i32
          %dma_wait3A_68 = tpu.memref_slice %arg15[%add3A_61, %dma_wait3A_67] : memref<10000x128xf32, #tpu.memory_space<vmem_shared>> -> memref<80x128xf32, #tpu.memory_space<vmem_shared>>
          tpu.wait_dma2 semaphore(%run_scoped3A_62 : memref<!tpu.dma_semaphore, #tpu.memory_space<semaphore_mem>>) src(%run_scoped3A : memref<80x128xf32, #tpu.memory_space<vmem>>) dst(%dma_wait3A_68 : memref<80x128xf32, #tpu.memory_space<vmem_shared>>)
          tpu.yield
        }) : () -> ()
      }
      %lt3A = arith.constant 15 : i32
      %lt3A_32 = arith.cmpi slt, %arg1, %lt3A : i32
      %convert_element_type3A = arith.extui %lt3A_32 : i1 to i32
      %cond3A = arith.constant 0 : i32
      %cond3A_33 = arith.cmpi ne, %convert_element_type3A, %cond3A : i32
      scf.if %cond3A_33 {
        %mul3A_56 = arith.constant 624 : i32
        %mul3A_57 = arith.muli %arg1, %mul3A_56 : i32
        %add3A_58 = arith.constant 560 : i32
        %add3A_59 = arith.addi %mul3A_57, %add3A_58 : i32
        "tpu.region"() ({
          %run_scoped3A_60 = tpu.sem_alloc : memref<!tpu.dma_semaphore, #tpu.memory_space<semaphore_mem>>
          %dma_start3A = arith.constant 0 : i32
          %dma_start3A_61 = arith.constant 0 : i32
          %dma_start3A_62 = tpu.memref_slice %run_scoped3A[%dma_start3A, %dma_start3A_61] : memref<80x128xf32, #tpu.memory_space<vmem>> -> memref<64x128xf32, #tpu.memory_space<vmem>>
          %dma_start3A_63 = arith.constant 0 : i32
          %dma_start3A_64 = tpu.memref_slice %arg15[%add3A_59, %dma_start3A_63] : memref<10000x128xf32, #tpu.memory_space<vmem_shared>> -> memref<64x128xf32, #tpu.memory_space<vmem_shared>>
          %dma_start3A_65 = arith.constant 0 : i32
          %dma_start3A_66 = tpu.memref_slice %arg15[%add3A_59, %dma_start3A_65] : memref<10000x128xf32, #tpu.memory_space<vmem_shared>> -> memref<64x128xf32, #tpu.memory_space<vmem_shared>>
          %dma_start3A_67 = arith.constant 0 : i32
          %dma_start3A_68 = arith.constant 0 : i32
          %dma_start3A_69 = tpu.memref_slice %run_scoped3A[%dma_start3A_67, %dma_start3A_68] : memref<80x128xf32, #tpu.memory_space<vmem>> -> memref<64x128xf32, #tpu.memory_space<vmem>>
          tpu.enqueue_dma source(%dma_start3A_69 : memref<64x128xf32, #tpu.memory_space<vmem>>) target(%dma_start3A_66 : memref<64x128xf32, #tpu.memory_space<vmem_shared>>) target_semaphore(%run_scoped3A_60 : memref<!tpu.dma_semaphore, #tpu.memory_space<semaphore_mem>>)
          %dma_wait3A = arith.constant 0 : i32
          %dma_wait3A_70 = arith.constant 0 : i32
          %dma_wait3A_71 = tpu.memref_slice %run_scoped3A[%dma_wait3A, %dma_wait3A_70] : memref<80x128xf32, #tpu.memory_space<vmem>> -> memref<64x128xf32, #tpu.memory_space<vmem>>
          %dma_wait3A_72 = arith.constant 0 : i32
          %dma_wait3A_73 = tpu.memref_slice %arg15[%add3A_59, %dma_wait3A_72] : memref<10000x128xf32, #tpu.memory_space<vmem_shared>> -> memref<64x128xf32, #tpu.memory_space<vmem_shared>>
          %dma_wait3A_74 = arith.constant 0 : i32
          %dma_wait3A_75 = tpu.memref_slice %arg15[%add3A_59, %dma_wait3A_74] : memref<10000x128xf32, #tpu.memory_space<vmem_shared>> -> memref<64x128xf32, #tpu.memory_space<vmem_shared>>
          %dma_wait3A_76 = arith.constant 0 : i32
          %dma_wait3A_77 = arith.constant 0 : i32
          %dma_wait3A_78 = tpu.memref_slice %run_scoped3A[%dma_wait3A_76, %dma_wait3A_77] : memref<80x128xf32, #tpu.memory_space<vmem>> -> memref<64x128xf32, #tpu.memory_space<vmem>>
          tpu.wait_dma2 semaphore(%run_scoped3A_60 : memref<!tpu.dma_semaphore, #tpu.memory_space<semaphore_mem>>) src(%dma_wait3A_78 : memref<64x128xf32, #tpu.memory_space<vmem>>) dst(%dma_wait3A_75 : memref<64x128xf32, #tpu.memory_space<vmem_shared>>)
          tpu.yield
        }) : () -> ()
      } else {
      }
      %barrier3A = arith.constant 0 : index
      tpu.barrier barrier_id(%barrier3A)
      %scan3A_34 = arith.constant 0 : i32
      %scan3A_35 = arith.constant 0 : i32
      %scan3A_36 = arith.constant 8 : i32
      %scan3A_37 = arith.addi %scan3A_35, %scan3A_36 : i32
      %scan3A_38 = arith.constant 1 : i32
      scf.for %scan3A_56 = %scan3A_35 to %scan3A_37 step %scan3A_38  : i32 {
        "tpu.region"() ({
          %run_scoped3A_91 = tpu.sem_alloc : memref<!tpu.dma_semaphore, #tpu.memory_space<semaphore_mem>>
          %dma_start3A_92 = arith.constant 0 : i32
          %dma_start3A_93 = arith.constant 0 : i32
          %dma_start3A_94 = tpu.memref_slice %arg5[%add3A, %scan3A_56, %dma_start3A_92, %dma_start3A_93] : memref<32x8x16x80xi32, #tpu.memory_space<hbm>> -> memref<1x1x16x80xi32, #tpu.memory_space<hbm>>
          %dma_start3A_95 = tpu.memref_squeeze %dma_start3A_94 : memref<1x1x16x80xi32, #tpu.memory_space<hbm>> -> memref<16x80xi32, #tpu.memory_space<hbm>>
          %dma_start3A_96 = arith.constant 0 : i32
          %dma_start3A_97 = arith.constant 0 : i32
          %dma_start3A_98 = tpu.memref_slice %arg5[%add3A, %scan3A_56, %dma_start3A_96, %dma_start3A_97] : memref<32x8x16x80xi32, #tpu.memory_space<hbm>> -> memref<1x1x16x80xi32, #tpu.memory_space<hbm>>
          %dma_start3A_99 = tpu.memref_squeeze %dma_start3A_98 : memref<1x1x16x80xi32, #tpu.memory_space<hbm>> -> memref<16x80xi32, #tpu.memory_space<hbm>>
          tpu.enqueue_dma source(%dma_start3A_99 : memref<16x80xi32, #tpu.memory_space<hbm>>) target(%arg12 : memref<16x80xi32, #tpu.memory_space<vmem>>) target_semaphore(%run_scoped3A_91 : memref<!tpu.dma_semaphore, #tpu.memory_space<semaphore_mem>>)
          %dma_wait3A_100 = arith.constant 0 : i32
          %dma_wait3A_101 = arith.constant 0 : i32
          %dma_wait3A_102 = tpu.memref_slice %arg5[%add3A, %scan3A_56, %dma_wait3A_100, %dma_wait3A_101] : memref<32x8x16x80xi32, #tpu.memory_space<hbm>> -> memref<1x1x16x80xi32, #tpu.memory_space<hbm>>
          %dma_wait3A_103 = tpu.memref_squeeze %dma_wait3A_102 : memref<1x1x16x80xi32, #tpu.memory_space<hbm>> -> memref<16x80xi32, #tpu.memory_space<hbm>>
          %dma_wait3A_104 = arith.constant 0 : i32
          %dma_wait3A_105 = arith.constant 0 : i32
          %dma_wait3A_106 = tpu.memref_slice %arg5[%add3A, %scan3A_56, %dma_wait3A_104, %dma_wait3A_105] : memref<32x8x16x80xi32, #tpu.memory_space<hbm>> -> memref<1x1x16x80xi32, #tpu.memory_space<hbm>>
          %dma_wait3A_107 = tpu.memref_squeeze %dma_wait3A_106 : memref<1x1x16x80xi32, #tpu.memory_space<hbm>> -> memref<16x80xi32, #tpu.memory_space<hbm>>
          tpu.wait_dma2 semaphore(%run_scoped3A_91 : memref<!tpu.dma_semaphore, #tpu.memory_space<semaphore_mem>>) src(%dma_wait3A_107 : memref<16x80xi32, #tpu.memory_space<hbm>>) dst(%arg12 : memref<16x80xi32, #tpu.memory_space<vmem>>)
          tpu.yield
        }) : () -> ()
        "tpu.region"() ({
          %run_scoped3A_91 = tpu.sem_alloc : memref<!tpu.dma_semaphore, #tpu.memory_space<semaphore_mem>>
          %dma_start3A_92 = arith.constant 0 : i32
          %dma_start3A_93 = arith.constant 0 : i32
          %dma_start3A_94 = tpu.memref_slice %arg6[%add3A, %scan3A_56, %dma_start3A_92, %dma_start3A_93] : memref<32x8x16x80xi32, #tpu.memory_space<hbm>> -> memref<1x1x16x80xi32, #tpu.memory_space<hbm>>
          %dma_start3A_95 = tpu.memref_squeeze %dma_start3A_94 : memref<1x1x16x80xi32, #tpu.memory_space<hbm>> -> memref<16x80xi32, #tpu.memory_space<hbm>>
          %dma_start3A_96 = arith.constant 0 : i32
          %dma_start3A_97 = arith.constant 0 : i32
          %dma_start3A_98 = tpu.memref_slice %arg6[%add3A, %scan3A_56, %dma_start3A_96, %dma_start3A_97] : memref<32x8x16x80xi32, #tpu.memory_space<hbm>> -> memref<1x1x16x80xi32, #tpu.memory_space<hbm>>
          %dma_start3A_99 = tpu.memref_squeeze %dma_start3A_98 : memref<1x1x16x80xi32, #tpu.memory_space<hbm>> -> memref<16x80xi32, #tpu.memory_space<hbm>>
          tpu.enqueue_dma source(%dma_start3A_99 : memref<16x80xi32, #tpu.memory_space<hbm>>) target(%arg13 : memref<16x80xi32, #tpu.memory_space<vmem>>) target_semaphore(%run_scoped3A_91 : memref<!tpu.dma_semaphore, #tpu.memory_space<semaphore_mem>>)
          %dma_wait3A_100 = arith.constant 0 : i32
          %dma_wait3A_101 = arith.constant 0 : i32
          %dma_wait3A_102 = tpu.memref_slice %arg6[%add3A, %scan3A_56, %dma_wait3A_100, %dma_wait3A_101] : memref<32x8x16x80xi32, #tpu.memory_space<hbm>> -> memref<1x1x16x80xi32, #tpu.memory_space<hbm>>
          %dma_wait3A_103 = tpu.memref_squeeze %dma_wait3A_102 : memref<1x1x16x80xi32, #tpu.memory_space<hbm>> -> memref<16x80xi32, #tpu.memory_space<hbm>>
          %dma_wait3A_104 = arith.constant 0 : i32
          %dma_wait3A_105 = arith.constant 0 : i32
          %dma_wait3A_106 = tpu.memref_slice %arg6[%add3A, %scan3A_56, %dma_wait3A_104, %dma_wait3A_105] : memref<32x8x16x80xi32, #tpu.memory_space<hbm>> -> memref<1x1x16x80xi32, #tpu.memory_space<hbm>>
          %dma_wait3A_107 = tpu.memref_squeeze %dma_wait3A_106 : memref<1x1x16x80xi32, #tpu.memory_space<hbm>> -> memref<16x80xi32, #tpu.memory_space<hbm>>
          tpu.wait_dma2 semaphore(%run_scoped3A_91 : memref<!tpu.dma_semaphore, #tpu.memory_space<semaphore_mem>>) src(%dma_wait3A_107 : memref<16x80xi32, #tpu.memory_space<hbm>>) dst(%arg13 : memref<16x80xi32, #tpu.memory_space<vmem>>)
          tpu.yield
        }) : () -> ()
        %mul3A_57 = arith.constant 1280 : i32
        %mul3A_58 = arith.muli %scan3A_56, %mul3A_57 : i32
        %dma_start3A = arith.constant 0 : i32
        %dma_start3A_59 = arith.constant 0 : i32
        %dma_start3A_60 = tpu.memref_slice %arg12[%dma_start3A, %dma_start3A_59] : memref<16x80xi32, #tpu.memory_space<vmem>> -> memref<1x80xi32, #tpu.memory_space<vmem>>
        %dma_start3A_61 = tpu.memref_squeeze %dma_start3A_60 : memref<1x80xi32, #tpu.memory_space<vmem>> -> memref<80xi32, #tpu.memory_space<vmem>>
        %dma_start3A_62 = arith.constant 0 : i32
        %dma_start3A_63 = arith.constant 0 : i32
        %dma_start3A_64 = tpu.memref_slice %arg2[%dma_start3A_62, %dma_start3A_63] : memref<10000x128xf32, #tpu.memory_space<hbm>> -> memref<10000x128xf32, #tpu.memory_space<hbm>>
        tpu.enqueue_indirect_dma source(%dma_start3A_64 : memref<10000x128xf32, #tpu.memory_space<hbm>>) target(%run_scoped3A : memref<80x128xf32, #tpu.memory_space<vmem>>) offsets(%dma_start3A_61 : memref<80xi32, #tpu.memory_space<vmem>>) semaphore(%arg16 : memref<!tpu.dma_semaphore, #tpu.memory_space<semaphore_mem>>)
        %dma_start3A_65 = arith.constant 1 : i32
        %dma_start3A_66 = arith.constant 0 : i32
        %dma_start3A_67 = tpu.memref_slice %arg12[%dma_start3A_65, %dma_start3A_66] : memref<16x80xi32, #tpu.memory_space<vmem>> -> memref<1x80xi32, #tpu.memory_space<vmem>>
        %dma_start3A_68 = tpu.memref_squeeze %dma_start3A_67 : memref<1x80xi32, #tpu.memory_space<vmem>> -> memref<80xi32, #tpu.memory_space<vmem>>
        %dma_start3A_69 = arith.constant 0 : i32
        %dma_start3A_70 = arith.constant 0 : i32
        %dma_start3A_71 = tpu.memref_slice %arg2[%dma_start3A_69, %dma_start3A_70] : memref<10000x128xf32, #tpu.memory_space<hbm>> -> memref<10000x128xf32, #tpu.memory_space<hbm>>
        tpu.enqueue_indirect_dma source(%dma_start3A_71 : memref<10000x128xf32, #tpu.memory_space<hbm>>) target(%run_scoped3A_16 : memref<80x128xf32, #tpu.memory_space<vmem>>) offsets(%dma_start3A_68 : memref<80xi32, #tpu.memory_space<vmem>>) semaphore(%arg17 : memref<!tpu.dma_semaphore, #tpu.memory_space<semaphore_mem>>)
        %scan3A_72 = arith.constant 0 : i32
        %scan3A_73 = arith.constant 0 : i32
        %scan3A_74 = arith.constant 8 : i32
        %scan3A_75 = arith.addi %scan3A_73, %scan3A_74 : i32
        %scan3A_76 = arith.constant 1 : i32
        scf.for %scan3A_91 = %scan3A_73 to %scan3A_75 step %scan3A_76  : i32 {
          %mul3A_92 = arith.constant 2 : i32
          %mul3A_93 = arith.muli %mul3A_92, %scan3A_91 : i32
          %add3A_94 = arith.constant 1 : i32
          %add3A_95 = arith.addi %mul3A_93, %add3A_94 : i32
          %dma_wait3A_96 = arith.constant 0 : i32
          %dma_wait3A_97 = tpu.memref_slice %arg12[%mul3A_93, %dma_wait3A_96] : memref<16x80xi32, #tpu.memory_space<vmem>> -> memref<1x80xi32, #tpu.memory_space<vmem>>
          %dma_wait3A_98 = tpu.memref_squeeze %dma_wait3A_97 : memref<1x80xi32, #tpu.memory_space<vmem>> -> memref<80xi32, #tpu.memory_space<vmem>>
          %dma_wait3A_99 = arith.constant 0 : i32
          %dma_wait3A_100 = arith.constant 0 : i32
          %dma_wait3A_101 = tpu.memref_slice %arg2[%dma_wait3A_99, %dma_wait3A_100] : memref<10000x128xf32, #tpu.memory_space<hbm>> -> memref<10000x128xf32, #tpu.memory_space<hbm>>
          tpu.wait_indirect_dma semaphore(%arg16 : memref<!tpu.dma_semaphore, #tpu.memory_space<semaphore_mem>>) src(%dma_wait3A_101 : memref<10000x128xf32, #tpu.memory_space<hbm>>) dst(%run_scoped3A : memref<80x128xf32, #tpu.memory_space<vmem>>)
          %mul3A_102 = arith.constant 80 : i32
          %mul3A_103 = arith.muli %mul3A_93, %mul3A_102 : i32
          %add3A_104 = arith.addi %mul3A_58, %mul3A_103 : i32
          %scan3A_105 = arith.constant 0 : i32
          %scan3A_106 = arith.constant 0 : i32
          %scan3A_107 = arith.constant 5 : i32
          %scan3A_108 = arith.addi %scan3A_106, %scan3A_107 : i32
          %scan3A_109 = arith.constant 1 : i32
          scf.for %scan3A_143 = %scan3A_106 to %scan3A_108 step %scan3A_109  : i32 {
            %mul3A_144 = arith.constant 16 : i32
            %mul3A_145 = arith.muli %scan3A_143, %mul3A_144 : i32
            %add3A_146 = arith.addi %add3A_104, %mul3A_145 : i32
            %get3A_147 = arith.index_cast %add3A_146 : i32 to index
            %get3A_148 = tpu.vector_load %arg11[%get3A_147] {strides = array<i32>} : memref<10240xf32, #tpu.memory_space<vmem>>, vector<16xf32>,
            %slice3A = vector.extract_strided_slice %get3A_148 {offsets = [0], sizes = [1], strides = [1]} : vector<16xf32> to vector<1xf32>
            %squeeze3A = vector.extract %slice3A[0] : f32 from vector<1xf32>
            %mul3A_149 = arith.constant 16 : i32
            %mul3A_150 = arith.muli %scan3A_143, %mul3A_149 : i32
            %add3A_151 = arith.constant 0 : i32
            %add3A_152 = arith.addi %mul3A_150, %add3A_151 : i32
            %get3A_153 = arith.index_cast %add3A_152 : i32 to index
            %get3A_154 = arith.constant 0 : index
            %get3A_155 = tpu.vector_load %run_scoped3A[%get3A_153, %get3A_154] {strides = array<i32>} : memref<80x128xf32, #tpu.memory_space<vmem>>, vector<16xf32>,
            %mul3A_156 = vector.broadcast %squeeze3A : f32 to vector<16xf32>
            %mul3A_157 = arith.mulf %get3A_155, %mul3A_156 : vector<16xf32>
            %swap3A = arith.index_cast %add3A_152 : i32 to index
            %swap3A_158 = arith.constant 0 : index
            %swap3A_159 = tpu.vector_load %run_scoped3A[%swap3A, %swap3A_158] {strides = array<i32>} : memref<80x128xf32, #tpu.memory_space<vmem>>, vector<16xf32>,
            tpu.vector_store %run_scoped3A[%swap3A, %swap3A_158], %mul3A_157 {strides = array<i32>} : memref<80x128xf32, #tpu.memory_space<vmem>>, vector<16xf32>,
            %get3A_160 = arith.index_cast %add3A_152 : i32 to index
            %get3A_161 = arith.constant 16 : index
            %get3A_162 = tpu.vector_load %run_scoped3A[%get3A_160, %get3A_161] {strides = array<i32>} : memref<80x128xf32, #tpu.memory_space<vmem>>, vector<16xf32>,
            %mul3A_163 = vector.broadcast %squeeze3A : f32 to vector<16xf32>
            %mul3A_164 = arith.mulf %get3A_162, %mul3A_163 : vector<16xf32>
            %swap3A_165 = arith.index_cast %add3A_152 : i32 to index
            %swap3A_166 = arith.constant 16 : index
            %swap3A_167 = tpu.vector_load %run_scoped3A[%swap3A_165, %swap3A_166] {strides = array<i32>} : memref<80x128xf32, #tpu.memory_space<vmem>>, vector<16xf32>,
            tpu.vector_store %run_scoped3A[%swap3A_165, %swap3A_166], %mul3A_164 {strides = array<i32>} : memref<80x128xf32, #tpu.memory_space<vmem>>, vector<16xf32>,
            %get3A_168 = arith.index_cast %add3A_152 : i32 to index
            %get3A_169 = arith.constant 32 : index
            %get3A_170 = tpu.vector_load %run_scoped3A[%get3A_168, %get3A_169] {strides = array<i32>} : memref<80x128xf32, #tpu.memory_space<vmem>>, vector<16xf32>,
            %mul3A_171 = vector.broadcast %squeeze3A : f32 to vector<16xf32>
            %mul3A_172 = arith.mulf %get3A_170, %mul3A_171 : vector<16xf32>
            %swap3A_173 = arith.index_cast %add3A_152 : i32 to index
            %swap3A_174 = arith.constant 32 : index
            %swap3A_175 = tpu.vector_load %run_scoped3A[%swap3A_173, %swap3A_174] {strides = array<i32>} : memref<80x128xf32, #tpu.memory_space<vmem>>, vector<16xf32>,
            tpu.vector_store %run_scoped3A[%swap3A_173, %swap3A_174], %mul3A_172 {strides = array<i32>} : memref<80x128xf32, #tpu.memory_space<vmem>>, vector<16xf32>,
            %get3A_176 = arith.index_cast %add3A_152 : i32 to index
            %get3A_177 = arith.constant 48 : index
            %get3A_178 = tpu.vector_load %run_scoped3A[%get3A_176, %get3A_177] {strides = array<i32>} : memref<80x128xf32, #tpu.memory_space<vmem>>, vector<16xf32>,
            %mul3A_179 = vector.broadcast %squeeze3A : f32 to vector<16xf32>
            %mul3A_180 = arith.mulf %get3A_178, %mul3A_179 : vector<16xf32>
            %swap3A_181 = arith.index_cast %add3A_152 : i32 to index
            %swap3A_182 = arith.constant 48 : index
            %swap3A_183 = tpu.vector_load %run_scoped3A[%swap3A_181, %swap3A_182] {strides = array<i32>} : memref<80x128xf32, #tpu.memory_space<vmem>>, vector<16xf32>,
            tpu.vector_store %run_scoped3A[%swap3A_181, %swap3A_182], %mul3A_180 {strides = array<i32>} : memref<80x128xf32, #tpu.memory_space<vmem>>, vector<16xf32>,
            %get3A_184 = arith.index_cast %add3A_152 : i32 to index
            %get3A_185 = arith.constant 64 : index
            %get3A_186 = tpu.vector_load %run_scoped3A[%get3A_184, %get3A_185] {strides = array<i32>} : memref<80x128xf32, #tpu.memory_space<vmem>>, vector<16xf32>,
            %mul3A_187 = vector.broadcast %squeeze3A : f32 to vector<16xf32>
            %mul3A_188 = arith.mulf %get3A_186, %mul3A_187 : vector<16xf32>
            %swap3A_189 = arith.index_cast %add3A_152 : i32 to index
            %swap3A_190 = arith.constant 64 : index
            %swap3A_191 = tpu.vector_load %run_scoped3A[%swap3A_189, %swap3A_190] {strides = array<i32>} : memref<80x128xf32, #tpu.memory_space<vmem>>, vector<16xf32>,
            tpu.vector_store %run_scoped3A[%swap3A_189, %swap3A_190], %mul3A_188 {strides = array<i32>} : memref<80x128xf32, #tpu.memory_space<vmem>>, vector<16xf32>,
            %get3A_192 = arith.index_cast %add3A_152 : i32 to index
            %get3A_193 = arith.constant 80 : index
            %get3A_194 = tpu.vector_load %run_scoped3A[%get3A_192, %get3A_193] {strides = array<i32>} : memref<80x128xf32, #tpu.memory_space<vmem>>, vector<16xf32>,
            %mul3A_195 = vector.broadcast %squeeze3A : f32 to vector<16xf32>
            %mul3A_196 = arith.mulf %get3A_194, %mul3A_195 : vector<16xf32>
            %swap3A_197 = arith.index_cast %add3A_152 : i32 to index
            %swap3A_198 = arith.constant 80 : index
            %swap3A_199 = tpu.vector_load %run_scoped3A[%swap3A_197, %swap3A_198] {strides = array<i32>} : memref<80x128xf32, #tpu.memory_space<vmem>>, vector<16xf32>,
            tpu.vector_store %run_scoped3A[%swap3A_197, %swap3A_198], %mul3A_196 {strides = array<i32>} : memref<80x128xf32, #tpu.memory_space<vmem>>, vector<16xf32>,
            %get3A_200 = arith.index_cast %add3A_152 : i32 to index
            %get3A_201 = arith.constant 96 : index
            %get3A_202 = tpu.vector_load %run_scoped3A[%get3A_200, %get3A_201] {strides = array<i32>} : memref<80x128xf32, #tpu.memory_space<vmem>>, vector<16xf32>,
            %mul3A_203 = vector.broadcast %squeeze3A : f32 to vector<16xf32>
            %mul3A_204 = arith.mulf %get3A_202, %mul3A_203 : vector<16xf32>
            %swap3A_205 = arith.index_cast %add3A_152 : i32 to index
            %swap3A_206 = arith.constant 96 : index
            %swap3A_207 = tpu.vector_load %run_scoped3A[%swap3A_205, %swap3A_206] {strides = array<i32>} : memref<80x128xf32, #tpu.memory_space<vmem>>, vector<16xf32>,
            tpu.vector_store %run_scoped3A[%swap3A_205, %swap3A_206], %mul3A_204 {strides = array<i32>} : memref<80x128xf32, #tpu.memory_space<vmem>>, vector<16xf32>,
            %get3A_208 = arith.index_cast %add3A_152 : i32 to index
            %get3A_209 = arith.constant 112 : index
            %get3A_210 = tpu.vector_load %run_scoped3A[%get3A_208, %get3A_209] {strides = array<i32>} : memref<80x128xf32, #tpu.memory_space<vmem>>, vector<16xf32>,
            %mul3A_211 = vector.broadcast %squeeze3A : f32 to vector<16xf32>
            %mul3A_212 = arith.mulf %get3A_210, %mul3A_211 : vector<16xf32>
            %swap3A_213 = arith.index_cast %add3A_152 : i32 to index
            %swap3A_214 = arith.constant 112 : index
            %swap3A_215 = tpu.vector_load %run_scoped3A[%swap3A_213, %swap3A_214] {strides = array<i32>} : memref<80x128xf32, #tpu.memory_space<vmem>>, vector<16xf32>,
            tpu.vector_store %run_scoped3A[%swap3A_213, %swap3A_214], %mul3A_212 {strides = array<i32>} : memref<80x128xf32, #tpu.memory_space<vmem>>, vector<16xf32>,
            %slice3A_216 = vector.extract_strided_slice %get3A_148 {offsets = [1], sizes = [1], strides = [1]} : vector<16xf32> to vector<1xf32>
            %squeeze3A_217 = vector.extract %slice3A_216[0] : f32 from vector<1xf32>
            %mul3A_218 = arith.constant 16 : i32
            %mul3A_219 = arith.muli %scan3A_143, %mul3A_218 : i32
            %add3A_220 = arith.constant 1 : i32
            %add3A_221 = arith.addi %mul3A_219, %add3A_220 : i32
            %get3A_222 = arith.index_cast %add3A_221 : i32 to index
            %get3A_223 = arith.constant 0 : index
            %get3A_224 = tpu.vector_load %run_scoped3A[%get3A_222, %get3A_223] {strides = array<i32>} : memref<80x128xf32, #tpu.memory_space<vmem>>, vector<16xf32>,
            %mul3A_225 = vector.broadcast %squeeze3A_217 : f32 to vector<16xf32>
            %mul3A_226 = arith.mulf %get3A_224, %mul3A_225 : vector<16xf32>
            %swap3A_227 = arith.index_cast %add3A_221 : i32 to index
            %swap3A_228 = arith.constant 0 : index
            %swap3A_229 = tpu.vector_load %run_scoped3A[%swap3A_227, %swap3A_228] {strides = array<i32>} : memref<80x128xf32, #tpu.memory_space<vmem>>, vector<16xf32>,
            tpu.vector_store %run_scoped3A[%swap3A_227, %swap3A_228], %mul3A_226 {strides = array<i32>} : memref<80x128xf32, #tpu.memory_space<vmem>>, vector<16xf32>,
            %get3A_230 = arith.index_cast %add3A_221 : i32 to index
            %get3A_231 = arith.constant 16 : index
            %get3A_232 = tpu.vector_load %run_scoped3A[%get3A_230, %get3A_231] {strides = array<i32>} : memref<80x128xf32, #tpu.memory_space<vmem>>, vector<16xf32>,
            %mul3A_233 = vector.broadcast %squeeze3A_217 : f32 to vector<16xf32>
            %mul3A_234 = arith.mulf %get3A_232, %mul3A_233 : vector<16xf32>
            %swap3A_235 = arith.index_cast %add3A_221 : i32 to index
            %swap3A_236 = arith.constant 16 : index
            %swap3A_237 = tpu.vector_load %run_scoped3A[%swap3A_235, %swap3A_236] {strides = array<i32>} : memref<80x128xf32, #tpu.memory_space<vmem>>, vector<16xf32>,
            tpu.vector_store %run_scoped3A[%swap3A_235, %swap3A_236], %mul3A_234 {strides = array<i32>} : memref<80x128xf32, #tpu.memory_space<vmem>>, vector<16xf32>,
            %get3A_238 = arith.index_cast %add3A_221 : i32 to index
            %get3A_239 = arith.constant 32 : index
            %get3A_240 = tpu.vector_load %run_scoped3A[%get3A_238, %get3A_239] {strides = array<i32>} : memref<80x128xf32, #tpu.memory_space<vmem>>, vector<16xf32>,
            %mul3A_241 = vector.broadcast %squeeze3A_217 : f32 to vector<16xf32>
            %mul3A_242 = arith.mulf %get3A_240, %mul3A_241 : vector<16xf32>
            %swap3A_243 = arith.index_cast %add3A_221 : i32 to index
            %swap3A_244 = arith.constant 32 : index
            %swap3A_245 = tpu.vector_load %run_scoped3A[%swap3A_243, %swap3A_244] {strides = array<i32>} : memref<80x128xf32, #tpu.memory_space<vmem>>, vector<16xf32>,
            tpu.vector_store %run_scoped3A[%swap3A_243, %swap3A_244], %mul3A_242 {strides = array<i32>} : memref<80x128xf32, #tpu.memory_space<vmem>>, vector<16xf32>,
            %get3A_246 = arith.index_cast %add3A_221 : i32 to index
            %get3A_247 = arith.constant 48 : index
            %get3A_248 = tpu.vector_load %run_scoped3A[%get3A_246, %get3A_247] {strides = array<i32>} : memref<80x128xf32, #tpu.memory_space<vmem>>, vector<16xf32>,
            %mul3A_249 = vector.broadcast %squeeze3A_217 : f32 to vector<16xf32>
            %mul3A_250 = arith.mulf %get3A_248, %mul3A_249 : vector<16xf32>
            %swap3A_251 = arith.index_cast %add3A_221 : i32 to index
            %swap3A_252 = arith.constant 48 : index
            %swap3A_253 = tpu.vector_load %run_scoped3A[%swap3A_251, %swap3A_252] {strides = array<i32>} : memref<80x128xf32, #tpu.memory_space<vmem>>, vector<16xf32>,
            tpu.vector_store %run_scoped3A[%swap3A_251, %swap3A_252], %mul3A_250 {strides = array<i32>} : memref<80x128xf32, #tpu.memory_space<vmem>>, vector<16xf32>,
            %get3A_254 = arith.index_cast %add3A_221 : i32 to index
            %get3A_255 = arith.constant 64 : index
            %get3A_256 = tpu.vector_load %run_scoped3A[%get3A_254, %get3A_255] {strides = array<i32>} : memref<80x128xf32, #tpu.memory_space<vmem>>, vector<16xf32>,
            %mul3A_257 = vector.broadcast %squeeze3A_217 : f32 to vector<16xf32>
            %mul3A_258 = arith.mulf %get3A_256, %mul3A_257 : vector<16xf32>
            %swap3A_259 = arith.index_cast %add3A_221 : i32 to index
            %swap3A_260 = arith.constant 64 : index
            %swap3A_261 = tpu.vector_load %run_scoped3A[%swap3A_259, %swap3A_260] {strides = array<i32>} : memref<80x128xf32, #tpu.memory_space<vmem>>, vector<16xf32>,
            tpu.vector_store %run_scoped3A[%swap3A_259, %swap3A_260], %mul3A_258 {strides = array<i32>} : memref<80x128xf32, #tpu.memory_space<vmem>>, vector<16xf32>,
            %get3A_262 = arith.index_cast %add3A_221 : i32 to index
            %get3A_263 = arith.constant 80 : index
            %get3A_264 = tpu.vector_load %run_scoped3A[%get3A_262, %get3A_263] {strides = array<i32>} : memref<80x128xf32, #tpu.memory_space<vmem>>, vector<16xf32>,
            %mul3A_265 = vector.broadcast %squeeze3A_217 : f32 to vector<16xf32>
            %mul3A_266 = arith.mulf %get3A_264, %mul3A_265 : vector<16xf32>
            %swap3A_267 = arith.index_cast %add3A_221 : i32 to index
            %swap3A_268 = arith.constant 80 : index
            %swap3A_269 = tpu.vector_load %run_scoped3A[%swap3A_267, %swap3A_268] {strides = array<i32>} : memref<80x128xf32, #tpu.memory_space<vmem>>, vector<16xf32>,
            tpu.vector_store %run_scoped3A[%swap3A_267, %swap3A_268], %mul3A_266 {strides = array<i32>} : memref<80x128xf32, #tpu.memory_space<vmem>>, vector<16xf32>,
            %get3A_270 = arith.index_cast %add3A_221 : i32 to index
            %get3A_271 = arith.constant 96 : index
            %get3A_272 = tpu.vector_load %run_scoped3A[%get3A_270, %get3A_271] {strides = array<i32>} : memref<80x128xf32, #tpu.memory_space<vmem>>, vector<16xf32>,
            %mul3A_273 = vector.broadcast %squeeze3A_217 : f32 to vector<16xf32>
            %mul3A_274 = arith.mulf %get3A_272, %mul3A_273 : vector<16xf32>
            %swap3A_275 = arith.index_cast %add3A_221 : i32 to index
            %swap3A_276 = arith.constant 96 : index
            %swap3A_277 = tpu.vector_load %run_scoped3A[%swap3A_275, %swap3A_276] {strides = array<i32>} : memref<80x128xf32, #tpu.memory_space<vmem>>, vector<16xf32>,
            tpu.vector_store %run_scoped3A[%swap3A_275, %swap3A_276], %mul3A_274 {strides = array<i32>} : memref<80x128xf32, #tpu.memory_space<vmem>>, vector<16xf32>,
            %get3A_278 = arith.index_cast %add3A_221 : i32 to index
            %get3A_279 = arith.constant 112 : index
            %get3A_280 = tpu.vector_load %run_scoped3A[%get3A_278, %get3A_279] {strides = array<i32>} : memref<80x128xf32, #tpu.memory_space<vmem>>, vector<16xf32>,
            %mul3A_281 = vector.broadcast %squeeze3A_217 : f32 to vector<16xf32>
            %mul3A_282 = arith.mulf %get3A_280, %mul3A_281 : vector<16xf32>
            %swap3A_283 = arith.index_cast %add3A_221 : i32 to index
            %swap3A_284 = arith.constant 112 : index
            %swap3A_285 = tpu.vector_load %run_scoped3A[%swap3A_283, %swap3A_284] {strides = array<i32>} : memref<80x128xf32, #tpu.memory_space<vmem>>, vector<16xf32>,
            tpu.vector_store %run_scoped3A[%swap3A_283, %swap3A_284], %mul3A_282 {strides = array<i32>} : memref<80x128xf32, #tpu.memory_space<vmem>>, vector<16xf32>,
            %slice3A_286 = vector.extract_strided_slice %get3A_148 {offsets = [2], sizes = [1], strides = [1]} : vector<16xf32> to vector<1xf32>
            %squeeze3A_287 = vector.extract %slice3A_286[0] : f32 from vector<1xf32>
            %mul3A_288 = arith.constant 16 : i32
            %mul3A_289 = arith.muli %scan3A_143, %mul3A_288 : i32
            %add3A_290 = arith.constant 2 : i32
            %add3A_291 = arith.addi %mul3A_289, %add3A_290 : i32
            %get3A_292 = arith.index_cast %add3A_291 : i32 to index
            %get3A_293 = arith.constant 0 : index
            %get3A_294 = tpu.vector_load %run_scoped3A[%get3A_292, %get3A_293] {strides = array<i32>} : memref<80x128xf32, #tpu.memory_space<vmem>>, vector<16xf32>,
            %mul3A_295 = vector.broadcast %squeeze3A_287 : f32 to vector<16xf32>
            %mul3A_296 = arith.mulf %get3A_294, %mul3A_295 : vector<16xf32>
            %swap3A_297 = arith.index_cast %add3A_291 : i32 to index
            %swap3A_298 = arith.constant 0 : index
            %swap3A_299 = tpu.vector_load %run_scoped3A[%swap3A_297, %swap3A_298] {strides = array<i32>} : memref<80x128xf32, #tpu.memory_space<vmem>>, vector<16xf32>,
            tpu.vector_store %run_scoped3A[%swap3A_297, %swap3A_298], %mul3A_296 {strides = array<i32>} : memref<80x128xf32, #tpu.memory_space<vmem>>, vector<16xf32>,
            %get3A_300 = arith.index_cast %add3A_291 : i32 to index
            %get3A_301 = arith.constant 16 : index
            %get3A_302 = tpu.vector_load %run_scoped3A[%get3A_300, %get3A_301] {strides = array<i32>} : memref<80x128xf32, #tpu.memory_space<vmem>>, vector<16xf32>,
            %mul3A_303 = vector.broadcast %squeeze3A_287 : f32 to vector<16xf32>
            %mul3A_304 = arith.mulf %get3A_302, %mul3A_303 : vector<16xf32>
            %swap3A_305 = arith.index_cast %add3A_291 : i32 to index
            %swap3A_306 = arith.constant 16 : index
            %swap3A_307 = tpu.vector_load %run_scoped3A[%swap3A_305, %swap3A_306] {strides = array<i32>} : memref<80x128xf32, #tpu.memory_space<vmem>>, vector<16xf32>,
            tpu.vector_store %run_scoped3A[%swap3A_305, %swap3A_306], %mul3A_304 {strides = array<i32>} : memref<80x128xf32, #tpu.memory_space<vmem>>, vector<16xf32>,
            %get3A_308 = arith.index_cast %add3A_291 : i32 to index
            %get3A_309 = arith.constant 32 : index
            %get3A_310 = tpu.vector_load %run_scoped3A[%get3A_308, %get3A_309] {strides = array<i32>} : memref<80x128xf32, #tpu.memory_space<vmem>>, vector<16xf32>,
            %mul3A_311 = vector.broadcast %squeeze3A_287 : f32 to vector<16xf32>
            %mul3A_312 = arith.mulf %get3A_310, %mul3A_311 : vector<16xf32>
            %swap3A_313 = arith.index_cast %add3A_291 : i32 to index
            %swap3A_314 = arith.constant 32 : index
            %swap3A_315 = tpu.vector_load %run_scoped3A[%swap3A_313, %swap3A_314] {strides = array<i32>} : memref<80x128xf32, #tpu.memory_space<vmem>>, vector<16xf32>,
            tpu.vector_store %run_scoped3A[%swap3A_313, %swap3A_314], %mul3A_312 {strides = array<i32>} : memref<80x128xf32, #tpu.memory_space<vmem>>, vector<16xf32>,
            %get3A_316 = arith.index_cast %add3A_291 : i32 to index
            %get3A_317 = arith.constant 48 : index
            %get3A_318 = tpu.vector_load %run_scoped3A[%get3A_316, %get3A_317] {strides = array<i32>} : memref<80x128xf32, #tpu.memory_space<vmem>>, vector<16xf32>,
            %mul3A_319 = vector.broadcast %squeeze3A_287 : f32 to vector<16xf32>
            %mul3A_320 = arith.mulf %get3A_318, %mul3A_319 : vector<16xf32>
            %swap3A_321 = arith.index_cast %add3A_291 : i32 to index
            %swap3A_322 = arith.constant 48 : index
            %swap3A_323 = tpu.vector_load %run_scoped3A[%swap3A_321, %swap3A_322] {strides = array<i32>} : memref<80x128xf32, #tpu.memory_space<vmem>>, vector<16xf32>,
            tpu.vector_store %run_scoped3A[%swap3A_321, %swap3A_322], %mul3A_320 {strides = array<i32>} : memref<80x128xf32, #tpu.memory_space<vmem>>, vector<16xf32>,
            %get3A_324 = arith.index_cast %add3A_291 : i32 to index
            %get3A_325 = arith.constant 64 : index
            %get3A_326 = tpu.vector_load %run_scoped3A[%get3A_324, %get3A_325] {strides = array<i32>} : memref<80x128xf32, #tpu.memory_space<vmem>>, vector<16xf32>,
            %mul3A_327 = vector.broadcast %squeeze3A_287 : f32 to vector<16xf32>
            %mul3A_328 = arith.mulf %get3A_326, %mul3A_327 : vector<16xf32>
            %swap3A_329 = arith.index_cast %add3A_291 : i32 to index
            %swap3A_330 = arith.constant 64 : index
            %swap3A_331 = tpu.vector_load %run_scoped3A[%swap3A_329, %swap3A_330] {strides = array<i32>} : memref<80x128xf32, #tpu.memory_space<vmem>>, vector<16xf32>,
            tpu.vector_store %run_scoped3A[%swap3A_329, %swap3A_330], %mul3A_328 {strides = array<i32>} : memref<80x128xf32, #tpu.memory_space<vmem>>, vector<16xf32>,
            %get3A_332 = arith.index_cast %add3A_291 : i32 to index
            %get3A_333 = arith.constant 80 : index
            %get3A_334 = tpu.vector_load %run_scoped3A[%get3A_332, %get3A_333] {strides = array<i32>} : memref<80x128xf32, #tpu.memory_space<vmem>>, vector<16xf32>,
            %mul3A_335 = vector.broadcast %squeeze3A_287 : f32 to vector<16xf32>
            %mul3A_336 = arith.mulf %get3A_334, %mul3A_335 : vector<16xf32>
            %swap3A_337 = arith.index_cast %add3A_291 : i32 to index
            %swap3A_338 = arith.constant 80 : index
            %swap3A_339 = tpu.vector_load %run_scoped3A[%swap3A_337, %swap3A_338] {strides = array<i32>} : memref<80x128xf32, #tpu.memory_space<vmem>>, vector<16xf32>,
            tpu.vector_store %run_scoped3A[%swap3A_337, %swap3A_338], %mul3A_336 {strides = array<i32>} : memref<80x128xf32, #tpu.memory_space<vmem>>, vector<16xf32>,
            %get3A_340 = arith.index_cast %add3A_291 : i32 to index
            %get3A_341 = arith.constant 96 : index
            %get3A_342 = tpu.vector_load %run_scoped3A[%get3A_340, %get3A_341] {strides = array<i32>} : memref<80x128xf32, #tpu.memory_space<vmem>>, vector<16xf32>,
            %mul3A_343 = vector.broadcast %squeeze3A_287 : f32 to vector<16xf32>
            %mul3A_344 = arith.mulf %get3A_342, %mul3A_343 : vector<16xf32>
            %swap3A_345 = arith.index_cast %add3A_291 : i32 to index
            %swap3A_346 = arith.constant 96 : index
            %swap3A_347 = tpu.vector_load %run_scoped3A[%swap3A_345, %swap3A_346] {strides = array<i32>} : memref<80x128xf32, #tpu.memory_space<vmem>>, vector<16xf32>,
            tpu.vector_store %run_scoped3A[%swap3A_345, %swap3A_346], %mul3A_344 {strides = array<i32>} : memref<80x128xf32, #tpu.memory_space<vmem>>, vector<16xf32>,
            %get3A_348 = arith.index_cast %add3A_291 : i32 to index
            %get3A_349 = arith.constant 112 : index
            %get3A_350 = tpu.vector_load %run_scoped3A[%get3A_348, %get3A_349] {strides = array<i32>} : memref<80x128xf32, #tpu.memory_space<vmem>>, vector<16xf32>,
            %mul3A_351 = vector.broadcast %squeeze3A_287 : f32 to vector<16xf32>
            %mul3A_352 = arith.mulf %get3A_350, %mul3A_351 : vector<16xf32>
            %swap3A_353 = arith.index_cast %add3A_291 : i32 to index
            %swap3A_354 = arith.constant 112 : index
            %swap3A_355 = tpu.vector_load %run_scoped3A[%swap3A_353, %swap3A_354] {strides = array<i32>} : memref<80x128xf32, #tpu.memory_space<vmem>>, vector<16xf32>,
            tpu.vector_store %run_scoped3A[%swap3A_353, %swap3A_354], %mul3A_352 {strides = array<i32>} : memref<80x128xf32, #tpu.memory_space<vmem>>, vector<16xf32>,
            %slice3A_356 = vector.extract_strided_slice %get3A_148 {offsets = [3], sizes = [1], strides = [1]} : vector<16xf32> to vector<1xf32>
            %squeeze3A_357 = vector.extract %slice3A_356[0] : f32 from vector<1xf32>
            %mul3A_358 = arith.constant 16 : i32
            %mul3A_359 = arith.muli %scan3A_143, %mul3A_358 : i32
            %add3A_360 = arith.constant 3 : i32
            %add3A_361 = arith.addi %mul3A_359, %add3A_360 : i32
            %get3A_362 = arith.index_cast %add3A_361 : i32 to index
            %get3A_363 = arith.constant 0 : index
            %get3A_364 = tpu.vector_load %run_scoped3A[%get3A_362, %get3A_363] {strides = array<i32>} : memref<80x128xf32, #tpu.memory_space<vmem>>, vector<16xf32>,
            %mul3A_365 = vector.broadcast %squeeze3A_357 : f32 to vector<16xf32>
            %mul3A_366 = arith.mulf %get3A_364, %mul3A_365 : vector<16xf32>
            %swap3A_367 = arith.index_cast %add3A_361 : i32 to index
            %swap3A_368 = arith.constant 0 : index
            %swap3A_369 = tpu.vector_load %run_scoped3A[%swap3A_367, %swap3A_368] {strides = array<i32>} : memref<80x128xf32, #tpu.memory_space<vmem>>, vector<16xf32>,
            tpu.vector_store %run_scoped3A[%swap3A_367, %swap3A_368], %mul3A_366 {strides = array<i32>} : memref<80x128xf32, #tpu.memory_space<vmem>>, vector<16xf32>,
            %get3A_370 = arith.index_cast %add3A_361 : i32 to index
            %get3A_371 = arith.constant 16 : index
            %get3A_372 = tpu.vector_load %run_scoped3A[%get3A_370, %get3A_371] {strides = array<i32>} : memref<80x128xf32, #tpu.memory_space<vmem>>, vector<16xf32>,
            %mul3A_373 = vector.broadcast %squeeze3A_357 : f32 to vector<16xf32>
            %mul3A_374 = arith.mulf %get3A_372, %mul3A_373 : vector<16xf32>
            %swap3A_375 = arith.index_cast %add3A_361 : i32 to index
            %swap3A_376 = arith.constant 16 : index
            %swap3A_377 = tpu.vector_load %run_scoped3A[%swap3A_375, %swap3A_376] {strides = array<i32>} : memref<80x128xf32, #tpu.memory_space<vmem>>, vector<16xf32>,
            tpu.vector_store %run_scoped3A[%swap3A_375, %swap3A_376], %mul3A_374 {strides = array<i32>} : memref<80x128xf32, #tpu.memory_space<vmem>>, vector<16xf32>,
            %get3A_378 = arith.index_cast %add3A_361 : i32 to index
            %get3A_379 = arith.constant 32 : index
            %get3A_380 = tpu.vector_load %run_scoped3A[%get3A_378, %get3A_379] {strides = array<i32>} : memref<80x128xf32, #tpu.memory_space<vmem>>, vector<16xf32>,
            %mul3A_381 = vector.broadcast %squeeze3A_357 : f32 to vector<16xf32>
            %mul3A_382 = arith.mulf %get3A_380, %mul3A_381 : vector<16xf32>
            %swap3A_383 = arith.index_cast %add3A_361 : i32 to index
            %swap3A_384 = arith.constant 32 : index
            %swap3A_385 = tpu.vector_load %run_scoped3A[%swap3A_383, %swap3A_384] {strides = array<i32>} : memref<80x128xf32, #tpu.memory_space<vmem>>, vector<16xf32>,
            tpu.vector_store %run_scoped3A[%swap3A_383, %swap3A_384], %mul3A_382 {strides = array<i32>} : memref<80x128xf32, #tpu.memory_space<vmem>>, vector<16xf32>,
            %get3A_386 = arith.index_cast %add3A_361 : i32 to index
            %get3A_387 = arith.constant 48 : index
            %get3A_388 = tpu.vector_load %run_scoped3A[%get3A_386, %get3A_387] {strides = array<i32>} : memref<80x128xf32, #tpu.memory_space<vmem>>, vector<16xf32>,
            %mul3A_389 = vector.broadcast %squeeze3A_357 : f32 to vector<16xf32>
            %mul3A_390 = arith.mulf %get3A_388, %mul3A_389 : vector<16xf32>
            %swap3A_391 = arith.index_cast %add3A_361 : i32 to index
            %swap3A_392 = arith.constant 48 : index
            %swap3A_393 = tpu.vector_load %run_scoped3A[%swap3A_391, %swap3A_392] {strides = array<i32>} : memref<80x128xf32, #tpu.memory_space<vmem>>, vector<16xf32>,
            tpu.vector_store %run_scoped3A[%swap3A_391, %swap3A_392], %mul3A_390 {strides = array<i32>} : memref<80x128xf32, #tpu.memory_space<vmem>>, vector<16xf32>,
            %get3A_394 = arith.index_cast %add3A_361 : i32 to index
            %get3A_395 = arith.constant 64 : index
            %get3A_396 = tpu.vector_load %run_scoped3A[%get3A_394, %get3A_395] {strides = array<i32>} : memref<80x128xf32, #tpu.memory_space<vmem>>, vector<16xf32>,
            %mul3A_397 = vector.broadcast %squeeze3A_357 : f32 to vector<16xf32>
            %mul3A_398 = arith.mulf %get3A_396, %mul3A_397 : vector<16xf32>
            %swap3A_399 = arith.index_cast %add3A_361 : i32 to index
            %swap3A_400 = arith.constant 64 : index
            %swap3A_401 = tpu.vector_load %run_scoped3A[%swap3A_399, %swap3A_400] {strides = array<i32>} : memref<80x128xf32, #tpu.memory_space<vmem>>, vector<16xf32>,
            tpu.vector_store %run_scoped3A[%swap3A_399, %swap3A_400], %mul3A_398 {strides = array<i32>} : memref<80x128xf32, #tpu.memory_space<vmem>>, vector<16xf32>,
            %get3A_402 = arith.index_cast %add3A_361 : i32 to index
            %get3A_403 = arith.constant 80 : index
            %get3A_404 = tpu.vector_load %run_scoped3A[%get3A_402, %get3A_403] {strides = array<i32>} : memref<80x128xf32, #tpu.memory_space<vmem>>, vector<16xf32>,
            %mul3A_405 = vector.broadcast %squeeze3A_357 : f32 to vector<16xf32>
            %mul3A_406 = arith.mulf %get3A_404, %mul3A_405 : vector<16xf32>
            %swap3A_407 = arith.index_cast %add3A_361 : i32 to index
            %swap3A_408 = arith.constant 80 : index
            %swap3A_409 = tpu.vector_load %run_scoped3A[%swap3A_407, %swap3A_408] {strides = array<i32>} : memref<80x128xf32, #tpu.memory_space<vmem>>, vector<16xf32>,
            tpu.vector_store %run_scoped3A[%swap3A_407, %swap3A_408], %mul3A_406 {strides = array<i32>} : memref<80x128xf32, #tpu.memory_space<vmem>>, vector<16xf32>,
            %get3A_410 = arith.index_cast %add3A_361 : i32 to index
            %get3A_411 = arith.constant 96 : index
            %get3A_412 = tpu.vector_load %run_scoped3A[%get3A_410, %get3A_411] {strides = array<i32>} : memref<80x128xf32, #tpu.memory_space<vmem>>, vector<16xf32>,
            %mul3A_413 = vector.broadcast %squeeze3A_357 : f32 to vector<16xf32>
            %mul3A_414 = arith.mulf %get3A_412, %mul3A_413 : vector<16xf32>
            %swap3A_415 = arith.index_cast %add3A_361 : i32 to index
            %swap3A_416 = arith.constant 96 : index
            %swap3A_417 = tpu.vector_load %run_scoped3A[%swap3A_415, %swap3A_416] {strides = array<i32>} : memref<80x128xf32, #tpu.memory_space<vmem>>, vector<16xf32>,
            tpu.vector_store %run_scoped3A[%swap3A_415, %swap3A_416], %mul3A_414 {strides = array<i32>} : memref<80x128xf32, #tpu.memory_space<vmem>>, vector<16xf32>,
            %get3A_418 = arith.index_cast %add3A_361 : i32 to index
            %get3A_419 = arith.constant 112 : index
            %get3A_420 = tpu.vector_load %run_scoped3A[%get3A_418, %get3A_419] {strides = array<i32>} : memref<80x128xf32, #tpu.memory_space<vmem>>, vector<16xf32>,
            %mul3A_421 = vector.broadcast %squeeze3A_357 : f32 to vector<16xf32>
            %mul3A_422 = arith.mulf %get3A_420, %mul3A_421 : vector<16xf32>
            %swap3A_423 = arith.index_cast %add3A_361 : i32 to index
            %swap3A_424 = arith.constant 112 : index
            %swap3A_425 = tpu.vector_load %run_scoped3A[%swap3A_423, %swap3A_424] {strides = array<i32>} : memref<80x128xf32, #tpu.memory_space<vmem>>, vector<16xf32>,
            tpu.vector_store %run_scoped3A[%swap3A_423, %swap3A_424], %mul3A_422 {strides = array<i32>} : memref<80x128xf32, #tpu.memory_space<vmem>>, vector<16xf32>,
            %slice3A_426 = vector.extract_strided_slice %get3A_148 {offsets = [4], sizes = [1], strides = [1]} : vector<16xf32> to vector<1xf32>
            %squeeze3A_427 = vector.extract %slice3A_426[0] : f32 from vector<1xf32>
            %mul3A_428 = arith.constant 16 : i32
            %mul3A_429 = arith.muli %scan3A_143, %mul3A_428 : i32
            %add3A_430 = arith.constant 4 : i32
            %add3A_431 = arith.addi %mul3A_429, %add3A_430 : i32
            %get3A_432 = arith.index_cast %add3A_431 : i32 to index
            %get3A_433 = arith.constant 0 : index
            %get3A_434 = tpu.vector_load %run_scoped3A[%get3A_432, %get3A_433] {strides = array<i32>} : memref<80x128xf32, #tpu.memory_space<vmem>>, vector<16xf32>,
            %mul3A_435 = vector.broadcast %squeeze3A_427 : f32 to vector<16xf32>
            %mul3A_436 = arith.mulf %get3A_434, %mul3A_435 : vector<16xf32>
            %swap3A_437 = arith.index_cast %add3A_431 : i32 to index
            %swap3A_438 = arith.constant 0 : index
            %swap3A_439 = tpu.vector_load %run_scoped3A[%swap3A_437, %swap3A_438] {strides = array<i32>} : memref<80x128xf32, #tpu.memory_space<vmem>>, vector<16xf32>,
            tpu.vector_store %run_scoped3A[%swap3A_437, %swap3A_438], %mul3A_436 {strides = array<i32>} : memref<80x128xf32, #tpu.memory_space<vmem>>, vector<16xf32>,
            %get3A_440 = arith.index_cast %add3A_431 : i32 to index
            %get3A_441 = arith.constant 16 : index
            %get3A_442 = tpu.vector_load %run_scoped3A[%get3A_440, %get3A_441] {strides = array<i32>} : memref<80x128xf32, #tpu.memory_space<vmem>>, vector<16xf32>,
            %mul3A_443 = vector.broadcast %squeeze3A_427 : f32 to vector<16xf32>
            %mul3A_444 = arith.mulf %get3A_442, %mul3A_443 : vector<16xf32>
            %swap3A_445 = arith.index_cast %add3A_431 : i32 to index
            %swap3A_446 = arith.constant 16 : index
            %swap3A_447 = tpu.vector_load %run_scoped3A[%swap3A_445, %swap3A_446] {strides = array<i32>} : memref<80x128xf32, #tpu.memory_space<vmem>>, vector<16xf32>,
            tpu.vector_store %run_scoped3A[%swap3A_445, %swap3A_446], %mul3A_444 {strides = array<i32>} : memref<80x128xf32, #tpu.memory_space<vmem>>, vector<16xf32>,
            %get3A_448 = arith.index_cast %add3A_431 : i32 to index
            %get3A_449 = arith.constant 32 : index
            %get3A_450 = tpu.vector_load %run_scoped3A[%get3A_448, %get3A_449] {strides = array<i32>} : memref<80x128xf32, #tpu.memory_space<vmem>>, vector<16xf32>,
            %mul3A_451 = vector.broadcast %squeeze3A_427 : f32 to vector<16xf32>
            %mul3A_452 = arith.mulf %get3A_450, %mul3A_451 : vector<16xf32>
            %swap3A_453 = arith.index_cast %add3A_431 : i32 to index
            %swap3A_454 = arith.constant 32 : index
            %swap3A_455 = tpu.vector_load %run_scoped3A[%swap3A_453, %swap3A_454] {strides = array<i32>} : memref<80x128xf32, #tpu.memory_space<vmem>>, vector<16xf32>,
            tpu.vector_store %run_scoped3A[%swap3A_453, %swap3A_454], %mul3A_452 {strides = array<i32>} : memref<80x128xf32, #tpu.memory_space<vmem>>, vector<16xf32>,
            %get3A_456 = arith.index_cast %add3A_431 : i32 to index
            %get3A_457 = arith.constant 48 : index
            %get3A_458 = tpu.vector_load %run_scoped3A[%get3A_456, %get3A_457] {strides = array<i32>} : memref<80x128xf32, #tpu.memory_space<vmem>>, vector<16xf32>,
            %mul3A_459 = vector.broadcast %squeeze3A_427 : f32 to vector<16xf32>
            %mul3A_460 = arith.mulf %get3A_458, %mul3A_459 : vector<16xf32>
            %swap3A_461 = arith.index_cast %add3A_431 : i32 to index
            %swap3A_462 = arith.constant 48 : index
            %swap3A_463 = tpu.vector_load %run_scoped3A[%swap3A_461, %swap3A_462] {strides = array<i32>} : memref<80x128xf32, #tpu.memory_space<vmem>>, vector<16xf32>,
            tpu.vector_store %run_scoped3A[%swap3A_461, %swap3A_462], %mul3A_460 {strides = array<i32>} : memref<80x128xf32, #tpu.memory_space<vmem>>, vector<16xf32>,
            %get3A_464 = arith.index_cast %add3A_431 : i32 to index
            %get3A_465 = arith.constant 64 : index
            %get3A_466 = tpu.vector_load %run_scoped3A[%get3A_464, %get3A_465] {strides = array<i32>} : memref<80x128xf32, #tpu.memory_space<vmem>>, vector<16xf32>,
            %mul3A_467 = vector.broadcast %squeeze3A_427 : f32 to vector<16xf32>
            %mul3A_468 = arith.mulf %get3A_466, %mul3A_467 : vector<16xf32>
            %swap3A_469 = arith.index_cast %add3A_431 : i32 to index
            %swap3A_470 = arith.constant 64 : index
            %swap3A_471 = tpu.vector_load %run_scoped3A[%swap3A_469, %swap3A_470] {strides = array<i32>} : memref<80x128xf32, #tpu.memory_space<vmem>>, vector<16xf32>,
            tpu.vector_store %run_scoped3A[%swap3A_469, %swap3A_470], %mul3A_468 {strides = array<i32>} : memref<80x128xf32, #tpu.memory_space<vmem>>, vector<16xf32>,
            %get3A_472 = arith.index_cast %add3A_431 : i32 to index
            %get3A_473 = arith.constant 80 : index
            %get3A_474 = tpu.vector_load %run_scoped3A[%get3A_472, %get3A_473] {strides = array<i32>} : memref<80x128xf32, #tpu.memory_space<vmem>>, vector<16xf32>,
            %mul3A_475 = vector.broadcast %squeeze3A_427 : f32 to vector<16xf32>
            %mul3A_476 = arith.mulf %get3A_474, %mul3A_475 : vector<16xf32>
            %swap3A_477 = arith.index_cast %add3A_431 : i32 to index
            %swap3A_478 = arith.constant 80 : index
            %swap3A_479 = tpu.vector_load %run_scoped3A[%swap3A_477, %swap3A_478] {strides = array<i32>} : memref<80x128xf32, #tpu.memory_space<vmem>>, vector<16xf32>,
            tpu.vector_store %run_scoped3A[%swap3A_477, %swap3A_478], %mul3A_476 {strides = array<i32>} : memref<80x128xf32, #tpu.memory_space<vmem>>, vector<16xf32>,
            %get3A_480 = arith.index_cast %add3A_431 : i32 to index
            %get3A_481 = arith.constant 96 : index
            %get3A_482 = tpu.vector_load %run_scoped3A[%get3A_480, %get3A_481] {strides = array<i32>} : memref<80x128xf32, #tpu.memory_space<vmem>>, vector<16xf32>,
            %mul3A_483 = vector.broadcast %squeeze3A_427 : f32 to vector<16xf32>
            %mul3A_484 = arith.mulf %get3A_482, %mul3A_483 : vector<16xf32>
            %swap3A_485 = arith.index_cast %add3A_431 : i32 to index
            %swap3A_486 = arith.constant 96 : index
            %swap3A_487 = tpu.vector_load %run_scoped3A[%swap3A_485, %swap3A_486] {strides = array<i32>} : memref<80x128xf32, #tpu.memory_space<vmem>>, vector<16xf32>,
            tpu.vector_store %run_scoped3A[%swap3A_485, %swap3A_486], %mul3A_484 {strides = array<i32>} : memref<80x128xf32, #tpu.memory_space<vmem>>, vector<16xf32>,
            %get3A_488 = arith.index_cast %add3A_431 : i32 to index
            %get3A_489 = arith.constant 112 : index
            %get3A_490 = tpu.vector_load %run_scoped3A[%get3A_488, %get3A_489] {strides = array<i32>} : memref<80x128xf32, #tpu.memory_space<vmem>>, vector<16xf32>,
            %mul3A_491 = vector.broadcast %squeeze3A_427 : f32 to vector<16xf32>
            %mul3A_492 = arith.mulf %get3A_490, %mul3A_491 : vector<16xf32>
            %swap3A_493 = arith.index_cast %add3A_431 : i32 to index
            %swap3A_494 = arith.constant 112 : index
            %swap3A_495 = tpu.vector_load %run_scoped3A[%swap3A_493, %swap3A_494] {strides = array<i32>} : memref<80x128xf32, #tpu.memory_space<vmem>>, vector<16xf32>,
            tpu.vector_store %run_scoped3A[%swap3A_493, %swap3A_494], %mul3A_492 {strides = array<i32>} : memref<80x128xf32, #tpu.memory_space<vmem>>, vector<16xf32>,
            %slice3A_496 = vector.extract_strided_slice %get3A_148 {offsets = [5], sizes = [1], strides = [1]} : vector<16xf32> to vector<1xf32>
            %squeeze3A_497 = vector.extract %slice3A_496[0] : f32 from vector<1xf32>
            %mul3A_498 = arith.constant 16 : i32
            %mul3A_499 = arith.muli %scan3A_143, %mul3A_498 : i32
            %add3A_500 = arith.constant 5 : i32
            %add3A_501 = arith.addi %mul3A_499, %add3A_500 : i32
            %get3A_502 = arith.index_cast %add3A_501 : i32 to index
            %get3A_503 = arith.constant 0 : index
            %get3A_504 = tpu.vector_load %run_scoped3A[%get3A_502, %get3A_503] {strides = array<i32>} : memref<80x128xf32, #tpu.memory_space<vmem>>, vector<16xf32>,
            %mul3A_505 = vector.broadcast %squeeze3A_497 : f32 to vector<16xf32>
            %mul3A_506 = arith.mulf %get3A_504, %mul3A_505 : vector<16xf32>
            %swap3A_507 = arith.index_cast %add3A_501 : i32 to index
            %swap3A_508 = arith.constant 0 : index
            %swap3A_509 = tpu.vector_load %run_scoped3A[%swap3A_507, %swap3A_508] {strides = array<i32>} : memref<80x128xf32, #tpu.memory_space<vmem>>, vector<16xf32>,
            tpu.vector_store %run_scoped3A[%swap3A_507, %swap3A_508], %mul3A_506 {strides = array<i32>} : memref<80x128xf32, #tpu.memory_space<vmem>>, vector<16xf32>,
            %get3A_510 = arith.index_cast %add3A_501 : i32 to index
            %get3A_511 = arith.constant 16 : index
            %get3A_512 = tpu.vector_load %run_scoped3A[%get3A_510, %get3A_511] {strides = array<i32>} : memref<80x128xf32, #tpu.memory_space<vmem>>, vector<16xf32>,
            %mul3A_513 = vector.broadcast %squeeze3A_497 : f32 to vector<16xf32>
            %mul3A_514 = arith.mulf %get3A_512, %mul3A_513 : vector<16xf32>
            %swap3A_515 = arith.index_cast %add3A_501 : i32 to index
            %swap3A_516 = arith.constant 16 : index
            %swap3A_517 = tpu.vector_load %run_scoped3A[%swap3A_515, %swap3A_516] {strides = array<i32>} : memref<80x128xf32, #tpu.memory_space<vmem>>, vector<16xf32>,
            tpu.vector_store %run_scoped3A[%swap3A_515, %swap3A_516], %mul3A_514 {strides = array<i32>} : memref<80x128xf32, #tpu.memory_space<vmem>>, vector<16xf32>,
            %get3A_518 = arith.index_cast %add3A_501 : i32 to index
            %get3A_519 = arith.constant 32 : index
            %get3A_520 = tpu.vector_load %run_scoped3A[%get3A_518, %get3A_519] {strides = array<i32>} : memref<80x128xf32, #tpu.memory_space<vmem>>, vector<16xf32>,
            %mul3A_521 = vector.broadcast %squeeze3A_497 : f32 to vector<16xf32>
            %mul3A_522 = arith.mulf %get3A_520, %mul3A_521 : vector<16xf32>
            %swap3A_523 = arith.index_cast %add3A_501 : i32 to index
            %swap3A_524 = arith.constant 32 : index
            %swap3A_525 = tpu.vector_load %run_scoped3A[%swap3A_523, %swap3A_524] {strides = array<i32>} : memref<80x128xf32, #tpu.memory_space<vmem>>, vector<16xf32>,
            tpu.vector_store %run_scoped3A[%swap3A_523, %swap3A_524], %mul3A_522 {strides = array<i32>} : memref<80x128xf32, #tpu.memory_space<vmem>>, vector<16xf32>,
            %get3A_526 = arith.index_cast %add3A_501 : i32 to index
            %get3A_527 = arith.constant 48 : index
            %get3A_528 = tpu.vector_load %run_scoped3A[%get3A_526, %get3A_527] {strides = array<i32>} : memref<80x128xf32, #tpu.memory_space<vmem>>, vector<16xf32>,
            %mul3A_529 = vector.broadcast %squeeze3A_497 : f32 to vector<16xf32>
            %mul3A_530 = arith.mulf %get3A_528, %mul3A_529 : vector<16xf32>
            %swap3A_531 = arith.index_cast %add3A_501 : i32 to index
            %swap3A_532 = arith.constant 48 : index
            %swap3A_533 = tpu.vector_load %run_scoped3A[%swap3A_531, %swap3A_532] {strides = array<i32>} : memref<80x128xf32, #tpu.memory_space<vmem>>, vector<16xf32>,
            tpu.vector_store %run_scoped3A[%swap3A_531, %swap3A_532], %mul3A_530 {strides = array<i32>} : memref<80x128xf32, #tpu.memory_space<vmem>>, vector<16xf32>,
            %get3A_534 = arith.index_cast %add3A_501 : i32 to index
            %get3A_535 = arith.constant 64 : index
            %get3A_536 = tpu.vector_load %run_scoped3A[%get3A_534, %get3A_535] {strides = array<i32>} : memref<80x128xf32, #tpu.memory_space<vmem>>, vector<16xf32>,
            %mul3A_537 = vector.broadcast %squeeze3A_497 : f32 to vector<16xf32>
            %mul3A_538 = arith.mulf %get3A_536, %mul3A_537 : vector<16xf32>
            %swap3A_539 = arith.index_cast %add3A_501 : i32 to index
            %swap3A_540 = arith.constant 64 : index
            %swap3A_541 = tpu.vector_load %run_scoped3A[%swap3A_539, %swap3A_540] {strides = array<i32>} : memref<80x128xf32, #tpu.memory_space<vmem>>, vector<16xf32>,
            tpu.vector_store %run_scoped3A[%swap3A_539, %swap3A_540], %mul3A_538 {strides = array<i32>} : memref<80x128xf32, #tpu.memory_space<vmem>>, vector<16xf32>,
            %get3A_542 = arith.index_cast %add3A_501 : i32 to index
            %get3A_543 = arith.constant 80 : index
            %get3A_544 = tpu.vector_load %run_scoped3A[%get3A_542, %get3A_543] {strides = array<i32>} : memref<80x128xf32, #tpu.memory_space<vmem>>, vector<16xf32>,
            %mul3A_545 = vector.broadcast %squeeze3A_497 : f32 to vector<16xf32>
            %mul3A_546 = arith.mulf %get3A_544, %mul3A_545 : vector<16xf32>
            %swap3A_547 = arith.index_cast %add3A_501 : i32 to index
            %swap3A_548 = arith.constant 80 : index
            %swap3A_549 = tpu.vector_load %run_scoped3A[%swap3A_547, %swap3A_548] {strides = array<i32>} : memref<80x128xf32, #tpu.memory_space<vmem>>, vector<16xf32>,
            tpu.vector_store %run_scoped3A[%swap3A_547, %swap3A_548], %mul3A_546 {strides = array<i32>} : memref<80x128xf32, #tpu.memory_space<vmem>>, vector<16xf32>,
            %get3A_550 = arith.index_cast %add3A_501 : i32 to index
            %get3A_551 = arith.constant 96 : index
            %get3A_552 = tpu.vector_load %run_scoped3A[%get3A_550, %get3A_551] {strides = array<i32>} : memref<80x128xf32, #tpu.memory_space<vmem>>, vector<16xf32>,
            %mul3A_553 = vector.broadcast %squeeze3A_497 : f32 to vector<16xf32>
            %mul3A_554 = arith.mulf %get3A_552, %mul3A_553 : vector<16xf32>
            %swap3A_555 = arith.index_cast %add3A_501 : i32 to index
            %swap3A_556 = arith.constant 96 : index
            %swap3A_557 = tpu.vector_load %run_scoped3A[%swap3A_555, %swap3A_556] {strides = array<i32>} : memref<80x128xf32, #tpu.memory_space<vmem>>, vector<16xf32>,
            tpu.vector_store %run_scoped3A[%swap3A_555, %swap3A_556], %mul3A_554 {strides = array<i32>} : memref<80x128xf32, #tpu.memory_space<vmem>>, vector<16xf32>,
            %get3A_558 = arith.index_cast %add3A_501 : i32 to index
            %get3A_559 = arith.constant 112 : index
            %get3A_560 = tpu.vector_load %run_scoped3A[%get3A_558, %get3A_559] {strides = array<i32>} : memref<80x128xf32, #tpu.memory_space<vmem>>, vector<16xf32>,
            %mul3A_561 = vector.broadcast %squeeze3A_497 : f32 to vector<16xf32>
            %mul3A_562 = arith.mulf %get3A_560, %mul3A_561 : vector<16xf32>
            %swap3A_563 = arith.index_cast %add3A_501 : i32 to index
            %swap3A_564 = arith.constant 112 : index
            %swap3A_565 = tpu.vector_load %run_scoped3A[%swap3A_563, %swap3A_564] {strides = array<i32>} : memref<80x128xf32, #tpu.memory_space<vmem>>, vector<16xf32>,
            tpu.vector_store %run_scoped3A[%swap3A_563, %swap3A_564], %mul3A_562 {strides = array<i32>} : memref<80x128xf32, #tpu.memory_space<vmem>>, vector<16xf32>,
            %slice3A_566 = vector.extract_strided_slice %get3A_148 {offsets = [6], sizes = [1], strides = [1]} : vector<16xf32> to vector<1xf32>
            %squeeze3A_567 = vector.extract %slice3A_566[0] : f32 from vector<1xf32>
            %mul3A_568 = arith.constant 16 : i32
            %mul3A_569 = arith.muli %scan3A_143, %mul3A_568 : i32
            %add3A_570 = arith.constant 6 : i32
            %add3A_571 = arith.addi %mul3A_569, %add3A_570 : i32
            %get3A_572 = arith.index_cast %add3A_571 : i32 to index
            %get3A_573 = arith.constant 0 : index
            %get3A_574 = tpu.vector_load %run_scoped3A[%get3A_572, %get3A_573] {strides = array<i32>} : memref<80x128xf32, #tpu.memory_space<vmem>>, vector<16xf32>,
            %mul3A_575 = vector.broadcast %squeeze3A_567 : f32 to vector<16xf32>
            %mul3A_576 = arith.mulf %get3A_574, %mul3A_575 : vector<16xf32>
            %swap3A_577 = arith.index_cast %add3A_571 : i32 to index
            %swap3A_578 = arith.constant 0 : index
            %swap3A_579 = tpu.vector_load %run_scoped3A[%swap3A_577, %swap3A_578] {strides = array<i32>} : memref<80x128xf32, #tpu.memory_space<vmem>>, vector<16xf32>,
            tpu.vector_store %run_scoped3A[%swap3A_577, %swap3A_578], %mul3A_576 {strides = array<i32>} : memref<80x128xf32, #tpu.memory_space<vmem>>, vector<16xf32>,
            %get3A_580 = arith.index_cast %add3A_571 : i32 to index
            %get3A_581 = arith.constant 16 : index
            %get3A_582 = tpu.vector_load %run_scoped3A[%get3A_580, %get3A_581] {strides = array<i32>} : memref<80x128xf32, #tpu.memory_space<vmem>>, vector<16xf32>,
            %mul3A_583 = vector.broadcast %squeeze3A_567 : f32 to vector<16xf32>
            %mul3A_584 = arith.mulf %get3A_582, %mul3A_583 : vector<16xf32>
            %swap3A_585 = arith.index_cast %add3A_571 : i32 to index
            %swap3A_586 = arith.constant 16 : index
            %swap3A_587 = tpu.vector_load %run_scoped3A[%swap3A_585, %swap3A_586] {strides = array<i32>} : memref<80x128xf32, #tpu.memory_space<vmem>>, vector<16xf32>,
            tpu.vector_store %run_scoped3A[%swap3A_585, %swap3A_586], %mul3A_584 {strides = array<i32>} : memref<80x128xf32, #tpu.memory_space<vmem>>, vector<16xf32>,
            %get3A_588 = arith.index_cast %add3A_571 : i32 to index
            %get3A_589 = arith.constant 32 : index
            %get3A_590 = tpu.vector_load %run_scoped3A[%get3A_588, %get3A_589] {strides = array<i32>} : memref<80x128xf32, #tpu.memory_space<vmem>>, vector<16xf32>,
            %mul3A_591 = vector.broadcast %squeeze3A_567 : f32 to vector<16xf32>
            %mul3A_592 = arith.mulf %get3A_590, %mul3A_591 : vector<16xf32>
            %swap3A_593 = arith.index_cast %add3A_571 : i32 to index
            %swap3A_594 = arith.constant 32 : index
            %swap3A_595 = tpu.vector_load %run_scoped3A[%swap3A_593, %swap3A_594] {strides = array<i32>} : memref<80x128xf32, #tpu.memory_space<vmem>>, vector<16xf32>,
            tpu.vector_store %run_scoped3A[%swap3A_593, %swap3A_594], %mul3A_592 {strides = array<i32>} : memref<80x128xf32, #tpu.memory_space<vmem>>, vector<16xf32>,
            %get3A_596 = arith.index_cast %add3A_571 : i32 to index
            %get3A_597 = arith.constant 48 : index
            %get3A_598 = tpu.vector_load %run_scoped3A[%get3A_596, %get3A_597] {strides = array<i32>} : memref<80x128xf32, #tpu.memory_space<vmem>>, vector<16xf32>,
            %mul3A_599 = vector.broadcast %squeeze3A_567 : f32 to vector<16xf32>
            %mul3A_600 = arith.mulf %get3A_598, %mul3A_599 : vector<16xf32>
            %swap3A_601 = arith.index_cast %add3A_571 : i32 to index
            %swap3A_602 = arith.constant 48 : index
            %swap3A_603 = tpu.vector_load %run_scoped3A[%swap3A_601, %swap3A_602] {strides = array<i32>} : memref<80x128xf32, #tpu.memory_space<vmem>>, vector<16xf32>,
            tpu.vector_store %run_scoped3A[%swap3A_601, %swap3A_602], %mul3A_600 {strides = array<i32>} : memref<80x128xf32, #tpu.memory_space<vmem>>, vector<16xf32>,
            %get3A_604 = arith.index_cast %add3A_571 : i32 to index
            %get3A_605 = arith.constant 64 : index
            %get3A_606 = tpu.vector_load %run_scoped3A[%get3A_604, %get3A_605] {strides = array<i32>} : memref<80x128xf32, #tpu.memory_space<vmem>>, vector<16xf32>,
            %mul3A_607 = vector.broadcast %squeeze3A_567 : f32 to vector<16xf32>
            %mul3A_608 = arith.mulf %get3A_606, %mul3A_607 : vector<16xf32>
            %swap3A_609 = arith.index_cast %add3A_571 : i32 to index
            %swap3A_610 = arith.constant 64 : index
            %swap3A_611 = tpu.vector_load %run_scoped3A[%swap3A_609, %swap3A_610] {strides = array<i32>} : memref<80x128xf32, #tpu.memory_space<vmem>>, vector<16xf32>,
            tpu.vector_store %run_scoped3A[%swap3A_609, %swap3A_610], %mul3A_608 {strides = array<i32>} : memref<80x128xf32, #tpu.memory_space<vmem>>, vector<16xf32>,
            %get3A_612 = arith.index_cast %add3A_571 : i32 to index
            %get3A_613 = arith.constant 80 : index
            %get3A_614 = tpu.vector_load %run_scoped3A[%get3A_612, %get3A_613] {strides = array<i32>} : memref<80x128xf32, #tpu.memory_space<vmem>>, vector<16xf32>,
            %mul3A_615 = vector.broadcast %squeeze3A_567 : f32 to vector<16xf32>
            %mul3A_616 = arith.mulf %get3A_614, %mul3A_615 : vector<16xf32>
            %swap3A_617 = arith.index_cast %add3A_571 : i32 to index
            %swap3A_618 = arith.constant 80 : index
            %swap3A_619 = tpu.vector_load %run_scoped3A[%swap3A_617, %swap3A_618] {strides = array<i32>} : memref<80x128xf32, #tpu.memory_space<vmem>>, vector<16xf32>,
            tpu.vector_store %run_scoped3A[%swap3A_617, %swap3A_618], %mul3A_616 {strides = array<i32>} : memref<80x128xf32, #tpu.memory_space<vmem>>, vector<16xf32>,
            %get3A_620 = arith.index_cast %add3A_571 : i32 to index
            %get3A_621 = arith.constant 96 : index
            %get3A_622 = tpu.vector_load %run_scoped3A[%get3A_620, %get3A_621] {strides = array<i32>} : memref<80x128xf32, #tpu.memory_space<vmem>>, vector<16xf32>,
            %mul3A_623 = vector.broadcast %squeeze3A_567 : f32 to vector<16xf32>
            %mul3A_624 = arith.mulf %get3A_622, %mul3A_623 : vector<16xf32>
            %swap3A_625 = arith.index_cast %add3A_571 : i32 to index
            %swap3A_626 = arith.constant 96 : index
            %swap3A_627 = tpu.vector_load %run_scoped3A[%swap3A_625, %swap3A_626] {strides = array<i32>} : memref<80x128xf32, #tpu.memory_space<vmem>>, vector<16xf32>,
            tpu.vector_store %run_scoped3A[%swap3A_625, %swap3A_626], %mul3A_624 {strides = array<i32>} : memref<80x128xf32, #tpu.memory_space<vmem>>, vector<16xf32>,
            %get3A_628 = arith.index_cast %add3A_571 : i32 to index
            %get3A_629 = arith.constant 112 : index
            %get3A_630 = tpu.vector_load %run_scoped3A[%get3A_628, %get3A_629] {strides = array<i32>} : memref<80x128xf32, #tpu.memory_space<vmem>>, vector<16xf32>,
            %mul3A_631 = vector.broadcast %squeeze3A_567 : f32 to vector<16xf32>
            %mul3A_632 = arith.mulf %get3A_630, %mul3A_631 : vector<16xf32>
            %swap3A_633 = arith.index_cast %add3A_571 : i32 to index
            %swap3A_634 = arith.constant 112 : index
            %swap3A_635 = tpu.vector_load %run_scoped3A[%swap3A_633, %swap3A_634] {strides = array<i32>} : memref<80x128xf32, #tpu.memory_space<vmem>>, vector<16xf32>,
            tpu.vector_store %run_scoped3A[%swap3A_633, %swap3A_634], %mul3A_632 {strides = array<i32>} : memref<80x128xf32, #tpu.memory_space<vmem>>, vector<16xf32>,
            %slice3A_636 = vector.extract_strided_slice %get3A_148 {offsets = [7], sizes = [1], strides = [1]} : vector<16xf32> to vector<1xf32>
            %squeeze3A_637 = vector.extract %slice3A_636[0] : f32 from vector<1xf32>
            %mul3A_638 = arith.constant 16 : i32
            %mul3A_639 = arith.muli %scan3A_143, %mul3A_638 : i32
            %add3A_640 = arith.constant 7 : i32
            %add3A_641 = arith.addi %mul3A_639, %add3A_640 : i32
            %get3A_642 = arith.index_cast %add3A_641 : i32 to index
            %get3A_643 = arith.constant 0 : index
            %get3A_644 = tpu.vector_load %run_scoped3A[%get3A_642, %get3A_643] {strides = array<i32>} : memref<80x128xf32, #tpu.memory_space<vmem>>, vector<16xf32>,
            %mul3A_645 = vector.broadcast %squeeze3A_637 : f32 to vector<16xf32>
            %mul3A_646 = arith.mulf %get3A_644, %mul3A_645 : vector<16xf32>
            %swap3A_647 = arith.index_cast %add3A_641 : i32 to index
            %swap3A_648 = arith.constant 0 : index
            %swap3A_649 = tpu.vector_load %run_scoped3A[%swap3A_647, %swap3A_648] {strides = array<i32>} : memref<80x128xf32, #tpu.memory_space<vmem>>, vector<16xf32>,
            tpu.vector_store %run_scoped3A[%swap3A_647, %swap3A_648], %mul3A_646 {strides = array<i32>} : memref<80x128xf32, #tpu.memory_space<vmem>>, vector<16xf32>,
            %get3A_650 = arith.index_cast %add3A_641 : i32 to index
            %get3A_651 = arith.constant 16 : index
            %get3A_652 = tpu.vector_load %run_scoped3A[%get3A_650, %get3A_651] {strides = array<i32>} : memref<80x128xf32, #tpu.memory_space<vmem>>, vector<16xf32>,
            %mul3A_653 = vector.broadcast %squeeze3A_637 : f32 to vector<16xf32>
            %mul3A_654 = arith.mulf %get3A_652, %mul3A_653 : vector<16xf32>
            %swap3A_655 = arith.index_cast %add3A_641 : i32 to index
            %swap3A_656 = arith.constant 16 : index
            %swap3A_657 = tpu.vector_load %run_scoped3A[%swap3A_655, %swap3A_656] {strides = array<i32>} : memref<80x128xf32, #tpu.memory_space<vmem>>, vector<16xf32>,
            tpu.vector_store %run_scoped3A[%swap3A_655, %swap3A_656], %mul3A_654 {strides = array<i32>} : memref<80x128xf32, #tpu.memory_space<vmem>>, vector<16xf32>,
            %get3A_658 = arith.index_cast %add3A_641 : i32 to index
            %get3A_659 = arith.constant 32 : index
            %get3A_660 = tpu.vector_load %run_scoped3A[%get3A_658, %get3A_659] {strides = array<i32>} : memref<80x128xf32, #tpu.memory_space<vmem>>, vector<16xf32>,
            %mul3A_661 = vector.broadcast %squeeze3A_637 : f32 to vector<16xf32>
            %mul3A_662 = arith.mulf %get3A_660, %mul3A_661 : vector<16xf32>
            %swap3A_663 = arith.index_cast %add3A_641 : i32 to index
            %swap3A_664 = arith.constant 32 : index
            %swap3A_665 = tpu.vector_load %run_scoped3A[%swap3A_663, %swap3A_664] {strides = array<i32>} : memref<80x128xf32, #tpu.memory_space<vmem>>, vector<16xf32>,
            tpu.vector_store %run_scoped3A[%swap3A_663, %swap3A_664], %mul3A_662 {strides = array<i32>} : memref<80x128xf32, #tpu.memory_space<vmem>>, vector<16xf32>,
            %get3A_666 = arith.index_cast %add3A_641 : i32 to index
            %get3A_667 = arith.constant 48 : index
            %get3A_668 = tpu.vector_load %run_scoped3A[%get3A_666, %get3A_667] {strides = array<i32>} : memref<80x128xf32, #tpu.memory_space<vmem>>, vector<16xf32>,
            %mul3A_669 = vector.broadcast %squeeze3A_637 : f32 to vector<16xf32>
            %mul3A_670 = arith.mulf %get3A_668, %mul3A_669 : vector<16xf32>
            %swap3A_671 = arith.index_cast %add3A_641 : i32 to index
            %swap3A_672 = arith.constant 48 : index
            %swap3A_673 = tpu.vector_load %run_scoped3A[%swap3A_671, %swap3A_672] {strides = array<i32>} : memref<80x128xf32, #tpu.memory_space<vmem>>, vector<16xf32>,
            tpu.vector_store %run_scoped3A[%swap3A_671, %swap3A_672], %mul3A_670 {strides = array<i32>} : memref<80x128xf32, #tpu.memory_space<vmem>>, vector<16xf32>,
            %get3A_674 = arith.index_cast %add3A_641 : i32 to index
            %get3A_675 = arith.constant 64 : index
            %get3A_676 = tpu.vector_load %run_scoped3A[%get3A_674, %get3A_675] {strides = array<i32>} : memref<80x128xf32, #tpu.memory_space<vmem>>, vector<16xf32>,
            %mul3A_677 = vector.broadcast %squeeze3A_637 : f32 to vector<16xf32>
            %mul3A_678 = arith.mulf %get3A_676, %mul3A_677 : vector<16xf32>
            %swap3A_679 = arith.index_cast %add3A_641 : i32 to index
            %swap3A_680 = arith.constant 64 : index
            %swap3A_681 = tpu.vector_load %run_scoped3A[%swap3A_679, %swap3A_680] {strides = array<i32>} : memref<80x128xf32, #tpu.memory_space<vmem>>, vector<16xf32>,
            tpu.vector_store %run_scoped3A[%swap3A_679, %swap3A_680], %mul3A_678 {strides = array<i32>} : memref<80x128xf32, #tpu.memory_space<vmem>>, vector<16xf32>,
            %get3A_682 = arith.index_cast %add3A_641 : i32 to index
            %get3A_683 = arith.constant 80 : index
            %get3A_684 = tpu.vector_load %run_scoped3A[%get3A_682, %get3A_683] {strides = array<i32>} : memref<80x128xf32, #tpu.memory_space<vmem>>, vector<16xf32>,
            %mul3A_685 = vector.broadcast %squeeze3A_637 : f32 to vector<16xf32>
            %mul3A_686 = arith.mulf %get3A_684, %mul3A_685 : vector<16xf32>
            %swap3A_687 = arith.index_cast %add3A_641 : i32 to index
            %swap3A_688 = arith.constant 80 : index
            %swap3A_689 = tpu.vector_load %run_scoped3A[%swap3A_687, %swap3A_688] {strides = array<i32>} : memref<80x128xf32, #tpu.memory_space<vmem>>, vector<16xf32>,
            tpu.vector_store %run_scoped3A[%swap3A_687, %swap3A_688], %mul3A_686 {strides = array<i32>} : memref<80x128xf32, #tpu.memory_space<vmem>>, vector<16xf32>,
            %get3A_690 = arith.index_cast %add3A_641 : i32 to index
            %get3A_691 = arith.constant 96 : index
            %get3A_692 = tpu.vector_load %run_scoped3A[%get3A_690, %get3A_691] {strides = array<i32>} : memref<80x128xf32, #tpu.memory_space<vmem>>, vector<16xf32>,
            %mul3A_693 = vector.broadcast %squeeze3A_637 : f32 to vector<16xf32>
            %mul3A_694 = arith.mulf %get3A_692, %mul3A_693 : vector<16xf32>
            %swap3A_695 = arith.index_cast %add3A_641 : i32 to index
            %swap3A_696 = arith.constant 96 : index
            %swap3A_697 = tpu.vector_load %run_scoped3A[%swap3A_695, %swap3A_696] {strides = array<i32>} : memref<80x128xf32, #tpu.memory_space<vmem>>, vector<16xf32>,
            tpu.vector_store %run_scoped3A[%swap3A_695, %swap3A_696], %mul3A_694 {strides = array<i32>} : memref<80x128xf32, #tpu.memory_space<vmem>>, vector<16xf32>,
            %get3A_698 = arith.index_cast %add3A_641 : i32 to index
            %get3A_699 = arith.constant 112 : index
            %get3A_700 = tpu.vector_load %run_scoped3A[%get3A_698, %get3A_699] {strides = array<i32>} : memref<80x128xf32, #tpu.memory_space<vmem>>, vector<16xf32>,
            %mul3A_701 = vector.broadcast %squeeze3A_637 : f32 to vector<16xf32>
            %mul3A_702 = arith.mulf %get3A_700, %mul3A_701 : vector<16xf32>
            %swap3A_703 = arith.index_cast %add3A_641 : i32 to index
            %swap3A_704 = arith.constant 112 : index
            %swap3A_705 = tpu.vector_load %run_scoped3A[%swap3A_703, %swap3A_704] {strides = array<i32>} : memref<80x128xf32, #tpu.memory_space<vmem>>, vector<16xf32>,
            tpu.vector_store %run_scoped3A[%swap3A_703, %swap3A_704], %mul3A_702 {strides = array<i32>} : memref<80x128xf32, #tpu.memory_space<vmem>>, vector<16xf32>,
            %slice3A_706 = vector.extract_strided_slice %get3A_148 {offsets = [8], sizes = [1], strides = [1]} : vector<16xf32> to vector<1xf32>
            %squeeze3A_707 = vector.extract %slice3A_706[0] : f32 from vector<1xf32>
            %mul3A_708 = arith.constant 16 : i32
            %mul3A_709 = arith.muli %scan3A_143, %mul3A_708 : i32
            %add3A_710 = arith.constant 8 : i32
            %add3A_711 = arith.addi %mul3A_709, %add3A_710 : i32
            %get3A_712 = arith.index_cast %add3A_711 : i32 to index
            %get3A_713 = arith.constant 0 : index
            %get3A_714 = tpu.vector_load %run_scoped3A[%get3A_712, %get3A_713] {strides = array<i32>} : memref<80x128xf32, #tpu.memory_space<vmem>>, vector<16xf32>,
            %mul3A_715 = vector.broadcast %squeeze3A_707 : f32 to vector<16xf32>
            %mul3A_716 = arith.mulf %get3A_714, %mul3A_715 : vector<16xf32>
            %swap3A_717 = arith.index_cast %add3A_711 : i32 to index
            %swap3A_718 = arith.constant 0 : index
            %swap3A_719 = tpu.vector_load %run_scoped3A[%swap3A_717, %swap3A_718] {strides = array<i32>} : memref<80x128xf32, #tpu.memory_space<vmem>>, vector<16xf32>,
            tpu.vector_store %run_scoped3A[%swap3A_717, %swap3A_718], %mul3A_716 {strides = array<i32>} : memref<80x128xf32, #tpu.memory_space<vmem>>, vector<16xf32>,
            %get3A_720 = arith.index_cast %add3A_711 : i32 to index
            %get3A_721 = arith.constant 16 : index
            %get3A_722 = tpu.vector_load %run_scoped3A[%get3A_720, %get3A_721] {strides = array<i32>} : memref<80x128xf32, #tpu.memory_space<vmem>>, vector<16xf32>,
            %mul3A_723 = vector.broadcast %squeeze3A_707 : f32 to vector<16xf32>
            %mul3A_724 = arith.mulf %get3A_722, %mul3A_723 : vector<16xf32>
            %swap3A_725 = arith.index_cast %add3A_711 : i32 to index
            %swap3A_726 = arith.constant 16 : index
            %swap3A_727 = tpu.vector_load %run_scoped3A[%swap3A_725, %swap3A_726] {strides = array<i32>} : memref<80x128xf32, #tpu.memory_space<vmem>>, vector<16xf32>,
            tpu.vector_store %run_scoped3A[%swap3A_725, %swap3A_726], %mul3A_724 {strides = array<i32>} : memref<80x128xf32, #tpu.memory_space<vmem>>, vector<16xf32>,
            %get3A_728 = arith.index_cast %add3A_711 : i32 to index
            %get3A_729 = arith.constant 32 : index
            %get3A_730 = tpu.vector_load %run_scoped3A[%get3A_728, %get3A_729] {strides = array<i32>} : memref<80x128xf32, #tpu.memory_space<vmem>>, vector<16xf32>,
            %mul3A_731 = vector.broadcast %squeeze3A_707 : f32 to vector<16xf32>
            %mul3A_732 = arith.mulf %get3A_730, %mul3A_731 : vector<16xf32>
            %swap3A_733 = arith.index_cast %add3A_711 : i32 to index
            %swap3A_734 = arith.constant 32 : index
            %swap3A_735 = tpu.vector_load %run_scoped3A[%swap3A_733, %swap3A_734] {strides = array<i32>} : memref<80x128xf32, #tpu.memory_space<vmem>>, vector<16xf32>,
            tpu.vector_store %run_scoped3A[%swap3A_733, %swap3A_734], %mul3A_732 {strides = array<i32>} : memref<80x128xf32, #tpu.memory_space<vmem>>, vector<16xf32>,
            %get3A_736 = arith.index_cast %add3A_711 : i32 to index
            %get3A_737 = arith.constant 48 : index
            %get3A_738 = tpu.vector_load %run_scoped3A[%get3A_736, %get3A_737] {strides = array<i32>} : memref<80x128xf32, #tpu.memory_space<vmem>>, vector<16xf32>,
            %mul3A_739 = vector.broadcast %squeeze3A_707 : f32 to vector<16xf32>
            %mul3A_740 = arith.mulf %get3A_738, %mul3A_739 : vector<16xf32>
            %swap3A_741 = arith.index_cast %add3A_711 : i32 to index
            %swap3A_742 = arith.constant 48 : index
            %swap3A_743 = tpu.vector_load %run_scoped3A[%swap3A_741, %swap3A_742] {strides = array<i32>} : memref<80x128xf32, #tpu.memory_space<vmem>>, vector<16xf32>,
            tpu.vector_store %run_scoped3A[%swap3A_741, %swap3A_742], %mul3A_740 {strides = array<i32>} : memref<80x128xf32, #tpu.memory_space<vmem>>, vector<16xf32>,
            %get3A_744 = arith.index_cast %add3A_711 : i32 to index
            %get3A_745 = arith.constant 64 : index
            %get3A_746 = tpu.vector_load %run_scoped3A[%get3A_744, %get3A_745] {strides = array<i32>} : memref<80x128xf32, #tpu.memory_space<vmem>>, vector<16xf32>,
            %mul3A_747 = vector.broadcast %squeeze3A_707 : f32 to vector<16xf32>
            %mul3A_748 = arith.mulf %get3A_746, %mul3A_747 : vector<16xf32>
            %swap3A_749 = arith.index_cast %add3A_711 : i32 to index
            %swap3A_750 = arith.constant 64 : index
            %swap3A_751 = tpu.vector_load %run_scoped3A[%swap3A_749, %swap3A_750] {strides = array<i32>} : memref<80x128xf32, #tpu.memory_space<vmem>>, vector<16xf32>,
            tpu.vector_store %run_scoped3A[%swap3A_749, %swap3A_750], %mul3A_748 {strides = array<i32>} : memref<80x128xf32, #tpu.memory_space<vmem>>, vector<16xf32>,
            %get3A_752 = arith.index_cast %add3A_711 : i32 to index
            %get3A_753 = arith.constant 80 : index
            %get3A_754 = tpu.vector_load %run_scoped3A[%get3A_752, %get3A_753] {strides = array<i32>} : memref<80x128xf32, #tpu.memory_space<vmem>>, vector<16xf32>,
            %mul3A_755 = vector.broadcast %squeeze3A_707 : f32 to vector<16xf32>
            %mul3A_756 = arith.mulf %get3A_754, %mul3A_755 : vector<16xf32>
            %swap3A_757 = arith.index_cast %add3A_711 : i32 to index
            %swap3A_758 = arith.constant 80 : index
            %swap3A_759 = tpu.vector_load %run_scoped3A[%swap3A_757, %swap3A_758] {strides = array<i32>} : memref<80x128xf32, #tpu.memory_space<vmem>>, vector<16xf32>,
            tpu.vector_store %run_scoped3A[%swap3A_757, %swap3A_758], %mul3A_756 {strides = array<i32>} : memref<80x128xf32, #tpu.memory_space<vmem>>, vector<16xf32>,
            %get3A_760 = arith.index_cast %add3A_711 : i32 to index
            %get3A_761 = arith.constant 96 : index
            %get3A_762 = tpu.vector_load %run_scoped3A[%get3A_760, %get3A_761] {strides = array<i32>} : memref<80x128xf32, #tpu.memory_space<vmem>>, vector<16xf32>,
            %mul3A_763 = vector.broadcast %squeeze3A_707 : f32 to vector<16xf32>
            %mul3A_764 = arith.mulf %get3A_762, %mul3A_763 : vector<16xf32>
            %swap3A_765 = arith.index_cast %add3A_711 : i32 to index
            %swap3A_766 = arith.constant 96 : index
            %swap3A_767 = tpu.vector_load %run_scoped3A[%swap3A_765, %swap3A_766] {strides = array<i32>} : memref<80x128xf32, #tpu.memory_space<vmem>>, vector<16xf32>,
            tpu.vector_store %run_scoped3A[%swap3A_765, %swap3A_766], %mul3A_764 {strides = array<i32>} : memref<80x128xf32, #tpu.memory_space<vmem>>, vector<16xf32>,
            %get3A_768 = arith.index_cast %add3A_711 : i32 to index
            %get3A_769 = arith.constant 112 : index
            %get3A_770 = tpu.vector_load %run_scoped3A[%get3A_768, %get3A_769] {strides = array<i32>} : memref<80x128xf32, #tpu.memory_space<vmem>>, vector<16xf32>,
            %mul3A_771 = vector.broadcast %squeeze3A_707 : f32 to vector<16xf32>
            %mul3A_772 = arith.mulf %get3A_770, %mul3A_771 : vector<16xf32>
            %swap3A_773 = arith.index_cast %add3A_711 : i32 to index
            %swap3A_774 = arith.constant 112 : index
            %swap3A_775 = tpu.vector_load %run_scoped3A[%swap3A_773, %swap3A_774] {strides = array<i32>} : memref<80x128xf32, #tpu.memory_space<vmem>>, vector<16xf32>,
            tpu.vector_store %run_scoped3A[%swap3A_773, %swap3A_774], %mul3A_772 {strides = array<i32>} : memref<80x128xf32, #tpu.memory_space<vmem>>, vector<16xf32>,
            %slice3A_776 = vector.extract_strided_slice %get3A_148 {offsets = [9], sizes = [1], strides = [1]} : vector<16xf32> to vector<1xf32>
            %squeeze3A_777 = vector.extract %slice3A_776[0] : f32 from vector<1xf32>
            %mul3A_778 = arith.constant 16 : i32
            %mul3A_779 = arith.muli %scan3A_143, %mul3A_778 : i32
            %add3A_780 = arith.constant 9 : i32
            %add3A_781 = arith.addi %mul3A_779, %add3A_780 : i32
            %get3A_782 = arith.index_cast %add3A_781 : i32 to index
            %get3A_783 = arith.constant 0 : index
            %get3A_784 = tpu.vector_load %run_scoped3A[%get3A_782, %get3A_783] {strides = array<i32>} : memref<80x128xf32, #tpu.memory_space<vmem>>, vector<16xf32>,
            %mul3A_785 = vector.broadcast %squeeze3A_777 : f32 to vector<16xf32>
            %mul3A_786 = arith.mulf %get3A_784, %mul3A_785 : vector<16xf32>
            %swap3A_787 = arith.index_cast %add3A_781 : i32 to index
            %swap3A_788 = arith.constant 0 : index
            %swap3A_789 = tpu.vector_load %run_scoped3A[%swap3A_787, %swap3A_788] {strides = array<i32>} : memref<80x128xf32, #tpu.memory_space<vmem>>, vector<16xf32>,
            tpu.vector_store %run_scoped3A[%swap3A_787, %swap3A_788], %mul3A_786 {strides = array<i32>} : memref<80x128xf32, #tpu.memory_space<vmem>>, vector<16xf32>,
            %get3A_790 = arith.index_cast %add3A_781 : i32 to index
            %get3A_791 = arith.constant 16 : index
            %get3A_792 = tpu.vector_load %run_scoped3A[%get3A_790, %get3A_791] {strides = array<i32>} : memref<80x128xf32, #tpu.memory_space<vmem>>, vector<16xf32>,
            %mul3A_793 = vector.broadcast %squeeze3A_777 : f32 to vector<16xf32>
            %mul3A_794 = arith.mulf %get3A_792, %mul3A_793 : vector<16xf32>
            %swap3A_795 = arith.index_cast %add3A_781 : i32 to index
            %swap3A_796 = arith.constant 16 : index
            %swap3A_797 = tpu.vector_load %run_scoped3A[%swap3A_795, %swap3A_796] {strides = array<i32>} : memref<80x128xf32, #tpu.memory_space<vmem>>, vector<16xf32>,
            tpu.vector_store %run_scoped3A[%swap3A_795, %swap3A_796], %mul3A_794 {strides = array<i32>} : memref<80x128xf32, #tpu.memory_space<vmem>>, vector<16xf32>,
            %get3A_798 = arith.index_cast %add3A_781 : i32 to index
            %get3A_799 = arith.constant 32 : index
            %get3A_800 = tpu.vector_load %run_scoped3A[%get3A_798, %get3A_799] {strides = array<i32>} : memref<80x128xf32, #tpu.memory_space<vmem>>, vector<16xf32>,
            %mul3A_801 = vector.broadcast %squeeze3A_777 : f32 to vector<16xf32>
            %mul3A_802 = arith.mulf %get3A_800, %mul3A_801 : vector<16xf32>
            %swap3A_803 = arith.index_cast %add3A_781 : i32 to index
            %swap3A_804 = arith.constant 32 : index
            %swap3A_805 = tpu.vector_load %run_scoped3A[%swap3A_803, %swap3A_804] {strides = array<i32>} : memref<80x128xf32, #tpu.memory_space<vmem>>, vector<16xf32>,
            tpu.vector_store %run_scoped3A[%swap3A_803, %swap3A_804], %mul3A_802 {strides = array<i32>} : memref<80x128xf32, #tpu.memory_space<vmem>>, vector<16xf32>,
            %get3A_806 = arith.index_cast %add3A_781 : i32 to index
            %get3A_807 = arith.constant 48 : index
            %get3A_808 = tpu.vector_load %run_scoped3A[%get3A_806, %get3A_807] {strides = array<i32>} : memref<80x128xf32, #tpu.memory_space<vmem>>, vector<16xf32>,
            %mul3A_809 = vector.broadcast %squeeze3A_777 : f32 to vector<16xf32>
            %mul3A_810 = arith.mulf %get3A_808, %mul3A_809 : vector<16xf32>
            %swap3A_811 = arith.index_cast %add3A_781 : i32 to index
            %swap3A_812 = arith.constant 48 : index
            %swap3A_813 = tpu.vector_load %run_scoped3A[%swap3A_811, %swap3A_812] {strides = array<i32>} : memref<80x128xf32, #tpu.memory_space<vmem>>, vector<16xf32>,
            tpu.vector_store %run_scoped3A[%swap3A_811, %swap3A_812], %mul3A_810 {strides = array<i32>} : memref<80x128xf32, #tpu.memory_space<vmem>>, vector<16xf32>,
            %get3A_814 = arith.index_cast %add3A_781 : i32 to index
            %get3A_815 = arith.constant 64 : index
            %get3A_816 = tpu.vector_load %run_scoped3A[%get3A_814, %get3A_815] {strides = array<i32>} : memref<80x128xf32, #tpu.memory_space<vmem>>, vector<16xf32>,
            %mul3A_817 = vector.broadcast %squeeze3A_777 : f32 to vector<16xf32>
            %mul3A_818 = arith.mulf %get3A_816, %mul3A_817 : vector<16xf32>
            %swap3A_819 = arith.index_cast %add3A_781 : i32 to index
            %swap3A_820 = arith.constant 64 : index
            %swap3A_821 = tpu.vector_load %run_scoped3A[%swap3A_819, %swap3A_820] {strides = array<i32>} : memref<80x128xf32, #tpu.memory_space<vmem>>, vector<16xf32>,
            tpu.vector_store %run_scoped3A[%swap3A_819, %swap3A_820], %mul3A_818 {strides = array<i32>} : memref<80x128xf32, #tpu.memory_space<vmem>>, vector<16xf32>,
            %get3A_822 = arith.index_cast %add3A_781 : i32 to index
            %get3A_823 = arith.constant 80 : index
            %get3A_824 = tpu.vector_load %run_scoped3A[%get3A_822, %get3A_823] {strides = array<i32>} : memref<80x128xf32, #tpu.memory_space<vmem>>, vector<16xf32>,
            %mul3A_825 = vector.broadcast %squeeze3A_777 : f32 to vector<16xf32>
            %mul3A_826 = arith.mulf %get3A_824, %mul3A_825 : vector<16xf32>
            %swap3A_827 = arith.index_cast %add3A_781 : i32 to index
            %swap3A_828 = arith.constant 80 : index
            %swap3A_829 = tpu.vector_load %run_scoped3A[%swap3A_827, %swap3A_828] {strides = array<i32>} : memref<80x128xf32, #tpu.memory_space<vmem>>, vector<16xf32>,
            tpu.vector_store %run_scoped3A[%swap3A_827, %swap3A_828], %mul3A_826 {strides = array<i32>} : memref<80x128xf32, #tpu.memory_space<vmem>>, vector<16xf32>,
            %get3A_830 = arith.index_cast %add3A_781 : i32 to index
            %get3A_831 = arith.constant 96 : index
            %get3A_832 = tpu.vector_load %run_scoped3A[%get3A_830, %get3A_831] {strides = array<i32>} : memref<80x128xf32, #tpu.memory_space<vmem>>, vector<16xf32>,
            %mul3A_833 = vector.broadcast %squeeze3A_777 : f32 to vector<16xf32>
            %mul3A_834 = arith.mulf %get3A_832, %mul3A_833 : vector<16xf32>
            %swap3A_835 = arith.index_cast %add3A_781 : i32 to index
            %swap3A_836 = arith.constant 96 : index
            %swap3A_837 = tpu.vector_load %run_scoped3A[%swap3A_835, %swap3A_836] {strides = array<i32>} : memref<80x128xf32, #tpu.memory_space<vmem>>, vector<16xf32>,
            tpu.vector_store %run_scoped3A[%swap3A_835, %swap3A_836], %mul3A_834 {strides = array<i32>} : memref<80x128xf32, #tpu.memory_space<vmem>>, vector<16xf32>,
            %get3A_838 = arith.index_cast %add3A_781 : i32 to index
            %get3A_839 = arith.constant 112 : index
            %get3A_840 = tpu.vector_load %run_scoped3A[%get3A_838, %get3A_839] {strides = array<i32>} : memref<80x128xf32, #tpu.memory_space<vmem>>, vector<16xf32>,
            %mul3A_841 = vector.broadcast %squeeze3A_777 : f32 to vector<16xf32>
            %mul3A_842 = arith.mulf %get3A_840, %mul3A_841 : vector<16xf32>
            %swap3A_843 = arith.index_cast %add3A_781 : i32 to index
            %swap3A_844 = arith.constant 112 : index
            %swap3A_845 = tpu.vector_load %run_scoped3A[%swap3A_843, %swap3A_844] {strides = array<i32>} : memref<80x128xf32, #tpu.memory_space<vmem>>, vector<16xf32>,
            tpu.vector_store %run_scoped3A[%swap3A_843, %swap3A_844], %mul3A_842 {strides = array<i32>} : memref<80x128xf32, #tpu.memory_space<vmem>>, vector<16xf32>,
            %slice3A_846 = vector.extract_strided_slice %get3A_148 {offsets = [10], sizes = [1], strides = [1]} : vector<16xf32> to vector<1xf32>
            %squeeze3A_847 = vector.extract %slice3A_846[0] : f32 from vector<1xf32>
            %mul3A_848 = arith.constant 16 : i32
            %mul3A_849 = arith.muli %scan3A_143, %mul3A_848 : i32
            %add3A_850 = arith.constant 10 : i32
            %add3A_851 = arith.addi %mul3A_849, %add3A_850 : i32
            %get3A_852 = arith.index_cast %add3A_851 : i32 to index
            %get3A_853 = arith.constant 0 : index
            %get3A_854 = tpu.vector_load %run_scoped3A[%get3A_852, %get3A_853] {strides = array<i32>} : memref<80x128xf32, #tpu.memory_space<vmem>>, vector<16xf32>,
            %mul3A_855 = vector.broadcast %squeeze3A_847 : f32 to vector<16xf32>
            %mul3A_856 = arith.mulf %get3A_854, %mul3A_855 : vector<16xf32>
            %swap3A_857 = arith.index_cast %add3A_851 : i32 to index
            %swap3A_858 = arith.constant 0 : index
            %swap3A_859 = tpu.vector_load %run_scoped3A[%swap3A_857, %swap3A_858] {strides = array<i32>} : memref<80x128xf32, #tpu.memory_space<vmem>>, vector<16xf32>,
            tpu.vector_store %run_scoped3A[%swap3A_857, %swap3A_858], %mul3A_856 {strides = array<i32>} : memref<80x128xf32, #tpu.memory_space<vmem>>, vector<16xf32>,
            %get3A_860 = arith.index_cast %add3A_851 : i32 to index
            %get3A_861 = arith.constant 16 : index
            %get3A_862 = tpu.vector_load %run_scoped3A[%get3A_860, %get3A_861] {strides = array<i32>} : memref<80x128xf32, #tpu.memory_space<vmem>>, vector<16xf32>,
            %mul3A_863 = vector.broadcast %squeeze3A_847 : f32 to vector<16xf32>
            %mul3A_864 = arith.mulf %get3A_862, %mul3A_863 : vector<16xf32>
            %swap3A_865 = arith.index_cast %add3A_851 : i32 to index
            %swap3A_866 = arith.constant 16 : index
            %swap3A_867 = tpu.vector_load %run_scoped3A[%swap3A_865, %swap3A_866] {strides = array<i32>} : memref<80x128xf32, #tpu.memory_space<vmem>>, vector<16xf32>,
            tpu.vector_store %run_scoped3A[%swap3A_865, %swap3A_866], %mul3A_864 {strides = array<i32>} : memref<80x128xf32, #tpu.memory_space<vmem>>, vector<16xf32>,
            %get3A_868 = arith.index_cast %add3A_851 : i32 to index
            %get3A_869 = arith.constant 32 : index
            %get3A_870 = tpu.vector_load %run_scoped3A[%get3A_868, %get3A_869] {strides = array<i32>} : memref<80x128xf32, #tpu.memory_space<vmem>>, vector<16xf32>,
            %mul3A_871 = vector.broadcast %squeeze3A_847 : f32 to vector<16xf32>
            %mul3A_872 = arith.mulf %get3A_870, %mul3A_871 : vector<16xf32>
            %swap3A_873 = arith.index_cast %add3A_851 : i32 to index
            %swap3A_874 = arith.constant 32 : index
            %swap3A_875 = tpu.vector_load %run_scoped3A[%swap3A_873, %swap3A_874] {strides = array<i32>} : memref<80x128xf32, #tpu.memory_space<vmem>>, vector<16xf32>,
            tpu.vector_store %run_scoped3A[%swap3A_873, %swap3A_874], %mul3A_872 {strides = array<i32>} : memref<80x128xf32, #tpu.memory_space<vmem>>, vector<16xf32>,
            %get3A_876 = arith.index_cast %add3A_851 : i32 to index
            %get3A_877 = arith.constant 48 : index
            %get3A_878 = tpu.vector_load %run_scoped3A[%get3A_876, %get3A_877] {strides = array<i32>} : memref<80x128xf32, #tpu.memory_space<vmem>>, vector<16xf32>,
            %mul3A_879 = vector.broadcast %squeeze3A_847 : f32 to vector<16xf32>
            %mul3A_880 = arith.mulf %get3A_878, %mul3A_879 : vector<16xf32>
            %swap3A_881 = arith.index_cast %add3A_851 : i32 to index
            %swap3A_882 = arith.constant 48 : index
            %swap3A_883 = tpu.vector_load %run_scoped3A[%swap3A_881, %swap3A_882] {strides = array<i32>} : memref<80x128xf32, #tpu.memory_space<vmem>>, vector<16xf32>,
            tpu.vector_store %run_scoped3A[%swap3A_881, %swap3A_882], %mul3A_880 {strides = array<i32>} : memref<80x128xf32, #tpu.memory_space<vmem>>, vector<16xf32>,
            %get3A_884 = arith.index_cast %add3A_851 : i32 to index
            %get3A_885 = arith.constant 64 : index
            %get3A_886 = tpu.vector_load %run_scoped3A[%get3A_884, %get3A_885] {strides = array<i32>} : memref<80x128xf32, #tpu.memory_space<vmem>>, vector<16xf32>,
            %mul3A_887 = vector.broadcast %squeeze3A_847 : f32 to vector<16xf32>
            %mul3A_888 = arith.mulf %get3A_886, %mul3A_887 : vector<16xf32>
            %swap3A_889 = arith.index_cast %add3A_851 : i32 to index
            %swap3A_890 = arith.constant 64 : index
            %swap3A_891 = tpu.vector_load %run_scoped3A[%swap3A_889, %swap3A_890] {strides = array<i32>} : memref<80x128xf32, #tpu.memory_space<vmem>>, vector<16xf32>,
            tpu.vector_store %run_scoped3A[%swap3A_889, %swap3A_890], %mul3A_888 {strides = array<i32>} : memref<80x128xf32, #tpu.memory_space<vmem>>, vector<16xf32>,
            %get3A_892 = arith.index_cast %add3A_851 : i32 to index
            %get3A_893 = arith.constant 80 : index
            %get3A_894 = tpu.vector_load %run_scoped3A[%get3A_892, %get3A_893] {strides = array<i32>} : memref<80x128xf32, #tpu.memory_space<vmem>>, vector<16xf32>,
            %mul3A_895 = vector.broadcast %squeeze3A_847 : f32 to vector<16xf32>
            %mul3A_896 = arith.mulf %get3A_894, %mul3A_895 : vector<16xf32>
            %swap3A_897 = arith.index_cast %add3A_851 : i32 to index
            %swap3A_898 = arith.constant 80 : index
            %swap3A_899 = tpu.vector_load %run_scoped3A[%swap3A_897, %swap3A_898] {strides = array<i32>} : memref<80x128xf32, #tpu.memory_space<vmem>>, vector<16xf32>,
            tpu.vector_store %run_scoped3A[%swap3A_897, %swap3A_898], %mul3A_896 {strides = array<i32>} : memref<80x128xf32, #tpu.memory_space<vmem>>, vector<16xf32>,
            %get3A_900 = arith.index_cast %add3A_851 : i32 to index
            %get3A_901 = arith.constant 96 : index
            %get3A_902 = tpu.vector_load %run_scoped3A[%get3A_900, %get3A_901] {strides = array<i32>} : memref<80x128xf32, #tpu.memory_space<vmem>>, vector<16xf32>,
            %mul3A_903 = vector.broadcast %squeeze3A_847 : f32 to vector<16xf32>
            %mul3A_904 = arith.mulf %get3A_902, %mul3A_903 : vector<16xf32>
            %swap3A_905 = arith.index_cast %add3A_851 : i32 to index
            %swap3A_906 = arith.constant 96 : index
            %swap3A_907 = tpu.vector_load %run_scoped3A[%swap3A_905, %swap3A_906] {strides = array<i32>} : memref<80x128xf32, #tpu.memory_space<vmem>>, vector<16xf32>,
            tpu.vector_store %run_scoped3A[%swap3A_905, %swap3A_906], %mul3A_904 {strides = array<i32>} : memref<80x128xf32, #tpu.memory_space<vmem>>, vector<16xf32>,
            %get3A_908 = arith.index_cast %add3A_851 : i32 to index
            %get3A_909 = arith.constant 112 : index
            %get3A_910 = tpu.vector_load %run_scoped3A[%get3A_908, %get3A_909] {strides = array<i32>} : memref<80x128xf32, #tpu.memory_space<vmem>>, vector<16xf32>,
            %mul3A_911 = vector.broadcast %squeeze3A_847 : f32 to vector<16xf32>
            %mul3A_912 = arith.mulf %get3A_910, %mul3A_911 : vector<16xf32>
            %swap3A_913 = arith.index_cast %add3A_851 : i32 to index
            %swap3A_914 = arith.constant 112 : index
            %swap3A_915 = tpu.vector_load %run_scoped3A[%swap3A_913, %swap3A_914] {strides = array<i32>} : memref<80x128xf32, #tpu.memory_space<vmem>>, vector<16xf32>,
            tpu.vector_store %run_scoped3A[%swap3A_913, %swap3A_914], %mul3A_912 {strides = array<i32>} : memref<80x128xf32, #tpu.memory_space<vmem>>, vector<16xf32>,
            %slice3A_916 = vector.extract_strided_slice %get3A_148 {offsets = [11], sizes = [1], strides = [1]} : vector<16xf32> to vector<1xf32>
            %squeeze3A_917 = vector.extract %slice3A_916[0] : f32 from vector<1xf32>
            %mul3A_918 = arith.constant 16 : i32
            %mul3A_919 = arith.muli %scan3A_143, %mul3A_918 : i32
            %add3A_920 = arith.constant 11 : i32
            %add3A_921 = arith.addi %mul3A_919, %add3A_920 : i32
            %get3A_922 = arith.index_cast %add3A_921 : i32 to index
            %get3A_923 = arith.constant 0 : index
            %get3A_924 = tpu.vector_load %run_scoped3A[%get3A_922, %get3A_923] {strides = array<i32>} : memref<80x128xf32, #tpu.memory_space<vmem>>, vector<16xf32>,
            %mul3A_925 = vector.broadcast %squeeze3A_917 : f32 to vector<16xf32>
            %mul3A_926 = arith.mulf %get3A_924, %mul3A_925 : vector<16xf32>
            %swap3A_927 = arith.index_cast %add3A_921 : i32 to index
            %swap3A_928 = arith.constant 0 : index
            %swap3A_929 = tpu.vector_load %run_scoped3A[%swap3A_927, %swap3A_928] {strides = array<i32>} : memref<80x128xf32, #tpu.memory_space<vmem>>, vector<16xf32>,
            tpu.vector_store %run_scoped3A[%swap3A_927, %swap3A_928], %mul3A_926 {strides = array<i32>} : memref<80x128xf32, #tpu.memory_space<vmem>>, vector<16xf32>,
            %get3A_930 = arith.index_cast %add3A_921 : i32 to index
            %get3A_931 = arith.constant 16 : index
            %get3A_932 = tpu.vector_load %run_scoped3A[%get3A_930, %get3A_931] {strides = array<i32>} : memref<80x128xf32, #tpu.memory_space<vmem>>, vector<16xf32>,
            %mul3A_933 = vector.broadcast %squeeze3A_917 : f32 to vector<16xf32>
            %mul3A_934 = arith.mulf %get3A_932, %mul3A_933 : vector<16xf32>
            %swap3A_935 = arith.index_cast %add3A_921 : i32 to index
            %swap3A_936 = arith.constant 16 : index
            %swap3A_937 = tpu.vector_load %run_scoped3A[%swap3A_935, %swap3A_936] {strides = array<i32>} : memref<80x128xf32, #tpu.memory_space<vmem>>, vector<16xf32>,
            tpu.vector_store %run_scoped3A[%swap3A_935, %swap3A_936], %mul3A_934 {strides = array<i32>} : memref<80x128xf32, #tpu.memory_space<vmem>>, vector<16xf32>,
            %get3A_938 = arith.index_cast %add3A_921 : i32 to index
            %get3A_939 = arith.constant 32 : index
            %get3A_940 = tpu.vector_load %run_scoped3A[%get3A_938, %get3A_939] {strides = array<i32>} : memref<80x128xf32, #tpu.memory_space<vmem>>, vector<16xf32>,
            %mul3A_941 = vector.broadcast %squeeze3A_917 : f32 to vector<16xf32>
            %mul3A_942 = arith.mulf %get3A_940, %mul3A_941 : vector<16xf32>
            %swap3A_943 = arith.index_cast %add3A_921 : i32 to index
            %swap3A_944 = arith.constant 32 : index
            %swap3A_945 = tpu.vector_load %run_scoped3A[%swap3A_943, %swap3A_944] {strides = array<i32>} : memref<80x128xf32, #tpu.memory_space<vmem>>, vector<16xf32>,
            tpu.vector_store %run_scoped3A[%swap3A_943, %swap3A_944], %mul3A_942 {strides = array<i32>} : memref<80x128xf32, #tpu.memory_space<vmem>>, vector<16xf32>,
            %get3A_946 = arith.index_cast %add3A_921 : i32 to index
            %get3A_947 = arith.constant 48 : index
            %get3A_948 = tpu.vector_load %run_scoped3A[%get3A_946, %get3A_947] {strides = array<i32>} : memref<80x128xf32, #tpu.memory_space<vmem>>, vector<16xf32>,
            %mul3A_949 = vector.broadcast %squeeze3A_917 : f32 to vector<16xf32>
            %mul3A_950 = arith.mulf %get3A_948, %mul3A_949 : vector<16xf32>
            %swap3A_951 = arith.index_cast %add3A_921 : i32 to index
            %swap3A_952 = arith.constant 48 : index
            %swap3A_953 = tpu.vector_load %run_scoped3A[%swap3A_951, %swap3A_952] {strides = array<i32>} : memref<80x128xf32, #tpu.memory_space<vmem>>, vector<16xf32>,
            tpu.vector_store %run_scoped3A[%swap3A_951, %swap3A_952], %mul3A_950 {strides = array<i32>} : memref<80x128xf32, #tpu.memory_space<vmem>>, vector<16xf32>,
            %get3A_954 = arith.index_cast %add3A_921 : i32 to index
            %get3A_955 = arith.constant 64 : index
            %get3A_956 = tpu.vector_load %run_scoped3A[%get3A_954, %get3A_955] {strides = array<i32>} : memref<80x128xf32, #tpu.memory_space<vmem>>, vector<16xf32>,
            %mul3A_957 = vector.broadcast %squeeze3A_917 : f32 to vector<16xf32>
            %mul3A_958 = arith.mulf %get3A_956, %mul3A_957 : vector<16xf32>
            %swap3A_959 = arith.index_cast %add3A_921 : i32 to index
            %swap3A_960 = arith.constant 64 : index
            %swap3A_961 = tpu.vector_load %run_scoped3A[%swap3A_959, %swap3A_960] {strides = array<i32>} : memref<80x128xf32, #tpu.memory_space<vmem>>, vector<16xf32>,
            tpu.vector_store %run_scoped3A[%swap3A_959, %swap3A_960], %mul3A_958 {strides = array<i32>} : memref<80x128xf32, #tpu.memory_space<vmem>>, vector<16xf32>,
            %get3A_962 = arith.index_cast %add3A_921 : i32 to index
            %get3A_963 = arith.constant 80 : index
            %get3A_964 = tpu.vector_load %run_scoped3A[%get3A_962, %get3A_963] {strides = array<i32>} : memref<80x128xf32, #tpu.memory_space<vmem>>, vector<16xf32>,
            %mul3A_965 = vector.broadcast %squeeze3A_917 : f32 to vector<16xf32>
            %mul3A_966 = arith.mulf %get3A_964, %mul3A_965 : vector<16xf32>
            %swap3A_967 = arith.index_cast %add3A_921 : i32 to index
            %swap3A_968 = arith.constant 80 : index
            %swap3A_969 = tpu.vector_load %run_scoped3A[%swap3A_967, %swap3A_968] {strides = array<i32>} : memref<80x128xf32, #tpu.memory_space<vmem>>, vector<16xf32>,
            tpu.vector_store %run_scoped3A[%swap3A_967, %swap3A_968], %mul3A_966 {strides = array<i32>} : memref<80x128xf32, #tpu.memory_space<vmem>>, vector<16xf32>,
            %get3A_970 = arith.index_cast %add3A_921 : i32 to index
            %get3A_971 = arith.constant 96 : index
            %get3A_972 = tpu.vector_load %run_scoped3A[%get3A_970, %get3A_971] {strides = array<i32>} : memref<80x128xf32, #tpu.memory_space<vmem>>, vector<16xf32>,
            %mul3A_973 = vector.broadcast %squeeze3A_917 : f32 to vector<16xf32>
            %mul3A_974 = arith.mulf %get3A_972, %mul3A_973 : vector<16xf32>
            %swap3A_975 = arith.index_cast %add3A_921 : i32 to index
            %swap3A_976 = arith.constant 96 : index
            %swap3A_977 = tpu.vector_load %run_scoped3A[%swap3A_975, %swap3A_976] {strides = array<i32>} : memref<80x128xf32, #tpu.memory_space<vmem>>, vector<16xf32>,
            tpu.vector_store %run_scoped3A[%swap3A_975, %swap3A_976], %mul3A_974 {strides = array<i32>} : memref<80x128xf32, #tpu.memory_space<vmem>>, vector<16xf32>,
            %get3A_978 = arith.index_cast %add3A_921 : i32 to index
            %get3A_979 = arith.constant 112 : index
            %get3A_980 = tpu.vector_load %run_scoped3A[%get3A_978, %get3A_979] {strides = array<i32>} : memref<80x128xf32, #tpu.memory_space<vmem>>, vector<16xf32>,
            %mul3A_981 = vector.broadcast %squeeze3A_917 : f32 to vector<16xf32>
            %mul3A_982 = arith.mulf %get3A_980, %mul3A_981 : vector<16xf32>
            %swap3A_983 = arith.index_cast %add3A_921 : i32 to index
            %swap3A_984 = arith.constant 112 : index
            %swap3A_985 = tpu.vector_load %run_scoped3A[%swap3A_983, %swap3A_984] {strides = array<i32>} : memref<80x128xf32, #tpu.memory_space<vmem>>, vector<16xf32>,
            tpu.vector_store %run_scoped3A[%swap3A_983, %swap3A_984], %mul3A_982 {strides = array<i32>} : memref<80x128xf32, #tpu.memory_space<vmem>>, vector<16xf32>,
            %slice3A_986 = vector.extract_strided_slice %get3A_148 {offsets = [12], sizes = [1], strides = [1]} : vector<16xf32> to vector<1xf32>
            %squeeze3A_987 = vector.extract %slice3A_986[0] : f32 from vector<1xf32>
            %mul3A_988 = arith.constant 16 : i32
            %mul3A_989 = arith.muli %scan3A_143, %mul3A_988 : i32
            %add3A_990 = arith.constant 12 : i32
            %add3A_991 = arith.addi %mul3A_989, %add3A_990 : i32
            %get3A_992 = arith.index_cast %add3A_991 : i32 to index
            %get3A_993 = arith.constant 0 : index
            %get3A_994 = tpu.vector_load %run_scoped3A[%get3A_992, %get3A_993] {strides = array<i32>} : memref<80x128xf32, #tpu.memory_space<vmem>>, vector<16xf32>,
            %mul3A_995 = vector.broadcast %squeeze3A_987 : f32 to vector<16xf32>
            %mul3A_996 = arith.mulf %get3A_994, %mul3A_995 : vector<16xf32>
            %swap3A_997 = arith.index_cast %add3A_991 : i32 to index
            %swap3A_998 = arith.constant 0 : index
            %swap3A_999 = tpu.vector_load %run_scoped3A[%swap3A_997, %swap3A_998] {strides = array<i32>} : memref<80x128xf32, #tpu.memory_space<vmem>>, vector<16xf32>,
            tpu.vector_store %run_scoped3A[%swap3A_997, %swap3A_998], %mul3A_996 {strides = array<i32>} : memref<80x128xf32, #tpu.memory_space<vmem>>, vector<16xf32>,
            %get3A_1000 = arith.index_cast %add3A_991 : i32 to index
            %get3A_1001 = arith.constant 16 : index
            %get3A_1002 = tpu.vector_load %run_scoped3A[%get3A_1000, %get3A_1001] {strides = array<i32>} : memref<80x128xf32, #tpu.memory_space<vmem>>, vector<16xf32>,
            %mul3A_1003 = vector.broadcast %squeeze3A_987 : f32 to vector<16xf32>
            %mul3A_1004 = arith.mulf %get3A_1002, %mul3A_1003 : vector<16xf32>
            %swap3A_1005 = arith.index_cast %add3A_991 : i32 to index
            %swap3A_1006 = arith.constant 16 : index
            %swap3A_1007 = tpu.vector_load %run_scoped3A[%swap3A_1005, %swap3A_1006] {strides = array<i32>} : memref<80x128xf32, #tpu.memory_space<vmem>>, vector<16xf32>,
            tpu.vector_store %run_scoped3A[%swap3A_1005, %swap3A_1006], %mul3A_1004 {strides = array<i32>} : memref<80x128xf32, #tpu.memory_space<vmem>>, vector<16xf32>,
            %get3A_1008 = arith.index_cast %add3A_991 : i32 to index
            %get3A_1009 = arith.constant 32 : index
            %get3A_1010 = tpu.vector_load %run_scoped3A[%get3A_1008, %get3A_1009] {strides = array<i32>} : memref<80x128xf32, #tpu.memory_space<vmem>>, vector<16xf32>,
            %mul3A_1011 = vector.broadcast %squeeze3A_987 : f32 to vector<16xf32>
            %mul3A_1012 = arith.mulf %get3A_1010, %mul3A_1011 : vector<16xf32>
            %swap3A_1013 = arith.index_cast %add3A_991 : i32 to index
            %swap3A_1014 = arith.constant 32 : index
            %swap3A_1015 = tpu.vector_load %run_scoped3A[%swap3A_1013, %swap3A_1014] {strides = array<i32>} : memref<80x128xf32, #tpu.memory_space<vmem>>, vector<16xf32>,
            tpu.vector_store %run_scoped3A[%swap3A_1013, %swap3A_1014], %mul3A_1012 {strides = array<i32>} : memref<80x128xf32, #tpu.memory_space<vmem>>, vector<16xf32>,
            %get3A_1016 = arith.index_cast %add3A_991 : i32 to index
            %get3A_1017 = arith.constant 48 : index
            %get3A_1018 = tpu.vector_load %run_scoped3A[%get3A_1016, %get3A_1017] {strides = array<i32>} : memref<80x128xf32, #tpu.memory_space<vmem>>, vector<16xf32>,
            %mul3A_1019 = vector.broadcast %squeeze3A_987 : f32 to vector<16xf32>
            %mul3A_1020 = arith.mulf %get3A_1018, %mul3A_1019 : vector<16xf32>
            %swap3A_1021 = arith.index_cast %add3A_991 : i32 to index
            %swap3A_1022 = arith.constant 48 : index
            %swap3A_1023 = tpu.vector_load %run_scoped3A[%swap3A_1021, %swap3A_1022] {strides = array<i32>} : memref<80x128xf32, #tpu.memory_space<vmem>>, vector<16xf32>,
            tpu.vector_store %run_scoped3A[%swap3A_1021, %swap3A_1022], %mul3A_1020 {strides = array<i32>} : memref<80x128xf32, #tpu.memory_space<vmem>>, vector<16xf32>,
            %get3A_1024 = arith.index_cast %add3A_991 : i32 to index
            %get3A_1025 = arith.constant 64 : index
            %get3A_1026 = tpu.vector_load %run_scoped3A[%get3A_1024, %get3A_1025] {strides = array<i32>} : memref<80x128xf32, #tpu.memory_space<vmem>>, vector<16xf32>,
            %mul3A_1027 = vector.broadcast %squeeze3A_987 : f32 to vector<16xf32>
            %mul3A_1028 = arith.mulf %get3A_1026, %mul3A_1027 : vector<16xf32>
            %swap3A_1029 = arith.index_cast %add3A_991 : i32 to index
            %swap3A_1030 = arith.constant 64 : index
            %swap3A_1031 = tpu.vector_load %run_scoped3A[%swap3A_1029, %swap3A_1030] {strides = array<i32>} : memref<80x128xf32, #tpu.memory_space<vmem>>, vector<16xf32>,
            tpu.vector_store %run_scoped3A[%swap3A_1029, %swap3A_1030], %mul3A_1028 {strides = array<i32>} : memref<80x128xf32, #tpu.memory_space<vmem>>, vector<16xf32>,
            %get3A_1032 = arith.index_cast %add3A_991 : i32 to index
            %get3A_1033 = arith.constant 80 : index
            %get3A_1034 = tpu.vector_load %run_scoped3A[%get3A_1032, %get3A_1033] {strides = array<i32>} : memref<80x128xf32, #tpu.memory_space<vmem>>, vector<16xf32>,
            %mul3A_1035 = vector.broadcast %squeeze3A_987 : f32 to vector<16xf32>
            %mul3A_1036 = arith.mulf %get3A_1034, %mul3A_1035 : vector<16xf32>
            %swap3A_1037 = arith.index_cast %add3A_991 : i32 to index
            %swap3A_1038 = arith.constant 80 : index
            %swap3A_1039 = tpu.vector_load %run_scoped3A[%swap3A_1037, %swap3A_1038] {strides = array<i32>} : memref<80x128xf32, #tpu.memory_space<vmem>>, vector<16xf32>,
            tpu.vector_store %run_scoped3A[%swap3A_1037, %swap3A_1038], %mul3A_1036 {strides = array<i32>} : memref<80x128xf32, #tpu.memory_space<vmem>>, vector<16xf32>,
            %get3A_1040 = arith.index_cast %add3A_991 : i32 to index
            %get3A_1041 = arith.constant 96 : index
            %get3A_1042 = tpu.vector_load %run_scoped3A[%get3A_1040, %get3A_1041] {strides = array<i32>} : memref<80x128xf32, #tpu.memory_space<vmem>>, vector<16xf32>,
            %mul3A_1043 = vector.broadcast %squeeze3A_987 : f32 to vector<16xf32>
            %mul3A_1044 = arith.mulf %get3A_1042, %mul3A_1043 : vector<16xf32>
            %swap3A_1045 = arith.index_cast %add3A_991 : i32 to index
            %swap3A_1046 = arith.constant 96 : index
            %swap3A_1047 = tpu.vector_load %run_scoped3A[%swap3A_1045, %swap3A_1046] {strides = array<i32>} : memref<80x128xf32, #tpu.memory_space<vmem>>, vector<16xf32>,
            tpu.vector_store %run_scoped3A[%swap3A_1045, %swap3A_1046], %mul3A_1044 {strides = array<i32>} : memref<80x128xf32, #tpu.memory_space<vmem>>, vector<16xf32>,
            %get3A_1048 = arith.index_cast %add3A_991 : i32 to index
            %get3A_1049 = arith.constant 112 : index
            %get3A_1050 = tpu.vector_load %run_scoped3A[%get3A_1048, %get3A_1049] {strides = array<i32>} : memref<80x128xf32, #tpu.memory_space<vmem>>, vector<16xf32>,
            %mul3A_1051 = vector.broadcast %squeeze3A_987 : f32 to vector<16xf32>
            %mul3A_1052 = arith.mulf %get3A_1050, %mul3A_1051 : vector<16xf32>
            %swap3A_1053 = arith.index_cast %add3A_991 : i32 to index
            %swap3A_1054 = arith.constant 112 : index
            %swap3A_1055 = tpu.vector_load %run_scoped3A[%swap3A_1053, %swap3A_1054] {strides = array<i32>} : memref<80x128xf32, #tpu.memory_space<vmem>>, vector<16xf32>,
            tpu.vector_store %run_scoped3A[%swap3A_1053, %swap3A_1054], %mul3A_1052 {strides = array<i32>} : memref<80x128xf32, #tpu.memory_space<vmem>>, vector<16xf32>,
            %slice3A_1056 = vector.extract_strided_slice %get3A_148 {offsets = [13], sizes = [1], strides = [1]} : vector<16xf32> to vector<1xf32>
            %squeeze3A_1057 = vector.extract %slice3A_1056[0] : f32 from vector<1xf32>
            %mul3A_1058 = arith.constant 16 : i32
            %mul3A_1059 = arith.muli %scan3A_143, %mul3A_1058 : i32
            %add3A_1060 = arith.constant 13 : i32
            %add3A_1061 = arith.addi %mul3A_1059, %add3A_1060 : i32
            %get3A_1062 = arith.index_cast %add3A_1061 : i32 to index
            %get3A_1063 = arith.constant 0 : index
            %get3A_1064 = tpu.vector_load %run_scoped3A[%get3A_1062, %get3A_1063] {strides = array<i32>} : memref<80x128xf32, #tpu.memory_space<vmem>>, vector<16xf32>,
            %mul3A_1065 = vector.broadcast %squeeze3A_1057 : f32 to vector<16xf32>
            %mul3A_1066 = arith.mulf %get3A_1064, %mul3A_1065 : vector<16xf32>
            %swap3A_1067 = arith.index_cast %add3A_1061 : i32 to index
            %swap3A_1068 = arith.constant 0 : index
            %swap3A_1069 = tpu.vector_load %run_scoped3A[%swap3A_1067, %swap3A_1068] {strides = array<i32>} : memref<80x128xf32, #tpu.memory_space<vmem>>, vector<16xf32>,
            tpu.vector_store %run_scoped3A[%swap3A_1067, %swap3A_1068], %mul3A_1066 {strides = array<i32>} : memref<80x128xf32, #tpu.memory_space<vmem>>, vector<16xf32>,
            %get3A_1070 = arith.index_cast %add3A_1061 : i32 to index
            %get3A_1071 = arith.constant 16 : index
            %get3A_1072 = tpu.vector_load %run_scoped3A[%get3A_1070, %get3A_1071] {strides = array<i32>} : memref<80x128xf32, #tpu.memory_space<vmem>>, vector<16xf32>,
            %mul3A_1073 = vector.broadcast %squeeze3A_1057 : f32 to vector<16xf32>
            %mul3A_1074 = arith.mulf %get3A_1072, %mul3A_1073 : vector<16xf32>
            %swap3A_1075 = arith.index_cast %add3A_1061 : i32 to index
            %swap3A_1076 = arith.constant 16 : index
            %swap3A_1077 = tpu.vector_load %run_scoped3A[%swap3A_1075, %swap3A_1076] {strides = array<i32>} : memref<80x128xf32, #tpu.memory_space<vmem>>, vector<16xf32>,
            tpu.vector_store %run_scoped3A[%swap3A_1075, %swap3A_1076], %mul3A_1074 {strides = array<i32>} : memref<80x128xf32, #tpu.memory_space<vmem>>, vector<16xf32>,
            %get3A_1078 = arith.index_cast %add3A_1061 : i32 to index
            %get3A_1079 = arith.constant 32 : index
            %get3A_1080 = tpu.vector_load %run_scoped3A[%get3A_1078, %get3A_1079] {strides = array<i32>} : memref<80x128xf32, #tpu.memory_space<vmem>>, vector<16xf32>,
            %mul3A_1081 = vector.broadcast %squeeze3A_1057 : f32 to vector<16xf32>
            %mul3A_1082 = arith.mulf %get3A_1080, %mul3A_1081 : vector<16xf32>
            %swap3A_1083 = arith.index_cast %add3A_1061 : i32 to index
            %swap3A_1084 = arith.constant 32 : index
            %swap3A_1085 = tpu.vector_load %run_scoped3A[%swap3A_1083, %swap3A_1084] {strides = array<i32>} : memref<80x128xf32, #tpu.memory_space<vmem>>, vector<16xf32>,
            tpu.vector_store %run_scoped3A[%swap3A_1083, %swap3A_1084], %mul3A_1082 {strides = array<i32>} : memref<80x128xf32, #tpu.memory_space<vmem>>, vector<16xf32>,
            %get3A_1086 = arith.index_cast %add3A_1061 : i32 to index
            %get3A_1087 = arith.constant 48 : index
            %get3A_1088 = tpu.vector_load %run_scoped3A[%get3A_1086, %get3A_1087] {strides = array<i32>} : memref<80x128xf32, #tpu.memory_space<vmem>>, vector<16xf32>,
            %mul3A_1089 = vector.broadcast %squeeze3A_1057 : f32 to vector<16xf32>
            %mul3A_1090 = arith.mulf %get3A_1088, %mul3A_1089 : vector<16xf32>
            %swap3A_1091 = arith.index_cast %add3A_1061 : i32 to index
            %swap3A_1092 = arith.constant 48 : index
            %swap3A_1093 = tpu.vector_load %run_scoped3A[%swap3A_1091, %swap3A_1092] {strides = array<i32>} : memref<80x128xf32, #tpu.memory_space<vmem>>, vector<16xf32>,
            tpu.vector_store %run_scoped3A[%swap3A_1091, %swap3A_1092], %mul3A_1090 {strides = array<i32>} : memref<80x128xf32, #tpu.memory_space<vmem>>, vector<16xf32>,
            %get3A_1094 = arith.index_cast %add3A_1061 : i32 to index
            %get3A_1095 = arith.constant 64 : index
            %get3A_1096 = tpu.vector_load %run_scoped3A[%get3A_1094, %get3A_1095] {strides = array<i32>} : memref<80x128xf32, #tpu.memory_space<vmem>>, vector<16xf32>,
            %mul3A_1097 = vector.broadcast %squeeze3A_1057 : f32 to vector<16xf32>
            %mul3A_1098 = arith.mulf %get3A_1096, %mul3A_1097 : vector<16xf32>
            %swap3A_1099 = arith.index_cast %add3A_1061 : i32 to index
            %swap3A_1100 = arith.constant 64 : index
            %swap3A_1101 = tpu.vector_load %run_scoped3A[%swap3A_1099, %swap3A_1100] {strides = array<i32>} : memref<80x128xf32, #tpu.memory_space<vmem>>, vector<16xf32>,
            tpu.vector_store %run_scoped3A[%swap3A_1099, %swap3A_1100], %mul3A_1098 {strides = array<i32>} : memref<80x128xf32, #tpu.memory_space<vmem>>, vector<16xf32>,
            %get3A_1102 = arith.index_cast %add3A_1061 : i32 to index
            %get3A_1103 = arith.constant 80 : index
            %get3A_1104 = tpu.vector_load %run_scoped3A[%get3A_1102, %get3A_1103] {strides = array<i32>} : memref<80x128xf32, #tpu.memory_space<vmem>>, vector<16xf32>,
            %mul3A_1105 = vector.broadcast %squeeze3A_1057 : f32 to vector<16xf32>
            %mul3A_1106 = arith.mulf %get3A_1104, %mul3A_1105 : vector<16xf32>
            %swap3A_1107 = arith.index_cast %add3A_1061 : i32 to index
            %swap3A_1108 = arith.constant 80 : index
            %swap3A_1109 = tpu.vector_load %run_scoped3A[%swap3A_1107, %swap3A_1108] {strides = array<i32>} : memref<80x128xf32, #tpu.memory_space<vmem>>, vector<16xf32>,
            tpu.vector_store %run_scoped3A[%swap3A_1107, %swap3A_1108], %mul3A_1106 {strides = array<i32>} : memref<80x128xf32, #tpu.memory_space<vmem>>, vector<16xf32>,
            %get3A_1110 = arith.index_cast %add3A_1061 : i32 to index
            %get3A_1111 = arith.constant 96 : index
            %get3A_1112 = tpu.vector_load %run_scoped3A[%get3A_1110, %get3A_1111] {strides = array<i32>} : memref<80x128xf32, #tpu.memory_space<vmem>>, vector<16xf32>,
            %mul3A_1113 = vector.broadcast %squeeze3A_1057 : f32 to vector<16xf32>
            %mul3A_1114 = arith.mulf %get3A_1112, %mul3A_1113 : vector<16xf32>
            %swap3A_1115 = arith.index_cast %add3A_1061 : i32 to index
            %swap3A_1116 = arith.constant 96 : index
            %swap3A_1117 = tpu.vector_load %run_scoped3A[%swap3A_1115, %swap3A_1116] {strides = array<i32>} : memref<80x128xf32, #tpu.memory_space<vmem>>, vector<16xf32>,
            tpu.vector_store %run_scoped3A[%swap3A_1115, %swap3A_1116], %mul3A_1114 {strides = array<i32>} : memref<80x128xf32, #tpu.memory_space<vmem>>, vector<16xf32>,
            %get3A_1118 = arith.index_cast %add3A_1061 : i32 to index
            %get3A_1119 = arith.constant 112 : index
            %get3A_1120 = tpu.vector_load %run_scoped3A[%get3A_1118, %get3A_1119] {strides = array<i32>} : memref<80x128xf32, #tpu.memory_space<vmem>>, vector<16xf32>,
            %mul3A_1121 = vector.broadcast %squeeze3A_1057 : f32 to vector<16xf32>
            %mul3A_1122 = arith.mulf %get3A_1120, %mul3A_1121 : vector<16xf32>
            %swap3A_1123 = arith.index_cast %add3A_1061 : i32 to index
            %swap3A_1124 = arith.constant 112 : index
            %swap3A_1125 = tpu.vector_load %run_scoped3A[%swap3A_1123, %swap3A_1124] {strides = array<i32>} : memref<80x128xf32, #tpu.memory_space<vmem>>, vector<16xf32>,
            tpu.vector_store %run_scoped3A[%swap3A_1123, %swap3A_1124], %mul3A_1122 {strides = array<i32>} : memref<80x128xf32, #tpu.memory_space<vmem>>, vector<16xf32>,
            %slice3A_1126 = vector.extract_strided_slice %get3A_148 {offsets = [14], sizes = [1], strides = [1]} : vector<16xf32> to vector<1xf32>
            %squeeze3A_1127 = vector.extract %slice3A_1126[0] : f32 from vector<1xf32>
            %mul3A_1128 = arith.constant 16 : i32
            %mul3A_1129 = arith.muli %scan3A_143, %mul3A_1128 : i32
            %add3A_1130 = arith.constant 14 : i32
            %add3A_1131 = arith.addi %mul3A_1129, %add3A_1130 : i32
            %get3A_1132 = arith.index_cast %add3A_1131 : i32 to index
            %get3A_1133 = arith.constant 0 : index
            %get3A_1134 = tpu.vector_load %run_scoped3A[%get3A_1132, %get3A_1133] {strides = array<i32>} : memref<80x128xf32, #tpu.memory_space<vmem>>, vector<16xf32>,
            %mul3A_1135 = vector.broadcast %squeeze3A_1127 : f32 to vector<16xf32>
            %mul3A_1136 = arith.mulf %get3A_1134, %mul3A_1135 : vector<16xf32>
            %swap3A_1137 = arith.index_cast %add3A_1131 : i32 to index
            %swap3A_1138 = arith.constant 0 : index
            %swap3A_1139 = tpu.vector_load %run_scoped3A[%swap3A_1137, %swap3A_1138] {strides = array<i32>} : memref<80x128xf32, #tpu.memory_space<vmem>>, vector<16xf32>,
            tpu.vector_store %run_scoped3A[%swap3A_1137, %swap3A_1138], %mul3A_1136 {strides = array<i32>} : memref<80x128xf32, #tpu.memory_space<vmem>>, vector<16xf32>,
            %get3A_1140 = arith.index_cast %add3A_1131 : i32 to index
            %get3A_1141 = arith.constant 16 : index
            %get3A_1142 = tpu.vector_load %run_scoped3A[%get3A_1140, %get3A_1141] {strides = array<i32>} : memref<80x128xf32, #tpu.memory_space<vmem>>, vector<16xf32>,
            %mul3A_1143 = vector.broadcast %squeeze3A_1127 : f32 to vector<16xf32>
            %mul3A_1144 = arith.mulf %get3A_1142, %mul3A_1143 : vector<16xf32>
            %swap3A_1145 = arith.index_cast %add3A_1131 : i32 to index
            %swap3A_1146 = arith.constant 16 : index
            %swap3A_1147 = tpu.vector_load %run_scoped3A[%swap3A_1145, %swap3A_1146] {strides = array<i32>} : memref<80x128xf32, #tpu.memory_space<vmem>>, vector<16xf32>,
            tpu.vector_store %run_scoped3A[%swap3A_1145, %swap3A_1146], %mul3A_1144 {strides = array<i32>} : memref<80x128xf32, #tpu.memory_space<vmem>>, vector<16xf32>,
            %get3A_1148 = arith.index_cast %add3A_1131 : i32 to index
            %get3A_1149 = arith.constant 32 : index
            %get3A_1150 = tpu.vector_load %run_scoped3A[%get3A_1148, %get3A_1149] {strides = array<i32>} : memref<80x128xf32, #tpu.memory_space<vmem>>, vector<16xf32>,
            %mul3A_1151 = vector.broadcast %squeeze3A_1127 : f32 to vector<16xf32>
            %mul3A_1152 = arith.mulf %get3A_1150, %mul3A_1151 : vector<16xf32>
            %swap3A_1153 = arith.index_cast %add3A_1131 : i32 to index
            %swap3A_1154 = arith.constant 32 : index
            %swap3A_1155 = tpu.vector_load %run_scoped3A[%swap3A_1153, %swap3A_1154] {strides = array<i32>} : memref<80x128xf32, #tpu.memory_space<vmem>>, vector<16xf32>,
            tpu.vector_store %run_scoped3A[%swap3A_1153, %swap3A_1154], %mul3A_1152 {strides = array<i32>} : memref<80x128xf32, #tpu.memory_space<vmem>>, vector<16xf32>,
            %get3A_1156 = arith.index_cast %add3A_1131 : i32 to index
            %get3A_1157 = arith.constant 48 : index
            %get3A_1158 = tpu.vector_load %run_scoped3A[%get3A_1156, %get3A_1157] {strides = array<i32>} : memref<80x128xf32, #tpu.memory_space<vmem>>, vector<16xf32>,
            %mul3A_1159 = vector.broadcast %squeeze3A_1127 : f32 to vector<16xf32>
            %mul3A_1160 = arith.mulf %get3A_1158, %mul3A_1159 : vector<16xf32>
            %swap3A_1161 = arith.index_cast %add3A_1131 : i32 to index
            %swap3A_1162 = arith.constant 48 : index
            %swap3A_1163 = tpu.vector_load %run_scoped3A[%swap3A_1161, %swap3A_1162] {strides = array<i32>} : memref<80x128xf32, #tpu.memory_space<vmem>>, vector<16xf32>,
            tpu.vector_store %run_scoped3A[%swap3A_1161, %swap3A_1162], %mul3A_1160 {strides = array<i32>} : memref<80x128xf32, #tpu.memory_space<vmem>>, vector<16xf32>,
            %get3A_1164 = arith.index_cast %add3A_1131 : i32 to index
            %get3A_1165 = arith.constant 64 : index
            %get3A_1166 = tpu.vector_load %run_scoped3A[%get3A_1164, %get3A_1165] {strides = array<i32>} : memref<80x128xf32, #tpu.memory_space<vmem>>, vector<16xf32>,
            %mul3A_1167 = vector.broadcast %squeeze3A_1127 : f32 to vector<16xf32>
            %mul3A_1168 = arith.mulf %get3A_1166, %mul3A_1167 : vector<16xf32>
            %swap3A_1169 = arith.index_cast %add3A_1131 : i32 to index
            %swap3A_1170 = arith.constant 64 : index
            %swap3A_1171 = tpu.vector_load %run_scoped3A[%swap3A_1169, %swap3A_1170] {strides = array<i32>} : memref<80x128xf32, #tpu.memory_space<vmem>>, vector<16xf32>,
            tpu.vector_store %run_scoped3A[%swap3A_1169, %swap3A_1170], %mul3A_1168 {strides = array<i32>} : memref<80x128xf32, #tpu.memory_space<vmem>>, vector<16xf32>,
            %get3A_1172 = arith.index_cast %add3A_1131 : i32 to index
            %get3A_1173 = arith.constant 80 : index
            %get3A_1174 = tpu.vector_load %run_scoped3A[%get3A_1172, %get3A_1173] {strides = array<i32>} : memref<80x128xf32, #tpu.memory_space<vmem>>, vector<16xf32>,
            %mul3A_1175 = vector.broadcast %squeeze3A_1127 : f32 to vector<16xf32>
            %mul3A_1176 = arith.mulf %get3A_1174, %mul3A_1175 : vector<16xf32>
            %swap3A_1177 = arith.index_cast %add3A_1131 : i32 to index
            %swap3A_1178 = arith.constant 80 : index
            %swap3A_1179 = tpu.vector_load %run_scoped3A[%swap3A_1177, %swap3A_1178] {strides = array<i32>} : memref<80x128xf32, #tpu.memory_space<vmem>>, vector<16xf32>,
            tpu.vector_store %run_scoped3A[%swap3A_1177, %swap3A_1178], %mul3A_1176 {strides = array<i32>} : memref<80x128xf32, #tpu.memory_space<vmem>>, vector<16xf32>,
            %get3A_1180 = arith.index_cast %add3A_1131 : i32 to index
            %get3A_1181 = arith.constant 96 : index
            %get3A_1182 = tpu.vector_load %run_scoped3A[%get3A_1180, %get3A_1181] {strides = array<i32>} : memref<80x128xf32, #tpu.memory_space<vmem>>, vector<16xf32>,
            %mul3A_1183 = vector.broadcast %squeeze3A_1127 : f32 to vector<16xf32>
            %mul3A_1184 = arith.mulf %get3A_1182, %mul3A_1183 : vector<16xf32>
            %swap3A_1185 = arith.index_cast %add3A_1131 : i32 to index
            %swap3A_1186 = arith.constant 96 : index
            %swap3A_1187 = tpu.vector_load %run_scoped3A[%swap3A_1185, %swap3A_1186] {strides = array<i32>} : memref<80x128xf32, #tpu.memory_space<vmem>>, vector<16xf32>,
            tpu.vector_store %run_scoped3A[%swap3A_1185, %swap3A_1186], %mul3A_1184 {strides = array<i32>} : memref<80x128xf32, #tpu.memory_space<vmem>>, vector<16xf32>,
            %get3A_1188 = arith.index_cast %add3A_1131 : i32 to index
            %get3A_1189 = arith.constant 112 : index
            %get3A_1190 = tpu.vector_load %run_scoped3A[%get3A_1188, %get3A_1189] {strides = array<i32>} : memref<80x128xf32, #tpu.memory_space<vmem>>, vector<16xf32>,
            %mul3A_1191 = vector.broadcast %squeeze3A_1127 : f32 to vector<16xf32>
            %mul3A_1192 = arith.mulf %get3A_1190, %mul3A_1191 : vector<16xf32>
            %swap3A_1193 = arith.index_cast %add3A_1131 : i32 to index
            %swap3A_1194 = arith.constant 112 : index
            %swap3A_1195 = tpu.vector_load %run_scoped3A[%swap3A_1193, %swap3A_1194] {strides = array<i32>} : memref<80x128xf32, #tpu.memory_space<vmem>>, vector<16xf32>,
            tpu.vector_store %run_scoped3A[%swap3A_1193, %swap3A_1194], %mul3A_1192 {strides = array<i32>} : memref<80x128xf32, #tpu.memory_space<vmem>>, vector<16xf32>,
            %slice3A_1196 = vector.extract_strided_slice %get3A_148 {offsets = [15], sizes = [1], strides = [1]} : vector<16xf32> to vector<1xf32>
            %squeeze3A_1197 = vector.extract %slice3A_1196[0] : f32 from vector<1xf32>
            %mul3A_1198 = arith.constant 16 : i32
            %mul3A_1199 = arith.muli %scan3A_143, %mul3A_1198 : i32
            %add3A_1200 = arith.constant 15 : i32
            %add3A_1201 = arith.addi %mul3A_1199, %add3A_1200 : i32
            %get3A_1202 = arith.index_cast %add3A_1201 : i32 to index
            %get3A_1203 = arith.constant 0 : index
            %get3A_1204 = tpu.vector_load %run_scoped3A[%get3A_1202, %get3A_1203] {strides = array<i32>} : memref<80x128xf32, #tpu.memory_space<vmem>>, vector<16xf32>,
            %mul3A_1205 = vector.broadcast %squeeze3A_1197 : f32 to vector<16xf32>
            %mul3A_1206 = arith.mulf %get3A_1204, %mul3A_1205 : vector<16xf32>
            %swap3A_1207 = arith.index_cast %add3A_1201 : i32 to index
            %swap3A_1208 = arith.constant 0 : index
            %swap3A_1209 = tpu.vector_load %run_scoped3A[%swap3A_1207, %swap3A_1208] {strides = array<i32>} : memref<80x128xf32, #tpu.memory_space<vmem>>, vector<16xf32>,
            tpu.vector_store %run_scoped3A[%swap3A_1207, %swap3A_1208], %mul3A_1206 {strides = array<i32>} : memref<80x128xf32, #tpu.memory_space<vmem>>, vector<16xf32>,
            %get3A_1210 = arith.index_cast %add3A_1201 : i32 to index
            %get3A_1211 = arith.constant 16 : index
            %get3A_1212 = tpu.vector_load %run_scoped3A[%get3A_1210, %get3A_1211] {strides = array<i32>} : memref<80x128xf32, #tpu.memory_space<vmem>>, vector<16xf32>,
            %mul3A_1213 = vector.broadcast %squeeze3A_1197 : f32 to vector<16xf32>
            %mul3A_1214 = arith.mulf %get3A_1212, %mul3A_1213 : vector<16xf32>
            %swap3A_1215 = arith.index_cast %add3A_1201 : i32 to index
            %swap3A_1216 = arith.constant 16 : index
            %swap3A_1217 = tpu.vector_load %run_scoped3A[%swap3A_1215, %swap3A_1216] {strides = array<i32>} : memref<80x128xf32, #tpu.memory_space<vmem>>, vector<16xf32>,
            tpu.vector_store %run_scoped3A[%swap3A_1215, %swap3A_1216], %mul3A_1214 {strides = array<i32>} : memref<80x128xf32, #tpu.memory_space<vmem>>, vector<16xf32>,
            %get3A_1218 = arith.index_cast %add3A_1201 : i32 to index
            %get3A_1219 = arith.constant 32 : index
            %get3A_1220 = tpu.vector_load %run_scoped3A[%get3A_1218, %get3A_1219] {strides = array<i32>} : memref<80x128xf32, #tpu.memory_space<vmem>>, vector<16xf32>,
            %mul3A_1221 = vector.broadcast %squeeze3A_1197 : f32 to vector<16xf32>
            %mul3A_1222 = arith.mulf %get3A_1220, %mul3A_1221 : vector<16xf32>
            %swap3A_1223 = arith.index_cast %add3A_1201 : i32 to index
            %swap3A_1224 = arith.constant 32 : index
            %swap3A_1225 = tpu.vector_load %run_scoped3A[%swap3A_1223, %swap3A_1224] {strides = array<i32>} : memref<80x128xf32, #tpu.memory_space<vmem>>, vector<16xf32>,
            tpu.vector_store %run_scoped3A[%swap3A_1223, %swap3A_1224], %mul3A_1222 {strides = array<i32>} : memref<80x128xf32, #tpu.memory_space<vmem>>, vector<16xf32>,
            %get3A_1226 = arith.index_cast %add3A_1201 : i32 to index
            %get3A_1227 = arith.constant 48 : index
            %get3A_1228 = tpu.vector_load %run_scoped3A[%get3A_1226, %get3A_1227] {strides = array<i32>} : memref<80x128xf32, #tpu.memory_space<vmem>>, vector<16xf32>,
            %mul3A_1229 = vector.broadcast %squeeze3A_1197 : f32 to vector<16xf32>
            %mul3A_1230 = arith.mulf %get3A_1228, %mul3A_1229 : vector<16xf32>
            %swap3A_1231 = arith.index_cast %add3A_1201 : i32 to index
            %swap3A_1232 = arith.constant 48 : index
            %swap3A_1233 = tpu.vector_load %run_scoped3A[%swap3A_1231, %swap3A_1232] {strides = array<i32>} : memref<80x128xf32, #tpu.memory_space<vmem>>, vector<16xf32>,
            tpu.vector_store %run_scoped3A[%swap3A_1231, %swap3A_1232], %mul3A_1230 {strides = array<i32>} : memref<80x128xf32, #tpu.memory_space<vmem>>, vector<16xf32>,
            %get3A_1234 = arith.index_cast %add3A_1201 : i32 to index
            %get3A_1235 = arith.constant 64 : index
            %get3A_1236 = tpu.vector_load %run_scoped3A[%get3A_1234, %get3A_1235] {strides = array<i32>} : memref<80x128xf32, #tpu.memory_space<vmem>>, vector<16xf32>,
            %mul3A_1237 = vector.broadcast %squeeze3A_1197 : f32 to vector<16xf32>
            %mul3A_1238 = arith.mulf %get3A_1236, %mul3A_1237 : vector<16xf32>
            %swap3A_1239 = arith.index_cast %add3A_1201 : i32 to index
            %swap3A_1240 = arith.constant 64 : index
            %swap3A_1241 = tpu.vector_load %run_scoped3A[%swap3A_1239, %swap3A_1240] {strides = array<i32>} : memref<80x128xf32, #tpu.memory_space<vmem>>, vector<16xf32>,
            tpu.vector_store %run_scoped3A[%swap3A_1239, %swap3A_1240], %mul3A_1238 {strides = array<i32>} : memref<80x128xf32, #tpu.memory_space<vmem>>, vector<16xf32>,
            %get3A_1242 = arith.index_cast %add3A_1201 : i32 to index
            %get3A_1243 = arith.constant 80 : index
            %get3A_1244 = tpu.vector_load %run_scoped3A[%get3A_1242, %get3A_1243] {strides = array<i32>} : memref<80x128xf32, #tpu.memory_space<vmem>>, vector<16xf32>,
            %mul3A_1245 = vector.broadcast %squeeze3A_1197 : f32 to vector<16xf32>
            %mul3A_1246 = arith.mulf %get3A_1244, %mul3A_1245 : vector<16xf32>
            %swap3A_1247 = arith.index_cast %add3A_1201 : i32 to index
            %swap3A_1248 = arith.constant 80 : index
            %swap3A_1249 = tpu.vector_load %run_scoped3A[%swap3A_1247, %swap3A_1248] {strides = array<i32>} : memref<80x128xf32, #tpu.memory_space<vmem>>, vector<16xf32>,
            tpu.vector_store %run_scoped3A[%swap3A_1247, %swap3A_1248], %mul3A_1246 {strides = array<i32>} : memref<80x128xf32, #tpu.memory_space<vmem>>, vector<16xf32>,
            %get3A_1250 = arith.index_cast %add3A_1201 : i32 to index
            %get3A_1251 = arith.constant 96 : index
            %get3A_1252 = tpu.vector_load %run_scoped3A[%get3A_1250, %get3A_1251] {strides = array<i32>} : memref<80x128xf32, #tpu.memory_space<vmem>>, vector<16xf32>,
            %mul3A_1253 = vector.broadcast %squeeze3A_1197 : f32 to vector<16xf32>
            %mul3A_1254 = arith.mulf %get3A_1252, %mul3A_1253 : vector<16xf32>
            %swap3A_1255 = arith.index_cast %add3A_1201 : i32 to index
            %swap3A_1256 = arith.constant 96 : index
            %swap3A_1257 = tpu.vector_load %run_scoped3A[%swap3A_1255, %swap3A_1256] {strides = array<i32>} : memref<80x128xf32, #tpu.memory_space<vmem>>, vector<16xf32>,
            tpu.vector_store %run_scoped3A[%swap3A_1255, %swap3A_1256], %mul3A_1254 {strides = array<i32>} : memref<80x128xf32, #tpu.memory_space<vmem>>, vector<16xf32>,
            %get3A_1258 = arith.index_cast %add3A_1201 : i32 to index
            %get3A_1259 = arith.constant 112 : index
            %get3A_1260 = tpu.vector_load %run_scoped3A[%get3A_1258, %get3A_1259] {strides = array<i32>} : memref<80x128xf32, #tpu.memory_space<vmem>>, vector<16xf32>,
            %mul3A_1261 = vector.broadcast %squeeze3A_1197 : f32 to vector<16xf32>
            %mul3A_1262 = arith.mulf %get3A_1260, %mul3A_1261 : vector<16xf32>
            %swap3A_1263 = arith.index_cast %add3A_1201 : i32 to index
            %swap3A_1264 = arith.constant 112 : index
            %swap3A_1265 = tpu.vector_load %run_scoped3A[%swap3A_1263, %swap3A_1264] {strides = array<i32>} : memref<80x128xf32, #tpu.memory_space<vmem>>, vector<16xf32>,
            tpu.vector_store %run_scoped3A[%swap3A_1263, %swap3A_1264], %mul3A_1262 {strides = array<i32>} : memref<80x128xf32, #tpu.memory_space<vmem>>, vector<16xf32>,
          }
          %scan3A_110 = arith.constant 5 : i32
          %dma_start3A_111 = arith.constant 0 : i32
          %dma_start3A_112 = tpu.memref_slice %arg13[%mul3A_93, %dma_start3A_111] : memref<16x80xi32, #tpu.memory_space<vmem>> -> memref<1x80xi32, #tpu.memory_space<vmem>>
          %dma_start3A_113 = tpu.memref_squeeze %dma_start3A_112 : memref<1x80xi32, #tpu.memory_space<vmem>> -> memref<80xi32, #tpu.memory_space<vmem>>
          %dma_start3A_114 = arith.constant 0 : i32
          %dma_start3A_115 = arith.constant 0 : i32
          %dma_start3A_116 = tpu.memref_slice %arg15[%dma_start3A_114, %dma_start3A_115] : memref<10000x128xf32, #tpu.memory_space<vmem_shared>> -> memref<10000x128xf32, #tpu.memory_space<vmem_shared>>
          tpu.enqueue_indirect_dma source(%run_scoped3A : memref<80x128xf32, #tpu.memory_space<vmem>>) target(%dma_start3A_116 : memref<10000x128xf32, #tpu.memory_space<vmem_shared>>) offsets(%dma_start3A_113 : memref<80xi32, #tpu.memory_space<vmem>>) semaphore(%arg18 : memref<!tpu.dma_semaphore, #tpu.memory_space<semaphore_mem>>) {add = true}
          %dma_wait3A_117 = arith.constant 0 : i32
          %dma_wait3A_118 = tpu.memref_slice %arg12[%add3A_95, %dma_wait3A_117] : memref<16x80xi32, #tpu.memory_space<vmem>> -> memref<1x80xi32, #tpu.memory_space<vmem>>
          %dma_wait3A_119 = tpu.memref_squeeze %dma_wait3A_118 : memref<1x80xi32, #tpu.memory_space<vmem>> -> memref<80xi32, #tpu.memory_space<vmem>>
          %dma_wait3A_120 = arith.constant 0 : i32
          %dma_wait3A_121 = arith.constant 0 : i32
          %dma_wait3A_122 = tpu.memref_slice %arg2[%dma_wait3A_120, %dma_wait3A_121] : memref<10000x128xf32, #tpu.memory_space<hbm>> -> memref<10000x128xf32, #tpu.memory_space<hbm>>
          tpu.wait_indirect_dma semaphore(%arg17 : memref<!tpu.dma_semaphore, #tpu.memory_space<semaphore_mem>>) src(%dma_wait3A_122 : memref<10000x128xf32, #tpu.memory_space<hbm>>) dst(%run_scoped3A_16 : memref<80x128xf32, #tpu.memory_space<vmem>>)
          %mul3A_123 = arith.constant 80 : i32
          %mul3A_124 = arith.muli %add3A_95, %mul3A_123 : i32
          %add3A_125 = arith.addi %mul3A_58, %mul3A_124 : i32
          %scan3A_126 = arith.constant 0 : i32
          %scan3A_127 = arith.constant 0 : i32
          %scan3A_128 = arith.constant 5 : i32
          %scan3A_129 = arith.addi %scan3A_127, %scan3A_128 : i32
          %scan3A_130 = arith.constant 1 : i32
          scf.for %scan3A_143 = %scan3A_127 to %scan3A_129 step %scan3A_130  : i32 {
            %mul3A_144 = arith.constant 16 : i32
            %mul3A_145 = arith.muli %scan3A_143, %mul3A_144 : i32
            %add3A_146 = arith.addi %add3A_125, %mul3A_145 : i32
            %get3A_147 = arith.index_cast %add3A_146 : i32 to index
            %get3A_148 = tpu.vector_load %arg11[%get3A_147] {strides = array<i32>} : memref<10240xf32, #tpu.memory_space<vmem>>, vector<16xf32>,
            %slice3A = vector.extract_strided_slice %get3A_148 {offsets = [0], sizes = [1], strides = [1]} : vector<16xf32> to vector<1xf32>
            %squeeze3A = vector.extract %slice3A[0] : f32 from vector<1xf32>
            %mul3A_149 = arith.constant 16 : i32
            %mul3A_150 = arith.muli %scan3A_143, %mul3A_149 : i32
            %add3A_151 = arith.constant 0 : i32
            %add3A_152 = arith.addi %mul3A_150, %add3A_151 : i32
            %get3A_153 = arith.index_cast %add3A_152 : i32 to index
            %get3A_154 = arith.constant 0 : index
            %get3A_155 = tpu.vector_load %run_scoped3A_16[%get3A_153, %get3A_154] {strides = array<i32>} : memref<80x128xf32, #tpu.memory_space<vmem>>, vector<16xf32>,
            %mul3A_156 = vector.broadcast %squeeze3A : f32 to vector<16xf32>
            %mul3A_157 = arith.mulf %get3A_155, %mul3A_156 : vector<16xf32>
            %swap3A = arith.index_cast %add3A_152 : i32 to index
            %swap3A_158 = arith.constant 0 : index
            %swap3A_159 = tpu.vector_load %run_scoped3A_16[%swap3A, %swap3A_158] {strides = array<i32>} : memref<80x128xf32, #tpu.memory_space<vmem>>, vector<16xf32>,
            tpu.vector_store %run_scoped3A_16[%swap3A, %swap3A_158], %mul3A_157 {strides = array<i32>} : memref<80x128xf32, #tpu.memory_space<vmem>>, vector<16xf32>,
            %get3A_160 = arith.index_cast %add3A_152 : i32 to index
            %get3A_161 = arith.constant 16 : index
            %get3A_162 = tpu.vector_load %run_scoped3A_16[%get3A_160, %get3A_161] {strides = array<i32>} : memref<80x128xf32, #tpu.memory_space<vmem>>, vector<16xf32>,
            %mul3A_163 = vector.broadcast %squeeze3A : f32 to vector<16xf32>
            %mul3A_164 = arith.mulf %get3A_162, %mul3A_163 : vector<16xf32>
            %swap3A_165 = arith.index_cast %add3A_152 : i32 to index
            %swap3A_166 = arith.constant 16 : index
            %swap3A_167 = tpu.vector_load %run_scoped3A_16[%swap3A_165, %swap3A_166] {strides = array<i32>} : memref<80x128xf32, #tpu.memory_space<vmem>>, vector<16xf32>,
            tpu.vector_store %run_scoped3A_16[%swap3A_165, %swap3A_166], %mul3A_164 {strides = array<i32>} : memref<80x128xf32, #tpu.memory_space<vmem>>, vector<16xf32>,
            %get3A_168 = arith.index_cast %add3A_152 : i32 to index
            %get3A_169 = arith.constant 32 : index
            %get3A_170 = tpu.vector_load %run_scoped3A_16[%get3A_168, %get3A_169] {strides = array<i32>} : memref<80x128xf32, #tpu.memory_space<vmem>>, vector<16xf32>,
            %mul3A_171 = vector.broadcast %squeeze3A : f32 to vector<16xf32>
            %mul3A_172 = arith.mulf %get3A_170, %mul3A_171 : vector<16xf32>
            %swap3A_173 = arith.index_cast %add3A_152 : i32 to index
            %swap3A_174 = arith.constant 32 : index
            %swap3A_175 = tpu.vector_load %run_scoped3A_16[%swap3A_173, %swap3A_174] {strides = array<i32>} : memref<80x128xf32, #tpu.memory_space<vmem>>, vector<16xf32>,
            tpu.vector_store %run_scoped3A_16[%swap3A_173, %swap3A_174], %mul3A_172 {strides = array<i32>} : memref<80x128xf32, #tpu.memory_space<vmem>>, vector<16xf32>,
            %get3A_176 = arith.index_cast %add3A_152 : i32 to index
            %get3A_177 = arith.constant 48 : index
            %get3A_178 = tpu.vector_load %run_scoped3A_16[%get3A_176, %get3A_177] {strides = array<i32>} : memref<80x128xf32, #tpu.memory_space<vmem>>, vector<16xf32>,
            %mul3A_179 = vector.broadcast %squeeze3A : f32 to vector<16xf32>
            %mul3A_180 = arith.mulf %get3A_178, %mul3A_179 : vector<16xf32>
            %swap3A_181 = arith.index_cast %add3A_152 : i32 to index
            %swap3A_182 = arith.constant 48 : index
            %swap3A_183 = tpu.vector_load %run_scoped3A_16[%swap3A_181, %swap3A_182] {strides = array<i32>} : memref<80x128xf32, #tpu.memory_space<vmem>>, vector<16xf32>,
            tpu.vector_store %run_scoped3A_16[%swap3A_181, %swap3A_182], %mul3A_180 {strides = array<i32>} : memref<80x128xf32, #tpu.memory_space<vmem>>, vector<16xf32>,
            %get3A_184 = arith.index_cast %add3A_152 : i32 to index
            %get3A_185 = arith.constant 64 : index
            %get3A_186 = tpu.vector_load %run_scoped3A_16[%get3A_184, %get3A_185] {strides = array<i32>} : memref<80x128xf32, #tpu.memory_space<vmem>>, vector<16xf32>,
            %mul3A_187 = vector.broadcast %squeeze3A : f32 to vector<16xf32>
            %mul3A_188 = arith.mulf %get3A_186, %mul3A_187 : vector<16xf32>
            %swap3A_189 = arith.index_cast %add3A_152 : i32 to index
            %swap3A_190 = arith.constant 64 : index
            %swap3A_191 = tpu.vector_load %run_scoped3A_16[%swap3A_189, %swap3A_190] {strides = array<i32>} : memref<80x128xf32, #tpu.memory_space<vmem>>, vector<16xf32>,
            tpu.vector_store %run_scoped3A_16[%swap3A_189, %swap3A_190], %mul3A_188 {strides = array<i32>} : memref<80x128xf32, #tpu.memory_space<vmem>>, vector<16xf32>,
            %get3A_192 = arith.index_cast %add3A_152 : i32 to index
            %get3A_193 = arith.constant 80 : index
            %get3A_194 = tpu.vector_load %run_scoped3A_16[%get3A_192, %get3A_193] {strides = array<i32>} : memref<80x128xf32, #tpu.memory_space<vmem>>, vector<16xf32>,
            %mul3A_195 = vector.broadcast %squeeze3A : f32 to vector<16xf32>
            %mul3A_196 = arith.mulf %get3A_194, %mul3A_195 : vector<16xf32>
            %swap3A_197 = arith.index_cast %add3A_152 : i32 to index
            %swap3A_198 = arith.constant 80 : index
            %swap3A_199 = tpu.vector_load %run_scoped3A_16[%swap3A_197, %swap3A_198] {strides = array<i32>} : memref<80x128xf32, #tpu.memory_space<vmem>>, vector<16xf32>,
            tpu.vector_store %run_scoped3A_16[%swap3A_197, %swap3A_198], %mul3A_196 {strides = array<i32>} : memref<80x128xf32, #tpu.memory_space<vmem>>, vector<16xf32>,
            %get3A_200 = arith.index_cast %add3A_152 : i32 to index
            %get3A_201 = arith.constant 96 : index
            %get3A_202 = tpu.vector_load %run_scoped3A_16[%get3A_200, %get3A_201] {strides = array<i32>} : memref<80x128xf32, #tpu.memory_space<vmem>>, vector<16xf32>,
            %mul3A_203 = vector.broadcast %squeeze3A : f32 to vector<16xf32>
            %mul3A_204 = arith.mulf %get3A_202, %mul3A_203 : vector<16xf32>
            %swap3A_205 = arith.index_cast %add3A_152 : i32 to index
            %swap3A_206 = arith.constant 96 : index
            %swap3A_207 = tpu.vector_load %run_scoped3A_16[%swap3A_205, %swap3A_206] {strides = array<i32>} : memref<80x128xf32, #tpu.memory_space<vmem>>, vector<16xf32>,
            tpu.vector_store %run_scoped3A_16[%swap3A_205, %swap3A_206], %mul3A_204 {strides = array<i32>} : memref<80x128xf32, #tpu.memory_space<vmem>>, vector<16xf32>,
            %get3A_208 = arith.index_cast %add3A_152 : i32 to index
            %get3A_209 = arith.constant 112 : index
            %get3A_210 = tpu.vector_load %run_scoped3A_16[%get3A_208, %get3A_209] {strides = array<i32>} : memref<80x128xf32, #tpu.memory_space<vmem>>, vector<16xf32>,
            %mul3A_211 = vector.broadcast %squeeze3A : f32 to vector<16xf32>
            %mul3A_212 = arith.mulf %get3A_210, %mul3A_211 : vector<16xf32>
            %swap3A_213 = arith.index_cast %add3A_152 : i32 to index
            %swap3A_214 = arith.constant 112 : index
            %swap3A_215 = tpu.vector_load %run_scoped3A_16[%swap3A_213, %swap3A_214] {strides = array<i32>} : memref<80x128xf32, #tpu.memory_space<vmem>>, vector<16xf32>,
            tpu.vector_store %run_scoped3A_16[%swap3A_213, %swap3A_214], %mul3A_212 {strides = array<i32>} : memref<80x128xf32, #tpu.memory_space<vmem>>, vector<16xf32>,
            %slice3A_216 = vector.extract_strided_slice %get3A_148 {offsets = [1], sizes = [1], strides = [1]} : vector<16xf32> to vector<1xf32>
            %squeeze3A_217 = vector.extract %slice3A_216[0] : f32 from vector<1xf32>
            %mul3A_218 = arith.constant 16 : i32
            %mul3A_219 = arith.muli %scan3A_143, %mul3A_218 : i32
            %add3A_220 = arith.constant 1 : i32
            %add3A_221 = arith.addi %mul3A_219, %add3A_220 : i32
            %get3A_222 = arith.index_cast %add3A_221 : i32 to index
            %get3A_223 = arith.constant 0 : index
            %get3A_224 = tpu.vector_load %run_scoped3A_16[%get3A_222, %get3A_223] {strides = array<i32>} : memref<80x128xf32, #tpu.memory_space<vmem>>, vector<16xf32>,
            %mul3A_225 = vector.broadcast %squeeze3A_217 : f32 to vector<16xf32>
            %mul3A_226 = arith.mulf %get3A_224, %mul3A_225 : vector<16xf32>
            %swap3A_227 = arith.index_cast %add3A_221 : i32 to index
            %swap3A_228 = arith.constant 0 : index
            %swap3A_229 = tpu.vector_load %run_scoped3A_16[%swap3A_227, %swap3A_228] {strides = array<i32>} : memref<80x128xf32, #tpu.memory_space<vmem>>, vector<16xf32>,
            tpu.vector_store %run_scoped3A_16[%swap3A_227, %swap3A_228], %mul3A_226 {strides = array<i32>} : memref<80x128xf32, #tpu.memory_space<vmem>>, vector<16xf32>,
            %get3A_230 = arith.index_cast %add3A_221 : i32 to index
            %get3A_231 = arith.constant 16 : index
            %get3A_232 = tpu.vector_load %run_scoped3A_16[%get3A_230, %get3A_231] {strides = array<i32>} : memref<80x128xf32, #tpu.memory_space<vmem>>, vector<16xf32>,
            %mul3A_233 = vector.broadcast %squeeze3A_217 : f32 to vector<16xf32>
            %mul3A_234 = arith.mulf %get3A_232, %mul3A_233 : vector<16xf32>
            %swap3A_235 = arith.index_cast %add3A_221 : i32 to index
            %swap3A_236 = arith.constant 16 : index
            %swap3A_237 = tpu.vector_load %run_scoped3A_16[%swap3A_235, %swap3A_236] {strides = array<i32>} : memref<80x128xf32, #tpu.memory_space<vmem>>, vector<16xf32>,
            tpu.vector_store %run_scoped3A_16[%swap3A_235, %swap3A_236], %mul3A_234 {strides = array<i32>} : memref<80x128xf32, #tpu.memory_space<vmem>>, vector<16xf32>,
            %get3A_238 = arith.index_cast %add3A_221 : i32 to index
            %get3A_239 = arith.constant 32 : index
            %get3A_240 = tpu.vector_load %run_scoped3A_16[%get3A_238, %get3A_239] {strides = array<i32>} : memref<80x128xf32, #tpu.memory_space<vmem>>, vector<16xf32>,
            %mul3A_241 = vector.broadcast %squeeze3A_217 : f32 to vector<16xf32>
            %mul3A_242 = arith.mulf %get3A_240, %mul3A_241 : vector<16xf32>
            %swap3A_243 = arith.index_cast %add3A_221 : i32 to index
            %swap3A_244 = arith.constant 32 : index
            %swap3A_245 = tpu.vector_load %run_scoped3A_16[%swap3A_243, %swap3A_244] {strides = array<i32>} : memref<80x128xf32, #tpu.memory_space<vmem>>, vector<16xf32>,
            tpu.vector_store %run_scoped3A_16[%swap3A_243, %swap3A_244], %mul3A_242 {strides = array<i32>} : memref<80x128xf32, #tpu.memory_space<vmem>>, vector<16xf32>,
            %get3A_246 = arith.index_cast %add3A_221 : i32 to index
            %get3A_247 = arith.constant 48 : index
            %get3A_248 = tpu.vector_load %run_scoped3A_16[%get3A_246, %get3A_247] {strides = array<i32>} : memref<80x128xf32, #tpu.memory_space<vmem>>, vector<16xf32>,
            %mul3A_249 = vector.broadcast %squeeze3A_217 : f32 to vector<16xf32>
            %mul3A_250 = arith.mulf %get3A_248, %mul3A_249 : vector<16xf32>
            %swap3A_251 = arith.index_cast %add3A_221 : i32 to index
            %swap3A_252 = arith.constant 48 : index
            %swap3A_253 = tpu.vector_load %run_scoped3A_16[%swap3A_251, %swap3A_252] {strides = array<i32>} : memref<80x128xf32, #tpu.memory_space<vmem>>, vector<16xf32>,
            tpu.vector_store %run_scoped3A_16[%swap3A_251, %swap3A_252], %mul3A_250 {strides = array<i32>} : memref<80x128xf32, #tpu.memory_space<vmem>>, vector<16xf32>,
            %get3A_254 = arith.index_cast %add3A_221 : i32 to index
            %get3A_255 = arith.constant 64 : index
            %get3A_256 = tpu.vector_load %run_scoped3A_16[%get3A_254, %get3A_255] {strides = array<i32>} : memref<80x128xf32, #tpu.memory_space<vmem>>, vector<16xf32>,
            %mul3A_257 = vector.broadcast %squeeze3A_217 : f32 to vector<16xf32>
            %mul3A_258 = arith.mulf %get3A_256, %mul3A_257 : vector<16xf32>
            %swap3A_259 = arith.index_cast %add3A_221 : i32 to index
            %swap3A_260 = arith.constant 64 : index
            %swap3A_261 = tpu.vector_load %run_scoped3A_16[%swap3A_259, %swap3A_260] {strides = array<i32>} : memref<80x128xf32, #tpu.memory_space<vmem>>, vector<16xf32>,
            tpu.vector_store %run_scoped3A_16[%swap3A_259, %swap3A_260], %mul3A_258 {strides = array<i32>} : memref<80x128xf32, #tpu.memory_space<vmem>>, vector<16xf32>,
            %get3A_262 = arith.index_cast %add3A_221 : i32 to index
            %get3A_263 = arith.constant 80 : index
            %get3A_264 = tpu.vector_load %run_scoped3A_16[%get3A_262, %get3A_263] {strides = array<i32>} : memref<80x128xf32, #tpu.memory_space<vmem>>, vector<16xf32>,
            %mul3A_265 = vector.broadcast %squeeze3A_217 : f32 to vector<16xf32>
            %mul3A_266 = arith.mulf %get3A_264, %mul3A_265 : vector<16xf32>
            %swap3A_267 = arith.index_cast %add3A_221 : i32 to index
            %swap3A_268 = arith.constant 80 : index
            %swap3A_269 = tpu.vector_load %run_scoped3A_16[%swap3A_267, %swap3A_268] {strides = array<i32>} : memref<80x128xf32, #tpu.memory_space<vmem>>, vector<16xf32>,
            tpu.vector_store %run_scoped3A_16[%swap3A_267, %swap3A_268], %mul3A_266 {strides = array<i32>} : memref<80x128xf32, #tpu.memory_space<vmem>>, vector<16xf32>,
            %get3A_270 = arith.index_cast %add3A_221 : i32 to index
            %get3A_271 = arith.constant 96 : index
            %get3A_272 = tpu.vector_load %run_scoped3A_16[%get3A_270, %get3A_271] {strides = array<i32>} : memref<80x128xf32, #tpu.memory_space<vmem>>, vector<16xf32>,
            %mul3A_273 = vector.broadcast %squeeze3A_217 : f32 to vector<16xf32>
            %mul3A_274 = arith.mulf %get3A_272, %mul3A_273 : vector<16xf32>
            %swap3A_275 = arith.index_cast %add3A_221 : i32 to index
            %swap3A_276 = arith.constant 96 : index
            %swap3A_277 = tpu.vector_load %run_scoped3A_16[%swap3A_275, %swap3A_276] {strides = array<i32>} : memref<80x128xf32, #tpu.memory_space<vmem>>, vector<16xf32>,
            tpu.vector_store %run_scoped3A_16[%swap3A_275, %swap3A_276], %mul3A_274 {strides = array<i32>} : memref<80x128xf32, #tpu.memory_space<vmem>>, vector<16xf32>,
            %get3A_278 = arith.index_cast %add3A_221 : i32 to index
            %get3A_279 = arith.constant 112 : index
            %get3A_280 = tpu.vector_load %run_scoped3A_16[%get3A_278, %get3A_279] {strides = array<i32>} : memref<80x128xf32, #tpu.memory_space<vmem>>, vector<16xf32>,
            %mul3A_281 = vector.broadcast %squeeze3A_217 : f32 to vector<16xf32>
            %mul3A_282 = arith.mulf %get3A_280, %mul3A_281 : vector<16xf32>
            %swap3A_283 = arith.index_cast %add3A_221 : i32 to index
            %swap3A_284 = arith.constant 112 : index
            %swap3A_285 = tpu.vector_load %run_scoped3A_16[%swap3A_283, %swap3A_284] {strides = array<i32>} : memref<80x128xf32, #tpu.memory_space<vmem>>, vector<16xf32>,
            tpu.vector_store %run_scoped3A_16[%swap3A_283, %swap3A_284], %mul3A_282 {strides = array<i32>} : memref<80x128xf32, #tpu.memory_space<vmem>>, vector<16xf32>,
            %slice3A_286 = vector.extract_strided_slice %get3A_148 {offsets = [2], sizes = [1], strides = [1]} : vector<16xf32> to vector<1xf32>
            %squeeze3A_287 = vector.extract %slice3A_286[0] : f32 from vector<1xf32>
            %mul3A_288 = arith.constant 16 : i32
            %mul3A_289 = arith.muli %scan3A_143, %mul3A_288 : i32
            %add3A_290 = arith.constant 2 : i32
            %add3A_291 = arith.addi %mul3A_289, %add3A_290 : i32
            %get3A_292 = arith.index_cast %add3A_291 : i32 to index
            %get3A_293 = arith.constant 0 : index
            %get3A_294 = tpu.vector_load %run_scoped3A_16[%get3A_292, %get3A_293] {strides = array<i32>} : memref<80x128xf32, #tpu.memory_space<vmem>>, vector<16xf32>,
            %mul3A_295 = vector.broadcast %squeeze3A_287 : f32 to vector<16xf32>
            %mul3A_296 = arith.mulf %get3A_294, %mul3A_295 : vector<16xf32>
            %swap3A_297 = arith.index_cast %add3A_291 : i32 to index
            %swap3A_298 = arith.constant 0 : index
            %swap3A_299 = tpu.vector_load %run_scoped3A_16[%swap3A_297, %swap3A_298] {strides = array<i32>} : memref<80x128xf32, #tpu.memory_space<vmem>>, vector<16xf32>,
            tpu.vector_store %run_scoped3A_16[%swap3A_297, %swap3A_298], %mul3A_296 {strides = array<i32>} : memref<80x128xf32, #tpu.memory_space<vmem>>, vector<16xf32>,
            %get3A_300 = arith.index_cast %add3A_291 : i32 to index
            %get3A_301 = arith.constant 16 : index
            %get3A_302 = tpu.vector_load %run_scoped3A_16[%get3A_300, %get3A_301] {strides = array<i32>} : memref<80x128xf32, #tpu.memory_space<vmem>>, vector<16xf32>,
            %mul3A_303 = vector.broadcast %squeeze3A_287 : f32 to vector<16xf32>
            %mul3A_304 = arith.mulf %get3A_302, %mul3A_303 : vector<16xf32>
            %swap3A_305 = arith.index_cast %add3A_291 : i32 to index
            %swap3A_306 = arith.constant 16 : index
            %swap3A_307 = tpu.vector_load %run_scoped3A_16[%swap3A_305, %swap3A_306] {strides = array<i32>} : memref<80x128xf32, #tpu.memory_space<vmem>>, vector<16xf32>,
            tpu.vector_store %run_scoped3A_16[%swap3A_305, %swap3A_306], %mul3A_304 {strides = array<i32>} : memref<80x128xf32, #tpu.memory_space<vmem>>, vector<16xf32>,
            %get3A_308 = arith.index_cast %add3A_291 : i32 to index
            %get3A_309 = arith.constant 32 : index
            %get3A_310 = tpu.vector_load %run_scoped3A_16[%get3A_308, %get3A_309] {strides = array<i32>} : memref<80x128xf32, #tpu.memory_space<vmem>>, vector<16xf32>,
            %mul3A_311 = vector.broadcast %squeeze3A_287 : f32 to vector<16xf32>
            %mul3A_312 = arith.mulf %get3A_310, %mul3A_311 : vector<16xf32>
            %swap3A_313 = arith.index_cast %add3A_291 : i32 to index
            %swap3A_314 = arith.constant 32 : index
            %swap3A_315 = tpu.vector_load %run_scoped3A_16[%swap3A_313, %swap3A_314] {strides = array<i32>} : memref<80x128xf32, #tpu.memory_space<vmem>>, vector<16xf32>,
            tpu.vector_store %run_scoped3A_16[%swap3A_313, %swap3A_314], %mul3A_312 {strides = array<i32>} : memref<80x128xf32, #tpu.memory_space<vmem>>, vector<16xf32>,
            %get3A_316 = arith.index_cast %add3A_291 : i32 to index
            %get3A_317 = arith.constant 48 : index
            %get3A_318 = tpu.vector_load %run_scoped3A_16[%get3A_316, %get3A_317] {strides = array<i32>} : memref<80x128xf32, #tpu.memory_space<vmem>>, vector<16xf32>,
            %mul3A_319 = vector.broadcast %squeeze3A_287 : f32 to vector<16xf32>
            %mul3A_320 = arith.mulf %get3A_318, %mul3A_319 : vector<16xf32>
            %swap3A_321 = arith.index_cast %add3A_291 : i32 to index
            %swap3A_322 = arith.constant 48 : index
            %swap3A_323 = tpu.vector_load %run_scoped3A_16[%swap3A_321, %swap3A_322] {strides = array<i32>} : memref<80x128xf32, #tpu.memory_space<vmem>>, vector<16xf32>,
            tpu.vector_store %run_scoped3A_16[%swap3A_321, %swap3A_322], %mul3A_320 {strides = array<i32>} : memref<80x128xf32, #tpu.memory_space<vmem>>, vector<16xf32>,
            %get3A_324 = arith.index_cast %add3A_291 : i32 to index
            %get3A_325 = arith.constant 64 : index
            %get3A_326 = tpu.vector_load %run_scoped3A_16[%get3A_324, %get3A_325] {strides = array<i32>} : memref<80x128xf32, #tpu.memory_space<vmem>>, vector<16xf32>,
            %mul3A_327 = vector.broadcast %squeeze3A_287 : f32 to vector<16xf32>
            %mul3A_328 = arith.mulf %get3A_326, %mul3A_327 : vector<16xf32>
            %swap3A_329 = arith.index_cast %add3A_291 : i32 to index
            %swap3A_330 = arith.constant 64 : index
            %swap3A_331 = tpu.vector_load %run_scoped3A_16[%swap3A_329, %swap3A_330] {strides = array<i32>} : memref<80x128xf32, #tpu.memory_space<vmem>>, vector<16xf32>,
            tpu.vector_store %run_scoped3A_16[%swap3A_329, %swap3A_330], %mul3A_328 {strides = array<i32>} : memref<80x128xf32, #tpu.memory_space<vmem>>, vector<16xf32>,
            %get3A_332 = arith.index_cast %add3A_291 : i32 to index
            %get3A_333 = arith.constant 80 : index
            %get3A_334 = tpu.vector_load %run_scoped3A_16[%get3A_332, %get3A_333] {strides = array<i32>} : memref<80x128xf32, #tpu.memory_space<vmem>>, vector<16xf32>,
            %mul3A_335 = vector.broadcast %squeeze3A_287 : f32 to vector<16xf32>
            %mul3A_336 = arith.mulf %get3A_334, %mul3A_335 : vector<16xf32>
            %swap3A_337 = arith.index_cast %add3A_291 : i32 to index
            %swap3A_338 = arith.constant 80 : index
            %swap3A_339 = tpu.vector_load %run_scoped3A_16[%swap3A_337, %swap3A_338] {strides = array<i32>} : memref<80x128xf32, #tpu.memory_space<vmem>>, vector<16xf32>,
            tpu.vector_store %run_scoped3A_16[%swap3A_337, %swap3A_338], %mul3A_336 {strides = array<i32>} : memref<80x128xf32, #tpu.memory_space<vmem>>, vector<16xf32>,
            %get3A_340 = arith.index_cast %add3A_291 : i32 to index
            %get3A_341 = arith.constant 96 : index
            %get3A_342 = tpu.vector_load %run_scoped3A_16[%get3A_340, %get3A_341] {strides = array<i32>} : memref<80x128xf32, #tpu.memory_space<vmem>>, vector<16xf32>,
            %mul3A_343 = vector.broadcast %squeeze3A_287 : f32 to vector<16xf32>
            %mul3A_344 = arith.mulf %get3A_342, %mul3A_343 : vector<16xf32>
            %swap3A_345 = arith.index_cast %add3A_291 : i32 to index
            %swap3A_346 = arith.constant 96 : index
            %swap3A_347 = tpu.vector_load %run_scoped3A_16[%swap3A_345, %swap3A_346] {strides = array<i32>} : memref<80x128xf32, #tpu.memory_space<vmem>>, vector<16xf32>,
            tpu.vector_store %run_scoped3A_16[%swap3A_345, %swap3A_346], %mul3A_344 {strides = array<i32>} : memref<80x128xf32, #tpu.memory_space<vmem>>, vector<16xf32>,
            %get3A_348 = arith.index_cast %add3A_291 : i32 to index
            %get3A_349 = arith.constant 112 : index
            %get3A_350 = tpu.vector_load %run_scoped3A_16[%get3A_348, %get3A_349] {strides = array<i32>} : memref<80x128xf32, #tpu.memory_space<vmem>>, vector<16xf32>,
            %mul3A_351 = vector.broadcast %squeeze3A_287 : f32 to vector<16xf32>
            %mul3A_352 = arith.mulf %get3A_350, %mul3A_351 : vector<16xf32>
            %swap3A_353 = arith.index_cast %add3A_291 : i32 to index
            %swap3A_354 = arith.constant 112 : index
            %swap3A_355 = tpu.vector_load %run_scoped3A_16[%swap3A_353, %swap3A_354] {strides = array<i32>} : memref<80x128xf32, #tpu.memory_space<vmem>>, vector<16xf32>,
            tpu.vector_store %run_scoped3A_16[%swap3A_353, %swap3A_354], %mul3A_352 {strides = array<i32>} : memref<80x128xf32, #tpu.memory_space<vmem>>, vector<16xf32>,
            %slice3A_356 = vector.extract_strided_slice %get3A_148 {offsets = [3], sizes = [1], strides = [1]} : vector<16xf32> to vector<1xf32>
            %squeeze3A_357 = vector.extract %slice3A_356[0] : f32 from vector<1xf32>
            %mul3A_358 = arith.constant 16 : i32
            %mul3A_359 = arith.muli %scan3A_143, %mul3A_358 : i32
            %add3A_360 = arith.constant 3 : i32
            %add3A_361 = arith.addi %mul3A_359, %add3A_360 : i32
            %get3A_362 = arith.index_cast %add3A_361 : i32 to index
            %get3A_363 = arith.constant 0 : index
            %get3A_364 = tpu.vector_load %run_scoped3A_16[%get3A_362, %get3A_363] {strides = array<i32>} : memref<80x128xf32, #tpu.memory_space<vmem>>, vector<16xf32>,
            %mul3A_365 = vector.broadcast %squeeze3A_357 : f32 to vector<16xf32>
            %mul3A_366 = arith.mulf %get3A_364, %mul3A_365 : vector<16xf32>
            %swap3A_367 = arith.index_cast %add3A_361 : i32 to index
            %swap3A_368 = arith.constant 0 : index
            %swap3A_369 = tpu.vector_load %run_scoped3A_16[%swap3A_367, %swap3A_368] {strides = array<i32>} : memref<80x128xf32, #tpu.memory_space<vmem>>, vector<16xf32>,
            tpu.vector_store %run_scoped3A_16[%swap3A_367, %swap3A_368], %mul3A_366 {strides = array<i32>} : memref<80x128xf32, #tpu.memory_space<vmem>>, vector<16xf32>,
            %get3A_370 = arith.index_cast %add3A_361 : i32 to index
            %get3A_371 = arith.constant 16 : index
            %get3A_372 = tpu.vector_load %run_scoped3A_16[%get3A_370, %get3A_371] {strides = array<i32>} : memref<80x128xf32, #tpu.memory_space<vmem>>, vector<16xf32>,
            %mul3A_373 = vector.broadcast %squeeze3A_357 : f32 to vector<16xf32>
            %mul3A_374 = arith.mulf %get3A_372, %mul3A_373 : vector<16xf32>
            %swap3A_375 = arith.index_cast %add3A_361 : i32 to index
            %swap3A_376 = arith.constant 16 : index
            %swap3A_377 = tpu.vector_load %run_scoped3A_16[%swap3A_375, %swap3A_376] {strides = array<i32>} : memref<80x128xf32, #tpu.memory_space<vmem>>, vector<16xf32>,
            tpu.vector_store %run_scoped3A_16[%swap3A_375, %swap3A_376], %mul3A_374 {strides = array<i32>} : memref<80x128xf32, #tpu.memory_space<vmem>>, vector<16xf32>,
            %get3A_378 = arith.index_cast %add3A_361 : i32 to index
            %get3A_379 = arith.constant 32 : index
            %get3A_380 = tpu.vector_load %run_scoped3A_16[%get3A_378, %get3A_379] {strides = array<i32>} : memref<80x128xf32, #tpu.memory_space<vmem>>, vector<16xf32>,
            %mul3A_381 = vector.broadcast %squeeze3A_357 : f32 to vector<16xf32>
            %mul3A_382 = arith.mulf %get3A_380, %mul3A_381 : vector<16xf32>
            %swap3A_383 = arith.index_cast %add3A_361 : i32 to index
            %swap3A_384 = arith.constant 32 : index
            %swap3A_385 = tpu.vector_load %run_scoped3A_16[%swap3A_383, %swap3A_384] {strides = array<i32>} : memref<80x128xf32, #tpu.memory_space<vmem>>, vector<16xf32>,
            tpu.vector_store %run_scoped3A_16[%swap3A_383, %swap3A_384], %mul3A_382 {strides = array<i32>} : memref<80x128xf32, #tpu.memory_space<vmem>>, vector<16xf32>,
            %get3A_386 = arith.index_cast %add3A_361 : i32 to index
            %get3A_387 = arith.constant 48 : index
            %get3A_388 = tpu.vector_load %run_scoped3A_16[%get3A_386, %get3A_387] {strides = array<i32>} : memref<80x128xf32, #tpu.memory_space<vmem>>, vector<16xf32>,
            %mul3A_389 = vector.broadcast %squeeze3A_357 : f32 to vector<16xf32>
            %mul3A_390 = arith.mulf %get3A_388, %mul3A_389 : vector<16xf32>
            %swap3A_391 = arith.index_cast %add3A_361 : i32 to index
            %swap3A_392 = arith.constant 48 : index
            %swap3A_393 = tpu.vector_load %run_scoped3A_16[%swap3A_391, %swap3A_392] {strides = array<i32>} : memref<80x128xf32, #tpu.memory_space<vmem>>, vector<16xf32>,
            tpu.vector_store %run_scoped3A_16[%swap3A_391, %swap3A_392], %mul3A_390 {strides = array<i32>} : memref<80x128xf32, #tpu.memory_space<vmem>>, vector<16xf32>,
            %get3A_394 = arith.index_cast %add3A_361 : i32 to index
            %get3A_395 = arith.constant 64 : index
            %get3A_396 = tpu.vector_load %run_scoped3A_16[%get3A_394, %get3A_395] {strides = array<i32>} : memref<80x128xf32, #tpu.memory_space<vmem>>, vector<16xf32>,
            %mul3A_397 = vector.broadcast %squeeze3A_357 : f32 to vector<16xf32>
            %mul3A_398 = arith.mulf %get3A_396, %mul3A_397 : vector<16xf32>
            %swap3A_399 = arith.index_cast %add3A_361 : i32 to index
            %swap3A_400 = arith.constant 64 : index
            %swap3A_401 = tpu.vector_load %run_scoped3A_16[%swap3A_399, %swap3A_400] {strides = array<i32>} : memref<80x128xf32, #tpu.memory_space<vmem>>, vector<16xf32>,
            tpu.vector_store %run_scoped3A_16[%swap3A_399, %swap3A_400], %mul3A_398 {strides = array<i32>} : memref<80x128xf32, #tpu.memory_space<vmem>>, vector<16xf32>,
            %get3A_402 = arith.index_cast %add3A_361 : i32 to index
            %get3A_403 = arith.constant 80 : index
            %get3A_404 = tpu.vector_load %run_scoped3A_16[%get3A_402, %get3A_403] {strides = array<i32>} : memref<80x128xf32, #tpu.memory_space<vmem>>, vector<16xf32>,
            %mul3A_405 = vector.broadcast %squeeze3A_357 : f32 to vector<16xf32>
            %mul3A_406 = arith.mulf %get3A_404, %mul3A_405 : vector<16xf32>
            %swap3A_407 = arith.index_cast %add3A_361 : i32 to index
            %swap3A_408 = arith.constant 80 : index
            %swap3A_409 = tpu.vector_load %run_scoped3A_16[%swap3A_407, %swap3A_408] {strides = array<i32>} : memref<80x128xf32, #tpu.memory_space<vmem>>, vector<16xf32>,
            tpu.vector_store %run_scoped3A_16[%swap3A_407, %swap3A_408], %mul3A_406 {strides = array<i32>} : memref<80x128xf32, #tpu.memory_space<vmem>>, vector<16xf32>,
            %get3A_410 = arith.index_cast %add3A_361 : i32 to index
            %get3A_411 = arith.constant 96 : index
            %get3A_412 = tpu.vector_load %run_scoped3A_16[%get3A_410, %get3A_411] {strides = array<i32>} : memref<80x128xf32, #tpu.memory_space<vmem>>, vector<16xf32>,
            %mul3A_413 = vector.broadcast %squeeze3A_357 : f32 to vector<16xf32>
            %mul3A_414 = arith.mulf %get3A_412, %mul3A_413 : vector<16xf32>
            %swap3A_415 = arith.index_cast %add3A_361 : i32 to index
            %swap3A_416 = arith.constant 96 : index
            %swap3A_417 = tpu.vector_load %run_scoped3A_16[%swap3A_415, %swap3A_416] {strides = array<i32>} : memref<80x128xf32, #tpu.memory_space<vmem>>, vector<16xf32>,
            tpu.vector_store %run_scoped3A_16[%swap3A_415, %swap3A_416], %mul3A_414 {strides = array<i32>} : memref<80x128xf32, #tpu.memory_space<vmem>>, vector<16xf32>,
            %get3A_418 = arith.index_cast %add3A_361 : i32 to index
            %get3A_419 = arith.constant 112 : index
            %get3A_420 = tpu.vector_load %run_scoped3A_16[%get3A_418, %get3A_419] {strides = array<i32>} : memref<80x128xf32, #tpu.memory_space<vmem>>, vector<16xf32>,
            %mul3A_421 = vector.broadcast %squeeze3A_357 : f32 to vector<16xf32>
            %mul3A_422 = arith.mulf %get3A_420, %mul3A_421 : vector<16xf32>
            %swap3A_423 = arith.index_cast %add3A_361 : i32 to index
            %swap3A_424 = arith.constant 112 : index
            %swap3A_425 = tpu.vector_load %run_scoped3A_16[%swap3A_423, %swap3A_424] {strides = array<i32>} : memref<80x128xf32, #tpu.memory_space<vmem>>, vector<16xf32>,
            tpu.vector_store %run_scoped3A_16[%swap3A_423, %swap3A_424], %mul3A_422 {strides = array<i32>} : memref<80x128xf32, #tpu.memory_space<vmem>>, vector<16xf32>,
            %slice3A_426 = vector.extract_strided_slice %get3A_148 {offsets = [4], sizes = [1], strides = [1]} : vector<16xf32> to vector<1xf32>
            %squeeze3A_427 = vector.extract %slice3A_426[0] : f32 from vector<1xf32>
            %mul3A_428 = arith.constant 16 : i32
            %mul3A_429 = arith.muli %scan3A_143, %mul3A_428 : i32
            %add3A_430 = arith.constant 4 : i32
            %add3A_431 = arith.addi %mul3A_429, %add3A_430 : i32
            %get3A_432 = arith.index_cast %add3A_431 : i32 to index
            %get3A_433 = arith.constant 0 : index
            %get3A_434 = tpu.vector_load %run_scoped3A_16[%get3A_432, %get3A_433] {strides = array<i32>} : memref<80x128xf32, #tpu.memory_space<vmem>>, vector<16xf32>,
            %mul3A_435 = vector.broadcast %squeeze3A_427 : f32 to vector<16xf32>
            %mul3A_436 = arith.mulf %get3A_434, %mul3A_435 : vector<16xf32>
            %swap3A_437 = arith.index_cast %add3A_431 : i32 to index
            %swap3A_438 = arith.constant 0 : index
            %swap3A_439 = tpu.vector_load %run_scoped3A_16[%swap3A_437, %swap3A_438] {strides = array<i32>} : memref<80x128xf32, #tpu.memory_space<vmem>>, vector<16xf32>,
            tpu.vector_store %run_scoped3A_16[%swap3A_437, %swap3A_438], %mul3A_436 {strides = array<i32>} : memref<80x128xf32, #tpu.memory_space<vmem>>, vector<16xf32>,
            %get3A_440 = arith.index_cast %add3A_431 : i32 to index
            %get3A_441 = arith.constant 16 : index
            %get3A_442 = tpu.vector_load %run_scoped3A_16[%get3A_440, %get3A_441] {strides = array<i32>} : memref<80x128xf32, #tpu.memory_space<vmem>>, vector<16xf32>,
            %mul3A_443 = vector.broadcast %squeeze3A_427 : f32 to vector<16xf32>
            %mul3A_444 = arith.mulf %get3A_442, %mul3A_443 : vector<16xf32>
            %swap3A_445 = arith.index_cast %add3A_431 : i32 to index
            %swap3A_446 = arith.constant 16 : index
            %swap3A_447 = tpu.vector_load %run_scoped3A_16[%swap3A_445, %swap3A_446] {strides = array<i32>} : memref<80x128xf32, #tpu.memory_space<vmem>>, vector<16xf32>,
            tpu.vector_store %run_scoped3A_16[%swap3A_445, %swap3A_446], %mul3A_444 {strides = array<i32>} : memref<80x128xf32, #tpu.memory_space<vmem>>, vector<16xf32>,
            %get3A_448 = arith.index_cast %add3A_431 : i32 to index
            %get3A_449 = arith.constant 32 : index
            %get3A_450 = tpu.vector_load %run_scoped3A_16[%get3A_448, %get3A_449] {strides = array<i32>} : memref<80x128xf32, #tpu.memory_space<vmem>>, vector<16xf32>,
            %mul3A_451 = vector.broadcast %squeeze3A_427 : f32 to vector<16xf32>
            %mul3A_452 = arith.mulf %get3A_450, %mul3A_451 : vector<16xf32>
            %swap3A_453 = arith.index_cast %add3A_431 : i32 to index
            %swap3A_454 = arith.constant 32 : index
            %swap3A_455 = tpu.vector_load %run_scoped3A_16[%swap3A_453, %swap3A_454] {strides = array<i32>} : memref<80x128xf32, #tpu.memory_space<vmem>>, vector<16xf32>,
            tpu.vector_store %run_scoped3A_16[%swap3A_453, %swap3A_454], %mul3A_452 {strides = array<i32>} : memref<80x128xf32, #tpu.memory_space<vmem>>, vector<16xf32>,
            %get3A_456 = arith.index_cast %add3A_431 : i32 to index
            %get3A_457 = arith.constant 48 : index
            %get3A_458 = tpu.vector_load %run_scoped3A_16[%get3A_456, %get3A_457] {strides = array<i32>} : memref<80x128xf32, #tpu.memory_space<vmem>>, vector<16xf32>,
            %mul3A_459 = vector.broadcast %squeeze3A_427 : f32 to vector<16xf32>
            %mul3A_460 = arith.mulf %get3A_458, %mul3A_459 : vector<16xf32>
            %swap3A_461 = arith.index_cast %add3A_431 : i32 to index
            %swap3A_462 = arith.constant 48 : index
            %swap3A_463 = tpu.vector_load %run_scoped3A_16[%swap3A_461, %swap3A_462] {strides = array<i32>} : memref<80x128xf32, #tpu.memory_space<vmem>>, vector<16xf32>,
            tpu.vector_store %run_scoped3A_16[%swap3A_461, %swap3A_462], %mul3A_460 {strides = array<i32>} : memref<80x128xf32, #tpu.memory_space<vmem>>, vector<16xf32>,
            %get3A_464 = arith.index_cast %add3A_431 : i32 to index
            %get3A_465 = arith.constant 64 : index
            %get3A_466 = tpu.vector_load %run_scoped3A_16[%get3A_464, %get3A_465] {strides = array<i32>} : memref<80x128xf32, #tpu.memory_space<vmem>>, vector<16xf32>,
            %mul3A_467 = vector.broadcast %squeeze3A_427 : f32 to vector<16xf32>
            %mul3A_468 = arith.mulf %get3A_466, %mul3A_467 : vector<16xf32>
            %swap3A_469 = arith.index_cast %add3A_431 : i32 to index
            %swap3A_470 = arith.constant 64 : index
            %swap3A_471 = tpu.vector_load %run_scoped3A_16[%swap3A_469, %swap3A_470] {strides = array<i32>} : memref<80x128xf32, #tpu.memory_space<vmem>>, vector<16xf32>,
            tpu.vector_store %run_scoped3A_16[%swap3A_469, %swap3A_470], %mul3A_468 {strides = array<i32>} : memref<80x128xf32, #tpu.memory_space<vmem>>, vector<16xf32>,
            %get3A_472 = arith.index_cast %add3A_431 : i32 to index
            %get3A_473 = arith.constant 80 : index
            %get3A_474 = tpu.vector_load %run_scoped3A_16[%get3A_472, %get3A_473] {strides = array<i32>} : memref<80x128xf32, #tpu.memory_space<vmem>>, vector<16xf32>,
            %mul3A_475 = vector.broadcast %squeeze3A_427 : f32 to vector<16xf32>
            %mul3A_476 = arith.mulf %get3A_474, %mul3A_475 : vector<16xf32>
            %swap3A_477 = arith.index_cast %add3A_431 : i32 to index
            %swap3A_478 = arith.constant 80 : index
            %swap3A_479 = tpu.vector_load %run_scoped3A_16[%swap3A_477, %swap3A_478] {strides = array<i32>} : memref<80x128xf32, #tpu.memory_space<vmem>>, vector<16xf32>,
            tpu.vector_store %run_scoped3A_16[%swap3A_477, %swap3A_478], %mul3A_476 {strides = array<i32>} : memref<80x128xf32, #tpu.memory_space<vmem>>, vector<16xf32>,
            %get3A_480 = arith.index_cast %add3A_431 : i32 to index
            %get3A_481 = arith.constant 96 : index
            %get3A_482 = tpu.vector_load %run_scoped3A_16[%get3A_480, %get3A_481] {strides = array<i32>} : memref<80x128xf32, #tpu.memory_space<vmem>>, vector<16xf32>,
            %mul3A_483 = vector.broadcast %squeeze3A_427 : f32 to vector<16xf32>
            %mul3A_484 = arith.mulf %get3A_482, %mul3A_483 : vector<16xf32>
            %swap3A_485 = arith.index_cast %add3A_431 : i32 to index
            %swap3A_486 = arith.constant 96 : index
            %swap3A_487 = tpu.vector_load %run_scoped3A_16[%swap3A_485, %swap3A_486] {strides = array<i32>} : memref<80x128xf32, #tpu.memory_space<vmem>>, vector<16xf32>,
            tpu.vector_store %run_scoped3A_16[%swap3A_485, %swap3A_486], %mul3A_484 {strides = array<i32>} : memref<80x128xf32, #tpu.memory_space<vmem>>, vector<16xf32>,
            %get3A_488 = arith.index_cast %add3A_431 : i32 to index
            %get3A_489 = arith.constant 112 : index
            %get3A_490 = tpu.vector_load %run_scoped3A_16[%get3A_488, %get3A_489] {strides = array<i32>} : memref<80x128xf32, #tpu.memory_space<vmem>>, vector<16xf32>,
            %mul3A_491 = vector.broadcast %squeeze3A_427 : f32 to vector<16xf32>
            %mul3A_492 = arith.mulf %get3A_490, %mul3A_491 : vector<16xf32>
            %swap3A_493 = arith.index_cast %add3A_431 : i32 to index
            %swap3A_494 = arith.constant 112 : index
            %swap3A_495 = tpu.vector_load %run_scoped3A_16[%swap3A_493, %swap3A_494] {strides = array<i32>} : memref<80x128xf32, #tpu.memory_space<vmem>>, vector<16xf32>,
            tpu.vector_store %run_scoped3A_16[%swap3A_493, %swap3A_494], %mul3A_492 {strides = array<i32>} : memref<80x128xf32, #tpu.memory_space<vmem>>, vector<16xf32>,
            %slice3A_496 = vector.extract_strided_slice %get3A_148 {offsets = [5], sizes = [1], strides = [1]} : vector<16xf32> to vector<1xf32>
            %squeeze3A_497 = vector.extract %slice3A_496[0] : f32 from vector<1xf32>
            %mul3A_498 = arith.constant 16 : i32
            %mul3A_499 = arith.muli %scan3A_143, %mul3A_498 : i32
            %add3A_500 = arith.constant 5 : i32
            %add3A_501 = arith.addi %mul3A_499, %add3A_500 : i32
            %get3A_502 = arith.index_cast %add3A_501 : i32 to index
            %get3A_503 = arith.constant 0 : index
            %get3A_504 = tpu.vector_load %run_scoped3A_16[%get3A_502, %get3A_503] {strides = array<i32>} : memref<80x128xf32, #tpu.memory_space<vmem>>, vector<16xf32>,
            %mul3A_505 = vector.broadcast %squeeze3A_497 : f32 to vector<16xf32>
            %mul3A_506 = arith.mulf %get3A_504, %mul3A_505 : vector<16xf32>
            %swap3A_507 = arith.index_cast %add3A_501 : i32 to index
            %swap3A_508 = arith.constant 0 : index
            %swap3A_509 = tpu.vector_load %run_scoped3A_16[%swap3A_507, %swap3A_508] {strides = array<i32>} : memref<80x128xf32, #tpu.memory_space<vmem>>, vector<16xf32>,
            tpu.vector_store %run_scoped3A_16[%swap3A_507, %swap3A_508], %mul3A_506 {strides = array<i32>} : memref<80x128xf32, #tpu.memory_space<vmem>>, vector<16xf32>,
            %get3A_510 = arith.index_cast %add3A_501 : i32 to index
            %get3A_511 = arith.constant 16 : index
            %get3A_512 = tpu.vector_load %run_scoped3A_16[%get3A_510, %get3A_511] {strides = array<i32>} : memref<80x128xf32, #tpu.memory_space<vmem>>, vector<16xf32>,
            %mul3A_513 = vector.broadcast %squeeze3A_497 : f32 to vector<16xf32>
            %mul3A_514 = arith.mulf %get3A_512, %mul3A_513 : vector<16xf32>
            %swap3A_515 = arith.index_cast %add3A_501 : i32 to index
            %swap3A_516 = arith.constant 16 : index
            %swap3A_517 = tpu.vector_load %run_scoped3A_16[%swap3A_515, %swap3A_516] {strides = array<i32>} : memref<80x128xf32, #tpu.memory_space<vmem>>, vector<16xf32>,
            tpu.vector_store %run_scoped3A_16[%swap3A_515, %swap3A_516], %mul3A_514 {strides = array<i32>} : memref<80x128xf32, #tpu.memory_space<vmem>>, vector<16xf32>,
            %get3A_518 = arith.index_cast %add3A_501 : i32 to index
            %get3A_519 = arith.constant 32 : index
            %get3A_520 = tpu.vector_load %run_scoped3A_16[%get3A_518, %get3A_519] {strides = array<i32>} : memref<80x128xf32, #tpu.memory_space<vmem>>, vector<16xf32>,
            %mul3A_521 = vector.broadcast %squeeze3A_497 : f32 to vector<16xf32>
            %mul3A_522 = arith.mulf %get3A_520, %mul3A_521 : vector<16xf32>
            %swap3A_523 = arith.index_cast %add3A_501 : i32 to index
            %swap3A_524 = arith.constant 32 : index
            %swap3A_525 = tpu.vector_load %run_scoped3A_16[%swap3A_523, %swap3A_524] {strides = array<i32>} : memref<80x128xf32, #tpu.memory_space<vmem>>, vector<16xf32>,
            tpu.vector_store %run_scoped3A_16[%swap3A_523, %swap3A_524], %mul3A_522 {strides = array<i32>} : memref<80x128xf32, #tpu.memory_space<vmem>>, vector<16xf32>,
            %get3A_526 = arith.index_cast %add3A_501 : i32 to index
            %get3A_527 = arith.constant 48 : index
            %get3A_528 = tpu.vector_load %run_scoped3A_16[%get3A_526, %get3A_527] {strides = array<i32>} : memref<80x128xf32, #tpu.memory_space<vmem>>, vector<16xf32>,
            %mul3A_529 = vector.broadcast %squeeze3A_497 : f32 to vector<16xf32>
            %mul3A_530 = arith.mulf %get3A_528, %mul3A_529 : vector<16xf32>
            %swap3A_531 = arith.index_cast %add3A_501 : i32 to index
            %swap3A_532 = arith.constant 48 : index
            %swap3A_533 = tpu.vector_load %run_scoped3A_16[%swap3A_531, %swap3A_532] {strides = array<i32>} : memref<80x128xf32, #tpu.memory_space<vmem>>, vector<16xf32>,
            tpu.vector_store %run_scoped3A_16[%swap3A_531, %swap3A_532], %mul3A_530 {strides = array<i32>} : memref<80x128xf32, #tpu.memory_space<vmem>>, vector<16xf32>,
            %get3A_534 = arith.index_cast %add3A_501 : i32 to index
            %get3A_535 = arith.constant 64 : index
            %get3A_536 = tpu.vector_load %run_scoped3A_16[%get3A_534, %get3A_535] {strides = array<i32>} : memref<80x128xf32, #tpu.memory_space<vmem>>, vector<16xf32>,
            %mul3A_537 = vector.broadcast %squeeze3A_497 : f32 to vector<16xf32>
            %mul3A_538 = arith.mulf %get3A_536, %mul3A_537 : vector<16xf32>
            %swap3A_539 = arith.index_cast %add3A_501 : i32 to index
            %swap3A_540 = arith.constant 64 : index
            %swap3A_541 = tpu.vector_load %run_scoped3A_16[%swap3A_539, %swap3A_540] {strides = array<i32>} : memref<80x128xf32, #tpu.memory_space<vmem>>, vector<16xf32>,
            tpu.vector_store %run_scoped3A_16[%swap3A_539, %swap3A_540], %mul3A_538 {strides = array<i32>} : memref<80x128xf32, #tpu.memory_space<vmem>>, vector<16xf32>,
            %get3A_542 = arith.index_cast %add3A_501 : i32 to index
            %get3A_543 = arith.constant 80 : index
            %get3A_544 = tpu.vector_load %run_scoped3A_16[%get3A_542, %get3A_543] {strides = array<i32>} : memref<80x128xf32, #tpu.memory_space<vmem>>, vector<16xf32>,
            %mul3A_545 = vector.broadcast %squeeze3A_497 : f32 to vector<16xf32>
            %mul3A_546 = arith.mulf %get3A_544, %mul3A_545 : vector<16xf32>
            %swap3A_547 = arith.index_cast %add3A_501 : i32 to index
            %swap3A_548 = arith.constant 80 : index
            %swap3A_549 = tpu.vector_load %run_scoped3A_16[%swap3A_547, %swap3A_548] {strides = array<i32>} : memref<80x128xf32, #tpu.memory_space<vmem>>, vector<16xf32>,
            tpu.vector_store %run_scoped3A_16[%swap3A_547, %swap3A_548], %mul3A_546 {strides = array<i32>} : memref<80x128xf32, #tpu.memory_space<vmem>>, vector<16xf32>,
            %get3A_550 = arith.index_cast %add3A_501 : i32 to index
            %get3A_551 = arith.constant 96 : index
            %get3A_552 = tpu.vector_load %run_scoped3A_16[%get3A_550, %get3A_551] {strides = array<i32>} : memref<80x128xf32, #tpu.memory_space<vmem>>, vector<16xf32>,
            %mul3A_553 = vector.broadcast %squeeze3A_497 : f32 to vector<16xf32>
            %mul3A_554 = arith.mulf %get3A_552, %mul3A_553 : vector<16xf32>
            %swap3A_555 = arith.index_cast %add3A_501 : i32 to index
            %swap3A_556 = arith.constant 96 : index
            %swap3A_557 = tpu.vector_load %run_scoped3A_16[%swap3A_555, %swap3A_556] {strides = array<i32>} : memref<80x128xf32, #tpu.memory_space<vmem>>, vector<16xf32>,
            tpu.vector_store %run_scoped3A_16[%swap3A_555, %swap3A_556], %mul3A_554 {strides = array<i32>} : memref<80x128xf32, #tpu.memory_space<vmem>>, vector<16xf32>,
            %get3A_558 = arith.index_cast %add3A_501 : i32 to index
            %get3A_559 = arith.constant 112 : index
            %get3A_560 = tpu.vector_load %run_scoped3A_16[%get3A_558, %get3A_559] {strides = array<i32>} : memref<80x128xf32, #tpu.memory_space<vmem>>, vector<16xf32>,
            %mul3A_561 = vector.broadcast %squeeze3A_497 : f32 to vector<16xf32>
            %mul3A_562 = arith.mulf %get3A_560, %mul3A_561 : vector<16xf32>
            %swap3A_563 = arith.index_cast %add3A_501 : i32 to index
            %swap3A_564 = arith.constant 112 : index
            %swap3A_565 = tpu.vector_load %run_scoped3A_16[%swap3A_563, %swap3A_564] {strides = array<i32>} : memref<80x128xf32, #tpu.memory_space<vmem>>, vector<16xf32>,
            tpu.vector_store %run_scoped3A_16[%swap3A_563, %swap3A_564], %mul3A_562 {strides = array<i32>} : memref<80x128xf32, #tpu.memory_space<vmem>>, vector<16xf32>,
            %slice3A_566 = vector.extract_strided_slice %get3A_148 {offsets = [6], sizes = [1], strides = [1]} : vector<16xf32> to vector<1xf32>
            %squeeze3A_567 = vector.extract %slice3A_566[0] : f32 from vector<1xf32>
            %mul3A_568 = arith.constant 16 : i32
            %mul3A_569 = arith.muli %scan3A_143, %mul3A_568 : i32
            %add3A_570 = arith.constant 6 : i32
            %add3A_571 = arith.addi %mul3A_569, %add3A_570 : i32
            %get3A_572 = arith.index_cast %add3A_571 : i32 to index
            %get3A_573 = arith.constant 0 : index
            %get3A_574 = tpu.vector_load %run_scoped3A_16[%get3A_572, %get3A_573] {strides = array<i32>} : memref<80x128xf32, #tpu.memory_space<vmem>>, vector<16xf32>,
            %mul3A_575 = vector.broadcast %squeeze3A_567 : f32 to vector<16xf32>
            %mul3A_576 = arith.mulf %get3A_574, %mul3A_575 : vector<16xf32>
            %swap3A_577 = arith.index_cast %add3A_571 : i32 to index
            %swap3A_578 = arith.constant 0 : index
            %swap3A_579 = tpu.vector_load %run_scoped3A_16[%swap3A_577, %swap3A_578] {strides = array<i32>} : memref<80x128xf32, #tpu.memory_space<vmem>>, vector<16xf32>,
            tpu.vector_store %run_scoped3A_16[%swap3A_577, %swap3A_578], %mul3A_576 {strides = array<i32>} : memref<80x128xf32, #tpu.memory_space<vmem>>, vector<16xf32>,
            %get3A_580 = arith.index_cast %add3A_571 : i32 to index
            %get3A_581 = arith.constant 16 : index
            %get3A_582 = tpu.vector_load %run_scoped3A_16[%get3A_580, %get3A_581] {strides = array<i32>} : memref<80x128xf32, #tpu.memory_space<vmem>>, vector<16xf32>,
            %mul3A_583 = vector.broadcast %squeeze3A_567 : f32 to vector<16xf32>
            %mul3A_584 = arith.mulf %get3A_582, %mul3A_583 : vector<16xf32>
            %swap3A_585 = arith.index_cast %add3A_571 : i32 to index
            %swap3A_586 = arith.constant 16 : index
            %swap3A_587 = tpu.vector_load %run_scoped3A_16[%swap3A_585, %swap3A_586] {strides = array<i32>} : memref<80x128xf32, #tpu.memory_space<vmem>>, vector<16xf32>,
            tpu.vector_store %run_scoped3A_16[%swap3A_585, %swap3A_586], %mul3A_584 {strides = array<i32>} : memref<80x128xf32, #tpu.memory_space<vmem>>, vector<16xf32>,
            %get3A_588 = arith.index_cast %add3A_571 : i32 to index
            %get3A_589 = arith.constant 32 : index
            %get3A_590 = tpu.vector_load %run_scoped3A_16[%get3A_588, %get3A_589] {strides = array<i32>} : memref<80x128xf32, #tpu.memory_space<vmem>>, vector<16xf32>,
            %mul3A_591 = vector.broadcast %squeeze3A_567 : f32 to vector<16xf32>
            %mul3A_592 = arith.mulf %get3A_590, %mul3A_591 : vector<16xf32>
            %swap3A_593 = arith.index_cast %add3A_571 : i32 to index
            %swap3A_594 = arith.constant 32 : index
            %swap3A_595 = tpu.vector_load %run_scoped3A_16[%swap3A_593, %swap3A_594] {strides = array<i32>} : memref<80x128xf32, #tpu.memory_space<vmem>>, vector<16xf32>,
            tpu.vector_store %run_scoped3A_16[%swap3A_593, %swap3A_594], %mul3A_592 {strides = array<i32>} : memref<80x128xf32, #tpu.memory_space<vmem>>, vector<16xf32>,
            %get3A_596 = arith.index_cast %add3A_571 : i32 to index
            %get3A_597 = arith.constant 48 : index
            %get3A_598 = tpu.vector_load %run_scoped3A_16[%get3A_596, %get3A_597] {strides = array<i32>} : memref<80x128xf32, #tpu.memory_space<vmem>>, vector<16xf32>,
            %mul3A_599 = vector.broadcast %squeeze3A_567 : f32 to vector<16xf32>
            %mul3A_600 = arith.mulf %get3A_598, %mul3A_599 : vector<16xf32>
            %swap3A_601 = arith.index_cast %add3A_571 : i32 to index
            %swap3A_602 = arith.constant 48 : index
            %swap3A_603 = tpu.vector_load %run_scoped3A_16[%swap3A_601, %swap3A_602] {strides = array<i32>} : memref<80x128xf32, #tpu.memory_space<vmem>>, vector<16xf32>,
            tpu.vector_store %run_scoped3A_16[%swap3A_601, %swap3A_602], %mul3A_600 {strides = array<i32>} : memref<80x128xf32, #tpu.memory_space<vmem>>, vector<16xf32>,
            %get3A_604 = arith.index_cast %add3A_571 : i32 to index
            %get3A_605 = arith.constant 64 : index
            %get3A_606 = tpu.vector_load %run_scoped3A_16[%get3A_604, %get3A_605] {strides = array<i32>} : memref<80x128xf32, #tpu.memory_space<vmem>>, vector<16xf32>,
            %mul3A_607 = vector.broadcast %squeeze3A_567 : f32 to vector<16xf32>
            %mul3A_608 = arith.mulf %get3A_606, %mul3A_607 : vector<16xf32>
            %swap3A_609 = arith.index_cast %add3A_571 : i32 to index
            %swap3A_610 = arith.constant 64 : index
            %swap3A_611 = tpu.vector_load %run_scoped3A_16[%swap3A_609, %swap3A_610] {strides = array<i32>} : memref<80x128xf32, #tpu.memory_space<vmem>>, vector<16xf32>,
            tpu.vector_store %run_scoped3A_16[%swap3A_609, %swap3A_610], %mul3A_608 {strides = array<i32>} : memref<80x128xf32, #tpu.memory_space<vmem>>, vector<16xf32>,
            %get3A_612 = arith.index_cast %add3A_571 : i32 to index
            %get3A_613 = arith.constant 80 : index
            %get3A_614 = tpu.vector_load %run_scoped3A_16[%get3A_612, %get3A_613] {strides = array<i32>} : memref<80x128xf32, #tpu.memory_space<vmem>>, vector<16xf32>,
            %mul3A_615 = vector.broadcast %squeeze3A_567 : f32 to vector<16xf32>
            %mul3A_616 = arith.mulf %get3A_614, %mul3A_615 : vector<16xf32>
            %swap3A_617 = arith.index_cast %add3A_571 : i32 to index
            %swap3A_618 = arith.constant 80 : index
            %swap3A_619 = tpu.vector_load %run_scoped3A_16[%swap3A_617, %swap3A_618] {strides = array<i32>} : memref<80x128xf32, #tpu.memory_space<vmem>>, vector<16xf32>,
            tpu.vector_store %run_scoped3A_16[%swap3A_617, %swap3A_618], %mul3A_616 {strides = array<i32>} : memref<80x128xf32, #tpu.memory_space<vmem>>, vector<16xf32>,
            %get3A_620 = arith.index_cast %add3A_571 : i32 to index
            %get3A_621 = arith.constant 96 : index
            %get3A_622 = tpu.vector_load %run_scoped3A_16[%get3A_620, %get3A_621] {strides = array<i32>} : memref<80x128xf32, #tpu.memory_space<vmem>>, vector<16xf32>,
            %mul3A_623 = vector.broadcast %squeeze3A_567 : f32 to vector<16xf32>
            %mul3A_624 = arith.mulf %get3A_622, %mul3A_623 : vector<16xf32>
            %swap3A_625 = arith.index_cast %add3A_571 : i32 to index
            %swap3A_626 = arith.constant 96 : index
            %swap3A_627 = tpu.vector_load %run_scoped3A_16[%swap3A_625, %swap3A_626] {strides = array<i32>} : memref<80x128xf32, #tpu.memory_space<vmem>>, vector<16xf32>,
            tpu.vector_store %run_scoped3A_16[%swap3A_625, %swap3A_626], %mul3A_624 {strides = array<i32>} : memref<80x128xf32, #tpu.memory_space<vmem>>, vector<16xf32>,
            %get3A_628 = arith.index_cast %add3A_571 : i32 to index
            %get3A_629 = arith.constant 112 : index
            %get3A_630 = tpu.vector_load %run_scoped3A_16[%get3A_628, %get3A_629] {strides = array<i32>} : memref<80x128xf32, #tpu.memory_space<vmem>>, vector<16xf32>,
            %mul3A_631 = vector.broadcast %squeeze3A_567 : f32 to vector<16xf32>
            %mul3A_632 = arith.mulf %get3A_630, %mul3A_631 : vector<16xf32>
            %swap3A_633 = arith.index_cast %add3A_571 : i32 to index
            %swap3A_634 = arith.constant 112 : index
            %swap3A_635 = tpu.vector_load %run_scoped3A_16[%swap3A_633, %swap3A_634] {strides = array<i32>} : memref<80x128xf32, #tpu.memory_space<vmem>>, vector<16xf32>,
            tpu.vector_store %run_scoped3A_16[%swap3A_633, %swap3A_634], %mul3A_632 {strides = array<i32>} : memref<80x128xf32, #tpu.memory_space<vmem>>, vector<16xf32>,
            %slice3A_636 = vector.extract_strided_slice %get3A_148 {offsets = [7], sizes = [1], strides = [1]} : vector<16xf32> to vector<1xf32>
            %squeeze3A_637 = vector.extract %slice3A_636[0] : f32 from vector<1xf32>
            %mul3A_638 = arith.constant 16 : i32
            %mul3A_639 = arith.muli %scan3A_143, %mul3A_638 : i32
            %add3A_640 = arith.constant 7 : i32
            %add3A_641 = arith.addi %mul3A_639, %add3A_640 : i32
            %get3A_642 = arith.index_cast %add3A_641 : i32 to index
            %get3A_643 = arith.constant 0 : index
            %get3A_644 = tpu.vector_load %run_scoped3A_16[%get3A_642, %get3A_643] {strides = array<i32>} : memref<80x128xf32, #tpu.memory_space<vmem>>, vector<16xf32>,
            %mul3A_645 = vector.broadcast %squeeze3A_637 : f32 to vector<16xf32>
            %mul3A_646 = arith.mulf %get3A_644, %mul3A_645 : vector<16xf32>
            %swap3A_647 = arith.index_cast %add3A_641 : i32 to index
            %swap3A_648 = arith.constant 0 : index
            %swap3A_649 = tpu.vector_load %run_scoped3A_16[%swap3A_647, %swap3A_648] {strides = array<i32>} : memref<80x128xf32, #tpu.memory_space<vmem>>, vector<16xf32>,
            tpu.vector_store %run_scoped3A_16[%swap3A_647, %swap3A_648], %mul3A_646 {strides = array<i32>} : memref<80x128xf32, #tpu.memory_space<vmem>>, vector<16xf32>,
            %get3A_650 = arith.index_cast %add3A_641 : i32 to index
            %get3A_651 = arith.constant 16 : index
            %get3A_652 = tpu.vector_load %run_scoped3A_16[%get3A_650, %get3A_651] {strides = array<i32>} : memref<80x128xf32, #tpu.memory_space<vmem>>, vector<16xf32>,
            %mul3A_653 = vector.broadcast %squeeze3A_637 : f32 to vector<16xf32>
            %mul3A_654 = arith.mulf %get3A_652, %mul3A_653 : vector<16xf32>
            %swap3A_655 = arith.index_cast %add3A_641 : i32 to index
            %swap3A_656 = arith.constant 16 : index
            %swap3A_657 = tpu.vector_load %run_scoped3A_16[%swap3A_655, %swap3A_656] {strides = array<i32>} : memref<80x128xf32, #tpu.memory_space<vmem>>, vector<16xf32>,
            tpu.vector_store %run_scoped3A_16[%swap3A_655, %swap3A_656], %mul3A_654 {strides = array<i32>} : memref<80x128xf32, #tpu.memory_space<vmem>>, vector<16xf32>,
            %get3A_658 = arith.index_cast %add3A_641 : i32 to index
            %get3A_659 = arith.constant 32 : index
            %get3A_660 = tpu.vector_load %run_scoped3A_16[%get3A_658, %get3A_659] {strides = array<i32>} : memref<80x128xf32, #tpu.memory_space<vmem>>, vector<16xf32>,
            %mul3A_661 = vector.broadcast %squeeze3A_637 : f32 to vector<16xf32>
            %mul3A_662 = arith.mulf %get3A_660, %mul3A_661 : vector<16xf32>
            %swap3A_663 = arith.index_cast %add3A_641 : i32 to index
            %swap3A_664 = arith.constant 32 : index
            %swap3A_665 = tpu.vector_load %run_scoped3A_16[%swap3A_663, %swap3A_664] {strides = array<i32>} : memref<80x128xf32, #tpu.memory_space<vmem>>, vector<16xf32>,
            tpu.vector_store %run_scoped3A_16[%swap3A_663, %swap3A_664], %mul3A_662 {strides = array<i32>} : memref<80x128xf32, #tpu.memory_space<vmem>>, vector<16xf32>,
            %get3A_666 = arith.index_cast %add3A_641 : i32 to index
            %get3A_667 = arith.constant 48 : index
            %get3A_668 = tpu.vector_load %run_scoped3A_16[%get3A_666, %get3A_667] {strides = array<i32>} : memref<80x128xf32, #tpu.memory_space<vmem>>, vector<16xf32>,
            %mul3A_669 = vector.broadcast %squeeze3A_637 : f32 to vector<16xf32>
            %mul3A_670 = arith.mulf %get3A_668, %mul3A_669 : vector<16xf32>
            %swap3A_671 = arith.index_cast %add3A_641 : i32 to index
            %swap3A_672 = arith.constant 48 : index
            %swap3A_673 = tpu.vector_load %run_scoped3A_16[%swap3A_671, %swap3A_672] {strides = array<i32>} : memref<80x128xf32, #tpu.memory_space<vmem>>, vector<16xf32>,
            tpu.vector_store %run_scoped3A_16[%swap3A_671, %swap3A_672], %mul3A_670 {strides = array<i32>} : memref<80x128xf32, #tpu.memory_space<vmem>>, vector<16xf32>,
            %get3A_674 = arith.index_cast %add3A_641 : i32 to index
            %get3A_675 = arith.constant 64 : index
            %get3A_676 = tpu.vector_load %run_scoped3A_16[%get3A_674, %get3A_675] {strides = array<i32>} : memref<80x128xf32, #tpu.memory_space<vmem>>, vector<16xf32>,
            %mul3A_677 = vector.broadcast %squeeze3A_637 : f32 to vector<16xf32>
            %mul3A_678 = arith.mulf %get3A_676, %mul3A_677 : vector<16xf32>
            %swap3A_679 = arith.index_cast %add3A_641 : i32 to index
            %swap3A_680 = arith.constant 64 : index
            %swap3A_681 = tpu.vector_load %run_scoped3A_16[%swap3A_679, %swap3A_680] {strides = array<i32>} : memref<80x128xf32, #tpu.memory_space<vmem>>, vector<16xf32>,
            tpu.vector_store %run_scoped3A_16[%swap3A_679, %swap3A_680], %mul3A_678 {strides = array<i32>} : memref<80x128xf32, #tpu.memory_space<vmem>>, vector<16xf32>,
            %get3A_682 = arith.index_cast %add3A_641 : i32 to index
            %get3A_683 = arith.constant 80 : index
            %get3A_684 = tpu.vector_load %run_scoped3A_16[%get3A_682, %get3A_683] {strides = array<i32>} : memref<80x128xf32, #tpu.memory_space<vmem>>, vector<16xf32>,
            %mul3A_685 = vector.broadcast %squeeze3A_637 : f32 to vector<16xf32>
            %mul3A_686 = arith.mulf %get3A_684, %mul3A_685 : vector<16xf32>
            %swap3A_687 = arith.index_cast %add3A_641 : i32 to index
            %swap3A_688 = arith.constant 80 : index
            %swap3A_689 = tpu.vector_load %run_scoped3A_16[%swap3A_687, %swap3A_688] {strides = array<i32>} : memref<80x128xf32, #tpu.memory_space<vmem>>, vector<16xf32>,
            tpu.vector_store %run_scoped3A_16[%swap3A_687, %swap3A_688], %mul3A_686 {strides = array<i32>} : memref<80x128xf32, #tpu.memory_space<vmem>>, vector<16xf32>,
            %get3A_690 = arith.index_cast %add3A_641 : i32 to index
            %get3A_691 = arith.constant 96 : index
            %get3A_692 = tpu.vector_load %run_scoped3A_16[%get3A_690, %get3A_691] {strides = array<i32>} : memref<80x128xf32, #tpu.memory_space<vmem>>, vector<16xf32>,
            %mul3A_693 = vector.broadcast %squeeze3A_637 : f32 to vector<16xf32>
            %mul3A_694 = arith.mulf %get3A_692, %mul3A_693 : vector<16xf32>
            %swap3A_695 = arith.index_cast %add3A_641 : i32 to index
            %swap3A_696 = arith.constant 96 : index
            %swap3A_697 = tpu.vector_load %run_scoped3A_16[%swap3A_695, %swap3A_696] {strides = array<i32>} : memref<80x128xf32, #tpu.memory_space<vmem>>, vector<16xf32>,
            tpu.vector_store %run_scoped3A_16[%swap3A_695, %swap3A_696], %mul3A_694 {strides = array<i32>} : memref<80x128xf32, #tpu.memory_space<vmem>>, vector<16xf32>,
            %get3A_698 = arith.index_cast %add3A_641 : i32 to index
            %get3A_699 = arith.constant 112 : index
            %get3A_700 = tpu.vector_load %run_scoped3A_16[%get3A_698, %get3A_699] {strides = array<i32>} : memref<80x128xf32, #tpu.memory_space<vmem>>, vector<16xf32>,
            %mul3A_701 = vector.broadcast %squeeze3A_637 : f32 to vector<16xf32>
            %mul3A_702 = arith.mulf %get3A_700, %mul3A_701 : vector<16xf32>
            %swap3A_703 = arith.index_cast %add3A_641 : i32 to index
            %swap3A_704 = arith.constant 112 : index
            %swap3A_705 = tpu.vector_load %run_scoped3A_16[%swap3A_703, %swap3A_704] {strides = array<i32>} : memref<80x128xf32, #tpu.memory_space<vmem>>, vector<16xf32>,
            tpu.vector_store %run_scoped3A_16[%swap3A_703, %swap3A_704], %mul3A_702 {strides = array<i32>} : memref<80x128xf32, #tpu.memory_space<vmem>>, vector<16xf32>,
            %slice3A_706 = vector.extract_strided_slice %get3A_148 {offsets = [8], sizes = [1], strides = [1]} : vector<16xf32> to vector<1xf32>
            %squeeze3A_707 = vector.extract %slice3A_706[0] : f32 from vector<1xf32>
            %mul3A_708 = arith.constant 16 : i32
            %mul3A_709 = arith.muli %scan3A_143, %mul3A_708 : i32
            %add3A_710 = arith.constant 8 : i32
            %add3A_711 = arith.addi %mul3A_709, %add3A_710 : i32
            %get3A_712 = arith.index_cast %add3A_711 : i32 to index
            %get3A_713 = arith.constant 0 : index
            %get3A_714 = tpu.vector_load %run_scoped3A_16[%get3A_712, %get3A_713] {strides = array<i32>} : memref<80x128xf32, #tpu.memory_space<vmem>>, vector<16xf32>,
            %mul3A_715 = vector.broadcast %squeeze3A_707 : f32 to vector<16xf32>
            %mul3A_716 = arith.mulf %get3A_714, %mul3A_715 : vector<16xf32>
            %swap3A_717 = arith.index_cast %add3A_711 : i32 to index
            %swap3A_718 = arith.constant 0 : index
            %swap3A_719 = tpu.vector_load %run_scoped3A_16[%swap3A_717, %swap3A_718] {strides = array<i32>} : memref<80x128xf32, #tpu.memory_space<vmem>>, vector<16xf32>,
            tpu.vector_store %run_scoped3A_16[%swap3A_717, %swap3A_718], %mul3A_716 {strides = array<i32>} : memref<80x128xf32, #tpu.memory_space<vmem>>, vector<16xf32>,
            %get3A_720 = arith.index_cast %add3A_711 : i32 to index
            %get3A_721 = arith.constant 16 : index
            %get3A_722 = tpu.vector_load %run_scoped3A_16[%get3A_720, %get3A_721] {strides = array<i32>} : memref<80x128xf32, #tpu.memory_space<vmem>>, vector<16xf32>,
            %mul3A_723 = vector.broadcast %squeeze3A_707 : f32 to vector<16xf32>
            %mul3A_724 = arith.mulf %get3A_722, %mul3A_723 : vector<16xf32>
            %swap3A_725 = arith.index_cast %add3A_711 : i32 to index
            %swap3A_726 = arith.constant 16 : index
            %swap3A_727 = tpu.vector_load %run_scoped3A_16[%swap3A_725, %swap3A_726] {strides = array<i32>} : memref<80x128xf32, #tpu.memory_space<vmem>>, vector<16xf32>,
            tpu.vector_store %run_scoped3A_16[%swap3A_725, %swap3A_726], %mul3A_724 {strides = array<i32>} : memref<80x128xf32, #tpu.memory_space<vmem>>, vector<16xf32>,
            %get3A_728 = arith.index_cast %add3A_711 : i32 to index
            %get3A_729 = arith.constant 32 : index
            %get3A_730 = tpu.vector_load %run_scoped3A_16[%get3A_728, %get3A_729] {strides = array<i32>} : memref<80x128xf32, #tpu.memory_space<vmem>>, vector<16xf32>,
            %mul3A_731 = vector.broadcast %squeeze3A_707 : f32 to vector<16xf32>
            %mul3A_732 = arith.mulf %get3A_730, %mul3A_731 : vector<16xf32>
            %swap3A_733 = arith.index_cast %add3A_711 : i32 to index
            %swap3A_734 = arith.constant 32 : index
            %swap3A_735 = tpu.vector_load %run_scoped3A_16[%swap3A_733, %swap3A_734] {strides = array<i32>} : memref<80x128xf32, #tpu.memory_space<vmem>>, vector<16xf32>,
            tpu.vector_store %run_scoped3A_16[%swap3A_733, %swap3A_734], %mul3A_732 {strides = array<i32>} : memref<80x128xf32, #tpu.memory_space<vmem>>, vector<16xf32>,
            %get3A_736 = arith.index_cast %add3A_711 : i32 to index
            %get3A_737 = arith.constant 48 : index
            %get3A_738 = tpu.vector_load %run_scoped3A_16[%get3A_736, %get3A_737] {strides = array<i32>} : memref<80x128xf32, #tpu.memory_space<vmem>>, vector<16xf32>,
            %mul3A_739 = vector.broadcast %squeeze3A_707 : f32 to vector<16xf32>
            %mul3A_740 = arith.mulf %get3A_738, %mul3A_739 : vector<16xf32>
            %swap3A_741 = arith.index_cast %add3A_711 : i32 to index
            %swap3A_742 = arith.constant 48 : index
            %swap3A_743 = tpu.vector_load %run_scoped3A_16[%swap3A_741, %swap3A_742] {strides = array<i32>} : memref<80x128xf32, #tpu.memory_space<vmem>>, vector<16xf32>,
            tpu.vector_store %run_scoped3A_16[%swap3A_741, %swap3A_742], %mul3A_740 {strides = array<i32>} : memref<80x128xf32, #tpu.memory_space<vmem>>, vector<16xf32>,
            %get3A_744 = arith.index_cast %add3A_711 : i32 to index
            %get3A_745 = arith.constant 64 : index
            %get3A_746 = tpu.vector_load %run_scoped3A_16[%get3A_744, %get3A_745] {strides = array<i32>} : memref<80x128xf32, #tpu.memory_space<vmem>>, vector<16xf32>,
            %mul3A_747 = vector.broadcast %squeeze3A_707 : f32 to vector<16xf32>
            %mul3A_748 = arith.mulf %get3A_746, %mul3A_747 : vector<16xf32>
            %swap3A_749 = arith.index_cast %add3A_711 : i32 to index
            %swap3A_750 = arith.constant 64 : index
            %swap3A_751 = tpu.vector_load %run_scoped3A_16[%swap3A_749, %swap3A_750] {strides = array<i32>} : memref<80x128xf32, #tpu.memory_space<vmem>>, vector<16xf32>,
            tpu.vector_store %run_scoped3A_16[%swap3A_749, %swap3A_750], %mul3A_748 {strides = array<i32>} : memref<80x128xf32, #tpu.memory_space<vmem>>, vector<16xf32>,
            %get3A_752 = arith.index_cast %add3A_711 : i32 to index
            %get3A_753 = arith.constant 80 : index
            %get3A_754 = tpu.vector_load %run_scoped3A_16[%get3A_752, %get3A_753] {strides = array<i32>} : memref<80x128xf32, #tpu.memory_space<vmem>>, vector<16xf32>,
            %mul3A_755 = vector.broadcast %squeeze3A_707 : f32 to vector<16xf32>
            %mul3A_756 = arith.mulf %get3A_754, %mul3A_755 : vector<16xf32>
            %swap3A_757 = arith.index_cast %add3A_711 : i32 to index
            %swap3A_758 = arith.constant 80 : index
            %swap3A_759 = tpu.vector_load %run_scoped3A_16[%swap3A_757, %swap3A_758] {strides = array<i32>} : memref<80x128xf32, #tpu.memory_space<vmem>>, vector<16xf32>,
            tpu.vector_store %run_scoped3A_16[%swap3A_757, %swap3A_758], %mul3A_756 {strides = array<i32>} : memref<80x128xf32, #tpu.memory_space<vmem>>, vector<16xf32>,
            %get3A_760 = arith.index_cast %add3A_711 : i32 to index
            %get3A_761 = arith.constant 96 : index
            %get3A_762 = tpu.vector_load %run_scoped3A_16[%get3A_760, %get3A_761] {strides = array<i32>} : memref<80x128xf32, #tpu.memory_space<vmem>>, vector<16xf32>,
            %mul3A_763 = vector.broadcast %squeeze3A_707 : f32 to vector<16xf32>
            %mul3A_764 = arith.mulf %get3A_762, %mul3A_763 : vector<16xf32>
            %swap3A_765 = arith.index_cast %add3A_711 : i32 to index
            %swap3A_766 = arith.constant 96 : index
            %swap3A_767 = tpu.vector_load %run_scoped3A_16[%swap3A_765, %swap3A_766] {strides = array<i32>} : memref<80x128xf32, #tpu.memory_space<vmem>>, vector<16xf32>,
            tpu.vector_store %run_scoped3A_16[%swap3A_765, %swap3A_766], %mul3A_764 {strides = array<i32>} : memref<80x128xf32, #tpu.memory_space<vmem>>, vector<16xf32>,
            %get3A_768 = arith.index_cast %add3A_711 : i32 to index
            %get3A_769 = arith.constant 112 : index
            %get3A_770 = tpu.vector_load %run_scoped3A_16[%get3A_768, %get3A_769] {strides = array<i32>} : memref<80x128xf32, #tpu.memory_space<vmem>>, vector<16xf32>,
            %mul3A_771 = vector.broadcast %squeeze3A_707 : f32 to vector<16xf32>
            %mul3A_772 = arith.mulf %get3A_770, %mul3A_771 : vector<16xf32>
            %swap3A_773 = arith.index_cast %add3A_711 : i32 to index
            %swap3A_774 = arith.constant 112 : index
            %swap3A_775 = tpu.vector_load %run_scoped3A_16[%swap3A_773, %swap3A_774] {strides = array<i32>} : memref<80x128xf32, #tpu.memory_space<vmem>>, vector<16xf32>,
            tpu.vector_store %run_scoped3A_16[%swap3A_773, %swap3A_774], %mul3A_772 {strides = array<i32>} : memref<80x128xf32, #tpu.memory_space<vmem>>, vector<16xf32>,
            %slice3A_776 = vector.extract_strided_slice %get3A_148 {offsets = [9], sizes = [1], strides = [1]} : vector<16xf32> to vector<1xf32>
            %squeeze3A_777 = vector.extract %slice3A_776[0] : f32 from vector<1xf32>
            %mul3A_778 = arith.constant 16 : i32
            %mul3A_779 = arith.muli %scan3A_143, %mul3A_778 : i32
            %add3A_780 = arith.constant 9 : i32
            %add3A_781 = arith.addi %mul3A_779, %add3A_780 : i32
            %get3A_782 = arith.index_cast %add3A_781 : i32 to index
            %get3A_783 = arith.constant 0 : index
            %get3A_784 = tpu.vector_load %run_scoped3A_16[%get3A_782, %get3A_783] {strides = array<i32>} : memref<80x128xf32, #tpu.memory_space<vmem>>, vector<16xf32>,
            %mul3A_785 = vector.broadcast %squeeze3A_777 : f32 to vector<16xf32>
            %mul3A_786 = arith.mulf %get3A_784, %mul3A_785 : vector<16xf32>
            %swap3A_787 = arith.index_cast %add3A_781 : i32 to index
            %swap3A_788 = arith.constant 0 : index
            %swap3A_789 = tpu.vector_load %run_scoped3A_16[%swap3A_787, %swap3A_788] {strides = array<i32>} : memref<80x128xf32, #tpu.memory_space<vmem>>, vector<16xf32>,
            tpu.vector_store %run_scoped3A_16[%swap3A_787, %swap3A_788], %mul3A_786 {strides = array<i32>} : memref<80x128xf32, #tpu.memory_space<vmem>>, vector<16xf32>,
            %get3A_790 = arith.index_cast %add3A_781 : i32 to index
            %get3A_791 = arith.constant 16 : index
            %get3A_792 = tpu.vector_load %run_scoped3A_16[%get3A_790, %get3A_791] {strides = array<i32>} : memref<80x128xf32, #tpu.memory_space<vmem>>, vector<16xf32>,
            %mul3A_793 = vector.broadcast %squeeze3A_777 : f32 to vector<16xf32>
            %mul3A_794 = arith.mulf %get3A_792, %mul3A_793 : vector<16xf32>
            %swap3A_795 = arith.index_cast %add3A_781 : i32 to index
            %swap3A_796 = arith.constant 16 : index
            %swap3A_797 = tpu.vector_load %run_scoped3A_16[%swap3A_795, %swap3A_796] {strides = array<i32>} : memref<80x128xf32, #tpu.memory_space<vmem>>, vector<16xf32>,
            tpu.vector_store %run_scoped3A_16[%swap3A_795, %swap3A_796], %mul3A_794 {strides = array<i32>} : memref<80x128xf32, #tpu.memory_space<vmem>>, vector<16xf32>,
            %get3A_798 = arith.index_cast %add3A_781 : i32 to index
            %get3A_799 = arith.constant 32 : index
            %get3A_800 = tpu.vector_load %run_scoped3A_16[%get3A_798, %get3A_799] {strides = array<i32>} : memref<80x128xf32, #tpu.memory_space<vmem>>, vector<16xf32>,
            %mul3A_801 = vector.broadcast %squeeze3A_777 : f32 to vector<16xf32>
            %mul3A_802 = arith.mulf %get3A_800, %mul3A_801 : vector<16xf32>
            %swap3A_803 = arith.index_cast %add3A_781 : i32 to index
            %swap3A_804 = arith.constant 32 : index
            %swap3A_805 = tpu.vector_load %run_scoped3A_16[%swap3A_803, %swap3A_804] {strides = array<i32>} : memref<80x128xf32, #tpu.memory_space<vmem>>, vector<16xf32>,
            tpu.vector_store %run_scoped3A_16[%swap3A_803, %swap3A_804], %mul3A_802 {strides = array<i32>} : memref<80x128xf32, #tpu.memory_space<vmem>>, vector<16xf32>,
            %get3A_806 = arith.index_cast %add3A_781 : i32 to index
            %get3A_807 = arith.constant 48 : index
            %get3A_808 = tpu.vector_load %run_scoped3A_16[%get3A_806, %get3A_807] {strides = array<i32>} : memref<80x128xf32, #tpu.memory_space<vmem>>, vector<16xf32>,
            %mul3A_809 = vector.broadcast %squeeze3A_777 : f32 to vector<16xf32>
            %mul3A_810 = arith.mulf %get3A_808, %mul3A_809 : vector<16xf32>
            %swap3A_811 = arith.index_cast %add3A_781 : i32 to index
            %swap3A_812 = arith.constant 48 : index
            %swap3A_813 = tpu.vector_load %run_scoped3A_16[%swap3A_811, %swap3A_812] {strides = array<i32>} : memref<80x128xf32, #tpu.memory_space<vmem>>, vector<16xf32>,
            tpu.vector_store %run_scoped3A_16[%swap3A_811, %swap3A_812], %mul3A_810 {strides = array<i32>} : memref<80x128xf32, #tpu.memory_space<vmem>>, vector<16xf32>,
            %get3A_814 = arith.index_cast %add3A_781 : i32 to index
            %get3A_815 = arith.constant 64 : index
            %get3A_816 = tpu.vector_load %run_scoped3A_16[%get3A_814, %get3A_815] {strides = array<i32>} : memref<80x128xf32, #tpu.memory_space<vmem>>, vector<16xf32>,
            %mul3A_817 = vector.broadcast %squeeze3A_777 : f32 to vector<16xf32>
            %mul3A_818 = arith.mulf %get3A_816, %mul3A_817 : vector<16xf32>
            %swap3A_819 = arith.index_cast %add3A_781 : i32 to index
            %swap3A_820 = arith.constant 64 : index
            %swap3A_821 = tpu.vector_load %run_scoped3A_16[%swap3A_819, %swap3A_820] {strides = array<i32>} : memref<80x128xf32, #tpu.memory_space<vmem>>, vector<16xf32>,
            tpu.vector_store %run_scoped3A_16[%swap3A_819, %swap3A_820], %mul3A_818 {strides = array<i32>} : memref<80x128xf32, #tpu.memory_space<vmem>>, vector<16xf32>,
            %get3A_822 = arith.index_cast %add3A_781 : i32 to index
            %get3A_823 = arith.constant 80 : index
            %get3A_824 = tpu.vector_load %run_scoped3A_16[%get3A_822, %get3A_823] {strides = array<i32>} : memref<80x128xf32, #tpu.memory_space<vmem>>, vector<16xf32>,
            %mul3A_825 = vector.broadcast %squeeze3A_777 : f32 to vector<16xf32>
            %mul3A_826 = arith.mulf %get3A_824, %mul3A_825 : vector<16xf32>
            %swap3A_827 = arith.index_cast %add3A_781 : i32 to index
            %swap3A_828 = arith.constant 80 : index
            %swap3A_829 = tpu.vector_load %run_scoped3A_16[%swap3A_827, %swap3A_828] {strides = array<i32>} : memref<80x128xf32, #tpu.memory_space<vmem>>, vector<16xf32>,
            tpu.vector_store %run_scoped3A_16[%swap3A_827, %swap3A_828], %mul3A_826 {strides = array<i32>} : memref<80x128xf32, #tpu.memory_space<vmem>>, vector<16xf32>,
            %get3A_830 = arith.index_cast %add3A_781 : i32 to index
            %get3A_831 = arith.constant 96 : index
            %get3A_832 = tpu.vector_load %run_scoped3A_16[%get3A_830, %get3A_831] {strides = array<i32>} : memref<80x128xf32, #tpu.memory_space<vmem>>, vector<16xf32>,
            %mul3A_833 = vector.broadcast %squeeze3A_777 : f32 to vector<16xf32>
            %mul3A_834 = arith.mulf %get3A_832, %mul3A_833 : vector<16xf32>
            %swap3A_835 = arith.index_cast %add3A_781 : i32 to index
            %swap3A_836 = arith.constant 96 : index
            %swap3A_837 = tpu.vector_load %run_scoped3A_16[%swap3A_835, %swap3A_836] {strides = array<i32>} : memref<80x128xf32, #tpu.memory_space<vmem>>, vector<16xf32>,
            tpu.vector_store %run_scoped3A_16[%swap3A_835, %swap3A_836], %mul3A_834 {strides = array<i32>} : memref<80x128xf32, #tpu.memory_space<vmem>>, vector<16xf32>,
            %get3A_838 = arith.index_cast %add3A_781 : i32 to index
            %get3A_839 = arith.constant 112 : index
            %get3A_840 = tpu.vector_load %run_scoped3A_16[%get3A_838, %get3A_839] {strides = array<i32>} : memref<80x128xf32, #tpu.memory_space<vmem>>, vector<16xf32>,
            %mul3A_841 = vector.broadcast %squeeze3A_777 : f32 to vector<16xf32>
            %mul3A_842 = arith.mulf %get3A_840, %mul3A_841 : vector<16xf32>
            %swap3A_843 = arith.index_cast %add3A_781 : i32 to index
            %swap3A_844 = arith.constant 112 : index
            %swap3A_845 = tpu.vector_load %run_scoped3A_16[%swap3A_843, %swap3A_844] {strides = array<i32>} : memref<80x128xf32, #tpu.memory_space<vmem>>, vector<16xf32>,
            tpu.vector_store %run_scoped3A_16[%swap3A_843, %swap3A_844], %mul3A_842 {strides = array<i32>} : memref<80x128xf32, #tpu.memory_space<vmem>>, vector<16xf32>,
            %slice3A_846 = vector.extract_strided_slice %get3A_148 {offsets = [10], sizes = [1], strides = [1]} : vector<16xf32> to vector<1xf32>
            %squeeze3A_847 = vector.extract %slice3A_846[0] : f32 from vector<1xf32>
            %mul3A_848 = arith.constant 16 : i32
            %mul3A_849 = arith.muli %scan3A_143, %mul3A_848 : i32
            %add3A_850 = arith.constant 10 : i32
            %add3A_851 = arith.addi %mul3A_849, %add3A_850 : i32
            %get3A_852 = arith.index_cast %add3A_851 : i32 to index
            %get3A_853 = arith.constant 0 : index
            %get3A_854 = tpu.vector_load %run_scoped3A_16[%get3A_852, %get3A_853] {strides = array<i32>} : memref<80x128xf32, #tpu.memory_space<vmem>>, vector<16xf32>,
            %mul3A_855 = vector.broadcast %squeeze3A_847 : f32 to vector<16xf32>
            %mul3A_856 = arith.mulf %get3A_854, %mul3A_855 : vector<16xf32>
            %swap3A_857 = arith.index_cast %add3A_851 : i32 to index
            %swap3A_858 = arith.constant 0 : index
            %swap3A_859 = tpu.vector_load %run_scoped3A_16[%swap3A_857, %swap3A_858] {strides = array<i32>} : memref<80x128xf32, #tpu.memory_space<vmem>>, vector<16xf32>,
            tpu.vector_store %run_scoped3A_16[%swap3A_857, %swap3A_858], %mul3A_856 {strides = array<i32>} : memref<80x128xf32, #tpu.memory_space<vmem>>, vector<16xf32>,
            %get3A_860 = arith.index_cast %add3A_851 : i32 to index
            %get3A_861 = arith.constant 16 : index
            %get3A_862 = tpu.vector_load %run_scoped3A_16[%get3A_860, %get3A_861] {strides = array<i32>} : memref<80x128xf32, #tpu.memory_space<vmem>>, vector<16xf32>,
            %mul3A_863 = vector.broadcast %squeeze3A_847 : f32 to vector<16xf32>
            %mul3A_864 = arith.mulf %get3A_862, %mul3A_863 : vector<16xf32>
            %swap3A_865 = arith.index_cast %add3A_851 : i32 to index
            %swap3A_866 = arith.constant 16 : index
            %swap3A_867 = tpu.vector_load %run_scoped3A_16[%swap3A_865, %swap3A_866] {strides = array<i32>} : memref<80x128xf32, #tpu.memory_space<vmem>>, vector<16xf32>,
            tpu.vector_store %run_scoped3A_16[%swap3A_865, %swap3A_866], %mul3A_864 {strides = array<i32>} : memref<80x128xf32, #tpu.memory_space<vmem>>, vector<16xf32>,
            %get3A_868 = arith.index_cast %add3A_851 : i32 to index
            %get3A_869 = arith.constant 32 : index
            %get3A_870 = tpu.vector_load %run_scoped3A_16[%get3A_868, %get3A_869] {strides = array<i32>} : memref<80x128xf32, #tpu.memory_space<vmem>>, vector<16xf32>,
            %mul3A_871 = vector.broadcast %squeeze3A_847 : f32 to vector<16xf32>
            %mul3A_872 = arith.mulf %get3A_870, %mul3A_871 : vector<16xf32>
            %swap3A_873 = arith.index_cast %add3A_851 : i32 to index
            %swap3A_874 = arith.constant 32 : index
            %swap3A_875 = tpu.vector_load %run_scoped3A_16[%swap3A_873, %swap3A_874] {strides = array<i32>} : memref<80x128xf32, #tpu.memory_space<vmem>>, vector<16xf32>,
            tpu.vector_store %run_scoped3A_16[%swap3A_873, %swap3A_874], %mul3A_872 {strides = array<i32>} : memref<80x128xf32, #tpu.memory_space<vmem>>, vector<16xf32>,
            %get3A_876 = arith.index_cast %add3A_851 : i32 to index
            %get3A_877 = arith.constant 48 : index
            %get3A_878 = tpu.vector_load %run_scoped3A_16[%get3A_876, %get3A_877] {strides = array<i32>} : memref<80x128xf32, #tpu.memory_space<vmem>>, vector<16xf32>,
            %mul3A_879 = vector.broadcast %squeeze3A_847 : f32 to vector<16xf32>
            %mul3A_880 = arith.mulf %get3A_878, %mul3A_879 : vector<16xf32>
            %swap3A_881 = arith.index_cast %add3A_851 : i32 to index
            %swap3A_882 = arith.constant 48 : index
            %swap3A_883 = tpu.vector_load %run_scoped3A_16[%swap3A_881, %swap3A_882] {strides = array<i32>} : memref<80x128xf32, #tpu.memory_space<vmem>>, vector<16xf32>,
            tpu.vector_store %run_scoped3A_16[%swap3A_881, %swap3A_882], %mul3A_880 {strides = array<i32>} : memref<80x128xf32, #tpu.memory_space<vmem>>, vector<16xf32>,
            %get3A_884 = arith.index_cast %add3A_851 : i32 to index
            %get3A_885 = arith.constant 64 : index
            %get3A_886 = tpu.vector_load %run_scoped3A_16[%get3A_884, %get3A_885] {strides = array<i32>} : memref<80x128xf32, #tpu.memory_space<vmem>>, vector<16xf32>,
            %mul3A_887 = vector.broadcast %squeeze3A_847 : f32 to vector<16xf32>
            %mul3A_888 = arith.mulf %get3A_886, %mul3A_887 : vector<16xf32>
            %swap3A_889 = arith.index_cast %add3A_851 : i32 to index
            %swap3A_890 = arith.constant 64 : index
            %swap3A_891 = tpu.vector_load %run_scoped3A_16[%swap3A_889, %swap3A_890] {strides = array<i32>} : memref<80x128xf32, #tpu.memory_space<vmem>>, vector<16xf32>,
            tpu.vector_store %run_scoped3A_16[%swap3A_889, %swap3A_890], %mul3A_888 {strides = array<i32>} : memref<80x128xf32, #tpu.memory_space<vmem>>, vector<16xf32>,
            %get3A_892 = arith.index_cast %add3A_851 : i32 to index
            %get3A_893 = arith.constant 80 : index
            %get3A_894 = tpu.vector_load %run_scoped3A_16[%get3A_892, %get3A_893] {strides = array<i32>} : memref<80x128xf32, #tpu.memory_space<vmem>>, vector<16xf32>,
            %mul3A_895 = vector.broadcast %squeeze3A_847 : f32 to vector<16xf32>
            %mul3A_896 = arith.mulf %get3A_894, %mul3A_895 : vector<16xf32>
            %swap3A_897 = arith.index_cast %add3A_851 : i32 to index
            %swap3A_898 = arith.constant 80 : index
            %swap3A_899 = tpu.vector_load %run_scoped3A_16[%swap3A_897, %swap3A_898] {strides = array<i32>} : memref<80x128xf32, #tpu.memory_space<vmem>>, vector<16xf32>,
            tpu.vector_store %run_scoped3A_16[%swap3A_897, %swap3A_898], %mul3A_896 {strides = array<i32>} : memref<80x128xf32, #tpu.memory_space<vmem>>, vector<16xf32>,
            %get3A_900 = arith.index_cast %add3A_851 : i32 to index
            %get3A_901 = arith.constant 96 : index
            %get3A_902 = tpu.vector_load %run_scoped3A_16[%get3A_900, %get3A_901] {strides = array<i32>} : memref<80x128xf32, #tpu.memory_space<vmem>>, vector<16xf32>,
            %mul3A_903 = vector.broadcast %squeeze3A_847 : f32 to vector<16xf32>
            %mul3A_904 = arith.mulf %get3A_902, %mul3A_903 : vector<16xf32>
            %swap3A_905 = arith.index_cast %add3A_851 : i32 to index
            %swap3A_906 = arith.constant 96 : index
            %swap3A_907 = tpu.vector_load %run_scoped3A_16[%swap3A_905, %swap3A_906] {strides = array<i32>} : memref<80x128xf32, #tpu.memory_space<vmem>>, vector<16xf32>,
            tpu.vector_store %run_scoped3A_16[%swap3A_905, %swap3A_906], %mul3A_904 {strides = array<i32>} : memref<80x128xf32, #tpu.memory_space<vmem>>, vector<16xf32>,
            %get3A_908 = arith.index_cast %add3A_851 : i32 to index
            %get3A_909 = arith.constant 112 : index
            %get3A_910 = tpu.vector_load %run_scoped3A_16[%get3A_908, %get3A_909] {strides = array<i32>} : memref<80x128xf32, #tpu.memory_space<vmem>>, vector<16xf32>,
            %mul3A_911 = vector.broadcast %squeeze3A_847 : f32 to vector<16xf32>
            %mul3A_912 = arith.mulf %get3A_910, %mul3A_911 : vector<16xf32>
            %swap3A_913 = arith.index_cast %add3A_851 : i32 to index
            %swap3A_914 = arith.constant 112 : index
            %swap3A_915 = tpu.vector_load %run_scoped3A_16[%swap3A_913, %swap3A_914] {strides = array<i32>} : memref<80x128xf32, #tpu.memory_space<vmem>>, vector<16xf32>,
            tpu.vector_store %run_scoped3A_16[%swap3A_913, %swap3A_914], %mul3A_912 {strides = array<i32>} : memref<80x128xf32, #tpu.memory_space<vmem>>, vector<16xf32>,
            %slice3A_916 = vector.extract_strided_slice %get3A_148 {offsets = [11], sizes = [1], strides = [1]} : vector<16xf32> to vector<1xf32>
            %squeeze3A_917 = vector.extract %slice3A_916[0] : f32 from vector<1xf32>
            %mul3A_918 = arith.constant 16 : i32
            %mul3A_919 = arith.muli %scan3A_143, %mul3A_918 : i32
            %add3A_920 = arith.constant 11 : i32
            %add3A_921 = arith.addi %mul3A_919, %add3A_920 : i32
            %get3A_922 = arith.index_cast %add3A_921 : i32 to index
            %get3A_923 = arith.constant 0 : index
            %get3A_924 = tpu.vector_load %run_scoped3A_16[%get3A_922, %get3A_923] {strides = array<i32>} : memref<80x128xf32, #tpu.memory_space<vmem>>, vector<16xf32>,
            %mul3A_925 = vector.broadcast %squeeze3A_917 : f32 to vector<16xf32>
            %mul3A_926 = arith.mulf %get3A_924, %mul3A_925 : vector<16xf32>
            %swap3A_927 = arith.index_cast %add3A_921 : i32 to index
            %swap3A_928 = arith.constant 0 : index
            %swap3A_929 = tpu.vector_load %run_scoped3A_16[%swap3A_927, %swap3A_928] {strides = array<i32>} : memref<80x128xf32, #tpu.memory_space<vmem>>, vector<16xf32>,
            tpu.vector_store %run_scoped3A_16[%swap3A_927, %swap3A_928], %mul3A_926 {strides = array<i32>} : memref<80x128xf32, #tpu.memory_space<vmem>>, vector<16xf32>,
            %get3A_930 = arith.index_cast %add3A_921 : i32 to index
            %get3A_931 = arith.constant 16 : index
            %get3A_932 = tpu.vector_load %run_scoped3A_16[%get3A_930, %get3A_931] {strides = array<i32>} : memref<80x128xf32, #tpu.memory_space<vmem>>, vector<16xf32>,
            %mul3A_933 = vector.broadcast %squeeze3A_917 : f32 to vector<16xf32>
            %mul3A_934 = arith.mulf %get3A_932, %mul3A_933 : vector<16xf32>
            %swap3A_935 = arith.index_cast %add3A_921 : i32 to index
            %swap3A_936 = arith.constant 16 : index
            %swap3A_937 = tpu.vector_load %run_scoped3A_16[%swap3A_935, %swap3A_936] {strides = array<i32>} : memref<80x128xf32, #tpu.memory_space<vmem>>, vector<16xf32>,
            tpu.vector_store %run_scoped3A_16[%swap3A_935, %swap3A_936], %mul3A_934 {strides = array<i32>} : memref<80x128xf32, #tpu.memory_space<vmem>>, vector<16xf32>,
            %get3A_938 = arith.index_cast %add3A_921 : i32 to index
            %get3A_939 = arith.constant 32 : index
            %get3A_940 = tpu.vector_load %run_scoped3A_16[%get3A_938, %get3A_939] {strides = array<i32>} : memref<80x128xf32, #tpu.memory_space<vmem>>, vector<16xf32>,
            %mul3A_941 = vector.broadcast %squeeze3A_917 : f32 to vector<16xf32>
            %mul3A_942 = arith.mulf %get3A_940, %mul3A_941 : vector<16xf32>
            %swap3A_943 = arith.index_cast %add3A_921 : i32 to index
            %swap3A_944 = arith.constant 32 : index
            %swap3A_945 = tpu.vector_load %run_scoped3A_16[%swap3A_943, %swap3A_944] {strides = array<i32>} : memref<80x128xf32, #tpu.memory_space<vmem>>, vector<16xf32>,
            tpu.vector_store %run_scoped3A_16[%swap3A_943, %swap3A_944], %mul3A_942 {strides = array<i32>} : memref<80x128xf32, #tpu.memory_space<vmem>>, vector<16xf32>,
            %get3A_946 = arith.index_cast %add3A_921 : i32 to index
            %get3A_947 = arith.constant 48 : index
            %get3A_948 = tpu.vector_load %run_scoped3A_16[%get3A_946, %get3A_947] {strides = array<i32>} : memref<80x128xf32, #tpu.memory_space<vmem>>, vector<16xf32>,
            %mul3A_949 = vector.broadcast %squeeze3A_917 : f32 to vector<16xf32>
            %mul3A_950 = arith.mulf %get3A_948, %mul3A_949 : vector<16xf32>
            %swap3A_951 = arith.index_cast %add3A_921 : i32 to index
            %swap3A_952 = arith.constant 48 : index
            %swap3A_953 = tpu.vector_load %run_scoped3A_16[%swap3A_951, %swap3A_952] {strides = array<i32>} : memref<80x128xf32, #tpu.memory_space<vmem>>, vector<16xf32>,
            tpu.vector_store %run_scoped3A_16[%swap3A_951, %swap3A_952], %mul3A_950 {strides = array<i32>} : memref<80x128xf32, #tpu.memory_space<vmem>>, vector<16xf32>,
            %get3A_954 = arith.index_cast %add3A_921 : i32 to index
            %get3A_955 = arith.constant 64 : index
            %get3A_956 = tpu.vector_load %run_scoped3A_16[%get3A_954, %get3A_955] {strides = array<i32>} : memref<80x128xf32, #tpu.memory_space<vmem>>, vector<16xf32>,
            %mul3A_957 = vector.broadcast %squeeze3A_917 : f32 to vector<16xf32>
            %mul3A_958 = arith.mulf %get3A_956, %mul3A_957 : vector<16xf32>
            %swap3A_959 = arith.index_cast %add3A_921 : i32 to index
            %swap3A_960 = arith.constant 64 : index
            %swap3A_961 = tpu.vector_load %run_scoped3A_16[%swap3A_959, %swap3A_960] {strides = array<i32>} : memref<80x128xf32, #tpu.memory_space<vmem>>, vector<16xf32>,
            tpu.vector_store %run_scoped3A_16[%swap3A_959, %swap3A_960], %mul3A_958 {strides = array<i32>} : memref<80x128xf32, #tpu.memory_space<vmem>>, vector<16xf32>,
            %get3A_962 = arith.index_cast %add3A_921 : i32 to index
            %get3A_963 = arith.constant 80 : index
            %get3A_964 = tpu.vector_load %run_scoped3A_16[%get3A_962, %get3A_963] {strides = array<i32>} : memref<80x128xf32, #tpu.memory_space<vmem>>, vector<16xf32>,
            %mul3A_965 = vector.broadcast %squeeze3A_917 : f32 to vector<16xf32>
            %mul3A_966 = arith.mulf %get3A_964, %mul3A_965 : vector<16xf32>
            %swap3A_967 = arith.index_cast %add3A_921 : i32 to index
            %swap3A_968 = arith.constant 80 : index
            %swap3A_969 = tpu.vector_load %run_scoped3A_16[%swap3A_967, %swap3A_968] {strides = array<i32>} : memref<80x128xf32, #tpu.memory_space<vmem>>, vector<16xf32>,
            tpu.vector_store %run_scoped3A_16[%swap3A_967, %swap3A_968], %mul3A_966 {strides = array<i32>} : memref<80x128xf32, #tpu.memory_space<vmem>>, vector<16xf32>,
            %get3A_970 = arith.index_cast %add3A_921 : i32 to index
            %get3A_971 = arith.constant 96 : index
            %get3A_972 = tpu.vector_load %run_scoped3A_16[%get3A_970, %get3A_971] {strides = array<i32>} : memref<80x128xf32, #tpu.memory_space<vmem>>, vector<16xf32>,
            %mul3A_973 = vector.broadcast %squeeze3A_917 : f32 to vector<16xf32>
            %mul3A_974 = arith.mulf %get3A_972, %mul3A_973 : vector<16xf32>
            %swap3A_975 = arith.index_cast %add3A_921 : i32 to index
            %swap3A_976 = arith.constant 96 : index
            %swap3A_977 = tpu.vector_load %run_scoped3A_16[%swap3A_975, %swap3A_976] {strides = array<i32>} : memref<80x128xf32, #tpu.memory_space<vmem>>, vector<16xf32>,
            tpu.vector_store %run_scoped3A_16[%swap3A_975, %swap3A_976], %mul3A_974 {strides = array<i32>} : memref<80x128xf32, #tpu.memory_space<vmem>>, vector<16xf32>,
            %get3A_978 = arith.index_cast %add3A_921 : i32 to index
            %get3A_979 = arith.constant 112 : index
            %get3A_980 = tpu.vector_load %run_scoped3A_16[%get3A_978, %get3A_979] {strides = array<i32>} : memref<80x128xf32, #tpu.memory_space<vmem>>, vector<16xf32>,
            %mul3A_981 = vector.broadcast %squeeze3A_917 : f32 to vector<16xf32>
            %mul3A_982 = arith.mulf %get3A_980, %mul3A_981 : vector<16xf32>
            %swap3A_983 = arith.index_cast %add3A_921 : i32 to index
            %swap3A_984 = arith.constant 112 : index
            %swap3A_985 = tpu.vector_load %run_scoped3A_16[%swap3A_983, %swap3A_984] {strides = array<i32>} : memref<80x128xf32, #tpu.memory_space<vmem>>, vector<16xf32>,
            tpu.vector_store %run_scoped3A_16[%swap3A_983, %swap3A_984], %mul3A_982 {strides = array<i32>} : memref<80x128xf32, #tpu.memory_space<vmem>>, vector<16xf32>,
            %slice3A_986 = vector.extract_strided_slice %get3A_148 {offsets = [12], sizes = [1], strides = [1]} : vector<16xf32> to vector<1xf32>
            %squeeze3A_987 = vector.extract %slice3A_986[0] : f32 from vector<1xf32>
            %mul3A_988 = arith.constant 16 : i32
            %mul3A_989 = arith.muli %scan3A_143, %mul3A_988 : i32
            %add3A_990 = arith.constant 12 : i32
            %add3A_991 = arith.addi %mul3A_989, %add3A_990 : i32
            %get3A_992 = arith.index_cast %add3A_991 : i32 to index
            %get3A_993 = arith.constant 0 : index
            %get3A_994 = tpu.vector_load %run_scoped3A_16[%get3A_992, %get3A_993] {strides = array<i32>} : memref<80x128xf32, #tpu.memory_space<vmem>>, vector<16xf32>,
            %mul3A_995 = vector.broadcast %squeeze3A_987 : f32 to vector<16xf32>
            %mul3A_996 = arith.mulf %get3A_994, %mul3A_995 : vector<16xf32>
            %swap3A_997 = arith.index_cast %add3A_991 : i32 to index
            %swap3A_998 = arith.constant 0 : index
            %swap3A_999 = tpu.vector_load %run_scoped3A_16[%swap3A_997, %swap3A_998] {strides = array<i32>} : memref<80x128xf32, #tpu.memory_space<vmem>>, vector<16xf32>,
            tpu.vector_store %run_scoped3A_16[%swap3A_997, %swap3A_998], %mul3A_996 {strides = array<i32>} : memref<80x128xf32, #tpu.memory_space<vmem>>, vector<16xf32>,
            %get3A_1000 = arith.index_cast %add3A_991 : i32 to index
            %get3A_1001 = arith.constant 16 : index
            %get3A_1002 = tpu.vector_load %run_scoped3A_16[%get3A_1000, %get3A_1001] {strides = array<i32>} : memref<80x128xf32, #tpu.memory_space<vmem>>, vector<16xf32>,
            %mul3A_1003 = vector.broadcast %squeeze3A_987 : f32 to vector<16xf32>
            %mul3A_1004 = arith.mulf %get3A_1002, %mul3A_1003 : vector<16xf32>
            %swap3A_1005 = arith.index_cast %add3A_991 : i32 to index
            %swap3A_1006 = arith.constant 16 : index
            %swap3A_1007 = tpu.vector_load %run_scoped3A_16[%swap3A_1005, %swap3A_1006] {strides = array<i32>} : memref<80x128xf32, #tpu.memory_space<vmem>>, vector<16xf32>,
            tpu.vector_store %run_scoped3A_16[%swap3A_1005, %swap3A_1006], %mul3A_1004 {strides = array<i32>} : memref<80x128xf32, #tpu.memory_space<vmem>>, vector<16xf32>,
            %get3A_1008 = arith.index_cast %add3A_991 : i32 to index
            %get3A_1009 = arith.constant 32 : index
            %get3A_1010 = tpu.vector_load %run_scoped3A_16[%get3A_1008, %get3A_1009] {strides = array<i32>} : memref<80x128xf32, #tpu.memory_space<vmem>>, vector<16xf32>,
            %mul3A_1011 = vector.broadcast %squeeze3A_987 : f32 to vector<16xf32>
            %mul3A_1012 = arith.mulf %get3A_1010, %mul3A_1011 : vector<16xf32>
            %swap3A_1013 = arith.index_cast %add3A_991 : i32 to index
            %swap3A_1014 = arith.constant 32 : index
            %swap3A_1015 = tpu.vector_load %run_scoped3A_16[%swap3A_1013, %swap3A_1014] {strides = array<i32>} : memref<80x128xf32, #tpu.memory_space<vmem>>, vector<16xf32>,
            tpu.vector_store %run_scoped3A_16[%swap3A_1013, %swap3A_1014], %mul3A_1012 {strides = array<i32>} : memref<80x128xf32, #tpu.memory_space<vmem>>, vector<16xf32>,
            %get3A_1016 = arith.index_cast %add3A_991 : i32 to index
            %get3A_1017 = arith.constant 48 : index
            %get3A_1018 = tpu.vector_load %run_scoped3A_16[%get3A_1016, %get3A_1017] {strides = array<i32>} : memref<80x128xf32, #tpu.memory_space<vmem>>, vector<16xf32>,
            %mul3A_1019 = vector.broadcast %squeeze3A_987 : f32 to vector<16xf32>
            %mul3A_1020 = arith.mulf %get3A_1018, %mul3A_1019 : vector<16xf32>
            %swap3A_1021 = arith.index_cast %add3A_991 : i32 to index
            %swap3A_1022 = arith.constant 48 : index
            %swap3A_1023 = tpu.vector_load %run_scoped3A_16[%swap3A_1021, %swap3A_1022] {strides = array<i32>} : memref<80x128xf32, #tpu.memory_space<vmem>>, vector<16xf32>,
            tpu.vector_store %run_scoped3A_16[%swap3A_1021, %swap3A_1022], %mul3A_1020 {strides = array<i32>} : memref<80x128xf32, #tpu.memory_space<vmem>>, vector<16xf32>,
            %get3A_1024 = arith.index_cast %add3A_991 : i32 to index
            %get3A_1025 = arith.constant 64 : index
            %get3A_1026 = tpu.vector_load %run_scoped3A_16[%get3A_1024, %get3A_1025] {strides = array<i32>} : memref<80x128xf32, #tpu.memory_space<vmem>>, vector<16xf32>,
            %mul3A_1027 = vector.broadcast %squeeze3A_987 : f32 to vector<16xf32>
            %mul3A_1028 = arith.mulf %get3A_1026, %mul3A_1027 : vector<16xf32>
            %swap3A_1029 = arith.index_cast %add3A_991 : i32 to index
            %swap3A_1030 = arith.constant 64 : index
            %swap3A_1031 = tpu.vector_load %run_scoped3A_16[%swap3A_1029, %swap3A_1030] {strides = array<i32>} : memref<80x128xf32, #tpu.memory_space<vmem>>, vector<16xf32>,
            tpu.vector_store %run_scoped3A_16[%swap3A_1029, %swap3A_1030], %mul3A_1028 {strides = array<i32>} : memref<80x128xf32, #tpu.memory_space<vmem>>, vector<16xf32>,
            %get3A_1032 = arith.index_cast %add3A_991 : i32 to index
            %get3A_1033 = arith.constant 80 : index
            %get3A_1034 = tpu.vector_load %run_scoped3A_16[%get3A_1032, %get3A_1033] {strides = array<i32>} : memref<80x128xf32, #tpu.memory_space<vmem>>, vector<16xf32>,
            %mul3A_1035 = vector.broadcast %squeeze3A_987 : f32 to vector<16xf32>
            %mul3A_1036 = arith.mulf %get3A_1034, %mul3A_1035 : vector<16xf32>
            %swap3A_1037 = arith.index_cast %add3A_991 : i32 to index
            %swap3A_1038 = arith.constant 80 : index
            %swap3A_1039 = tpu.vector_load %run_scoped3A_16[%swap3A_1037, %swap3A_1038] {strides = array<i32>} : memref<80x128xf32, #tpu.memory_space<vmem>>, vector<16xf32>,
            tpu.vector_store %run_scoped3A_16[%swap3A_1037, %swap3A_1038], %mul3A_1036 {strides = array<i32>} : memref<80x128xf32, #tpu.memory_space<vmem>>, vector<16xf32>,
            %get3A_1040 = arith.index_cast %add3A_991 : i32 to index
            %get3A_1041 = arith.constant 96 : index
            %get3A_1042 = tpu.vector_load %run_scoped3A_16[%get3A_1040, %get3A_1041] {strides = array<i32>} : memref<80x128xf32, #tpu.memory_space<vmem>>, vector<16xf32>,
            %mul3A_1043 = vector.broadcast %squeeze3A_987 : f32 to vector<16xf32>
            %mul3A_1044 = arith.mulf %get3A_1042, %mul3A_1043 : vector<16xf32>
            %swap3A_1045 = arith.index_cast %add3A_991 : i32 to index
            %swap3A_1046 = arith.constant 96 : index
            %swap3A_1047 = tpu.vector_load %run_scoped3A_16[%swap3A_1045, %swap3A_1046] {strides = array<i32>} : memref<80x128xf32, #tpu.memory_space<vmem>>, vector<16xf32>,
            tpu.vector_store %run_scoped3A_16[%swap3A_1045, %swap3A_1046], %mul3A_1044 {strides = array<i32>} : memref<80x128xf32, #tpu.memory_space<vmem>>, vector<16xf32>,
            %get3A_1048 = arith.index_cast %add3A_991 : i32 to index
            %get3A_1049 = arith.constant 112 : index
            %get3A_1050 = tpu.vector_load %run_scoped3A_16[%get3A_1048, %get3A_1049] {strides = array<i32>} : memref<80x128xf32, #tpu.memory_space<vmem>>, vector<16xf32>,
            %mul3A_1051 = vector.broadcast %squeeze3A_987 : f32 to vector<16xf32>
            %mul3A_1052 = arith.mulf %get3A_1050, %mul3A_1051 : vector<16xf32>
            %swap3A_1053 = arith.index_cast %add3A_991 : i32 to index
            %swap3A_1054 = arith.constant 112 : index
            %swap3A_1055 = tpu.vector_load %run_scoped3A_16[%swap3A_1053, %swap3A_1054] {strides = array<i32>} : memref<80x128xf32, #tpu.memory_space<vmem>>, vector<16xf32>,
            tpu.vector_store %run_scoped3A_16[%swap3A_1053, %swap3A_1054], %mul3A_1052 {strides = array<i32>} : memref<80x128xf32, #tpu.memory_space<vmem>>, vector<16xf32>,
            %slice3A_1056 = vector.extract_strided_slice %get3A_148 {offsets = [13], sizes = [1], strides = [1]} : vector<16xf32> to vector<1xf32>
            %squeeze3A_1057 = vector.extract %slice3A_1056[0] : f32 from vector<1xf32>
            %mul3A_1058 = arith.constant 16 : i32
            %mul3A_1059 = arith.muli %scan3A_143, %mul3A_1058 : i32
            %add3A_1060 = arith.constant 13 : i32
            %add3A_1061 = arith.addi %mul3A_1059, %add3A_1060 : i32
            %get3A_1062 = arith.index_cast %add3A_1061 : i32 to index
            %get3A_1063 = arith.constant 0 : index
            %get3A_1064 = tpu.vector_load %run_scoped3A_16[%get3A_1062, %get3A_1063] {strides = array<i32>} : memref<80x128xf32, #tpu.memory_space<vmem>>, vector<16xf32>,
            %mul3A_1065 = vector.broadcast %squeeze3A_1057 : f32 to vector<16xf32>
            %mul3A_1066 = arith.mulf %get3A_1064, %mul3A_1065 : vector<16xf32>
            %swap3A_1067 = arith.index_cast %add3A_1061 : i32 to index
            %swap3A_1068 = arith.constant 0 : index
            %swap3A_1069 = tpu.vector_load %run_scoped3A_16[%swap3A_1067, %swap3A_1068] {strides = array<i32>} : memref<80x128xf32, #tpu.memory_space<vmem>>, vector<16xf32>,
            tpu.vector_store %run_scoped3A_16[%swap3A_1067, %swap3A_1068], %mul3A_1066 {strides = array<i32>} : memref<80x128xf32, #tpu.memory_space<vmem>>, vector<16xf32>,
            %get3A_1070 = arith.index_cast %add3A_1061 : i32 to index
            %get3A_1071 = arith.constant 16 : index
            %get3A_1072 = tpu.vector_load %run_scoped3A_16[%get3A_1070, %get3A_1071] {strides = array<i32>} : memref<80x128xf32, #tpu.memory_space<vmem>>, vector<16xf32>,
            %mul3A_1073 = vector.broadcast %squeeze3A_1057 : f32 to vector<16xf32>
            %mul3A_1074 = arith.mulf %get3A_1072, %mul3A_1073 : vector<16xf32>
            %swap3A_1075 = arith.index_cast %add3A_1061 : i32 to index
            %swap3A_1076 = arith.constant 16 : index
            %swap3A_1077 = tpu.vector_load %run_scoped3A_16[%swap3A_1075, %swap3A_1076] {strides = array<i32>} : memref<80x128xf32, #tpu.memory_space<vmem>>, vector<16xf32>,
            tpu.vector_store %run_scoped3A_16[%swap3A_1075, %swap3A_1076], %mul3A_1074 {strides = array<i32>} : memref<80x128xf32, #tpu.memory_space<vmem>>, vector<16xf32>,
            %get3A_1078 = arith.index_cast %add3A_1061 : i32 to index
            %get3A_1079 = arith.constant 32 : index
            %get3A_1080 = tpu.vector_load %run_scoped3A_16[%get3A_1078, %get3A_1079] {strides = array<i32>} : memref<80x128xf32, #tpu.memory_space<vmem>>, vector<16xf32>,
            %mul3A_1081 = vector.broadcast %squeeze3A_1057 : f32 to vector<16xf32>
            %mul3A_1082 = arith.mulf %get3A_1080, %mul3A_1081 : vector<16xf32>
            %swap3A_1083 = arith.index_cast %add3A_1061 : i32 to index
            %swap3A_1084 = arith.constant 32 : index
            %swap3A_1085 = tpu.vector_load %run_scoped3A_16[%swap3A_1083, %swap3A_1084] {strides = array<i32>} : memref<80x128xf32, #tpu.memory_space<vmem>>, vector<16xf32>,
            tpu.vector_store %run_scoped3A_16[%swap3A_1083, %swap3A_1084], %mul3A_1082 {strides = array<i32>} : memref<80x128xf32, #tpu.memory_space<vmem>>, vector<16xf32>,
            %get3A_1086 = arith.index_cast %add3A_1061 : i32 to index
            %get3A_1087 = arith.constant 48 : index
            %get3A_1088 = tpu.vector_load %run_scoped3A_16[%get3A_1086, %get3A_1087] {strides = array<i32>} : memref<80x128xf32, #tpu.memory_space<vmem>>, vector<16xf32>,
            %mul3A_1089 = vector.broadcast %squeeze3A_1057 : f32 to vector<16xf32>
            %mul3A_1090 = arith.mulf %get3A_1088, %mul3A_1089 : vector<16xf32>
            %swap3A_1091 = arith.index_cast %add3A_1061 : i32 to index
            %swap3A_1092 = arith.constant 48 : index
            %swap3A_1093 = tpu.vector_load %run_scoped3A_16[%swap3A_1091, %swap3A_1092] {strides = array<i32>} : memref<80x128xf32, #tpu.memory_space<vmem>>, vector<16xf32>,
            tpu.vector_store %run_scoped3A_16[%swap3A_1091, %swap3A_1092], %mul3A_1090 {strides = array<i32>} : memref<80x128xf32, #tpu.memory_space<vmem>>, vector<16xf32>,
            %get3A_1094 = arith.index_cast %add3A_1061 : i32 to index
            %get3A_1095 = arith.constant 64 : index
            %get3A_1096 = tpu.vector_load %run_scoped3A_16[%get3A_1094, %get3A_1095] {strides = array<i32>} : memref<80x128xf32, #tpu.memory_space<vmem>>, vector<16xf32>,
            %mul3A_1097 = vector.broadcast %squeeze3A_1057 : f32 to vector<16xf32>
            %mul3A_1098 = arith.mulf %get3A_1096, %mul3A_1097 : vector<16xf32>
            %swap3A_1099 = arith.index_cast %add3A_1061 : i32 to index
            %swap3A_1100 = arith.constant 64 : index
            %swap3A_1101 = tpu.vector_load %run_scoped3A_16[%swap3A_1099, %swap3A_1100] {strides = array<i32>} : memref<80x128xf32, #tpu.memory_space<vmem>>, vector<16xf32>,
            tpu.vector_store %run_scoped3A_16[%swap3A_1099, %swap3A_1100], %mul3A_1098 {strides = array<i32>} : memref<80x128xf32, #tpu.memory_space<vmem>>, vector<16xf32>,
            %get3A_1102 = arith.index_cast %add3A_1061 : i32 to index
            %get3A_1103 = arith.constant 80 : index
            %get3A_1104 = tpu.vector_load %run_scoped3A_16[%get3A_1102, %get3A_1103] {strides = array<i32>} : memref<80x128xf32, #tpu.memory_space<vmem>>, vector<16xf32>,
            %mul3A_1105 = vector.broadcast %squeeze3A_1057 : f32 to vector<16xf32>
            %mul3A_1106 = arith.mulf %get3A_1104, %mul3A_1105 : vector<16xf32>
            %swap3A_1107 = arith.index_cast %add3A_1061 : i32 to index
            %swap3A_1108 = arith.constant 80 : index
            %swap3A_1109 = tpu.vector_load %run_scoped3A_16[%swap3A_1107, %swap3A_1108] {strides = array<i32>} : memref<80x128xf32, #tpu.memory_space<vmem>>, vector<16xf32>,
            tpu.vector_store %run_scoped3A_16[%swap3A_1107, %swap3A_1108], %mul3A_1106 {strides = array<i32>} : memref<80x128xf32, #tpu.memory_space<vmem>>, vector<16xf32>,
            %get3A_1110 = arith.index_cast %add3A_1061 : i32 to index
            %get3A_1111 = arith.constant 96 : index
            %get3A_1112 = tpu.vector_load %run_scoped3A_16[%get3A_1110, %get3A_1111] {strides = array<i32>} : memref<80x128xf32, #tpu.memory_space<vmem>>, vector<16xf32>,
            %mul3A_1113 = vector.broadcast %squeeze3A_1057 : f32 to vector<16xf32>
            %mul3A_1114 = arith.mulf %get3A_1112, %mul3A_1113 : vector<16xf32>
            %swap3A_1115 = arith.index_cast %add3A_1061 : i32 to index
            %swap3A_1116 = arith.constant 96 : index
            %swap3A_1117 = tpu.vector_load %run_scoped3A_16[%swap3A_1115, %swap3A_1116] {strides = array<i32>} : memref<80x128xf32, #tpu.memory_space<vmem>>, vector<16xf32>,
            tpu.vector_store %run_scoped3A_16[%swap3A_1115, %swap3A_1116], %mul3A_1114 {strides = array<i32>} : memref<80x128xf32, #tpu.memory_space<vmem>>, vector<16xf32>,
            %get3A_1118 = arith.index_cast %add3A_1061 : i32 to index
            %get3A_1119 = arith.constant 112 : index
            %get3A_1120 = tpu.vector_load %run_scoped3A_16[%get3A_1118, %get3A_1119] {strides = array<i32>} : memref<80x128xf32, #tpu.memory_space<vmem>>, vector<16xf32>,
            %mul3A_1121 = vector.broadcast %squeeze3A_1057 : f32 to vector<16xf32>
            %mul3A_1122 = arith.mulf %get3A_1120, %mul3A_1121 : vector<16xf32>
            %swap3A_1123 = arith.index_cast %add3A_1061 : i32 to index
            %swap3A_1124 = arith.constant 112 : index
            %swap3A_1125 = tpu.vector_load %run_scoped3A_16[%swap3A_1123, %swap3A_1124] {strides = array<i32>} : memref<80x128xf32, #tpu.memory_space<vmem>>, vector<16xf32>,
            tpu.vector_store %run_scoped3A_16[%swap3A_1123, %swap3A_1124], %mul3A_1122 {strides = array<i32>} : memref<80x128xf32, #tpu.memory_space<vmem>>, vector<16xf32>,
            %slice3A_1126 = vector.extract_strided_slice %get3A_148 {offsets = [14], sizes = [1], strides = [1]} : vector<16xf32> to vector<1xf32>
            %squeeze3A_1127 = vector.extract %slice3A_1126[0] : f32 from vector<1xf32>
            %mul3A_1128 = arith.constant 16 : i32
            %mul3A_1129 = arith.muli %scan3A_143, %mul3A_1128 : i32
            %add3A_1130 = arith.constant 14 : i32
            %add3A_1131 = arith.addi %mul3A_1129, %add3A_1130 : i32
            %get3A_1132 = arith.index_cast %add3A_1131 : i32 to index
            %get3A_1133 = arith.constant 0 : index
            %get3A_1134 = tpu.vector_load %run_scoped3A_16[%get3A_1132, %get3A_1133] {strides = array<i32>} : memref<80x128xf32, #tpu.memory_space<vmem>>, vector<16xf32>,
            %mul3A_1135 = vector.broadcast %squeeze3A_1127 : f32 to vector<16xf32>
            %mul3A_1136 = arith.mulf %get3A_1134, %mul3A_1135 : vector<16xf32>
            %swap3A_1137 = arith.index_cast %add3A_1131 : i32 to index
            %swap3A_1138 = arith.constant 0 : index
            %swap3A_1139 = tpu.vector_load %run_scoped3A_16[%swap3A_1137, %swap3A_1138] {strides = array<i32>} : memref<80x128xf32, #tpu.memory_space<vmem>>, vector<16xf32>,
            tpu.vector_store %run_scoped3A_16[%swap3A_1137, %swap3A_1138], %mul3A_1136 {strides = array<i32>} : memref<80x128xf32, #tpu.memory_space<vmem>>, vector<16xf32>,
            %get3A_1140 = arith.index_cast %add3A_1131 : i32 to index
            %get3A_1141 = arith.constant 16 : index
            %get3A_1142 = tpu.vector_load %run_scoped3A_16[%get3A_1140, %get3A_1141] {strides = array<i32>} : memref<80x128xf32, #tpu.memory_space<vmem>>, vector<16xf32>,
            %mul3A_1143 = vector.broadcast %squeeze3A_1127 : f32 to vector<16xf32>
            %mul3A_1144 = arith.mulf %get3A_1142, %mul3A_1143 : vector<16xf32>
            %swap3A_1145 = arith.index_cast %add3A_1131 : i32 to index
            %swap3A_1146 = arith.constant 16 : index
            %swap3A_1147 = tpu.vector_load %run_scoped3A_16[%swap3A_1145, %swap3A_1146] {strides = array<i32>} : memref<80x128xf32, #tpu.memory_space<vmem>>, vector<16xf32>,
            tpu.vector_store %run_scoped3A_16[%swap3A_1145, %swap3A_1146], %mul3A_1144 {strides = array<i32>} : memref<80x128xf32, #tpu.memory_space<vmem>>, vector<16xf32>,
            %get3A_1148 = arith.index_cast %add3A_1131 : i32 to index
            %get3A_1149 = arith.constant 32 : index
            %get3A_1150 = tpu.vector_load %run_scoped3A_16[%get3A_1148, %get3A_1149] {strides = array<i32>} : memref<80x128xf32, #tpu.memory_space<vmem>>, vector<16xf32>,
            %mul3A_1151 = vector.broadcast %squeeze3A_1127 : f32 to vector<16xf32>
            %mul3A_1152 = arith.mulf %get3A_1150, %mul3A_1151 : vector<16xf32>
            %swap3A_1153 = arith.index_cast %add3A_1131 : i32 to index
            %swap3A_1154 = arith.constant 32 : index
            %swap3A_1155 = tpu.vector_load %run_scoped3A_16[%swap3A_1153, %swap3A_1154] {strides = array<i32>} : memref<80x128xf32, #tpu.memory_space<vmem>>, vector<16xf32>,
            tpu.vector_store %run_scoped3A_16[%swap3A_1153, %swap3A_1154], %mul3A_1152 {strides = array<i32>} : memref<80x128xf32, #tpu.memory_space<vmem>>, vector<16xf32>,
            %get3A_1156 = arith.index_cast %add3A_1131 : i32 to index
            %get3A_1157 = arith.constant 48 : index
            %get3A_1158 = tpu.vector_load %run_scoped3A_16[%get3A_1156, %get3A_1157] {strides = array<i32>} : memref<80x128xf32, #tpu.memory_space<vmem>>, vector<16xf32>,
            %mul3A_1159 = vector.broadcast %squeeze3A_1127 : f32 to vector<16xf32>
            %mul3A_1160 = arith.mulf %get3A_1158, %mul3A_1159 : vector<16xf32>
            %swap3A_1161 = arith.index_cast %add3A_1131 : i32 to index
            %swap3A_1162 = arith.constant 48 : index
            %swap3A_1163 = tpu.vector_load %run_scoped3A_16[%swap3A_1161, %swap3A_1162] {strides = array<i32>} : memref<80x128xf32, #tpu.memory_space<vmem>>, vector<16xf32>,
            tpu.vector_store %run_scoped3A_16[%swap3A_1161, %swap3A_1162], %mul3A_1160 {strides = array<i32>} : memref<80x128xf32, #tpu.memory_space<vmem>>, vector<16xf32>,
            %get3A_1164 = arith.index_cast %add3A_1131 : i32 to index
            %get3A_1165 = arith.constant 64 : index
            %get3A_1166 = tpu.vector_load %run_scoped3A_16[%get3A_1164, %get3A_1165] {strides = array<i32>} : memref<80x128xf32, #tpu.memory_space<vmem>>, vector<16xf32>,
            %mul3A_1167 = vector.broadcast %squeeze3A_1127 : f32 to vector<16xf32>
            %mul3A_1168 = arith.mulf %get3A_1166, %mul3A_1167 : vector<16xf32>
            %swap3A_1169 = arith.index_cast %add3A_1131 : i32 to index
            %swap3A_1170 = arith.constant 64 : index
            %swap3A_1171 = tpu.vector_load %run_scoped3A_16[%swap3A_1169, %swap3A_1170] {strides = array<i32>} : memref<80x128xf32, #tpu.memory_space<vmem>>, vector<16xf32>,
            tpu.vector_store %run_scoped3A_16[%swap3A_1169, %swap3A_1170], %mul3A_1168 {strides = array<i32>} : memref<80x128xf32, #tpu.memory_space<vmem>>, vector<16xf32>,
            %get3A_1172 = arith.index_cast %add3A_1131 : i32 to index
            %get3A_1173 = arith.constant 80 : index
            %get3A_1174 = tpu.vector_load %run_scoped3A_16[%get3A_1172, %get3A_1173] {strides = array<i32>} : memref<80x128xf32, #tpu.memory_space<vmem>>, vector<16xf32>,
            %mul3A_1175 = vector.broadcast %squeeze3A_1127 : f32 to vector<16xf32>
            %mul3A_1176 = arith.mulf %get3A_1174, %mul3A_1175 : vector<16xf32>
            %swap3A_1177 = arith.index_cast %add3A_1131 : i32 to index
            %swap3A_1178 = arith.constant 80 : index
            %swap3A_1179 = tpu.vector_load %run_scoped3A_16[%swap3A_1177, %swap3A_1178] {strides = array<i32>} : memref<80x128xf32, #tpu.memory_space<vmem>>, vector<16xf32>,
            tpu.vector_store %run_scoped3A_16[%swap3A_1177, %swap3A_1178], %mul3A_1176 {strides = array<i32>} : memref<80x128xf32, #tpu.memory_space<vmem>>, vector<16xf32>,
            %get3A_1180 = arith.index_cast %add3A_1131 : i32 to index
            %get3A_1181 = arith.constant 96 : index
            %get3A_1182 = tpu.vector_load %run_scoped3A_16[%get3A_1180, %get3A_1181] {strides = array<i32>} : memref<80x128xf32, #tpu.memory_space<vmem>>, vector<16xf32>,
            %mul3A_1183 = vector.broadcast %squeeze3A_1127 : f32 to vector<16xf32>
            %mul3A_1184 = arith.mulf %get3A_1182, %mul3A_1183 : vector<16xf32>
            %swap3A_1185 = arith.index_cast %add3A_1131 : i32 to index
            %swap3A_1186 = arith.constant 96 : index
            %swap3A_1187 = tpu.vector_load %run_scoped3A_16[%swap3A_1185, %swap3A_1186] {strides = array<i32>} : memref<80x128xf32, #tpu.memory_space<vmem>>, vector<16xf32>,
            tpu.vector_store %run_scoped3A_16[%swap3A_1185, %swap3A_1186], %mul3A_1184 {strides = array<i32>} : memref<80x128xf32, #tpu.memory_space<vmem>>, vector<16xf32>,
            %get3A_1188 = arith.index_cast %add3A_1131 : i32 to index
            %get3A_1189 = arith.constant 112 : index
            %get3A_1190 = tpu.vector_load %run_scoped3A_16[%get3A_1188, %get3A_1189] {strides = array<i32>} : memref<80x128xf32, #tpu.memory_space<vmem>>, vector<16xf32>,
            %mul3A_1191 = vector.broadcast %squeeze3A_1127 : f32 to vector<16xf32>
            %mul3A_1192 = arith.mulf %get3A_1190, %mul3A_1191 : vector<16xf32>
            %swap3A_1193 = arith.index_cast %add3A_1131 : i32 to index
            %swap3A_1194 = arith.constant 112 : index
            %swap3A_1195 = tpu.vector_load %run_scoped3A_16[%swap3A_1193, %swap3A_1194] {strides = array<i32>} : memref<80x128xf32, #tpu.memory_space<vmem>>, vector<16xf32>,
            tpu.vector_store %run_scoped3A_16[%swap3A_1193, %swap3A_1194], %mul3A_1192 {strides = array<i32>} : memref<80x128xf32, #tpu.memory_space<vmem>>, vector<16xf32>,
            %slice3A_1196 = vector.extract_strided_slice %get3A_148 {offsets = [15], sizes = [1], strides = [1]} : vector<16xf32> to vector<1xf32>
            %squeeze3A_1197 = vector.extract %slice3A_1196[0] : f32 from vector<1xf32>
            %mul3A_1198 = arith.constant 16 : i32
            %mul3A_1199 = arith.muli %scan3A_143, %mul3A_1198 : i32
            %add3A_1200 = arith.constant 15 : i32
            %add3A_1201 = arith.addi %mul3A_1199, %add3A_1200 : i32
            %get3A_1202 = arith.index_cast %add3A_1201 : i32 to index
            %get3A_1203 = arith.constant 0 : index
            %get3A_1204 = tpu.vector_load %run_scoped3A_16[%get3A_1202, %get3A_1203] {strides = array<i32>} : memref<80x128xf32, #tpu.memory_space<vmem>>, vector<16xf32>,
            %mul3A_1205 = vector.broadcast %squeeze3A_1197 : f32 to vector<16xf32>
            %mul3A_1206 = arith.mulf %get3A_1204, %mul3A_1205 : vector<16xf32>
            %swap3A_1207 = arith.index_cast %add3A_1201 : i32 to index
            %swap3A_1208 = arith.constant 0 : index
            %swap3A_1209 = tpu.vector_load %run_scoped3A_16[%swap3A_1207, %swap3A_1208] {strides = array<i32>} : memref<80x128xf32, #tpu.memory_space<vmem>>, vector<16xf32>,
            tpu.vector_store %run_scoped3A_16[%swap3A_1207, %swap3A_1208], %mul3A_1206 {strides = array<i32>} : memref<80x128xf32, #tpu.memory_space<vmem>>, vector<16xf32>,
            %get3A_1210 = arith.index_cast %add3A_1201 : i32 to index
            %get3A_1211 = arith.constant 16 : index
            %get3A_1212 = tpu.vector_load %run_scoped3A_16[%get3A_1210, %get3A_1211] {strides = array<i32>} : memref<80x128xf32, #tpu.memory_space<vmem>>, vector<16xf32>,
            %mul3A_1213 = vector.broadcast %squeeze3A_1197 : f32 to vector<16xf32>
            %mul3A_1214 = arith.mulf %get3A_1212, %mul3A_1213 : vector<16xf32>
            %swap3A_1215 = arith.index_cast %add3A_1201 : i32 to index
            %swap3A_1216 = arith.constant 16 : index
            %swap3A_1217 = tpu.vector_load %run_scoped3A_16[%swap3A_1215, %swap3A_1216] {strides = array<i32>} : memref<80x128xf32, #tpu.memory_space<vmem>>, vector<16xf32>,
            tpu.vector_store %run_scoped3A_16[%swap3A_1215, %swap3A_1216], %mul3A_1214 {strides = array<i32>} : memref<80x128xf32, #tpu.memory_space<vmem>>, vector<16xf32>,
            %get3A_1218 = arith.index_cast %add3A_1201 : i32 to index
            %get3A_1219 = arith.constant 32 : index
            %get3A_1220 = tpu.vector_load %run_scoped3A_16[%get3A_1218, %get3A_1219] {strides = array<i32>} : memref<80x128xf32, #tpu.memory_space<vmem>>, vector<16xf32>,
            %mul3A_1221 = vector.broadcast %squeeze3A_1197 : f32 to vector<16xf32>
            %mul3A_1222 = arith.mulf %get3A_1220, %mul3A_1221 : vector<16xf32>
            %swap3A_1223 = arith.index_cast %add3A_1201 : i32 to index
            %swap3A_1224 = arith.constant 32 : index
            %swap3A_1225 = tpu.vector_load %run_scoped3A_16[%swap3A_1223, %swap3A_1224] {strides = array<i32>} : memref<80x128xf32, #tpu.memory_space<vmem>>, vector<16xf32>,
            tpu.vector_store %run_scoped3A_16[%swap3A_1223, %swap3A_1224], %mul3A_1222 {strides = array<i32>} : memref<80x128xf32, #tpu.memory_space<vmem>>, vector<16xf32>,
            %get3A_1226 = arith.index_cast %add3A_1201 : i32 to index
            %get3A_1227 = arith.constant 48 : index
            %get3A_1228 = tpu.vector_load %run_scoped3A_16[%get3A_1226, %get3A_1227] {strides = array<i32>} : memref<80x128xf32, #tpu.memory_space<vmem>>, vector<16xf32>,
            %mul3A_1229 = vector.broadcast %squeeze3A_1197 : f32 to vector<16xf32>
            %mul3A_1230 = arith.mulf %get3A_1228, %mul3A_1229 : vector<16xf32>
            %swap3A_1231 = arith.index_cast %add3A_1201 : i32 to index
            %swap3A_1232 = arith.constant 48 : index
            %swap3A_1233 = tpu.vector_load %run_scoped3A_16[%swap3A_1231, %swap3A_1232] {strides = array<i32>} : memref<80x128xf32, #tpu.memory_space<vmem>>, vector<16xf32>,
            tpu.vector_store %run_scoped3A_16[%swap3A_1231, %swap3A_1232], %mul3A_1230 {strides = array<i32>} : memref<80x128xf32, #tpu.memory_space<vmem>>, vector<16xf32>,
            %get3A_1234 = arith.index_cast %add3A_1201 : i32 to index
            %get3A_1235 = arith.constant 64 : index
            %get3A_1236 = tpu.vector_load %run_scoped3A_16[%get3A_1234, %get3A_1235] {strides = array<i32>} : memref<80x128xf32, #tpu.memory_space<vmem>>, vector<16xf32>,
            %mul3A_1237 = vector.broadcast %squeeze3A_1197 : f32 to vector<16xf32>
            %mul3A_1238 = arith.mulf %get3A_1236, %mul3A_1237 : vector<16xf32>
            %swap3A_1239 = arith.index_cast %add3A_1201 : i32 to index
            %swap3A_1240 = arith.constant 64 : index
            %swap3A_1241 = tpu.vector_load %run_scoped3A_16[%swap3A_1239, %swap3A_1240] {strides = array<i32>} : memref<80x128xf32, #tpu.memory_space<vmem>>, vector<16xf32>,
            tpu.vector_store %run_scoped3A_16[%swap3A_1239, %swap3A_1240], %mul3A_1238 {strides = array<i32>} : memref<80x128xf32, #tpu.memory_space<vmem>>, vector<16xf32>,
            %get3A_1242 = arith.index_cast %add3A_1201 : i32 to index
            %get3A_1243 = arith.constant 80 : index
            %get3A_1244 = tpu.vector_load %run_scoped3A_16[%get3A_1242, %get3A_1243] {strides = array<i32>} : memref<80x128xf32, #tpu.memory_space<vmem>>, vector<16xf32>,
            %mul3A_1245 = vector.broadcast %squeeze3A_1197 : f32 to vector<16xf32>
            %mul3A_1246 = arith.mulf %get3A_1244, %mul3A_1245 : vector<16xf32>
            %swap3A_1247 = arith.index_cast %add3A_1201 : i32 to index
            %swap3A_1248 = arith.constant 80 : index
            %swap3A_1249 = tpu.vector_load %run_scoped3A_16[%swap3A_1247, %swap3A_1248] {strides = array<i32>} : memref<80x128xf32, #tpu.memory_space<vmem>>, vector<16xf32>,
            tpu.vector_store %run_scoped3A_16[%swap3A_1247, %swap3A_1248], %mul3A_1246 {strides = array<i32>} : memref<80x128xf32, #tpu.memory_space<vmem>>, vector<16xf32>,
            %get3A_1250 = arith.index_cast %add3A_1201 : i32 to index
            %get3A_1251 = arith.constant 96 : index
            %get3A_1252 = tpu.vector_load %run_scoped3A_16[%get3A_1250, %get3A_1251] {strides = array<i32>} : memref<80x128xf32, #tpu.memory_space<vmem>>, vector<16xf32>,
            %mul3A_1253 = vector.broadcast %squeeze3A_1197 : f32 to vector<16xf32>
            %mul3A_1254 = arith.mulf %get3A_1252, %mul3A_1253 : vector<16xf32>
            %swap3A_1255 = arith.index_cast %add3A_1201 : i32 to index
            %swap3A_1256 = arith.constant 96 : index
            %swap3A_1257 = tpu.vector_load %run_scoped3A_16[%swap3A_1255, %swap3A_1256] {strides = array<i32>} : memref<80x128xf32, #tpu.memory_space<vmem>>, vector<16xf32>,
            tpu.vector_store %run_scoped3A_16[%swap3A_1255, %swap3A_1256], %mul3A_1254 {strides = array<i32>} : memref<80x128xf32, #tpu.memory_space<vmem>>, vector<16xf32>,
            %get3A_1258 = arith.index_cast %add3A_1201 : i32 to index
            %get3A_1259 = arith.constant 112 : index
            %get3A_1260 = tpu.vector_load %run_scoped3A_16[%get3A_1258, %get3A_1259] {strides = array<i32>} : memref<80x128xf32, #tpu.memory_space<vmem>>, vector<16xf32>,
            %mul3A_1261 = vector.broadcast %squeeze3A_1197 : f32 to vector<16xf32>
            %mul3A_1262 = arith.mulf %get3A_1260, %mul3A_1261 : vector<16xf32>
            %swap3A_1263 = arith.index_cast %add3A_1201 : i32 to index
            %swap3A_1264 = arith.constant 112 : index
            %swap3A_1265 = tpu.vector_load %run_scoped3A_16[%swap3A_1263, %swap3A_1264] {strides = array<i32>} : memref<80x128xf32, #tpu.memory_space<vmem>>, vector<16xf32>,
            tpu.vector_store %run_scoped3A_16[%swap3A_1263, %swap3A_1264], %mul3A_1262 {strides = array<i32>} : memref<80x128xf32, #tpu.memory_space<vmem>>, vector<16xf32>,
          }
          %scan3A_131 = arith.constant 5 : i32
          %dma_start3A_132 = arith.constant 0 : i32
          %dma_start3A_133 = tpu.memref_slice %arg13[%add3A_95, %dma_start3A_132] : memref<16x80xi32, #tpu.memory_space<vmem>> -> memref<1x80xi32, #tpu.memory_space<vmem>>
          %dma_start3A_134 = tpu.memref_squeeze %dma_start3A_133 : memref<1x80xi32, #tpu.memory_space<vmem>> -> memref<80xi32, #tpu.memory_space<vmem>>
          %dma_start3A_135 = arith.constant 0 : i32
          %dma_start3A_136 = arith.constant 0 : i32
          %dma_start3A_137 = tpu.memref_slice %arg15[%dma_start3A_135, %dma_start3A_136] : memref<10000x128xf32, #tpu.memory_space<vmem_shared>> -> memref<10000x128xf32, #tpu.memory_space<vmem_shared>>
          tpu.enqueue_indirect_dma source(%run_scoped3A_16 : memref<80x128xf32, #tpu.memory_space<vmem>>) target(%dma_start3A_137 : memref<10000x128xf32, #tpu.memory_space<vmem_shared>>) offsets(%dma_start3A_134 : memref<80xi32, #tpu.memory_space<vmem>>) semaphore(%arg19 : memref<!tpu.dma_semaphore, #tpu.memory_space<semaphore_mem>>) {add = true}
          %lt3A_138 = arith.constant 7 : i32
          %lt3A_139 = arith.cmpi slt, %scan3A_91, %lt3A_138 : i32
          %convert_element_type3A_140 = arith.extui %lt3A_139 : i1 to i32
          %cond3A_141 = arith.constant 0 : i32
          %cond3A_142 = arith.cmpi ne, %convert_element_type3A_140, %cond3A_141 : i32
          scf.if %cond3A_142 {
            %dma_wait3A_143 = arith.constant 0 : i32
            %dma_wait3A_144 = tpu.memref_slice %arg13[%mul3A_93, %dma_wait3A_143] : memref<16x80xi32, #tpu.memory_space<vmem>> -> memref<1x80xi32, #tpu.memory_space<vmem>>
            %dma_wait3A_145 = tpu.memref_squeeze %dma_wait3A_144 : memref<1x80xi32, #tpu.memory_space<vmem>> -> memref<80xi32, #tpu.memory_space<vmem>>
            %dma_wait3A_146 = arith.constant 0 : i32
            %dma_wait3A_147 = arith.constant 0 : i32
            %dma_wait3A_148 = tpu.memref_slice %arg15[%dma_wait3A_146, %dma_wait3A_147] : memref<10000x128xf32, #tpu.memory_space<vmem_shared>> -> memref<10000x128xf32, #tpu.memory_space<vmem_shared>>
            tpu.wait_indirect_dma semaphore(%arg18 : memref<!tpu.dma_semaphore, #tpu.memory_space<semaphore_mem>>) src(%run_scoped3A : memref<80x128xf32, #tpu.memory_space<vmem>>) dst(%dma_wait3A_148 : memref<10000x128xf32, #tpu.memory_space<vmem_shared>>)
            %add3A_149 = arith.constant 2 : i32
            %add3A_150 = arith.addi %mul3A_93, %add3A_149 : i32
            %dma_start3A_151 = arith.constant 0 : i32
            %dma_start3A_152 = tpu.memref_slice %arg12[%add3A_150, %dma_start3A_151] : memref<16x80xi32, #tpu.memory_space<vmem>> -> memref<1x80xi32, #tpu.memory_space<vmem>>
            %dma_start3A_153 = tpu.memref_squeeze %dma_start3A_152 : memref<1x80xi32, #tpu.memory_space<vmem>> -> memref<80xi32, #tpu.memory_space<vmem>>
            %dma_start3A_154 = arith.constant 0 : i32
            %dma_start3A_155 = arith.constant 0 : i32
            %dma_start3A_156 = tpu.memref_slice %arg2[%dma_start3A_154, %dma_start3A_155] : memref<10000x128xf32, #tpu.memory_space<hbm>> -> memref<10000x128xf32, #tpu.memory_space<hbm>>
            tpu.enqueue_indirect_dma source(%dma_start3A_156 : memref<10000x128xf32, #tpu.memory_space<hbm>>) target(%run_scoped3A : memref<80x128xf32, #tpu.memory_space<vmem>>) offsets(%dma_start3A_153 : memref<80xi32, #tpu.memory_space<vmem>>) semaphore(%arg16 : memref<!tpu.dma_semaphore, #tpu.memory_space<semaphore_mem>>)
            %dma_wait3A_157 = arith.constant 0 : i32
            %dma_wait3A_158 = tpu.memref_slice %arg13[%add3A_95, %dma_wait3A_157] : memref<16x80xi32, #tpu.memory_space<vmem>> -> memref<1x80xi32, #tpu.memory_space<vmem>>
            %dma_wait3A_159 = tpu.memref_squeeze %dma_wait3A_158 : memref<1x80xi32, #tpu.memory_space<vmem>> -> memref<80xi32, #tpu.memory_space<vmem>>
            %dma_wait3A_160 = arith.constant 0 : i32
            %dma_wait3A_161 = arith.constant 0 : i32
            %dma_wait3A_162 = tpu.memref_slice %arg15[%dma_wait3A_160, %dma_wait3A_161] : memref<10000x128xf32, #tpu.memory_space<vmem_shared>> -> memref<10000x128xf32, #tpu.memory_space<vmem_shared>>
            tpu.wait_indirect_dma semaphore(%arg19 : memref<!tpu.dma_semaphore, #tpu.memory_space<semaphore_mem>>) src(%run_scoped3A_16 : memref<80x128xf32, #tpu.memory_space<vmem>>) dst(%dma_wait3A_162 : memref<10000x128xf32, #tpu.memory_space<vmem_shared>>)
            %add3A_163 = arith.constant 2 : i32
            %add3A_164 = arith.addi %add3A_95, %add3A_163 : i32
            %dma_start3A_165 = arith.constant 0 : i32
            %dma_start3A_166 = tpu.memref_slice %arg12[%add3A_164, %dma_start3A_165] : memref<16x80xi32, #tpu.memory_space<vmem>> -> memref<1x80xi32, #tpu.memory_space<vmem>>
            %dma_start3A_167 = tpu.memref_squeeze %dma_start3A_166 : memref<1x80xi32, #tpu.memory_space<vmem>> -> memref<80xi32, #tpu.memory_space<vmem>>
            %dma_start3A_168 = arith.constant 0 : i32
            %dma_start3A_169 = arith.constant 0 : i32
            %dma_start3A_170 = tpu.memref_slice %arg2[%dma_start3A_168, %dma_start3A_169] : memref<10000x128xf32, #tpu.memory_space<hbm>> -> memref<10000x128xf32, #tpu.memory_space<hbm>>
            tpu.enqueue_indirect_dma source(%dma_start3A_170 : memref<10000x128xf32, #tpu.memory_space<hbm>>) target(%run_scoped3A_16 : memref<80x128xf32, #tpu.memory_space<vmem>>) offsets(%dma_start3A_167 : memref<80xi32, #tpu.memory_space<vmem>>) semaphore(%arg17 : memref<!tpu.dma_semaphore, #tpu.memory_space<semaphore_mem>>)
          } else {
          }
        }
        %scan3A_77 = arith.constant 8 : i32
        %dma_wait3A = arith.constant 14 : i32
        %dma_wait3A_78 = arith.constant 0 : i32
        %dma_wait3A_79 = tpu.memref_slice %arg13[%dma_wait3A, %dma_wait3A_78] : memref<16x80xi32, #tpu.memory_space<vmem>> -> memref<1x80xi32, #tpu.memory_space<vmem>>
        %dma_wait3A_80 = tpu.memref_squeeze %dma_wait3A_79 : memref<1x80xi32, #tpu.memory_space<vmem>> -> memref<80xi32, #tpu.memory_space<vmem>>
        %dma_wait3A_81 = arith.constant 0 : i32
        %dma_wait3A_82 = arith.constant 0 : i32
        %dma_wait3A_83 = tpu.memref_slice %arg15[%dma_wait3A_81, %dma_wait3A_82] : memref<10000x128xf32, #tpu.memory_space<vmem_shared>> -> memref<10000x128xf32, #tpu.memory_space<vmem_shared>>
        tpu.wait_indirect_dma semaphore(%arg18 : memref<!tpu.dma_semaphore, #tpu.memory_space<semaphore_mem>>) src(%run_scoped3A : memref<80x128xf32, #tpu.memory_space<vmem>>) dst(%dma_wait3A_83 : memref<10000x128xf32, #tpu.memory_space<vmem_shared>>)
        %dma_wait3A_84 = arith.constant 15 : i32
        %dma_wait3A_85 = arith.constant 0 : i32
        %dma_wait3A_86 = tpu.memref_slice %arg13[%dma_wait3A_84, %dma_wait3A_85] : memref<16x80xi32, #tpu.memory_space<vmem>> -> memref<1x80xi32, #tpu.memory_space<vmem>>
        %dma_wait3A_87 = tpu.memref_squeeze %dma_wait3A_86 : memref<1x80xi32, #tpu.memory_space<vmem>> -> memref<80xi32, #tpu.memory_space<vmem>>
        %dma_wait3A_88 = arith.constant 0 : i32
        %dma_wait3A_89 = arith.constant 0 : i32
        %dma_wait3A_90 = tpu.memref_slice %arg15[%dma_wait3A_88, %dma_wait3A_89] : memref<10000x128xf32, #tpu.memory_space<vmem_shared>> -> memref<10000x128xf32, #tpu.memory_space<vmem_shared>>
        tpu.wait_indirect_dma semaphore(%arg19 : memref<!tpu.dma_semaphore, #tpu.memory_space<semaphore_mem>>) src(%run_scoped3A_16 : memref<80x128xf32, #tpu.memory_space<vmem>>) dst(%dma_wait3A_90 : memref<10000x128xf32, #tpu.memory_space<vmem_shared>>)
      }
      %scan3A_39 = arith.constant 8 : i32
      %barrier3A_40 = arith.constant 0 : index
      tpu.barrier barrier_id(%barrier3A_40)
      %while3A_41 = arith.constant 0 : i32
      %while3A_42 = arith.constant 0 : i32
      %while3A_43 = arith.subi %select_n3A, %while3A_42 : i32
      %while3A_44 = arith.addi %while3A_42, %while3A_43 : i32
      %while3A_45 = arith.constant 1 : i32
      %while3A_46 = arith.divsi %while3A_43, %while3A_45 : i32
      %while3A_47 = arith.muli %while3A_46, %while3A_45 : i32
      %while3A_48 = arith.addi %while3A_42, %while3A_47 : i32
      %while3A_49 = arith.constant 1 : i32
      scf.for %while3A_56 = %while3A_42 to %while3A_48 step %while3A_49  : i32 {
        %mul3A_57 = arith.constant 624 : i32
        %mul3A_58 = arith.muli %arg1, %mul3A_57 : i32
        %mul3A_59 = arith.constant 80 : i32
        %mul3A_60 = arith.muli %while3A_56, %mul3A_59 : i32
        %add3A_61 = arith.addi %mul3A_58, %mul3A_60 : i32
        "tpu.region"() ({
          %run_scoped3A_62 = tpu.sem_alloc : memref<!tpu.dma_semaphore, #tpu.memory_space<semaphore_mem>>
          %dma_start3A = arith.constant 0 : i32
          %dma_start3A_63 = tpu.memref_slice %arg15[%add3A_61, %dma_start3A] : memref<10000x128xf32, #tpu.memory_space<vmem_shared>> -> memref<80x128xf32, #tpu.memory_space<vmem_shared>>
          %dma_start3A_64 = arith.constant 0 : i32
          %dma_start3A_65 = tpu.memref_slice %arg15[%add3A_61, %dma_start3A_64] : memref<10000x128xf32, #tpu.memory_space<vmem_shared>> -> memref<80x128xf32, #tpu.memory_space<vmem_shared>>
          tpu.enqueue_dma source(%dma_start3A_65 : memref<80x128xf32, #tpu.memory_space<vmem_shared>>) target(%run_scoped3A : memref<80x128xf32, #tpu.memory_space<vmem>>) target_semaphore(%run_scoped3A_62 : memref<!tpu.dma_semaphore, #tpu.memory_space<semaphore_mem>>)
          %dma_wait3A = arith.constant 0 : i32
          %dma_wait3A_66 = tpu.memref_slice %arg15[%add3A_61, %dma_wait3A] : memref<10000x128xf32, #tpu.memory_space<vmem_shared>> -> memref<80x128xf32, #tpu.memory_space<vmem_shared>>
          %dma_wait3A_67 = arith.constant 0 : i32
          %dma_wait3A_68 = tpu.memref_slice %arg15[%add3A_61, %dma_wait3A_67] : memref<10000x128xf32, #tpu.memory_space<vmem_shared>> -> memref<80x128xf32, #tpu.memory_space<vmem_shared>>
          tpu.wait_dma2 semaphore(%run_scoped3A_62 : memref<!tpu.dma_semaphore, #tpu.memory_space<semaphore_mem>>) src(%dma_wait3A_68 : memref<80x128xf32, #tpu.memory_space<vmem_shared>>) dst(%run_scoped3A : memref<80x128xf32, #tpu.memory_space<vmem>>)
          tpu.yield
        }) : () -> ()
        "tpu.region"() ({
          %run_scoped3A_62 = tpu.sem_alloc : memref<!tpu.dma_semaphore, #tpu.memory_space<semaphore_mem>>
          %dma_start3A = arith.constant 0 : i32
          %dma_start3A_63 = tpu.memref_slice %arg8[%arg0, %add3A_61, %dma_start3A] : memref<2x10000x128xf32, #tpu.memory_space<hbm>> -> memref<1x80x128xf32, #tpu.memory_space<hbm>>
          %dma_start3A_64 = tpu.memref_squeeze %dma_start3A_63 : memref<1x80x128xf32, #tpu.memory_space<hbm>> -> memref<80x128xf32, #tpu.memory_space<hbm>>
          %dma_start3A_65 = arith.constant 0 : i32
          %dma_start3A_66 = tpu.memref_slice %arg8[%arg0, %add3A_61, %dma_start3A_65] : memref<2x10000x128xf32, #tpu.memory_space<hbm>> -> memref<1x80x128xf32, #tpu.memory_space<hbm>>
          %dma_start3A_67 = tpu.memref_squeeze %dma_start3A_66 : memref<1x80x128xf32, #tpu.memory_space<hbm>> -> memref<80x128xf32, #tpu.memory_space<hbm>>
          tpu.enqueue_dma source(%run_scoped3A : memref<80x128xf32, #tpu.memory_space<vmem>>) target(%dma_start3A_67 : memref<80x128xf32, #tpu.memory_space<hbm>>) target_semaphore(%run_scoped3A_62 : memref<!tpu.dma_semaphore, #tpu.memory_space<semaphore_mem>>)
          %dma_wait3A = arith.constant 0 : i32
          %dma_wait3A_68 = tpu.memref_slice %arg8[%arg0, %add3A_61, %dma_wait3A] : memref<2x10000x128xf32, #tpu.memory_space<hbm>> -> memref<1x80x128xf32, #tpu.memory_space<hbm>>
          %dma_wait3A_69 = tpu.memref_squeeze %dma_wait3A_68 : memref<1x80x128xf32, #tpu.memory_space<hbm>> -> memref<80x128xf32, #tpu.memory_space<hbm>>
          %dma_wait3A_70 = arith.constant 0 : i32
          %dma_wait3A_71 = tpu.memref_slice %arg8[%arg0, %add3A_61, %dma_wait3A_70] : memref<2x10000x128xf32, #tpu.memory_space<hbm>> -> memref<1x80x128xf32, #tpu.memory_space<hbm>>
          %dma_wait3A_72 = tpu.memref_squeeze %dma_wait3A_71 : memref<1x80x128xf32, #tpu.memory_space<hbm>> -> memref<80x128xf32, #tpu.memory_space<hbm>>
          tpu.wait_dma2 semaphore(%run_scoped3A_62 : memref<!tpu.dma_semaphore, #tpu.memory_space<semaphore_mem>>) src(%run_scoped3A : memref<80x128xf32, #tpu.memory_space<vmem>>) dst(%dma_wait3A_72 : memref<80x128xf32, #tpu.memory_space<hbm>>)
          tpu.yield
        }) : () -> ()
      }
      %while3A_50 = arith.constant 1 : i32
      scf.for %while3A_56 = %while3A_48 to %while3A_44 step %while3A_50  : i32 {
        %mul3A_57 = arith.constant 624 : i32
        %mul3A_58 = arith.muli %arg1, %mul3A_57 : i32
        %mul3A_59 = arith.constant 80 : i32
        %mul3A_60 = arith.muli %while3A_56, %mul3A_59 : i32
        %add3A_61 = arith.addi %mul3A_58, %mul3A_60 : i32
        "tpu.region"() ({
          %run_scoped3A_62 = tpu.sem_alloc : memref<!tpu.dma_semaphore, #tpu.memory_space<semaphore_mem>>
          %dma_start3A = arith.constant 0 : i32
          %dma_start3A_63 = tpu.memref_slice %arg15[%add3A_61, %dma_start3A] : memref<10000x128xf32, #tpu.memory_space<vmem_shared>> -> memref<80x128xf32, #tpu.memory_space<vmem_shared>>
          %dma_start3A_64 = arith.constant 0 : i32
          %dma_start3A_65 = tpu.memref_slice %arg15[%add3A_61, %dma_start3A_64] : memref<10000x128xf32, #tpu.memory_space<vmem_shared>> -> memref<80x128xf32, #tpu.memory_space<vmem_shared>>
          tpu.enqueue_dma source(%dma_start3A_65 : memref<80x128xf32, #tpu.memory_space<vmem_shared>>) target(%run_scoped3A : memref<80x128xf32, #tpu.memory_space<vmem>>) target_semaphore(%run_scoped3A_62 : memref<!tpu.dma_semaphore, #tpu.memory_space<semaphore_mem>>)
          %dma_wait3A = arith.constant 0 : i32
          %dma_wait3A_66 = tpu.memref_slice %arg15[%add3A_61, %dma_wait3A] : memref<10000x128xf32, #tpu.memory_space<vmem_shared>> -> memref<80x128xf32, #tpu.memory_space<vmem_shared>>
          %dma_wait3A_67 = arith.constant 0 : i32
          %dma_wait3A_68 = tpu.memref_slice %arg15[%add3A_61, %dma_wait3A_67] : memref<10000x128xf32, #tpu.memory_space<vmem_shared>> -> memref<80x128xf32, #tpu.memory_space<vmem_shared>>
          tpu.wait_dma2 semaphore(%run_scoped3A_62 : memref<!tpu.dma_semaphore, #tpu.memory_space<semaphore_mem>>) src(%dma_wait3A_68 : memref<80x128xf32, #tpu.memory_space<vmem_shared>>) dst(%run_scoped3A : memref<80x128xf32, #tpu.memory_space<vmem>>)
          tpu.yield
        }) : () -> ()
        "tpu.region"() ({
          %run_scoped3A_62 = tpu.sem_alloc : memref<!tpu.dma_semaphore, #tpu.memory_space<semaphore_mem>>
          %dma_start3A = arith.constant 0 : i32
          %dma_start3A_63 = tpu.memref_slice %arg8[%arg0, %add3A_61, %dma_start3A] : memref<2x10000x128xf32, #tpu.memory_space<hbm>> -> memref<1x80x128xf32, #tpu.memory_space<hbm>>
          %dma_start3A_64 = tpu.memref_squeeze %dma_start3A_63 : memref<1x80x128xf32, #tpu.memory_space<hbm>> -> memref<80x128xf32, #tpu.memory_space<hbm>>
          %dma_start3A_65 = arith.constant 0 : i32
          %dma_start3A_66 = tpu.memref_slice %arg8[%arg0, %add3A_61, %dma_start3A_65] : memref<2x10000x128xf32, #tpu.memory_space<hbm>> -> memref<1x80x128xf32, #tpu.memory_space<hbm>>
          %dma_start3A_67 = tpu.memref_squeeze %dma_start3A_66 : memref<1x80x128xf32, #tpu.memory_space<hbm>> -> memref<80x128xf32, #tpu.memory_space<hbm>>
          tpu.enqueue_dma source(%run_scoped3A : memref<80x128xf32, #tpu.memory_space<vmem>>) target(%dma_start3A_67 : memref<80x128xf32, #tpu.memory_space<hbm>>) target_semaphore(%run_scoped3A_62 : memref<!tpu.dma_semaphore, #tpu.memory_space<semaphore_mem>>)
          %dma_wait3A = arith.constant 0 : i32
          %dma_wait3A_68 = tpu.memref_slice %arg8[%arg0, %add3A_61, %dma_wait3A] : memref<2x10000x128xf32, #tpu.memory_space<hbm>> -> memref<1x80x128xf32, #tpu.memory_space<hbm>>
          %dma_wait3A_69 = tpu.memref_squeeze %dma_wait3A_68 : memref<1x80x128xf32, #tpu.memory_space<hbm>> -> memref<80x128xf32, #tpu.memory_space<hbm>>
          %dma_wait3A_70 = arith.constant 0 : i32
          %dma_wait3A_71 = tpu.memref_slice %arg8[%arg0, %add3A_61, %dma_wait3A_70] : memref<2x10000x128xf32, #tpu.memory_space<hbm>> -> memref<1x80x128xf32, #tpu.memory_space<hbm>>
          %dma_wait3A_72 = tpu.memref_squeeze %dma_wait3A_71 : memref<1x80x128xf32, #tpu.memory_space<hbm>> -> memref<80x128xf32, #tpu.memory_space<hbm>>
          tpu.wait_dma2 semaphore(%run_scoped3A_62 : memref<!tpu.dma_semaphore, #tpu.memory_space<semaphore_mem>>) src(%run_scoped3A : memref<80x128xf32, #tpu.memory_space<vmem>>) dst(%dma_wait3A_72 : memref<80x128xf32, #tpu.memory_space<hbm>>)
          tpu.yield
        }) : () -> ()
      }
      %lt3A_51 = arith.constant 15 : i32
      %lt3A_52 = arith.cmpi slt, %arg1, %lt3A_51 : i32
      %convert_element_type3A_53 = arith.extui %lt3A_52 : i1 to i32
      %cond3A_54 = arith.constant 0 : i32
      %cond3A_55 = arith.cmpi ne, %convert_element_type3A_53, %cond3A_54 : i32
      scf.if %cond3A_55 {
        %mul3A_56 = arith.constant 624 : i32
        %mul3A_57 = arith.muli %arg1, %mul3A_56 : i32
        %add3A_58 = arith.constant 560 : i32
        %add3A_59 = arith.addi %mul3A_57, %add3A_58 : i32
        "tpu.region"() ({
          %run_scoped3A_60 = tpu.sem_alloc : memref<!tpu.dma_semaphore, #tpu.memory_space<semaphore_mem>>
          %dma_start3A = arith.constant 0 : i32
          %dma_start3A_61 = arith.constant 0 : i32
          %dma_start3A_62 = tpu.memref_slice %run_scoped3A[%dma_start3A, %dma_start3A_61] : memref<80x128xf32, #tpu.memory_space<vmem>> -> memref<64x128xf32, #tpu.memory_space<vmem>>
          %dma_start3A_63 = arith.constant 0 : i32
          %dma_start3A_64 = tpu.memref_slice %arg15[%add3A_59, %dma_start3A_63] : memref<10000x128xf32, #tpu.memory_space<vmem_shared>> -> memref<64x128xf32, #tpu.memory_space<vmem_shared>>
          %dma_start3A_65 = arith.constant 0 : i32
          %dma_start3A_66 = arith.constant 0 : i32
          %dma_start3A_67 = tpu.memref_slice %run_scoped3A[%dma_start3A_65, %dma_start3A_66] : memref<80x128xf32, #tpu.memory_space<vmem>> -> memref<64x128xf32, #tpu.memory_space<vmem>>
          %dma_start3A_68 = arith.constant 0 : i32
          %dma_start3A_69 = tpu.memref_slice %arg15[%add3A_59, %dma_start3A_68] : memref<10000x128xf32, #tpu.memory_space<vmem_shared>> -> memref<64x128xf32, #tpu.memory_space<vmem_shared>>
          tpu.enqueue_dma source(%dma_start3A_69 : memref<64x128xf32, #tpu.memory_space<vmem_shared>>) target(%dma_start3A_67 : memref<64x128xf32, #tpu.memory_space<vmem>>) target_semaphore(%run_scoped3A_60 : memref<!tpu.dma_semaphore, #tpu.memory_space<semaphore_mem>>)
          %dma_wait3A = arith.constant 0 : i32
          %dma_wait3A_70 = arith.constant 0 : i32
          %dma_wait3A_71 = tpu.memref_slice %run_scoped3A[%dma_wait3A, %dma_wait3A_70] : memref<80x128xf32, #tpu.memory_space<vmem>> -> memref<64x128xf32, #tpu.memory_space<vmem>>
          %dma_wait3A_72 = arith.constant 0 : i32
          %dma_wait3A_73 = tpu.memref_slice %arg15[%add3A_59, %dma_wait3A_72] : memref<10000x128xf32, #tpu.memory_space<vmem_shared>> -> memref<64x128xf32, #tpu.memory_space<vmem_shared>>
          %dma_wait3A_74 = arith.constant 0 : i32
          %dma_wait3A_75 = arith.constant 0 : i32
          %dma_wait3A_76 = tpu.memref_slice %run_scoped3A[%dma_wait3A_74, %dma_wait3A_75] : memref<80x128xf32, #tpu.memory_space<vmem>> -> memref<64x128xf32, #tpu.memory_space<vmem>>
          %dma_wait3A_77 = arith.constant 0 : i32
          %dma_wait3A_78 = tpu.memref_slice %arg15[%add3A_59, %dma_wait3A_77] : memref<10000x128xf32, #tpu.memory_space<vmem_shared>> -> memref<64x128xf32, #tpu.memory_space<vmem_shared>>
          tpu.wait_dma2 semaphore(%run_scoped3A_60 : memref<!tpu.dma_semaphore, #tpu.memory_space<semaphore_mem>>) src(%dma_wait3A_78 : memref<64x128xf32, #tpu.memory_space<vmem_shared>>) dst(%dma_wait3A_76 : memref<64x128xf32, #tpu.memory_space<vmem>>)
          tpu.yield
        }) : () -> ()
        "tpu.region"() ({
          %run_scoped3A_60 = tpu.sem_alloc : memref<!tpu.dma_semaphore, #tpu.memory_space<semaphore_mem>>
          %dma_start3A = arith.constant 0 : i32
          %dma_start3A_61 = arith.constant 0 : i32
          %dma_start3A_62 = tpu.memref_slice %run_scoped3A[%dma_start3A, %dma_start3A_61] : memref<80x128xf32, #tpu.memory_space<vmem>> -> memref<64x128xf32, #tpu.memory_space<vmem>>
          %dma_start3A_63 = arith.constant 0 : i32
          %dma_start3A_64 = tpu.memref_slice %arg8[%arg0, %add3A_59, %dma_start3A_63] : memref<2x10000x128xf32, #tpu.memory_space<hbm>> -> memref<1x64x128xf32, #tpu.memory_space<hbm>>
          %dma_start3A_65 = tpu.memref_squeeze %dma_start3A_64 : memref<1x64x128xf32, #tpu.memory_space<hbm>> -> memref<64x128xf32, #tpu.memory_space<hbm>>
          %dma_start3A_66 = arith.constant 0 : i32
          %dma_start3A_67 = tpu.memref_slice %arg8[%arg0, %add3A_59, %dma_start3A_66] : memref<2x10000x128xf32, #tpu.memory_space<hbm>> -> memref<1x64x128xf32, #tpu.memory_space<hbm>>
          %dma_start3A_68 = tpu.memref_squeeze %dma_start3A_67 : memref<1x64x128xf32, #tpu.memory_space<hbm>> -> memref<64x128xf32, #tpu.memory_space<hbm>>
          %dma_start3A_69 = arith.constant 0 : i32
          %dma_start3A_70 = arith.constant 0 : i32
          %dma_start3A_71 = tpu.memref_slice %run_scoped3A[%dma_start3A_69, %dma_start3A_70] : memref<80x128xf32, #tpu.memory_space<vmem>> -> memref<64x128xf32, #tpu.memory_space<vmem>>
          tpu.enqueue_dma source(%dma_start3A_71 : memref<64x128xf32, #tpu.memory_space<vmem>>) target(%dma_start3A_68 : memref<64x128xf32, #tpu.memory_space<hbm>>) target_semaphore(%run_scoped3A_60 : memref<!tpu.dma_semaphore, #tpu.memory_space<semaphore_mem>>)
          %dma_wait3A = arith.constant 0 : i32
          %dma_wait3A_72 = arith.constant 0 : i32
          %dma_wait3A_73 = tpu.memref_slice %run_scoped3A[%dma_wait3A, %dma_wait3A_72] : memref<80x128xf32, #tpu.memory_space<vmem>> -> memref<64x128xf32, #tpu.memory_space<vmem>>
          %dma_wait3A_74 = arith.constant 0 : i32
          %dma_wait3A_75 = tpu.memref_slice %arg8[%arg0, %add3A_59, %dma_wait3A_74] : memref<2x10000x128xf32, #tpu.memory_space<hbm>> -> memref<1x64x128xf32, #tpu.memory_space<hbm>>
          %dma_wait3A_76 = tpu.memref_squeeze %dma_wait3A_75 : memref<1x64x128xf32, #tpu.memory_space<hbm>> -> memref<64x128xf32, #tpu.memory_space<hbm>>
          %dma_wait3A_77 = arith.constant 0 : i32
          %dma_wait3A_78 = tpu.memref_slice %arg8[%arg0, %add3A_59, %dma_wait3A_77] : memref<2x10000x128xf32, #tpu.memory_space<hbm>> -> memref<1x64x128xf32, #tpu.memory_space<hbm>>
          %dma_wait3A_79 = tpu.memref_squeeze %dma_wait3A_78 : memref<1x64x128xf32, #tpu.memory_space<hbm>> -> memref<64x128xf32, #tpu.memory_space<hbm>>
          %dma_wait3A_80 = arith.constant 0 : i32
          %dma_wait3A_81 = arith.constant 0 : i32
          %dma_wait3A_82 = tpu.memref_slice %run_scoped3A[%dma_wait3A_80, %dma_wait3A_81] : memref<80x128xf32, #tpu.memory_space<vmem>> -> memref<64x128xf32, #tpu.memory_space<vmem>>
          tpu.wait_dma2 semaphore(%run_scoped3A_60 : memref<!tpu.dma_semaphore, #tpu.memory_space<semaphore_mem>>) src(%dma_wait3A_82 : memref<64x128xf32, #tpu.memory_space<vmem>>) dst(%dma_wait3A_79 : memref<64x128xf32, #tpu.memory_space<hbm>>)
          tpu.yield
        }) : () -> ()
      } else {
      }
      tpu.yield
    }) : () -> ()
    %scan3A_10 = arith.constant 0 : i32
    %scan3A_11 = arith.constant 0 : i32
    %scan3A_12 = arith.constant 10 : i32
    %scan3A_13 = arith.addi %scan3A_11, %scan3A_12 : i32
    %scan3A_14 = arith.constant 1 : i32
    scf.for %scan3A_16 = %scan3A_11 to %scan3A_13 step %scan3A_14  : i32 {
      %mul3A_17 = arith.constant 1000 : i32
      %mul3A_18 = arith.muli %scan3A_16, %mul3A_17 : i32
      %run_scoped3A = arith.constant 0 : i32
      "tpu.region"() ({
        %run_scoped3A_19 = tpu.sem_alloc : memref<!tpu.dma_semaphore, #tpu.memory_space<semaphore_mem>>
        %dma_start3A = tpu.memref_slice %arg10[%mul3A_18] : memref<10000xf32, #tpu.memory_space<vmem>> -> memref<1000xf32, #tpu.memory_space<vmem>>
        %dma_start3A_20 = arith.constant 0 : i32
        %dma_start3A_21 = tpu.memref_slice %arg9[%scan3A_16, %add3A, %run_scoped3A, %dma_start3A_20] : memref<10x32x1x1000xf32, #tpu.memory_space<hbm>> -> memref<1x1x1x1000xf32, #tpu.memory_space<hbm>>
        %dma_start3A_22 = tpu.memref_squeeze %dma_start3A_21 : memref<1x1x1x1000xf32, #tpu.memory_space<hbm>> -> memref<1000xf32, #tpu.memory_space<hbm>>
        %dma_start3A_23 = arith.constant 0 : i32
        %dma_start3A_24 = tpu.memref_slice %arg9[%scan3A_16, %add3A, %run_scoped3A, %dma_start3A_23] : memref<10x32x1x1000xf32, #tpu.memory_space<hbm>> -> memref<1x1x1x1000xf32, #tpu.memory_space<hbm>>
        %dma_start3A_25 = tpu.memref_squeeze %dma_start3A_24 : memref<1x1x1x1000xf32, #tpu.memory_space<hbm>> -> memref<1000xf32, #tpu.memory_space<hbm>>
        %dma_start3A_26 = tpu.memref_slice %arg10[%mul3A_18] : memref<10000xf32, #tpu.memory_space<vmem>> -> memref<1000xf32, #tpu.memory_space<vmem>>
        tpu.enqueue_dma source(%dma_start3A_26 : memref<1000xf32, #tpu.memory_space<vmem>>) target(%dma_start3A_25 : memref<1000xf32, #tpu.memory_space<hbm>>) target_semaphore(%run_scoped3A_19 : memref<!tpu.dma_semaphore, #tpu.memory_space<semaphore_mem>>)
        %dma_wait3A = tpu.memref_slice %arg10[%mul3A_18] : memref<10000xf32, #tpu.memory_space<vmem>> -> memref<1000xf32, #tpu.memory_space<vmem>>
        %dma_wait3A_27 = arith.constant 0 : i32
        %dma_wait3A_28 = tpu.memref_slice %arg9[%scan3A_16, %add3A, %run_scoped3A, %dma_wait3A_27] : memref<10x32x1x1000xf32, #tpu.memory_space<hbm>> -> memref<1x1x1x1000xf32, #tpu.memory_space<hbm>>
        %dma_wait3A_29 = tpu.memref_squeeze %dma_wait3A_28 : memref<1x1x1x1000xf32, #tpu.memory_space<hbm>> -> memref<1000xf32, #tpu.memory_space<hbm>>
        %dma_wait3A_30 = arith.constant 0 : i32
        %dma_wait3A_31 = tpu.memref_slice %arg9[%scan3A_16, %add3A, %run_scoped3A, %dma_wait3A_30] : memref<10x32x1x1000xf32, #tpu.memory_space<hbm>> -> memref<1x1x1x1000xf32, #tpu.memory_space<hbm>>
        %dma_wait3A_32 = tpu.memref_squeeze %dma_wait3A_31 : memref<1x1x1x1000xf32, #tpu.memory_space<hbm>> -> memref<1000xf32, #tpu.memory_space<hbm>>
        %dma_wait3A_33 = tpu.memref_slice %arg10[%mul3A_18] : memref<10000xf32, #tpu.memory_space<vmem>> -> memref<1000xf32, #tpu.memory_space<vmem>>
        tpu.wait_dma2 semaphore(%run_scoped3A_19 : memref<!tpu.dma_semaphore, #tpu.memory_space<semaphore_mem>>) src(%dma_wait3A_33 : memref<1000xf32, #tpu.memory_space<vmem>>) dst(%dma_wait3A_32 : memref<1000xf32, #tpu.memory_space<hbm>>)
        tpu.yield
      }) : () -> ()
    }
    %scan3A_15 = arith.constant 10 : i32
    return
  }
}

module attributes {stable_mosaic.version = 14 : i64} {
  func.func @_proj_body(%arg0: i32, %arg1: memref<2000x128xf32, #tpu.memory_space<vmem>>, %arg2: memref<128x128xf32, #tpu.memory_space<vmem>>, %arg3: memref<128x1xf32, #tpu.memory_space<vmem>>, %arg4: memref<128x1xf32, #tpu.memory_space<vmem>>, %arg5: memref<2000x128xf32, #tpu.memory_space<vmem>>, %arg6: memref<2000x1xf32, #tpu.memory_space<vmem>>, %arg7: memref<2000x1xf32, #tpu.memory_space<vmem>>, %arg8: memref<1x1xf32, #tpu.memory_space<vmem>>, %arg9: memref<1x1xf32, #tpu.memory_space<vmem>>) attributes {dimension_semantics = [#tpu.dimension_semantics<arbitrary>], iteration_bounds = array<i64: 5>, scalar_prefetch = 0 : i64, scratch_operands = 0 : i64, tpu.core_type = #tpu.core_type<tc>, window_params = [{transform_indices = @transform_0, window_bounds = array<i64: 2000, 128>}, {pipeline_mode = #tpu.pipeline_mode<synchronous>, transform_indices = @transform_1, window_bounds = array<i64: 128, 128>}, {pipeline_mode = #tpu.pipeline_mode<synchronous>, transform_indices = @transform_2, window_bounds = array<i64: 128, 1>}, {pipeline_mode = #tpu.pipeline_mode<synchronous>, transform_indices = @transform_3, window_bounds = array<i64: 128, 1>}, {transform_indices = @transform_4, window_bounds = array<i64: 2000, 128>}, {transform_indices = @transform_5, window_bounds = array<i64: 2000, 1>}, {transform_indices = @transform_6, window_bounds = array<i64: 2000, 1>}, {pipeline_mode = #tpu.pipeline_mode<synchronous>, transform_indices = @transform_7, window_bounds = array<i64: 1, 1>}, {pipeline_mode = #tpu.pipeline_mode<synchronous>, transform_indices = @transform_8, window_bounds = array<i64: 1, 1>}]} {
    %get3A = arith.constant 0 : index
    %get3A_0 = arith.constant 0 : index
    %get3A_1 = vector.load %arg1[%get3A, %get3A_0] : memref<2000x128xf32, #tpu.memory_space<vmem>>, vector<2000x128xf32>
    %get3A_2 = arith.constant 0 : index
    %get3A_3 = arith.constant 0 : index
    %get3A_4 = vector.load %arg2[%get3A_2, %get3A_3] : memref<128x128xf32, #tpu.memory_space<vmem>>, vector<128x128xf32>
    %dot_general3A = arith.constant dense<0.000000e+00> : vector<2000x128xf32>
    %dot_general3A_5 = tpu.matmul %get3A_1, %get3A_4, %dot_general3A {dimension_numbers = #tpu.dot_dimension_numbers<[1], [1], [0], [0], [0, 0, 1, 0], [], []>, transpose_lhs_hint = false} : vector<2000x128xf32>, vector<128x128xf32>, vector<2000x128xf32> -> vector<2000x128xf32>
    %swap3A = arith.constant 0 : index
    %swap3A_6 = arith.constant 0 : index
    %swap3A_7 = vector.load %arg5[%swap3A, %swap3A_6] : memref<2000x128xf32, #tpu.memory_space<vmem>>, vector<2000x128xf32>
    tpu.vector_store %arg5[%swap3A, %swap3A_6], %dot_general3A_5 {strides = array<i32>} : memref<2000x128xf32, #tpu.memory_space<vmem>>, vector<2000x128xf32>,
    %get3A_8 = arith.constant 0 : index
    %get3A_9 = arith.constant 0 : index
    %get3A_10 = vector.load %arg3[%get3A_8, %get3A_9] : memref<128x1xf32, #tpu.memory_space<vmem>>, vector<128x1xf32>
    %dot_general3A_11 = arith.constant dense<0.000000e+00> : vector<2000x1xf32>
    %dot_general3A_12 = tpu.matmul %dot_general3A_5, %get3A_10, %dot_general3A_11 {dimension_numbers = #tpu.dot_dimension_numbers<[1], [0], [0], [1], [0, 0, 1, 1], [], []>, transpose_lhs_hint = false} : vector<2000x128xf32>, vector<128x1xf32>, vector<2000x1xf32> -> vector<2000x1xf32>
    %get3A_13 = arith.constant 0 : index
    %get3A_14 = arith.constant 0 : index
    %get3A_15 = vector.load %arg4[%get3A_13, %get3A_14] : memref<128x1xf32, #tpu.memory_space<vmem>>, vector<128x1xf32>
    %dot_general3A_16 = arith.constant dense<0.000000e+00> : vector<2000x1xf32>
    %dot_general3A_17 = tpu.matmul %dot_general3A_5, %get3A_15, %dot_general3A_16 {dimension_numbers = #tpu.dot_dimension_numbers<[1], [0], [0], [1], [0, 0, 1, 1], [], []>, transpose_lhs_hint = false} : vector<2000x128xf32>, vector<128x1xf32>, vector<2000x1xf32> -> vector<2000x1xf32>
    %swap3A_18 = arith.constant 0 : index
    %swap3A_19 = arith.constant 0 : index
    %swap3A_20 = vector.load %arg6[%swap3A_18, %swap3A_19] : memref<2000x1xf32, #tpu.memory_space<vmem>>, vector<2000x1xf32>
    tpu.vector_store %arg6[%swap3A_18, %swap3A_19], %dot_general3A_12 {strides = array<i32>} : memref<2000x1xf32, #tpu.memory_space<vmem>>, vector<2000x1xf32>,
    %swap3A_21 = arith.constant 0 : index
    %swap3A_22 = arith.constant 0 : index
    %swap3A_23 = vector.load %arg7[%swap3A_21, %swap3A_22] : memref<2000x1xf32, #tpu.memory_space<vmem>>, vector<2000x1xf32>
    tpu.vector_store %arg7[%swap3A_21, %swap3A_22], %dot_general3A_17 {strides = array<i32>} : memref<2000x1xf32, #tpu.memory_space<vmem>>, vector<2000x1xf32>,
    %eq3A = arith.constant 0 : i32
    %eq3A_24 = arith.cmpi eq, %arg0, %eq3A : i32
    %convert_element_type3A = arith.extui %eq3A_24 : i1 to i32
    %cond3A = arith.constant 0 : i32
    %cond3A_25 = arith.cmpi ne, %convert_element_type3A, %cond3A : i32
    scf.if %cond3A_25 {
      %broadcast_in_dim3A = arith.constant 0xFF800000 : f32
      %broadcast_in_dim3A_50 = vector.broadcast %broadcast_in_dim3A : f32 to vector<1x1xf32>
      %swap3A_51 = arith.constant 0 : index
      %swap3A_52 = arith.constant 0 : index
      %swap3A_53 = vector.load %arg8[%swap3A_51, %swap3A_52] : memref<1x1xf32, #tpu.memory_space<vmem>>, vector<1x1xf32>
      tpu.vector_store %arg8[%swap3A_51, %swap3A_52], %broadcast_in_dim3A_50 {strides = array<i32>} : memref<1x1xf32, #tpu.memory_space<vmem>>, vector<1x1xf32>,
      %broadcast_in_dim3A_54 = arith.constant 0xFF800000 : f32
      %broadcast_in_dim3A_55 = vector.broadcast %broadcast_in_dim3A_54 : f32 to vector<1x1xf32>
      %swap3A_56 = arith.constant 0 : index
      %swap3A_57 = arith.constant 0 : index
      %swap3A_58 = vector.load %arg9[%swap3A_56, %swap3A_57] : memref<1x1xf32, #tpu.memory_space<vmem>>, vector<1x1xf32>
      tpu.vector_store %arg9[%swap3A_56, %swap3A_57], %broadcast_in_dim3A_55 {strides = array<i32>} : memref<1x1xf32, #tpu.memory_space<vmem>>, vector<1x1xf32>,
    } else {
    }
    %get3A_26 = arith.constant 0 : index
    %get3A_27 = arith.constant 0 : index
    %get3A_28 = vector.load %arg8[%get3A_26, %get3A_27] : memref<1x1xf32, #tpu.memory_space<vmem>>, vector<1x1xf32>
    %reduce_max3A = vector.shape_cast %dot_general3A_12 : vector<2000x1xf32> to vector<1x2000x1xf32>
    %reduce_max3A_29 = arith.constant dense<0xFF800000> : vector<1xf32>
    %reduce_max3A_30 = vector.multi_reduction <maximumf>, %reduce_max3A, %reduce_max3A_29 [1, 2] : vector<1x2000x1xf32> to vector<1xf32>
    %reduce_max3A_31 = vector.shape_cast %reduce_max3A_30 : vector<1xf32> to vector<1x1x1xf32>
    %reduce_max3A_32 = vector.extract %reduce_max3A_31[0, 0, 0] : f32 from vector<1x1x1xf32>
    %max3A = vector.broadcast %reduce_max3A_32 : f32 to vector<1x1xf32>
    %max3A_33 = arith.maximumf %get3A_28, %max3A : vector<1x1xf32>
    %swap3A_34 = arith.constant 0 : index
    %swap3A_35 = arith.constant 0 : index
    %swap3A_36 = vector.load %arg8[%swap3A_34, %swap3A_35] : memref<1x1xf32, #tpu.memory_space<vmem>>, vector<1x1xf32>
    tpu.vector_store %arg8[%swap3A_34, %swap3A_35], %max3A_33 {strides = array<i32>} : memref<1x1xf32, #tpu.memory_space<vmem>>, vector<1x1xf32>,
    %get3A_37 = arith.constant 0 : index
    %get3A_38 = arith.constant 0 : index
    %get3A_39 = vector.load %arg9[%get3A_37, %get3A_38] : memref<1x1xf32, #tpu.memory_space<vmem>>, vector<1x1xf32>
    %reduce_max3A_40 = vector.shape_cast %dot_general3A_17 : vector<2000x1xf32> to vector<1x2000x1xf32>
    %reduce_max3A_41 = arith.constant dense<0xFF800000> : vector<1xf32>
    %reduce_max3A_42 = vector.multi_reduction <maximumf>, %reduce_max3A_40, %reduce_max3A_41 [1, 2] : vector<1x2000x1xf32> to vector<1xf32>
    %reduce_max3A_43 = vector.shape_cast %reduce_max3A_42 : vector<1xf32> to vector<1x1x1xf32>
    %reduce_max3A_44 = vector.extract %reduce_max3A_43[0, 0, 0] : f32 from vector<1x1x1xf32>
    %max3A_45 = vector.broadcast %reduce_max3A_44 : f32 to vector<1x1xf32>
    %max3A_46 = arith.maximumf %get3A_39, %max3A_45 : vector<1x1xf32>
    %swap3A_47 = arith.constant 0 : index
    %swap3A_48 = arith.constant 0 : index
    %swap3A_49 = vector.load %arg9[%swap3A_47, %swap3A_48] : memref<1x1xf32, #tpu.memory_space<vmem>>, vector<1x1xf32>
    tpu.vector_store %arg9[%swap3A_47, %swap3A_48], %max3A_46 {strides = array<i32>} : memref<1x1xf32, #tpu.memory_space<vmem>>, vector<1x1xf32>,
    return
  }
  func.func @transform_0(%arg0: i32) -> (i32, i32) {
    %c0_i32 = arith.constant 0 : i32
    %c0_i32_0 = arith.constant 0 : i32
    return %arg0, %c0_i32 : i32, i32
  }
  func.func @transform_1(%arg0: i32) -> (i32, i32) {
    %c0_i32 = arith.constant 0 : i32
    %c0_i32_0 = arith.constant 0 : i32
    %c0_i32_1 = arith.constant 0 : i32
    return %c0_i32, %c0_i32_0 : i32, i32
  }
  func.func @transform_2(%arg0: i32) -> (i32, i32) {
    %c0_i32 = arith.constant 0 : i32
    %c0_i32_0 = arith.constant 0 : i32
    %c0_i32_1 = arith.constant 0 : i32
    return %c0_i32, %c0_i32_0 : i32, i32
  }
  func.func @transform_3(%arg0: i32) -> (i32, i32) {
    %c0_i32 = arith.constant 0 : i32
    %c0_i32_0 = arith.constant 0 : i32
    %c0_i32_1 = arith.constant 0 : i32
    return %c0_i32, %c0_i32_0 : i32, i32
  }
  func.func @transform_4(%arg0: i32) -> (i32, i32) {
    %c0_i32 = arith.constant 0 : i32
    %c0_i32_0 = arith.constant 0 : i32
    return %arg0, %c0_i32 : i32, i32
  }
  func.func @transform_5(%arg0: i32) -> (i32, i32) {
    %c0_i32 = arith.constant 0 : i32
    %c0_i32_0 = arith.constant 0 : i32
    return %arg0, %c0_i32 : i32, i32
  }
  func.func @transform_6(%arg0: i32) -> (i32, i32) {
    %c0_i32 = arith.constant 0 : i32
    %c0_i32_0 = arith.constant 0 : i32
    return %arg0, %c0_i32 : i32, i32
  }
  func.func @transform_7(%arg0: i32) -> (i32, i32) {
    %c0_i32 = arith.constant 0 : i32
    %c0_i32_0 = arith.constant 0 : i32
    %c0_i32_1 = arith.constant 0 : i32
    return %c0_i32, %c0_i32_0 : i32, i32
  }
  func.func @transform_8(%arg0: i32) -> (i32, i32) {
    %c0_i32 = arith.constant 0 : i32
    %c0_i32_0 = arith.constant 0 : i32
    %c0_i32_1 = arith.constant 0 : i32
    return %c0_i32, %c0_i32_0 : i32, i32
  }
}

module attributes {stable_mosaic.version = 14 : i64} {
  func.func @_norm_body(%arg0: i32, %arg1: memref<2x1000x128xf32, #tpu.memory_space<vmem>>, %arg2: memref<1x32x1x1000xf32, #tpu.memory_space<vmem>>, %arg3: memref<1000x1000xf32, #tpu.memory_space<vmem>>, %arg4: memref<1000x128xf32, #tpu.memory_space<vmem>>) attributes {dimension_semantics = [#tpu.dimension_semantics<arbitrary>], iteration_bounds = array<i64: 10>, scalar_prefetch = 0 : i64, scratch_operands = 0 : i64, tpu.core_type = #tpu.core_type<tc>, window_params = [{transform_indices = @transform_0, window_bounds = array<i64: 2, 1000, 128>}, {transform_indices = @transform_1, window_bounds = array<i64: 1, 32, 1, 1000>}, {pipeline_mode = #tpu.pipeline_mode<synchronous>, transform_indices = @transform_2, window_bounds = array<i64: 1000, 1000>}, {transform_indices = @transform_3, window_bounds = array<i64: 1000, 128>}]} {
    %get3A = arith.constant 0 : index
    %get3A_0 = arith.constant 0 : index
    %get3A_1 = arith.constant 0 : index
    %get3A_2 = vector.load %arg1[%get3A, %get3A_0, %get3A_1] : memref<2x1000x128xf32, #tpu.memory_space<vmem>>, vector<2x1000x128xf32>
    %get3A_3 = arith.constant 0 : index
    %get3A_4 = arith.constant 0 : index
    %get3A_5 = arith.constant 0 : index
    %get3A_6 = arith.constant 0 : index
    %get3A_7 = vector.load %arg2[%get3A_3, %get3A_4, %get3A_5, %get3A_6] : memref<1x32x1x1000xf32, #tpu.memory_space<vmem>>, vector<1x32x1x1000xf32>
    %reduce_sum3A = arith.constant dense<0.000000e+00> : vector<1000xf32>
    %reduce_sum3A_8 = vector.multi_reduction <add>, %get3A_7, %reduce_sum3A [0, 1, 2] : vector<1x32x1x1000xf32> to vector<1000xf32>
    %reshape3A = vector.shape_cast %reduce_sum3A_8 : vector<1000xf32> to vector<1x1000xf32>
    %add3A = arith.constant 1.000000e-10 : f32
    %add3A_9 = vector.broadcast %add3A : f32 to vector<1x1000xf32>
    %add3A_10 = arith.addf %reshape3A, %add3A_9 : vector<1x1000xf32>
    %div3A = arith.constant 1.000000e+00 : f32
    %div3A_11 = vector.broadcast %div3A : f32 to vector<1x1000xf32>
    %div3A_12 = arith.divf %div3A_11, %add3A_10 : vector<1x1000xf32>
    %get3A_13 = arith.constant 0 : index
    %get3A_14 = arith.constant 0 : index
    %get3A_15 = vector.load %arg3[%get3A_13, %get3A_14] : memref<1000x1000xf32, #tpu.memory_space<vmem>>, vector<1000x1000xf32>
    %mul3A = vector.broadcast %div3A_12 : vector<1x1000xf32> to vector<1000x1000xf32>
    %mul3A_16 = arith.mulf %get3A_15, %mul3A : vector<1000x1000xf32>
    %slice3A = vector.extract_strided_slice %get3A_2 {offsets = [0, 0, 0], sizes = [1, 1000, 128], strides = [1, 1, 1]} : vector<2x1000x128xf32> to vector<1x1000x128xf32>
    %squeeze3A = vector.shape_cast %slice3A : vector<1x1000x128xf32> to vector<1000x128xf32>
    %slice3A_17 = vector.extract_strided_slice %get3A_2 {offsets = [1, 0, 0], sizes = [1, 1000, 128], strides = [1, 1, 1]} : vector<2x1000x128xf32> to vector<1x1000x128xf32>
    %squeeze3A_18 = vector.shape_cast %slice3A_17 : vector<1x1000x128xf32> to vector<1000x128xf32>
    %add3A_19 = arith.addf %squeeze3A, %squeeze3A_18 : vector<1000x128xf32>
    %dot_general3A = arith.constant dense<0.000000e+00> : vector<1000x128xf32>
    %dot_general3A_20 = tpu.matmul %mul3A_16, %add3A_19, %dot_general3A {dimension_numbers = #tpu.dot_dimension_numbers<[1], [0], [0], [1], [0, 0, 1, 1], [], []>, transpose_lhs_hint = false} : vector<1000x1000xf32>, vector<1000x128xf32>, vector<1000x128xf32> -> vector<1000x128xf32>
    %swap3A = arith.constant 0 : index
    %swap3A_21 = arith.constant 0 : index
    %swap3A_22 = vector.load %arg4[%swap3A, %swap3A_21] : memref<1000x128xf32, #tpu.memory_space<vmem>>, vector<1000x128xf32>
    tpu.vector_store %arg4[%swap3A, %swap3A_21], %dot_general3A_20 {strides = array<i32>} : memref<1000x128xf32, #tpu.memory_space<vmem>>, vector<1000x128xf32>,
    return
  }
  func.func @transform_0(%arg0: i32) -> (i32, i32, i32) {
    %c0_i32 = arith.constant 0 : i32
    %c0_i32_0 = arith.constant 0 : i32
    %c0_i32_1 = arith.constant 0 : i32
    return %c0_i32, %arg0, %c0_i32_0 : i32, i32, i32
  }
  func.func @transform_1(%arg0: i32) -> (i32, i32, i32, i32) {
    %c0_i32 = arith.constant 0 : i32
    %c0_i32_0 = arith.constant 0 : i32
    %c0_i32_1 = arith.constant 0 : i32
    %c0_i32_2 = arith.constant 0 : i32
    return %arg0, %c0_i32, %c0_i32_0, %c0_i32_1 : i32, i32, i32, i32
  }
  func.func @transform_2(%arg0: i32) -> (i32, i32) {
    %c0_i32 = arith.constant 0 : i32
    %c0_i32_0 = arith.constant 0 : i32
    %c0_i32_1 = arith.constant 0 : i32
    return %c0_i32, %c0_i32_0 : i32, i32
  }
  func.func @transform_3(%arg0: i32) -> (i32, i32) {
    %c0_i32 = arith.constant 0 : i32
    %c0_i32_0 = arith.constant 0 : i32
    return %arg0, %c0_i32 : i32, i32
  }
}

</mosaic_0001>

<sc_bundles>
// kernel: kernel.5.cloned.1.call-start
scs
__scs_entry_jumppad:
0x0: {  	(pc) =	sbr.rel $0x88, $3  }
0x1: {  	(tag) =	ssettag $0x0;
	lr =	simm.s32 $0x1  }
0x2: {  	[smem:$0x3F9C] =	sst lr;
	_ =	strace $0xD0000000  }
0x3: {  	_ = 	snop  }
0x4: {  	_ = 	snop  }
0x5: {  	_ = 	snop  }
0x6: {  	_ = 	snop  }
0x7: {  	_ = 	snop  }
__scs_overlays_trampoline_lowered:
0x8: {  	[smem:$0x3FAB] =	sst s0  }
0x9: {  	[smem:$0x3FAC] =	sst s1  }
0xa: {  	[smem:$0x3FAD] =	sst s2  }
0xb: {  	[smem:$0x3FAE] =	sst s3  }
0xc: {  	[smem:$0x3FAF] =	sst s4  }
0xd: {  	[smem:$0x3FB0] =	sst s5  }
0xe: {  	[smem:$0x3FB1] =	sst s6  }
0xf: {  	[smem:$0x3FB2] =	sst s7  }
0x10: {  	[smem:$0x3FB3] =	sst s8  }
0x11: {  	[smem:$0x3FB4] =	sst s9;
	s0 =	simm.s32 @!p0 $0x0  }
0x12: {  	s1 =	sld [smem:$0x3F9A];
	s0 =	simm.s32 @p0 $0x1  }
0x13: {  	[smem:$0x3FB5] =	sst s0;
	s0 =	simm.s32 @!p1 $0x0  }
0x14: {  	s2 =	sld [smem:$0x3F99];
	s0 =	simm.s32 @p1 $0x1  }
0x15: {  	[smem:$0x3FB6] =	sst s0;
	s0 =	simm.s32 @!p2 $0x0  }
0x16: {  	s3 =	sld [smem:$0x3FDB];
	s0 =	simm.s32 @p2 $0x1  }
0x17: {  	s4 =	simm.s32 $0x1BF5;
	[smem:$0x3FB8] =	sst s0  }
0x18: {  	s0 =	sld [smem:$0x3F9B];
	_ =	swait.ge [sflag:s4], $0x0  }
0x19: {  	s7 =	sld [smem:$0x3F9C]  }
0x1a: {  	s8 =	sadd.s32 $0xFFFFE003, lr  }
0x1b: {  	s9 =	sadd.s32 $0xFFFFFEF7, lr;
	s5 =	simm.s32 $0xFFFFFFFF;
	p2 =	slt.u32 s8, $0xFFFFF086  }
0x1c: {  	p1 =	slt.u32 s9, $0xF7A;
	s5 =	simm.s32 @!p2 $0x0  }
0x1d: {  	s5 =	simm.s32 @p1 $0x1;
	p0 =	seq.s32 s7, s2  }
0x1e: {  	s7 =	smul.u32 @!p0 $0xF7A, s2;
	p2 =	seq.s32 @!p0 s5, $0x0  }
0x1f: {  	s9 =	smul.u32 $0xF7A, s1;
	s8 =	simm.s32 @!p0 $0x1BF5;
	p2 =	por !p2, p0  }
0x20: {  	[sflag:s8] =	ssyncset.s32 @!p0 $0xFFFFF086;
	s6 =	sadd.s32 @!p0 s3, s7;
	s7 =	simm.s32 @!p0 $0x108  }
0x21: {  	s3 =	sadd.s32 s3, s9;
	s6 =	sadd.s32 @!p0 $0x88, s6;
	s7 =	simm.s32 @p2 $0x1082  }
0x22: {  	[simem:s7], [sflag:s8] =	dma.local @!p0 [hbm:s6], $0xF7A  }
0x23: {  	s9 =	sor.u32 $0xD0000000, s2;
	s6 =	simm.s32 $0x108;
	_ =	swait.ge @!p0 [sflag:s8], $0x0  }
0x24: {  	s3 =	sadd.s32 $0x88, s3;
	s6 =	simm.s32 @!p1 $0x1082;
	[sflag:s4] =	ssyncset.s32 $0xFFFFF086  }
0x25: {  	[simem:s6], [sflag:s4] =	dma.local [hbm:s3], $0xF7A  }
0x26: {  	[smem:$0x3F9C] =	sst s1;
	(tag) =	ssettag s2;
	_ =	strace s9  }
0x27: {  	s1 =	sld [smem:$0x3FAC]  }
0x28: {  	s2 =	sld [smem:$0x3FAD]  }
0x29: {  	s4 =	sld [smem:$0x3FAF]  }
0x2a: {  	p0 =	seq.s32 s5, $0x0;
	s5 =	sld [smem:$0x3FB0]  }
0x2b: {  	s6 =	sld [smem:$0x3FB1]  }
0x2c: {  	s7 =	sld [smem:$0x3FB2]  }
0x2d: {  	s3 =	simm.s32 $0x108;
	s8 =	sld [smem:$0x3FB3]  }
0x2e: {  	s3 =	simm.s32 @!p0 $0x1082;
	s9 =	sld [smem:$0x3FB4]  }
0x2f: {  	lr =	sadd.s32 s0, s3;
	s0 =	sld [smem:$0x3FAB]  }
0x30: {  	s3 =	sld [smem:$0x3FAE]  }
0x31: {  	[smem:$0x3FB7] =	sst s10  }
0x32: {  	s10 =	sld [smem:$0x3FB5];
	_ =	sdelay $0x3  }
0x33: {  	p0 =	seq.s32 s10, $0x1;
	s10 =	sld [smem:$0x3FB7];
	_ =	sdelay $0x3  }
0x34: {  	[smem:$0x3FB7] =	sst s10  }
0x35: {  	s10 =	sld [smem:$0x3FB6];
	_ =	sdelay $0x3  }
0x36: {  	p1 =	seq.s32 s10, $0x1;
	s10 =	sld [smem:$0x3FB7];
	_ =	sdelay $0x3  }
0x37: {  	[smem:$0x3FB7] =	sst s10  }
0x38: {  	s10 =	sld [smem:$0x3FB8]  }
0x39: {  	_ = 	snop;
	(pc) =	sbr.ind lr, $3  }
0x3a: {  	_ = 	snop  }
0x3b: {  	_ = 	snop  }
0x3c: {  	p2 =	seq.s32 s10, $0x1;
	s10 =	sld [smem:$0x3FB7]  }
0x3d: {  	_ =	shalt  }
0x3e: {  	_ =	shalt  }
0x3f: {  	_ =	shalt  }
0x40: {  	_ =	shalt  }
0x41: {  	_ =	shalt  }
0x42: {  	_ =	shalt  }
0x43: {  	_ =	shalt  }
0x44: {  	_ =	shalt  }
0x45: {  	_ =	shalt  }
0x46: {  	_ =	shalt  }
0x47: {  	_ =	shalt  }
0x48: {  	_ =	shalt  }
0x49: {  	_ =	shalt  }
0x4a: {  	_ =	shalt  }
0x4b: {  	_ =	shalt  }
0x4c: {  	_ =	shalt  }
0x4d: {  	_ =	shalt  }
0x4e: {  	_ =	shalt  }
0x4f: {  	_ =	shalt  }
0x50: {  	_ =	shalt  }
0x51: {  	_ =	shalt  }
0x52: {  	_ =	shalt  }
0x53: {  	_ =	shalt  }
0x54: {  	_ =	shalt  }
0x55: {  	_ =	shalt  }
0x56: {  	_ =	shalt  }
0x57: {  	_ =	shalt  }
0x58: {  	_ =	shalt  }
0x59: {  	_ =	shalt  }
0x5a: {  	_ =	shalt  }
0x5b: {  	_ =	shalt  }
0x5c: {  	_ =	shalt  }
0x5d: {  	_ =	shalt  }
0x5e: {  	_ =	shalt  }
0x5f: {  	_ =	shalt  }
0x60: {  	_ =	shalt  }
0x61: {  	_ =	shalt  }
0x62: {  	_ =	shalt  }
0x63: {  	_ =	shalt  }
0x64: {  	_ =	shalt  }
0x65: {  	_ =	shalt  }
0x66: {  	_ =	shalt  }
0x67: {  	_ =	shalt  }
0x68: {  	_ =	shalt  }
0x69: {  	_ =	shalt  }
0x6a: {  	_ =	shalt  }
0x6b: {  	_ =	shalt  }
0x6c: {  	_ =	shalt  }
0x6d: {  	_ =	shalt  }
0x6e: {  	_ =	shalt  }
0x6f: {  	_ =	shalt  }
0x70: {  	_ =	shalt  }
0x71: {  	_ =	shalt  }
0x72: {  	_ =	shalt  }
0x73: {  	_ =	shalt  }
0x74: {  	_ =	shalt  }
0x75: {  	_ =	shalt  }
0x76: {  	_ =	shalt  }
0x77: {  	_ =	shalt  }
0x78: {  	_ =	shalt  }
0x79: {  	_ =	shalt  }
0x7a: {  	_ =	shalt  }
0x7b: {  	_ =	shalt  }
0x7c: {  	_ =	shalt  }
0x7d: {  	_ =	shalt  }
0x7e: {  	_ =	shalt  }
0x7f: {  	_ =	shalt  }
0x80: {  	_ =	shalt  }
0x81: {  	_ =	shalt  }
0x82: {  	_ =	shalt  }
0x83: {  	_ =	shalt  }
0x84: {  	_ =	shalt  }
0x85: {  	_ =	shalt  }
0x86: {  	_ =	shalt  }
0x87: {  	_ =	shalt  }
.Lfunc_end0:
.L_simem_size_0:
called_computation_lowered:
.L_overlay_start_0:
0x88: {  	s2 =	sld [smem:$0x3FD9]  }
0x89: {  	s3 =	sld [smem:$0x3FFE];
	_ =	sdelay $0x1  }
0x8a: {  	s1 =	srdreg.scid  }
0x8b: {  	s0 =	sand.u32 $0x1, s1  }
0x8c: {  	s17 =	sshll.u32 s0, $0xA;
	s2 =	sadd.s32 s3, s2  }
0x8d: {  	s2 =	sadd.s32 s2, s17  }
0x8e: {  	[smem:$0x3FC3] =	sst s2  }
0x8f: {  	_ = 	snop  }
0x90: {  	s2 =	sld [smem:$0x3FD0];
	(tm) =	ssettm $0x1  }
0x91: {  	s18 =	sld [smem:$0x3FFB];
	_ =	sdelay $0x3  }
0x92: {  	_ =	strace s18  }
0x93: {  	s3 =	sld [smem:$0x3FFC];
	_ =	sdelay $0x3  }
0x94: {  	_ =	strace s3  }
0x95: {  	s3 =	sld [smem:$0x3FFD];
	_ =	sdelay $0x3  }
0x96: {  	_ =	strace s3  }
0x97: {  	_ =	strace $0x8FFFFFFF  }
0x98: {  	s19 =	sld [smem:$0x3FDB];
	_ =	sdelay $0x1  }
0x99: {  	s4 =	simm.s32 $_scs_section_size  }
0x9a: {  	s5 =	simm.s32 $_size__tile_overlayer_lowered;
	s6 =	simm.s32 $_tile_overlayer_lowered  }
0x9b: {  	s22 =	simm.s32 $0x1BFF;
	s21 =	sshll.u32 s6, $0x1;
	s3 =	sadd.s32 s4, s19  }
0x9c: {  	s7 =	simm.s32 $0x0;
	s20 =	sshll.u32 s5, $0x1;
	s5 =	sadd.s32 s21, s3  }
0x9d: {  	[timem:s7], [sflag:s22] =	dma.local [hbm:s5], s20  }
0x9e: {  	_ =	swait.ge [sflag:s22], s20  }
0x9f: {  	s4 =	ssub.s32 $0x0, s20;
	[sflag:s22] =	ssyncset.done $0x0  }
0xa0: {  	[sflag:s22] =	ssyncadd.s32 s4;
	_ =	sdelay $0x1  }
0xa1: {  	s23 =	simm.s32 $0x1B8B  }
0xa2: {  	_ =	swait.ge [sflag:s23], $0x1  }
0xa3: {  	[sflag:s23] =	ssyncset.done $0x0  }
0xa4: {  	s25 =	simm.s32 $0x1B8E;
	s24 =	sld [smem:$0x3FFE];
	[sflag:s23] =	ssyncadd.s32 $0xFFFFFFFF  }
0xa5: {  	s26 =	simm.s32 $execute0_lowered;
	[smem:$0x3FD2] =	sst s25  }
0xa6: {  	s5 =	sshll.u32 s26, $0x1;
	_ =	strace $0x80000046;
	[dreg:$0x1] =	wrdreg $0xFFFFFFFF  }
0xa7: {  	s28 =	simm.s32 $_size_execute0_lowered;
	s3 =	sadd.s32 s3, s5;
	[dreg:$0x0] =	wrdreg $0x0  }
0xa8: {  	s5 =	sshll.u32 s28, $0x1;
	[dreg:$0x2] =	wrdreg s3  }
0xa9: {  	[dreg:$0x3] =	wrdreg s5  }
0xaa: {  	[dreg:$0x4] =	wrdreg $0xC0  }
0xab: {  	_ =	task [dreg:s7], $0x5FFFF  }
0xac: {  	[dreg:$0x1] =	wrdreg $0xFFFFFFFF  }
0xad: {  	[dreg:$0x0] =	wrdreg $0x60  }
0xae: {  	[dreg:$0x2] =	wrdreg s2  }
0xaf: {  	[dreg:$0x3] =	wrdreg s24  }
0xb0: {  	[dreg:$0x4] =	wrdreg $0x60000  }
0xb1: {  	[dreg:$0x5] =	wrdreg $0x9  }
0xb2: {  	_ =	task.clear_ibuf [dreg:s7], $0x6FFFF;
	_ =	strace $0x90000046  }
0xb3: {  	s29 =	simm.s32 $0x9;
	_ =	strace $0x80000048  }
0xb4: {  	_ =	swait.ge [sflag:s29], $0x1  }
0xb5: {  	[sflag:s29] =	ssyncadd.s32 $0xFFFFFFFF  }
0xb6: {  	_ =	strace $0x90000048  }
0xb7: {  	_ =	sfence  }
0xb8: {  	s30 =	sld [smem:$0x0];
	_ =	sdelay $0x2  }
0xb9: {  	s31 =	sshll.u32 s1, $0xD;
	s1 =	sshrl.u32 s1, $0x2  }
0xba: {  	s3 =	sand.u32 $0x4000, s31;
	s1 =	sadd.s32 s1, s30  }
0xbb: {  	s0 =	sor.u32 s3, s0;
	s1 =	sshll.u32 s1, $0x11  }
0xbc: {  	s0 =	sor.u32 s1, s0  }
0xbd: {  	s0 =	sadd.s32 $0x8F2B, s0  }
0xbe: {  	[sflag:s0] =	ssyncadd.remote.s32 $0x1  }
0xbf: {  	_ =	sfence.sel $0xFFFF  }
0xc0: {  	[dreg:$0x0] =	wrdreg $0xFFFFFFFF;
	(pc) =	sbr.abs _section_cstart, $3  }
0xc1: {  	[dreg:$0x1] =	wrdreg $0xFFFFFFFF  }
0xc2: {  	_ =	task.clear_ibuf [dreg:s7], $0x2FFFF;
	_ =	strace $0x9FFFFFFF  }
0xc3: {  	(tm) =	ssettm $0x7FFFFFFF  }
tec
execute0_lowered:
.L_overlay_start_1:
0x0: {  	(tag) =	ssettag $0x1  }
0x1: {  	s1 =	rddreg [dreg:$0x0]  }
0x2: {  	s0 =	rddreg [dreg:$0x1]  }
0x3: {  	s2 =	rddreg [dreg:$0x2];
	s3 =	simm.s32 $0x0;
	s26 =	srdreg.scid  }
0x4: {  	s16 =	stileid.u32;
	[smem:$0x7FF] =	sst s3  }
0x5: {  	s4 =	sadd.s32 $0x600, s0;
	s25 =	sadd.s32 $0xC00, s0;
	s6 =	sadd.s32 $0x1200, s0  }
0x6: {  	s8 =	sadd.s32 $0x11200, s0;
	s5 =	sadd.s32 $0x200, s0;
	s10 =	sadd.s32 $0x21200, s0  }
0x7: {  	s9 =	smul.u32 $0x4E000, s16;
	_ =	strace $0x80000047;
	[dreg:$0x4] =	wrdreg s4  }
0x8: {  	s13 =	smul.u32 $0x13800, s16;
	[dreg:$0x5] =	wrdreg s25;
	s4 =	sand.u32 $0x1, s26  }
0x9: {  	s18 =	smul.u32 $0x2800, s16;
	[dreg:$0x6] =	wrdreg s5;
	s28 =	sshll.u32 s4, $0x4  }
0xa: {  	s7 =	ssub.s32 $0x2, s4;
	s29 =	smul.u32 $0x138800, s4;
	s14 =	sadd.s32 $0x11800, s13  }
0xb: {  	s9 =	sshrl.u32 s9, $0x2;
	s4 =	smul.u32 $0x28000, s4;
	s5 =	sor.u32 s16, s28  }
0xc: {  	s12 =	sshrl.u32 s7, $0x1;
	s9 =	sadd.s32 s9, s2;
	s11 =	sshll.u32 s5, $0x7  }
0xd: {  	s15 =	sadd.s32 s29, s14;
	s14 =	sadd.s32 s14, s2;
	[dreg:$0x7] =	wrdreg s9  }
0xe: {  	s7 =	ssub.s32 s7, s12;
	s4 =	sadd.s32 s18, s4;
	[dreg:$0x8] =	wrdreg s14  }
0xf: {  	s12 =	sshll.u32 s5, $0xB;
	s24 =	sadd.s32 s13, s29;
	[dreg:$0xf] =	wrdreg s4  }
0x10: {  	s30 =	sshrl.u32 s15, $0x3;
	s17 =	smax.u32 s7, $0x1;
	[dreg:$0x11] =	wrdreg s24  }
0x11: {  	s0 =	sadd.s32 s11, s0;
	s5 =	sadd.s32 s10, s30;
	[dreg:$0xb] =	wrdreg s17  }
0x12: {  	s15 =	sadd.s32 $0x6F400, s0;
	[dreg:$0x9] =	wrdreg s5  }
0x13: {  	s22 =	simm.s32 $0x8;
	s19 =	sadd.s32 $0x70400, s0;
	[dreg:$0xa] =	wrdreg s15  }
0x14: {  	s31 =	simm.s32 $0x1C000;
	s20 =	sadd.s32 $0x71400, s0;
	[dreg:$0xc] =	wrdreg s19  }
0x15: {  	p0 =	seq.s32 s16, $0xF;
	s21 =	sadd.s32 $0x72400, s0;
	[dreg:$0xd] =	wrdreg s20  }
0x16: {  	s22 =	simm.s32 @!p0 $0x7;
	s23 =	sadd.s32 $0x73400, s0;
	[dreg:$0xe] =	wrdreg s21  }
0x17: {  	s16 =	simm.s32 $0x1C080;
	s25 =	sadd.s32 $0x74400, s0;
	[dreg:$0x10] =	wrdreg s23  }
0x18: {  	s18 =	simm.s32 $0x2;
	s26 =	sadd.s32 $0x75400, s0;
	[dreg:$0x12] =	wrdreg s25  }
0x19: {  	s7 =	simm.s32 $0x19880;
	s28 =	sadd.s32 $0x76400, s0;
	[dreg:$0x13] =	wrdreg s26  }
0x1a: {  	s4 =	simm.s32 $0x6;
	s29 =	sadd.s32 $0x77400, s0;
	[dreg:$0x14] =	wrdreg s28  }
0x1b: {  	v0 =	vlaneseq.u32;
	s14 =	simm.s32 $0x50;
	s0 =	sadd.s32 $0x78400, s0;
	[dreg:$0x15] =	wrdreg s29  }
0x1c: {  	v1 =	vmul.u32 $0xFFFFFFFF, v0;
	s11 =	simm.s32 $0x0;
	s30 =	sadd.s32 $0x11800, s9;
	[dreg:$0x16] =	wrdreg s0  }
0x1d: {  	s17 =	simm.s32 $0x1;
	[dreg:$0x17] =	wrdreg s30;
	s0 =	simm.s32 $0x5  }
0x1e: {  	v0 =	vimm.f32 $0.0e+00;
	v1 =	vadd.s32 $0x4E200, v1;
	s5 =	simm.s32 $0x4F80;
	s19 =	simm.s32 $0x3;
	s20 =	simm.s32 $0x4  }
.LBB2_1:
0x1f: {  	[dreg:$0x18] =	wrdreg s11  }
0x20: {  	s9 =	rddreg [dreg:$0x6];
	s30 =	simm.s32 $0x5F80  }
0x21: {  	[tilespmem:s30], [sflag:$0x5] =	stream.linear.gather [hbm4b:s9+s3], $0x80, $0x38;
	[tilespmem:$0x1E880] =	vst v63  }
0x22: {  	_ =	swait.ge [sflag:s0], $0x80  }
0x23: {  	s15 =	smov.u32 s22;
	[sflag:s0] =	ssyncset.done $0x0  }
0x24: {  	s11 =	simm.s32 $0x0;
	s9 =	simm.s32 $0x40;
	[sflag:s0] =	ssyncadd.s32 $0xFFFFFF80  }
.LBB2_2:
0x25: {  	p1 =	sne.s32 s9, $0x9C00;
	[tilespmem:s11+$0x0] =	vst v0;
	s11 =	smov.u32 s9;
	s9 =	sadd.s32 $0x40, s9  }
.Ltmp0:
0x26: {  	(pc) =	sbr.rel @p1 .LBB2_2-.Ltmp0, $2  }
0x27: {  	_ =	sdelay $0x2  }
0x28: {  	s11 =	sshra.s32 s11, $0x2  }
0x29: {  	[tilespmem:s11+$0x0] =	vst v0;
	s21 =	simm.s32 $0x0;
	s9 =	rddreg [dreg:$0x4]  }
0x2a: {  	v2 =	vld [tilespmem:$0x5F80];
	[tilespmem:s7], [sflag:$0x5] =	stream.linear.gather [hbm4b:s9+s21], $0x2780, $0x38  }
0x2b: {  	_ =	swait.ge [sflag:s0], $0x2780  }
0x2c: {  	[sflag:s0] =	ssyncset.done $0x0  }
0x2d: {  	s30 =	rddreg [dreg:$0x5];
	[sflag:s0] =	ssyncadd.s32 $0xFFFFD880  }
0x2e: {  	[tilespmem:s31], [sflag:$0x5] =	stream.linear.gather [hbm4b:s30+s21], $0x2780, $0x38;
	[tilespmem:$0x1E880] =	vst v63  }
0x2f: {  	_ =	swait.ge [sflag:s0], $0x2780  }
0x30: {  	s23 =	simm.s32 $0x2780;
	[sflag:s0] =	ssyncset.done $0x0  }
0x31: {  	s25 =	simm.s32 $0x0;
	s22 =	rddreg [dreg:$0xf];
	[sflag:s0] =	ssyncadd.s32 $0xFFFFD880  }
.LBB2_4:
0x32: {  	s9 =	sshll.u32 s25, $0x8  }
0x33: {  	s9 =	sadd.s32 s12, s9  }
0x34: {  	s26 =	simm.s32 $0x4F80;
	s11 =	sadd.s32 s6, s9  }
0x35: {  	[tilespmem:s26], [sflag:$0x5] =	stream.linear.gather [hbm4b:s11+s21], $0x800, $0x38;
	[tilespmem:$0x1E880] =	vst v63  }
0x36: {  	_ =	swait.ge [sflag:s0], $0x800  }
0x37: {  	[sflag:s0] =	ssyncset.done $0x0  }
0x38: {  	s28 =	simm.s32 $0x5780;
	s9 =	sadd.s32 s8, s9;
	[sflag:s0] =	ssyncadd.s32 $0xFFFFF800  }
0x39: {  	[tilespmem:s28], [sflag:$0x5] =	stream.linear.gather [hbm4b:s9+s21], $0x800, $0x38;
	[tilespmem:$0x1E880] =	vst v63  }
0x3a: {  	_ =	swait.ge [sflag:s0], $0x800  }
0x3b: {  	s24 =	smov.u32 s22;
	[sflag:s0] =	ssyncset.done $0x0  }
0x3c: {  	s30 =	smov.u32 s23;
	s11 =	simm.s32 $0x0;
	[sflag:s0] =	ssyncadd.s32 $0xFFFFF800  }
.LBB2_5:
0x3d: {  	v4 =	vmov s28  }
0x3e: {  	v5 =	vmov s26;
	_ =	sdelay $0x2  }
0x3f: {  	s9 =	simm.s32 $0x0  }
0x40: {  	v6 =	vld.idx.msk [tilespmem:v4+s9+$0x0 ss:$0x1], $0xffff  }
0x41: {  	v3 =	vld.idx.msk [tilespmem:v5+s9+$0x0 ss:$0x1], $0xffff;
	_ =	sdelay $0x6  }
0x42: {  	v7 =	vld.idx.msk [tilespmem:v6+s31+$0x0], $0xffff  }
0x43: {  	v3 =	vld.idx.msk [tilespmem:v3+s7+$0x0], $0xffff;
	_ =	sdelay $0x4  }
0x44: {  	v3 =	vadd.f32 v7, v3;
	_ =	sdelay $0x1  }
0x45: {  	v7 =	vmul.f32 $2.000000030e-01, v3  }
0x46: {  	vm0 =	vgt.f32 v3, $0.0e+00  }
0x47: {  	v3 =	vsel vm0, v3, v7  }
0x48: {  	v3 =	vsub.f32 v3, v2;
	_ =	sdelay $0x1  }
0x49: {  	v3 =	vmul.f32 $1.442695020e+00, v3;
	_ =	sdelay $0x1  }
0x4a: {  	(erf) = vpow2.f32 v3;
	_ =	sdelay $0x5  }
0x4b: {  	v7 =	vmov s24;
	v3 =	vmov s30;
	_ =	sdelay $0x2  }
0x4c: {  	vm15 =	vlt.u32 v7, v1;
	v7 =	vpop (erf)  }
0x4d: {  	v7 =	vnsel vm15, $0x0, v7  }
0x4e: {  	[tilespmem:v3+s9+$0x0 ss:$0x1] =	vst.idx.msk $0xffff, v7  }
0x4f: {  	s13 =	simm.s32 $0x10;
	[tilespmem:v6+s3+$0x0] =	vst.idx.add.f32.msk $0xffff, v7  }
0x50: {  	v6 =	vld.idx.msk [tilespmem:v4+s13+$0x0 ss:$0x1], $0xffff  }
0x51: {  	s29 =	smov.u32 s24;
	s9 =	simm.s32 $0x80;
	v7 =	vld.idx.msk [tilespmem:v5+s13+$0x0 ss:$0x1], $0xffff  }
.LBB2_6:
0x52: {  	p1 =	sne.s32 s9, $0x100;
	_ =	sdelay $0x5  }
0x53: {  	v8 =	vld.idx.msk [tilespmem:v6+s31+$0x0], $0xffff  }
0x54: {  	v7 =	vld.idx.msk [tilespmem:v7+s7+$0x0], $0xffff;
	_ =	sdelay $0x5  }
0x55: {  	v7 =	vadd.f32 v8, v7;
	_ =	sdelay $0x1  }
0x56: {  	v8 =	vmul.f32 $2.000000030e-01, v7  }
0x57: {  	vm0 =	vgt.f32 v7, $0.0e+00  }
0x58: {  	v7 =	vsel vm0, v7, v8  }
0x59: {  	v7 =	vsub.f32 v7, v2;
	_ =	sdelay $0x1  }
0x5a: {  	v7 =	vmul.f32 $1.442695020e+00, v7;
	_ =	sdelay $0x1  }
0x5b: {  	(erf) = vpow2.f32 v7;
	_ =	sdelay $0x6  }
0x5c: {  	s29 =	sadd.s32 $0x10, s29  }
0x5d: {  	v8 =	vmov s29  }
0x5e: {  	vm0 =	vlt.u32 v8, v1;
	v7 =	vpop (erf)  }
.Ltmp1:
0x5f: {  	v7 =	vnsel vm0, $0x0, v7;
	(pc) =	sbr.rel @p1 .LBB2_6-.Ltmp1, $4  }
0x60: {  	[tilespmem:v3+s13+$0x0 ss:$0x1] =	vst.idx.msk $0xffff, v7  }
0x61: {  	s13 =	sshra.s32 s9, $0x2;
	[tilespmem:v6+s3+$0x0] =	vst.idx.add.f32.msk $0xffff, v7  }
0x62: {  	v6 =	vld.idx.msk [tilespmem:v4+s13+$0x0 ss:$0x1], $0xffff  }
0x63: {  	s9 =	sadd.s32 $0x40, s9;
	v7 =	vld.idx.msk [tilespmem:v5+s13+$0x0 ss:$0x1], $0xffff  }
0x64: {  	_ =	sdelay $0x6  }
0x65: {  	v4 =	vld.idx.msk [tilespmem:v6+s31+$0x0], $0xffff  }
0x66: {  	v5 =	vld.idx.msk [tilespmem:v7+s7+$0x0], $0xffff;
	_ =	sdelay $0x4  }
0x67: {  	v4 =	vadd.f32 v4, v5;
	_ =	sdelay $0x1  }
0x68: {  	v5 =	vmul.f32 $2.000000030e-01, v4  }
0x69: {  	vm0 =	vgt.f32 v4, $0.0e+00  }
0x6a: {  	v4 =	vsel vm0, v4, v5  }
0x6b: {  	v4 =	vsub.f32 v4, v2;
	_ =	sdelay $0x1  }
0x6c: {  	v4 =	vmul.f32 $1.442695020e+00, v4;
	_ =	sdelay $0x1  }
0x6d: {  	(erf) = vpow2.f32 v4;
	_ =	sdelay $0x5  }
0x6e: {  	s11 =	sadd.s32 $0x1, s11  }
0x6f: {  	s9 =	sadd.s32 $0x10, s29;
	p1 =	sne.s32 s11, $0x10  }
.Ltmp2:
0x70: {  	v62 =	vmov s9;
	(pc) =	sbr.rel @p1 .LBB2_5-.Ltmp2, $4  }
0x71: {  	vm15 =	vlt.u32 v62, v1;
	v63 =	vpop (erf)  }
0x72: {  	v4 =	vnsel vm15, $0x0, v63  }
0x73: {  	s26 =	sadd.s32 $0x80, s26;
	[tilespmem:v3+s13+$0x0 ss:$0x1] =	vst.idx.msk $0xffff, v4  }
0x74: {  	s28 =	sadd.s32 $0x80, s28;
	s30 =	sadd.s32 $0x50, s30;
	s24 =	sadd.s32 $0x50, s24;
	[tilespmem:v6+s3+$0x0] =	vst.idx.add.f32.msk $0xffff, v4  }
0x75: {  	s25 =	sadd.s32 $0x1, s25  }
0x76: {  	p1 =	sne.s32 s25, $0x8  }
.Ltmp3:
0x77: {  	_ = 	snop;
	(pc) =	sbr.rel @p1 .LBB2_4-.Ltmp3, $2  }
0x78: {  	_ =	sdelay $0x2  }
0x79: {  	s23 =	sadd.s32 $0x500, s23;
	s22 =	sadd.s32 $0x500, s22  }
0x7a: {  	s9 =	simm.s32 $0x0  }
0x7b: {  	s11 =	sand.u32 $0xFE00, s9  }
0x7c: {  	s13 =	sand.u32 $0x70, s9;
	s21 =	sshrl.u32 s11, $0x2  }
0x7d: {  	s11 =	simm.s32 $0x40;
	s13 =	sor.u32 s13, s21  }
.LBB2_10:
0x7e: {  	p1 =	seq.s32 s11, $0x9FC0  }
0x7f: {  	[tilespmem:s13+$0x19880] =	vst v0;
	s9 =	sadd.s32 $0x10, s9;
	s13 =	smov.u32 s11;
	s11 =	sadd.s32 $0x40, s11  }
.Ltmp4:
0x80: {  	(pc) =	sbr.rel @!p1 .LBB2_10-.Ltmp4, $4  }
0x81: {  	_ = 	snop  }
0x82: {  	s13 =	sand.u32 $0xFE00, s13  }
0x83: {  	s21 =	sand.u32 $0x70, s9;
	s13 =	sshrl.u32 s13, $0x2  }
0x84: {  	s13 =	sor.u32 s21, s13  }
0x85: {  	p1 =	sne.s32 s15, $0x1  }
.Ltmp5:
0x86: {  	_ = 	snop;
	(pc) =	sbr.rel @!p1 .LBB2_13-.Ltmp5, $4  }
0x87: {  	[tilespmem:s13+$0x19880] =	vst v0;
	s11 =	rddreg [dreg:$0x7]  }
0x88: {  	[spmem:s11] =	stream.linear.scatter [tilespmem:s7], [sflag:$0x6], $0x2800, $0x38;
	[tilespmem:$0x1E880] =	vst v63  }
0x89: {  	_ =	swait.ge [sflag:s4], $0x2800  }
0x8a: {  	s22 =	smov.u32 s15;
	s9 =	sadd.s32 $0xFFFFFFFF, s15;
	[sflag:s4] =	ssyncset.done $0x0  }
.LBB2_12:
0x8b: {  	p2 =	sne.s32 s9, $0x1;
	[sflag:s4] =	ssyncadd.s32 $0xFFFFD800;
	s11 =	sadd.s32 $0x2800, s11  }
.Ltmp6:
0x8c: {  	s9 =	sadd.s32 $0xFFFFFFFF, s9;
	(pc) =	sbr.rel @p2 .LBB2_12-.Ltmp6, $4  }
0x8d: {  	_ = 	snop  }
0x8e: {  	[spmem:s11] =	stream.linear.scatter [tilespmem:s7], [sflag:$0x6], $0x2800, $0x38;
	[tilespmem:$0x1E880] =	vst v63  }
0x8f: {  	_ =	swait.ge [sflag:s4], $0x2800  }
0x90: {  	[sflag:s4] =	ssyncset.done $0x0  }
.LBB2_13:
0x91: {  	[sflag:s4] =	ssyncadd.s32 $0xFFFFD800;
	s9 =	simm.s32 @!p0 $0x19880;
	s11 =	rddreg [dreg:$0x17]  }
0x92: {  	[spmem:s11] =	stream.linear.scatter @!p0 [tilespmem:s9], [sflag:$0x6], $0x2000, $0x38;
	[tilespmem:$0x1E880] =	vst v63  }
0x93: {  	s9 =	simm.s32 @!p0 $0x6  }
.Ltmp7:
0x94: {  	_ =	swait.ge @!p0 [sflag:s9], $0x2000;
	(pc) =	sbr.rel .LBB2_14-.Ltmp7, $4  }
0x95: {  	[sflag:s9] =	ssyncset.done @!p0 $0x0  }
0x96: {  	[sflag:s9] =	ssyncadd.s32 @!p0 $0xFFFFE000  }
0x97: {  	s24 =	simm.s32 $0x0;
	[bflag:$0x0] =	sbarrier.arrive $0xFFFF  }
0x98: {  	s25 =	simm.s32 $0x0;
	s13 =	simm.s32 $0x5780;
	s15 =	simm.s32 $0x5000  }
.LBB2_21:
0x99: {  	s25 =	sadd.s32 $0x1, s25  }
0x9a: {  	p2 =	sne.s32 s25, $0x8  }
.Ltmp8:
0x9b: {  	_ = 	snop;
	(pc) =	sbr.rel @!p2 .LBB2_22-.Ltmp8, $4  }
0x9c: {  	_ = 	snop  }
0x9d: {  	_ =	swait.ge [sflag:s20], $0x2800  }
0x9e: {  	[sflag:s20] =	ssyncset.done $0x0  }
0x9f: {  	[sflag:s20] =	ssyncadd.s32 $0xFFFFD800  }
.LBB2_14:
0xa0: {  	s9 =	sshll.u32 s25, $0x8  }
0xa1: {  	s9 =	sadd.s32 s12, s9  }
0xa2: {  	s11 =	sadd.s32 s6, s9  }
0xa3: {  	[tilespmem:s5], [sflag:$0x6] =	stream.linear.gather [hbm4b:s11+s24], $0x800, $0x38;
	[tilespmem:$0x1E880] =	vst v63  }
0xa4: {  	_ =	swait.ge [sflag:s4], $0x800  }
0xa5: {  	[sflag:s4] =	ssyncset.done $0x0  }
0xa6: {  	s9 =	sadd.s32 s8, s9;
	[sflag:s4] =	ssyncadd.s32 $0xFFFFF800  }
0xa7: {  	[tilespmem:s13], [sflag:$0x6] =	stream.linear.gather [hbm4b:s9+s24], $0x800, $0x38;
	[tilespmem:$0x1E880] =	vst v63  }
0xa8: {  	s30 =	smul.u32 $0x1400, s25;
	_ =	swait.ge [sflag:s4], $0x800  }
0xa9: {  	[sflag:s4] =	ssyncset.done $0x0  }
0xaa: {  	s9 =	sshra.s32 s30, $0x2;
	[sflag:s4] =	ssyncadd.s32 $0xFFFFF800  }
0xab: {  	[tilespmem:s7], [sflag:$0x1] =	stream.indirect.gather [hbm4b:s1+s14], $0x80, s5, s14, $0xb8;
	[tilespmem:$0x1E880] =	vst v63  }
0xac: {  	s28 =	simm.s32 $0x0;
	s26 =	sadd.s32 $0x2780, s9  }
0xad: {  	[tilespmem:s16], [sflag:$0x2] =	stream.indirect.gather [hbm4b:s1+s14], $0x80, s15, s14, $0xb8;
	[tilespmem:$0x1E880] =	vst v63  }
.LBB2_15:
0xae: {  	s9 =	smul.u32 $0x280, s28;
	_ =	sdelay $0x1  }
0xaf: {  	s9 =	sshra.s32 s9, $0x2  }
0xb0: {  	s9 =	sadd.s32 s9, s26  }
0xb1: {  	_ =	swait.ge [sflag:s17], $0x2800;
	v2 =	vmov s9  }
0xb2: {  	s11 =	simm.s32 $0x0;
	[sflag:s17] =	ssyncset.done $0x0  }
0xb3: {  	s21 =	sand.u32 $0x3FFFF800, s11;
	[sflag:s17] =	ssyncadd.s32 $0xFFFFD800  }
0xb4: {  	s30 =	simm.s32 $0x0;
	v9 =	vld [tilespmem:s21+$0x19940]  }
0xb5: {  	v10 =	vld [tilespmem:s21+$0x19950];
	s9 =	sand.u32 $0x3FFFFFF0, s30  }
0xb6: {  	v3 =	vld.idx.msk [tilespmem:v2+s9+$0x0 ss:$0x1], $0xffff  }
0xb7: {  	v11 =	vld [tilespmem:s21+$0x19930]  }
0xb8: {  	v5 =	vld [tilespmem:s21+$0x198A0]  }
0xb9: {  	v6 =	vld [tilespmem:s21+$0x198B0]  }
0xba: {  	v12 =	vld [tilespmem:s21+$0x198E0]  }
0xbb: {  	v13 =	vld [tilespmem:s21+$0x198F0];
	v4 =	vbroadcast v3, $0x0  }
0xbc: {  	v14 =	vld [tilespmem:s21+$0x19900]  }
0xbd: {  	v15 =	vld [tilespmem:s21+$0x19910];
	v5 =	vmul.f32 v5, v4  }
0xbe: {  	v16 =	vld [tilespmem:s21+$0x19920];
	v6 =	vmul.f32 v6, v4  }
0xbf: {  	v8 =	vld [tilespmem:s21+$0x19DF0];
	v27 =	vbroadcast v3, $0x1;
	v26 =	vmul.f32 v12, v4;
	[tilespmem:s21+$0x198A0] =	vst v5  }
0xc0: {  	v28 =	vld [tilespmem:s21+$0x19960];
	v13 =	vmul.f32 v13, v4;
	[tilespmem:s21+$0x198B0] =	vst v6  }
0xc1: {  	v29 =	vld [tilespmem:s21+$0x19970];
	v14 =	vmul.f32 v14, v27;
	[tilespmem:s21+$0x198E0] =	vst v26  }
0xc2: {  	v30 =	vld [tilespmem:s21+$0x19980];
	v15 =	vmul.f32 v15, v27;
	[tilespmem:s21+$0x198F0] =	vst v13  }
0xc3: {  	v31 =	vld [tilespmem:s21+$0x19990];
	v16 =	vmul.f32 v16, v27;
	[tilespmem:s21+$0x19900] =	vst v14  }
0xc4: {  	v32 =	vld [tilespmem:s21+$0x199A0];
	v11 =	vmul.f32 v11, v27;
	[tilespmem:s21+$0x19910] =	vst v15  }
0xc5: {  	v33 =	vld [tilespmem:s21+$0x199B0];
	v9 =	vmul.f32 v9, v27;
	[tilespmem:s21+$0x19920] =	vst v16  }
0xc6: {  	v34 =	vld [tilespmem:s21+$0x199C0];
	v17 =	vbroadcast v3, $0x2;
	v10 =	vmul.f32 v10, v27;
	[tilespmem:s21+$0x19930] =	vst v11  }
0xc7: {  	v35 =	vld [tilespmem:s21+$0x199D0];
	v12 =	vmul.f32 v29, v27;
	[tilespmem:s21+$0x19940] =	vst v9  }
0xc8: {  	v37 =	vld [tilespmem:s21+$0x199E0];
	v7 =	vbroadcast v3, $0xA;
	v36 =	vmul.f32 v30, v17;
	[tilespmem:s21+$0x19950] =	vst v10  }
0xc9: {  	v39 =	vld [tilespmem:s21+$0x199F0];
	v38 =	vmul.f32 v31, v17;
	[tilespmem:s21+$0x19970] =	vst v12  }
0xca: {  	v40 =	vld [tilespmem:s21+$0x19A00];
	v5 =	vmul.f32 v8, v7;
	[tilespmem:s21+$0x19980] =	vst v36  }
0xcb: {  	v41 =	vld [tilespmem:s21+$0x19A10];
	v13 =	vmul.f32 v28, v27;
	[tilespmem:s21+$0x19990] =	vst v38  }
0xcc: {  	v42 =	vld [tilespmem:s21+$0x19A20];
	v11 =	vmul.f32 v32, v17;
	[tilespmem:s21+$0x19DF0] =	vst v5  }
0xcd: {  	v43 =	vld [tilespmem:s21+$0x19A30];
	v9 =	vmul.f32 v33, v17;
	[tilespmem:s21+$0x19960] =	vst v13  }
0xce: {  	v44 =	vld [tilespmem:s21+$0x19A40];
	v10 =	vmul.f32 v34, v17;
	[tilespmem:s21+$0x199A0] =	vst v11  }
0xcf: {  	v46 =	vld [tilespmem:s21+$0x19A50];
	v45 =	vbroadcast v3, $0x3;
	v12 =	vmul.f32 v37, v17;
	[tilespmem:s21+$0x199B0] =	vst v9  }
0xd0: {  	v47 =	vld [tilespmem:s21+$0x19A60];
	v14 =	vmul.f32 v39, v17;
	[tilespmem:s21+$0x199C0] =	vst v10  }
0xd1: {  	v48 =	vld [tilespmem:s21+$0x19A70];
	v15 =	vmul.f32 v40, v45;
	[tilespmem:s21+$0x199E0] =	vst v12  }
0xd2: {  	v49 =	vld [tilespmem:s21+$0x19A80];
	v13 =	vmul.f32 v35, v17;
	[tilespmem:s21+$0x199F0] =	vst v14  }
0xd3: {  	v50 =	vld [tilespmem:s21+$0x19A90];
	v11 =	vmul.f32 v41, v45;
	[tilespmem:s21+$0x19A00] =	vst v15  }
0xd4: {  	v51 =	vld [tilespmem:s21+$0x19AA0];
	v9 =	vmul.f32 v42, v45;
	[tilespmem:s21+$0x199D0] =	vst v13  }
0xd5: {  	v52 =	vld [tilespmem:s21+$0x19AB0];
	v10 =	vmul.f32 v43, v45;
	[tilespmem:s21+$0x19A10] =	vst v11  }
0xd6: {  	v53 =	vld [tilespmem:s21+$0x19AC0];
	v12 =	vmul.f32 v46, v45;
	[tilespmem:s21+$0x19A20] =	vst v9  }
0xd7: {  	v55 =	vld [tilespmem:s21+$0x19AD0];
	v14 =	vmul.f32 v47, v45;
	[tilespmem:s21+$0x19A30] =	vst v10  }
0xd8: {  	v56 =	vld [tilespmem:s21+$0x19AE0];
	v54 =	vbroadcast v3, $0x4;
	v15 =	vmul.f32 v48, v45;
	[tilespmem:s21+$0x19A50] =	vst v12  }
0xd9: {  	v57 =	vld [tilespmem:s21+$0x19AF0];
	v13 =	vmul.f32 v44, v45;
	[tilespmem:s21+$0x19A60] =	vst v14  }
0xda: {  	v58 =	vld [tilespmem:s21+$0x19B00];
	v11 =	vmul.f32 v49, v54;
	[tilespmem:s21+$0x19A70] =	vst v15  }
0xdb: {  	v59 =	vld [tilespmem:s21+$0x19B10];
	v9 =	vmul.f32 v50, v54;
	[tilespmem:s21+$0x19A40] =	vst v13  }
0xdc: {  	v60 =	vld [tilespmem:s21+$0x19B20];
	v10 =	vmul.f32 v51, v54;
	[tilespmem:s21+$0x19A80] =	vst v11  }
0xdd: {  	v61 =	vld [tilespmem:s21+$0x19B30];
	v12 =	vmul.f32 v53, v54;
	[tilespmem:s21+$0x19A90] =	vst v9  }
0xde: {  	v62 =	vld [tilespmem:s21+$0x19B40];
	v14 =	vmul.f32 v55, v54;
	[tilespmem:s21+$0x19AA0] =	vst v10  }
0xdf: {  	v20 =	vld [tilespmem:s21+$0x19B50];
	v15 =	vmul.f32 v56, v54;
	[tilespmem:s21+$0x19AC0] =	vst v12  }
0xe0: {  	v21 =	vld [tilespmem:s21+$0x19B60];
	v63 =	vbroadcast v3, $0x5;
	v13 =	vmul.f32 v52, v54;
	[tilespmem:s21+$0x19AD0] =	vst v14  }
0xe1: {  	v22 =	vld [tilespmem:s21+$0x19B70];
	v11 =	vmul.f32 v57, v54;
	[tilespmem:s21+$0x19AE0] =	vst v15  }
0xe2: {  	v23 =	vld [tilespmem:s21+$0x19B80];
	v9 =	vmul.f32 v58, v63;
	[tilespmem:s21+$0x19AB0] =	vst v13  }
0xe3: {  	v24 =	vld [tilespmem:s21+$0x19B90];
	v10 =	vmul.f32 v59, v63;
	[tilespmem:s21+$0x19AF0] =	vst v11  }
0xe4: {  	v25 =	vld [tilespmem:s21+$0x19BA0];
	v12 =	vmul.f32 v61, v63;
	[tilespmem:s21+$0x19B00] =	vst v9  }
0xe5: {  	v29 =	vld [tilespmem:s21+$0x19BD0];
	v14 =	vmul.f32 v62, v63;
	[tilespmem:s21+$0x19B10] =	vst v10  }
0xe6: {  	v30 =	vld [tilespmem:s21+$0x19BE0];
	v15 =	vmul.f32 v20, v63;
	[tilespmem:s21+$0x19B30] =	vst v12  }
0xe7: {  	v26 =	vld [tilespmem:s21+$0x19BB0];
	v13 =	vmul.f32 v60, v63;
	[tilespmem:s21+$0x19B40] =	vst v14  }
0xe8: {  	v27 =	vld [tilespmem:s21+$0x19BC0];
	v28 =	vbroadcast v3, $0x6;
	v11 =	vmul.f32 v21, v63;
	[tilespmem:s21+$0x19B50] =	vst v15  }
0xe9: {  	v31 =	vld [tilespmem:s21+$0x19BF0];
	v9 =	vmul.f32 v22, v63;
	[tilespmem:s21+$0x19B20] =	vst v13  }
0xea: {  	v6 =	vld [tilespmem:s21+$0x19E00];
	v10 =	vmul.f32 v23, v28;
	[tilespmem:s21+$0x19B60] =	vst v11  }
0xeb: {  	v8 =	vld [tilespmem:s21+$0x19E10];
	v12 =	vmul.f32 v25, v28;
	[tilespmem:s21+$0x19B70] =	vst v9  }
0xec: {  	v32 =	vld [tilespmem:s21+$0x19C00];
	v14 =	vmul.f32 v26, v28;
	[tilespmem:s21+$0x19B80] =	vst v10  }
0xed: {  	v33 =	vld [tilespmem:s21+$0x19C10];
	v15 =	vmul.f32 v27, v28;
	[tilespmem:s21+$0x19BA0] =	vst v12  }
0xee: {  	v34 =	vld [tilespmem:s21+$0x19C20];
	v13 =	vmul.f32 v24, v28;
	[tilespmem:s21+$0x19BB0] =	vst v14  }
0xef: {  	v35 =	vld [tilespmem:s21+$0x19C30];
	v11 =	vmul.f32 v29, v28;
	[tilespmem:s21+$0x19BC0] =	vst v15  }
0xf0: {  	v37 =	vbroadcast v3, $0x7;
	v59 =	vld [tilespmem:s21+$0x19D80];
	v9 =	vmul.f32 v30, v28;
	[tilespmem:s21+$0x19B90] =	vst v13  }
0xf1: {  	v20 =	vld [tilespmem:s21+$0x19DD0];
	v10 =	vmul.f32 v31, v28;
	[tilespmem:s21+$0x19BD0] =	vst v11  }
0xf2: {  	v36 =	vld [tilespmem:s21+$0x19C40];
	v12 =	vmul.f32 v33, v37;
	[tilespmem:s21+$0x19BE0] =	vst v9  }
0xf3: {  	v38 =	vld [tilespmem:s21+$0x19C50];
	v14 =	vmul.f32 v34, v37;
	[tilespmem:s21+$0x19BF0] =	vst v10  }
0xf4: {  	v39 =	vld [tilespmem:s21+$0x19C60];
	v15 =	vmul.f32 v35, v37;
	[tilespmem:s21+$0x19C10] =	vst v12  }
0xf5: {  	v40 =	vld [tilespmem:s21+$0x19C70];
	v21 =	vmul.f32 v59, v7;
	[tilespmem:s21+$0x19C20] =	vst v14  }
0xf6: {  	v41 =	vld [tilespmem:s21+$0x19C80];
	v28 =	vmul.f32 v20, v7;
	[tilespmem:s21+$0x19C30] =	vst v15  }
0xf7: {  	v42 =	vld [tilespmem:s21+$0x19C90];
	v13 =	vmul.f32 v32, v37;
	[tilespmem:s21+$0x19D80] =	vst v21  }
0xf8: {  	v43 =	vld [tilespmem:s21+$0x19CA0];
	v11 =	vmul.f32 v36, v37;
	[tilespmem:s21+$0x19DD0] =	vst v28  }
0xf9: {  	v5 =	vld [tilespmem:s21+$0x1A050];
	v46 =	vbroadcast v3, $0x8;
	v9 =	vmul.f32 v38, v37;
	[tilespmem:s21+$0x19C00] =	vst v13  }
0xfa: {  	v47 =	vld [tilespmem:s21+$0x19CD0];
	v10 =	vmul.f32 v39, v37;
	[tilespmem:s21+$0x19C40] =	vst v11  }
0xfb: {  	v63 =	vld [tilespmem:s21+$0x19DC0];
	v12 =	vmul.f32 v41, v46;
	[tilespmem:s21+$0x19C50] =	vst v9  }
0xfc: {  	v23 =	vld [tilespmem:s21+$0x19880];
	v31 =	vbroadcast v3, $0xB;
	v14 =	vmul.f32 v42, v46;
	[tilespmem:s21+$0x19C60] =	vst v10  }
0xfd: {  	v48 =	vld [tilespmem:s21+$0x19CE0];
	v15 =	vmul.f32 v43, v46;
	[tilespmem:s21+$0x19C80] =	vst v12  }
0xfe: {  	v44 =	vld [tilespmem:s21+$0x19CB0];
	v6 =	vmul.f32 v6, v31;
	[tilespmem:s21+$0x19C90] =	vst v14  }
0xff: {  	v45 =	vld [tilespmem:s21+$0x19CC0];
	v8 =	vmul.f32 v8, v31;
	[tilespmem:s21+$0x19CA0] =	vst v15  }
0x100: {  	v49 =	vld [tilespmem:s21+$0x19CF0];
	v26 =	vmul.f32 v63, v7;
	[tilespmem:s21+$0x19E00] =	vst v6  }
0x101: {  	v50 =	vld [tilespmem:s21+$0x19D00];
	v32 =	vmul.f32 v4, v23;
	[tilespmem:s21+$0x19E10] =	vst v8  }
0x102: {  	v51 =	vld [tilespmem:s21+$0x19D10];
	v13 =	vmul.f32 v40, v37;
	[tilespmem:s21+$0x19DC0] =	vst v26  }
0x103: {  	v53 =	vld [tilespmem:s21+$0x19D30];
	v11 =	vmul.f32 v44, v46;
	[tilespmem:s21+$0x19880] =	vst v32  }
0x104: {  	v33 =	vld [tilespmem:s21+$0x19E50];
	v9 =	vmul.f32 v45, v46;
	[tilespmem:s21+$0x19C70] =	vst v13  }
0x105: {  	v55 =	vbroadcast v3, $0x9;
	v34 =	vld [tilespmem:s21+$0x19E60];
	v10 =	vmul.f32 v47, v46;
	[tilespmem:s21+$0x19CB0] =	vst v11  }
0x106: {  	v35 =	vld [tilespmem:s21+$0x19E70];
	v12 =	vmul.f32 v49, v46;
	[tilespmem:s21+$0x19CC0] =	vst v9  }
0x107: {  	v52 =	vld [tilespmem:s21+$0x19D20];
	v14 =	vmul.f32 v50, v55;
	[tilespmem:s21+$0x19CD0] =	vst v10  }
0x108: {  	v54 =	vld [tilespmem:s21+$0x19D40];
	v15 =	vmul.f32 v51, v55;
	[tilespmem:s21+$0x19CF0] =	vst v12  }
0x109: {  	v57 =	vld [tilespmem:s21+$0x19D60];
	v38 =	vmul.f32 v33, v31;
	[tilespmem:s21+$0x19D00] =	vst v14  }
0x10a: {  	v58 =	vld [tilespmem:s21+$0x19D70];
	v45 =	vmul.f32 v34, v31;
	[tilespmem:s21+$0x19D10] =	vst v15  }
0x10b: {  	v61 =	vld [tilespmem:s21+$0x19DA0];
	v8 =	vmul.f32 v35, v31;
	[tilespmem:s21+$0x19E50] =	vst v38  }
0x10c: {  	v62 =	vld [tilespmem:s21+$0x19DB0];
	v13 =	vmul.f32 v48, v46;
	[tilespmem:s21+$0x19E60] =	vst v45  }
0x10d: {  	v36 =	vld [tilespmem:s21+$0x19E80];
	v11 =	vmul.f32 v52, v55;
	[tilespmem:s21+$0x19E70] =	vst v8  }
0x10e: {  	v60 =	vld [tilespmem:s21+$0x19D90];
	v9 =	vmul.f32 v53, v55;
	[tilespmem:s21+$0x19CE0] =	vst v13  }
0x10f: {  	v22 =	vld [tilespmem:s21+$0x19DE0];
	v41 =	vbroadcast v3, $0xC;
	v10 =	vmul.f32 v54, v55;
	[tilespmem:s21+$0x19D20] =	vst v11  }
0x110: {  	v56 =	vld [tilespmem:s21+$0x19D50];
	v6 =	vbroadcast v3, $0xF;
	v12 =	vmul.f32 v57, v55;
	[tilespmem:s21+$0x19D30] =	vst v9  }
0x111: {  	v14 =	vmul.f32 v58, v55;
	[tilespmem:s21+$0x19D40] =	vst v10  }
0x112: {  	v5 =	vmul.f32 v5, v6;
	v17 =	vmul.f32 v36, v41;
	[tilespmem:s21+$0x19D60] =	vst v12  }
0x113: {  	[tilespmem:s21+$0x19D70] =	vst v14;
	v11 =	vmul.f32 v60, v7;
	v9 =	vmul.f32 v61, v7  }
0x114: {  	v24 =	vld [tilespmem:s21+$0x19890];
	v10 =	vmul.f32 v62, v7;
	v7 =	vmul.f32 v22, v7;
	[tilespmem:s21+$0x1A050] =	vst v5  }
0x115: {  	v25 =	vld [tilespmem:s21+$0x198C0];
	v13 =	vmul.f32 v56, v55;
	[tilespmem:s21+$0x19E80] =	vst v17  }
0x116: {  	[tilespmem:s21+$0x19DE0] =	vst v7;
	v7 =	vld [tilespmem:s21+$0x19E40]  }
0x117: {  	v27 =	vld [tilespmem:s21+$0x198D0];
	[tilespmem:s21+$0x19D50] =	vst v13  }
0x118: {  	v43 =	vld [tilespmem:s21+$0x19EF0];
	[tilespmem:s21+$0x19D90] =	vst v11  }
0x119: {  	v50 =	vld [tilespmem:s21+$0x19F60];
	v14 =	vmul.f32 v24, v4;
	[tilespmem:s21+$0x19DA0] =	vst v9  }
0x11a: {  	v29 =	vld [tilespmem:s21+$0x19E20];
	v5 =	vmul.f32 v25, v4;
	[tilespmem:s21+$0x19DB0] =	vst v10  }
0x11b: {  	v30 =	vld [tilespmem:s21+$0x19E30];
	[tilespmem:s21+$0x19890] =	vst v14;
	v7 =	vmul.f32 v7, v31  }
0x11c: {  	v37 =	vld [tilespmem:s21+$0x19E90];
	v49 =	vbroadcast v3, $0xD;
	v4 =	vmul.f32 v27, v4;
	[tilespmem:s21+$0x198C0] =	vst v5  }
0x11d: {  	v17 =	vmul.f32 v43, v41;
	[tilespmem:s21+$0x19E40] =	vst v7;
	v7 =	vld [tilespmem:s21+$0x19EE0]  }
0x11e: {  	v40 =	vld [tilespmem:s21+$0x19EC0];
	v55 =	vmul.f32 v50, v49;
	[tilespmem:s21+$0x198D0] =	vst v4  }
0x11f: {  	v46 =	vld [tilespmem:s21+$0x19F20];
	v9 =	vmul.f32 v29, v31;
	[tilespmem:s21+$0x19EF0] =	vst v17  }
0x120: {  	v10 =	vmul.f32 v30, v31;
	v4 =	vld [tilespmem:s21+$0x19F10];
	[tilespmem:s21+$0x19F60] =	vst v55  }
0x121: {  	v53 =	vld [tilespmem:s21+$0x19FA0];
	v11 =	vmul.f32 v37, v41;
	[tilespmem:s21+$0x19E20] =	vst v9  }
0x122: {  	v54 =	vld [tilespmem:s21+$0x19FB0];
	[tilespmem:s21+$0x19E30] =	vst v10;
	v7 =	vmul.f32 v7, v41  }
0x123: {  	v42 =	vld [tilespmem:s21+$0x19ED0];
	v14 =	vmul.f32 v40, v41;
	[tilespmem:s21+$0x19E90] =	vst v11  }
0x124: {  	v3 =	vbroadcast v3, $0xE;
	v13 =	vmul.f32 v46, v49;
	[tilespmem:s21+$0x19EE0] =	vst v7;
	v7 =	vld [tilespmem:s21+$0x19F50]  }
0x125: {  	v44 =	vld [tilespmem:s21+$0x19F00];
	[tilespmem:s21+$0x19EC0] =	vst v14;
	v4 =	vmul.f32 v4, v49  }
0x126: {  	v47 =	vld [tilespmem:s21+$0x19F30];
	v12 =	vmul.f32 v53, v3;
	[tilespmem:s21+$0x19F20] =	vst v13  }
0x127: {  	v8 =	vmul.f32 v54, v3;
	[tilespmem:s21+$0x19F10] =	vst v4;
	v4 =	vld [tilespmem:s21+$0x19F80]  }
0x128: {  	v52 =	vld [tilespmem:s21+$0x19F90];
	v10 =	vmul.f32 v42, v41;
	[tilespmem:s21+$0x19FA0] =	vst v12  }
0x129: {  	v60 =	vld [tilespmem:s21+$0x1A020];
	[tilespmem:s21+$0x19FB0] =	vst v8;
	v7 =	vmul.f32 v7, v49  }
0x12a: {  	v51 =	vld [tilespmem:s21+$0x19F70];
	v11 =	vmul.f32 v44, v49;
	[tilespmem:s21+$0x19ED0] =	vst v10  }
0x12b: {  	v14 =	vmul.f32 v47, v49;
	[tilespmem:s21+$0x19F50] =	vst v7;
	v7 =	vld [tilespmem:s21+$0x19FC0]  }
0x12c: {  	v48 =	vld [tilespmem:s21+$0x19F40];
	[tilespmem:s21+$0x19F00] =	vst v11;
	v4 =	vmul.f32 v4, v3  }
0x12d: {  	v58 =	vld [tilespmem:s21+$0x1A000];
	v13 =	vmul.f32 v52, v3;
	[tilespmem:s21+$0x19F30] =	vst v14  }
0x12e: {  	v8 =	vmul.f32 v60, v6;
	[tilespmem:s21+$0x19F80] =	vst v4;
	v4 =	vld [tilespmem:s21+$0x19FF0]  }
0x12f: {  	v57 =	vld [tilespmem:s21+$0x19FE0];
	v11 =	vmul.f32 v51, v49;
	[tilespmem:s21+$0x19F90] =	vst v13  }
0x130: {  	v59 =	vld [tilespmem:s21+$0x1A010];
	[tilespmem:s21+$0x1A020] =	vst v8;
	v7 =	vmul.f32 v7, v3  }
0x131: {  	v56 =	vld [tilespmem:s21+$0x19FD0];
	v10 =	vmul.f32 v48, v49;
	[tilespmem:s21+$0x19F70] =	vst v11  }
0x132: {  	v13 =	vmul.f32 v58, v6;
	[tilespmem:s21+$0x19FC0] =	vst v7;
	v7 =	vld [tilespmem:s21+$0x1A030]  }
0x133: {  	v39 =	vld [tilespmem:s21+$0x19EB0];
	[tilespmem:s21+$0x19F40] =	vst v10;
	v4 =	vmul.f32 v4, v3  }
0x134: {  	v61 =	vld [tilespmem:s21+$0x1A040];
	v11 =	vmul.f32 v57, v3;
	[tilespmem:s21+$0x1A000] =	vst v13  }
0x135: {  	v63 =	vld [tilespmem:s21+$0x1A070];
	[tilespmem:s21+$0x19FF0] =	vst v4;
	v4 =	vmul.f32 v59, v6  }
0x136: {  	v62 =	vld [tilespmem:s21+$0x1A060];
	[tilespmem:s21+$0x19FE0] =	vst v11;
	v3 =	vmul.f32 v56, v3  }
0x137: {  	[tilespmem:s21+$0x1A010] =	vst v4;
	v4 =	vmul.f32 v7, v6  }
0x138: {  	v5 =	vld [tilespmem:s21+$0x19EA0];
	[tilespmem:s21+$0x19FD0] =	vst v3;
	v7 =	vmul.f32 v39, v41  }
0x139: {  	[tilespmem:s21+$0x1A030] =	vst v4;
	v4 =	vmul.f32 v61, v6  }
0x13a: {  	[tilespmem:s21+$0x19EB0] =	vst v7;
	v7 =	vmul.f32 v63, v6  }
0x13b: {  	v6 =	vmul.f32 v62, v6;
	[tilespmem:s21+$0x1A040] =	vst v4  }
0x13c: {  	[tilespmem:s21+$0x1A070] =	vst v7  }
0x13d: {  	s29 =	simm.s32 $0x1;
	v4 =	vmul.f32 v5, v41;
	[tilespmem:s21+$0x1A060] =	vst v6  }
.LBB2_16:
0x13e: {  	s9 =	sshll.u32 s29, $0x4  }
0x13f: {  	p2 =	sne.s32 s29, $0x4;
	[tilespmem:s21+$0x19EA0] =	vst v4;
	s11 =	smov.u32 s29;
	s29 =	sadd.s32 $0x1, s29  }
0x140: {  	s9 =	sand.u32 $0x3FFFFFF0, s9  }
0x141: {  	v3 =	vld.idx.msk [tilespmem:v2+s9+$0x0 ss:$0x1], $0xffff  }
0x142: {  	s9 =	sshll.u32 s11, $0xB  }
0x143: {  	s21 =	sand.u32 $0x3FFFF800, s9  }
0x144: {  	v10 =	vld [tilespmem:s21+$0x19940]  }
0x145: {  	v11 =	vld [tilespmem:s21+$0x19950]  }
0x146: {  	v12 =	vld [tilespmem:s21+$0x19930]  }
0x147: {  	v4 =	vbroadcast v3, $0x0;
	v9 =	vbroadcast v3, $0x4;
	v5 =	vld [tilespmem:s21+$0x198A0]  }
0x148: {  	v7 =	vld [tilespmem:s21+$0x198B0]  }
0x149: {  	v8 =	vld [tilespmem:s21+$0x19DF0]  }
0x14a: {  	v13 =	vld [tilespmem:s21+$0x198E0]  }
0x14b: {  	v14 =	vld [tilespmem:s21+$0x198F0]  }
0x14c: {  	v6 =	vbroadcast v3, $0xA;
	v5 =	vmul.f32 v5, v4;
	v15 =	vld [tilespmem:s21+$0x19900]  }
0x14d: {  	v7 =	vmul.f32 v7, v4;
	v16 =	vld [tilespmem:s21+$0x19910]  }
0x14e: {  	[tilespmem:s21+$0x198A0] =	vst v5;
	v17 =	vld [tilespmem:s21+$0x19920];
	v5 =	vmul.f32 v8, v6  }
0x14f: {  	[tilespmem:s21+$0x198B0] =	vst v7;
	v8 =	vmul.f32 v13, v4;
	v13 =	vbroadcast v3, $0x1;
	v7 =	vld [tilespmem:s21+$0x19E00]  }
0x150: {  	v14 =	vmul.f32 v14, v4;
	[tilespmem:s21+$0x19DF0] =	vst v5;
	v5 =	vld [tilespmem:s21+$0x1A050]  }
0x151: {  	[tilespmem:s21+$0x198E0] =	vst v8;
	v15 =	vmul.f32 v15, v13;
	v8 =	vld [tilespmem:s21+$0x19E10]  }
0x152: {  	[tilespmem:s21+$0x198F0] =	vst v14;
	v14 =	vmul.f32 v16, v13;
	v16 =	vld [tilespmem:s21+$0x19960]  }
0x153: {  	[tilespmem:s21+$0x19900] =	vst v15;
	v15 =	vmul.f32 v17, v13;
	v17 =	vld [tilespmem:s21+$0x19970]  }
0x154: {  	v12 =	vmul.f32 v12, v13;
	[tilespmem:s21+$0x19910] =	vst v14;
	v14 =	vld [tilespmem:s21+$0x19980]  }
0x155: {  	v10 =	vmul.f32 v10, v13;
	[tilespmem:s21+$0x19920] =	vst v15;
	v15 =	vld [tilespmem:s21+$0x19990]  }
0x156: {  	v11 =	vmul.f32 v11, v13;
	[tilespmem:s21+$0x19930] =	vst v12;
	v12 =	vld [tilespmem:s21+$0x199A0]  }
0x157: {  	[tilespmem:s21+$0x19940] =	vst v10;
	v10 =	vmul.f32 v16, v13;
	v16 =	vbroadcast v3, $0x2;
	v18 =	vld [tilespmem:s21+$0x199B0]  }
0x158: {  	[tilespmem:s21+$0x19950] =	vst v11;
	v11 =	vmul.f32 v17, v13;
	v13 =	vld [tilespmem:s21+$0x199C0]  }
0x159: {  	[tilespmem:s21+$0x19960] =	vst v10;
	v10 =	vmul.f32 v14, v16;
	v14 =	vld [tilespmem:s21+$0x199D0]  }
0x15a: {  	[tilespmem:s21+$0x19970] =	vst v11;
	v11 =	vmul.f32 v15, v16;
	v15 =	vld [tilespmem:s21+$0x199E0]  }
0x15b: {  	[tilespmem:s21+$0x19980] =	vst v10;
	v10 =	vmul.f32 v12, v16;
	v12 =	vld [tilespmem:s21+$0x199F0]  }
0x15c: {  	[tilespmem:s21+$0x19990] =	vst v11;
	v11 =	vmul.f32 v18, v16;
	v17 =	vld [tilespmem:s21+$0x19A00]  }
0x15d: {  	[tilespmem:s21+$0x199A0] =	vst v10;
	v10 =	vmul.f32 v13, v16;
	v13 =	vld [tilespmem:s21+$0x19A10]  }
0x15e: {  	[tilespmem:s21+$0x199B0] =	vst v11;
	v11 =	vmul.f32 v14, v16;
	v14 =	vld [tilespmem:s21+$0x19A20]  }
0x15f: {  	[tilespmem:s21+$0x199C0] =	vst v10;
	v10 =	vmul.f32 v15, v16;
	v15 =	vbroadcast v3, $0x3;
	v18 =	vld [tilespmem:s21+$0x19A30]  }
0x160: {  	[tilespmem:s21+$0x199D0] =	vst v11;
	v11 =	vmul.f32 v12, v16;
	v12 =	vld [tilespmem:s21+$0x19A40]  }
0x161: {  	[tilespmem:s21+$0x199E0] =	vst v10;
	v10 =	vmul.f32 v17, v15;
	v16 =	vld [tilespmem:s21+$0x19A50]  }
0x162: {  	[tilespmem:s21+$0x199F0] =	vst v11;
	v11 =	vmul.f32 v13, v15;
	v13 =	vld [tilespmem:s21+$0x19A60]  }
0x163: {  	[tilespmem:s21+$0x19A00] =	vst v10;
	v10 =	vmul.f32 v14, v15;
	v14 =	vld [tilespmem:s21+$0x19A70]  }
0x164: {  	[tilespmem:s21+$0x19A10] =	vst v11;
	v11 =	vmul.f32 v18, v15;
	v17 =	vld [tilespmem:s21+$0x19A80]  }
0x165: {  	[tilespmem:s21+$0x19A20] =	vst v10;
	v10 =	vmul.f32 v12, v15;
	v12 =	vld [tilespmem:s21+$0x19A90]  }
0x166: {  	[tilespmem:s21+$0x19A30] =	vst v11;
	v11 =	vmul.f32 v16, v15;
	v16 =	vld [tilespmem:s21+$0x19AA0]  }
0x167: {  	[tilespmem:s21+$0x19A40] =	vst v10;
	v10 =	vmul.f32 v13, v15;
	v13 =	vld [tilespmem:s21+$0x19AB0]  }
0x168: {  	[tilespmem:s21+$0x19A50] =	vst v11;
	v11 =	vmul.f32 v14, v15;
	v14 =	vld [tilespmem:s21+$0x19AC0]  }
0x169: {  	[tilespmem:s21+$0x19A60] =	vst v10;
	v10 =	vmul.f32 v17, v9;
	v15 =	vld [tilespmem:s21+$0x19AD0]  }
0x16a: {  	[tilespmem:s21+$0x19A70] =	vst v11;
	v11 =	vmul.f32 v12, v9;
	v12 =	vld [tilespmem:s21+$0x19AE0]  }
0x16b: {  	[tilespmem:s21+$0x19A80] =	vst v10;
	v10 =	vmul.f32 v16, v9;
	v16 =	vld [tilespmem:s21+$0x19AF0]  }
0x16c: {  	[tilespmem:s21+$0x19A90] =	vst v11;
	v11 =	vmul.f32 v13, v9;
	v13 =	vld [tilespmem:s21+$0x19B00]  }
0x16d: {  	[tilespmem:s21+$0x19AA0] =	vst v10;
	v10 =	vmul.f32 v14, v9;
	v14 =	vld [tilespmem:s21+$0x19B10]  }
0x16e: {  	[tilespmem:s21+$0x19AB0] =	vst v11;
	v11 =	vmul.f32 v15, v9;
	v15 =	vld [tilespmem:s21+$0x19B20]  }
0x16f: {  	[tilespmem:s21+$0x19AC0] =	vst v10;
	v10 =	vmul.f32 v12, v9;
	v12 =	vbroadcast v3, $0x5;
	v17 =	vld [tilespmem:s21+$0x19B30]  }
0x170: {  	[tilespmem:s21+$0x19AD0] =	vst v11;
	v9 =	vmul.f32 v16, v9;
	v11 =	vld [tilespmem:s21+$0x19B40]  }
0x171: {  	[tilespmem:s21+$0x19AE0] =	vst v10;
	v10 =	vmul.f32 v13, v12;
	v13 =	vld [tilespmem:s21+$0x19B50]  }
0x172: {  	[tilespmem:s21+$0x19AF0] =	vst v9;
	v9 =	vmul.f32 v14, v12;
	v14 =	vld [tilespmem:s21+$0x19B60]  }
0x173: {  	[tilespmem:s21+$0x19B00] =	vst v10;
	v10 =	vmul.f32 v15, v12;
	v15 =	vld [tilespmem:s21+$0x19B70]  }
0x174: {  	[tilespmem:s21+$0x19B10] =	vst v9;
	v9 =	vmul.f32 v17, v12;
	v16 =	vld [tilespmem:s21+$0x19B80]  }
0x175: {  	[tilespmem:s21+$0x19B20] =	vst v10;
	v10 =	vmul.f32 v11, v12;
	v11 =	vld [tilespmem:s21+$0x19B90]  }
0x176: {  	[tilespmem:s21+$0x19B30] =	vst v9;
	v9 =	vmul.f32 v13, v12;
	v13 =	vld [tilespmem:s21+$0x19BA0]  }
0x177: {  	[tilespmem:s21+$0x19B40] =	vst v10;
	v10 =	vmul.f32 v14, v12;
	v14 =	vbroadcast v3, $0x6;
	v17 =	vld [tilespmem:s21+$0x19BB0]  }
0x178: {  	[tilespmem:s21+$0x19B50] =	vst v9;
	v9 =	vmul.f32 v15, v12;
	v12 =	vld [tilespmem:s21+$0x19BC0]  }
0x179: {  	[tilespmem:s21+$0x19B60] =	vst v10;
	v10 =	vmul.f32 v16, v14;
	v15 =	vld [tilespmem:s21+$0x19BD0]  }
0x17a: {  	[tilespmem:s21+$0x19B70] =	vst v9;
	v9 =	vmul.f32 v11, v14;
	v11 =	vld [tilespmem:s21+$0x19BE0]  }
0x17b: {  	[tilespmem:s21+$0x19B80] =	vst v10;
	v10 =	vmul.f32 v13, v14;
	v13 =	vld [tilespmem:s21+$0x19BF0]  }
0x17c: {  	[tilespmem:s21+$0x19B90] =	vst v9;
	v9 =	vmul.f32 v17, v14;
	v16 =	vld [tilespmem:s21+$0x19C00]  }
0x17d: {  	[tilespmem:s21+$0x19BA0] =	vst v10;
	v10 =	vmul.f32 v12, v14;
	v12 =	vld [tilespmem:s21+$0x19C10]  }
0x17e: {  	[tilespmem:s21+$0x19BB0] =	vst v9;
	v9 =	vmul.f32 v15, v14;
	v15 =	vld [tilespmem:s21+$0x19C20]  }
0x17f: {  	[tilespmem:s21+$0x19BC0] =	vst v10;
	v10 =	vmul.f32 v11, v14;
	v11 =	vbroadcast v3, $0x7;
	v17 =	vld [tilespmem:s21+$0x19C30]  }
0x180: {  	[tilespmem:s21+$0x19BD0] =	vst v9;
	v9 =	vmul.f32 v13, v14;
	v13 =	vld [tilespmem:s21+$0x19C40]  }
0x181: {  	[tilespmem:s21+$0x19BE0] =	vst v10;
	v10 =	vmul.f32 v16, v11;
	v14 =	vld [tilespmem:s21+$0x19C50]  }
0x182: {  	[tilespmem:s21+$0x19BF0] =	vst v9;
	v9 =	vmul.f32 v12, v11;
	v12 =	vld [tilespmem:s21+$0x19C60]  }
0x183: {  	[tilespmem:s21+$0x19C00] =	vst v10;
	v10 =	vmul.f32 v15, v11;
	v15 =	vld [tilespmem:s21+$0x19C70]  }
0x184: {  	[tilespmem:s21+$0x19C10] =	vst v9;
	v9 =	vmul.f32 v17, v11;
	v16 =	vld [tilespmem:s21+$0x19C80]  }
0x185: {  	[tilespmem:s21+$0x19C20] =	vst v10;
	v10 =	vmul.f32 v13, v11;
	v13 =	vld [tilespmem:s21+$0x19C90]  }
0x186: {  	[tilespmem:s21+$0x19C30] =	vst v9;
	v9 =	vmul.f32 v14, v11;
	v14 =	vld [tilespmem:s21+$0x19CA0]  }
0x187: {  	[tilespmem:s21+$0x19C40] =	vst v10;
	v10 =	vmul.f32 v12, v11;
	v12 =	vbroadcast v3, $0x8;
	v17 =	vld [tilespmem:s21+$0x19CB0]  }
0x188: {  	[tilespmem:s21+$0x19C50] =	vst v9;
	v9 =	vmul.f32 v15, v11;
	v11 =	vld [tilespmem:s21+$0x19CC0]  }
0x189: {  	[tilespmem:s21+$0x19C60] =	vst v10;
	v10 =	vmul.f32 v16, v12;
	v15 =	vld [tilespmem:s21+$0x19CD0]  }
0x18a: {  	[tilespmem:s21+$0x19C70] =	vst v9;
	v9 =	vmul.f32 v13, v12;
	v13 =	vld [tilespmem:s21+$0x19CE0]  }
0x18b: {  	[tilespmem:s21+$0x19C80] =	vst v10;
	v10 =	vmul.f32 v14, v12;
	v14 =	vld [tilespmem:s21+$0x19CF0]  }
0x18c: {  	[tilespmem:s21+$0x19C90] =	vst v9;
	v9 =	vmul.f32 v17, v12;
	v16 =	vld [tilespmem:s21+$0x19D00]  }
0x18d: {  	[tilespmem:s21+$0x19CA0] =	vst v10;
	v10 =	vmul.f32 v11, v12;
	v11 =	vld [tilespmem:s21+$0x19D10]  }
0x18e: {  	[tilespmem:s21+$0x19CB0] =	vst v9;
	v9 =	vmul.f32 v15, v12;
	v15 =	vld [tilespmem:s21+$0x19D20]  }
0x18f: {  	[tilespmem:s21+$0x19CC0] =	vst v10;
	v10 =	vmul.f32 v13, v12;
	v13 =	vbroadcast v3, $0x9;
	v17 =	vld [tilespmem:s21+$0x19D30]  }
0x190: {  	[tilespmem:s21+$0x19CD0] =	vst v9;
	v9 =	vmul.f32 v14, v12;
	v12 =	vld [tilespmem:s21+$0x19D40]  }
0x191: {  	[tilespmem:s21+$0x19CE0] =	vst v10;
	v10 =	vmul.f32 v16, v13;
	v14 =	vld [tilespmem:s21+$0x19D50]  }
0x192: {  	[tilespmem:s21+$0x19CF0] =	vst v9;
	v9 =	vmul.f32 v11, v13;
	v11 =	vld [tilespmem:s21+$0x19D60]  }
0x193: {  	[tilespmem:s21+$0x19D00] =	vst v10;
	v10 =	vmul.f32 v15, v13;
	v15 =	vld [tilespmem:s21+$0x19D70]  }
0x194: {  	[tilespmem:s21+$0x19D10] =	vst v9;
	v9 =	vmul.f32 v17, v13;
	v16 =	vld [tilespmem:s21+$0x19D80]  }
0x195: {  	[tilespmem:s21+$0x19D20] =	vst v10;
	v10 =	vmul.f32 v12, v13;
	v12 =	vld [tilespmem:s21+$0x19D90]  }
0x196: {  	[tilespmem:s21+$0x19D30] =	vst v9;
	v9 =	vmul.f32 v14, v13;
	v14 =	vld [tilespmem:s21+$0x19DA0]  }
0x197: {  	[tilespmem:s21+$0x19D40] =	vst v10;
	v10 =	vmul.f32 v11, v13;
	v11 =	vld [tilespmem:s21+$0x19DB0]  }
0x198: {  	[tilespmem:s21+$0x19D50] =	vst v9;
	v9 =	vmul.f32 v15, v13;
	v13 =	vld [tilespmem:s21+$0x19DC0]  }
0x199: {  	[tilespmem:s21+$0x19D60] =	vst v10;
	v10 =	vmul.f32 v16, v6;
	v15 =	vld [tilespmem:s21+$0x19DD0]  }
0x19a: {  	[tilespmem:s21+$0x19D70] =	vst v9;
	v9 =	vmul.f32 v12, v6;
	v12 =	vld [tilespmem:s21+$0x19DE0]  }
0x19b: {  	v16 =	vld [tilespmem:s21+$0x19880];
	[tilespmem:s21+$0x19D80] =	vst v10;
	v10 =	vmul.f32 v14, v6  }
0x19c: {  	v14 =	vld [tilespmem:s21+$0x19890];
	[tilespmem:s21+$0x19D90] =	vst v9;
	v9 =	vmul.f32 v11, v6  }
0x19d: {  	v11 =	vld [tilespmem:s21+$0x198C0];
	[tilespmem:s21+$0x19DA0] =	vst v10;
	v10 =	vmul.f32 v13, v6  }
0x19e: {  	v13 =	vld [tilespmem:s21+$0x198D0];
	[tilespmem:s21+$0x19DB0] =	vst v9;
	v9 =	vmul.f32 v15, v6  }
0x19f: {  	[tilespmem:s21+$0x19DC0] =	vst v10;
	v10 =	vmul.f32 v12, v6;
	v12 =	vbroadcast v3, $0xB;
	v15 =	vld [tilespmem:s21+$0x19E20]  }
0x1a0: {  	v6 =	vbroadcast v3, $0xF;
	v16 =	vmul.f32 v4, v16;
	[tilespmem:s21+$0x19DD0] =	vst v9;
	v9 =	vld [tilespmem:s21+$0x19E30]  }
0x1a1: {  	v14 =	vmul.f32 v14, v4;
	[tilespmem:s21+$0x19DE0] =	vst v10;
	v7 =	vmul.f32 v7, v12;
	v10 =	vld [tilespmem:s21+$0x19E40]  }
0x1a2: {  	v8 =	vmul.f32 v8, v12;
	[tilespmem:s21+$0x19880] =	vst v16;
	v11 =	vmul.f32 v11, v4;
	v16 =	vld [tilespmem:s21+$0x19E50]  }
0x1a3: {  	v5 =	vmul.f32 v5, v6;
	v13 =	vmul.f32 v13, v4;
	[tilespmem:s21+$0x19E00] =	vst v7;
	v4 =	vld [tilespmem:s21+$0x19E60]  }
0x1a4: {  	[tilespmem:s21+$0x19E10] =	vst v8;
	v7 =	vmul.f32 v15, v12;
	v8 =	vld [tilespmem:s21+$0x19E70]  }
0x1a5: {  	v9 =	vmul.f32 v9, v12;
	v15 =	vld [tilespmem:s21+$0x19E80];
	[tilespmem:s21+$0x1A050] =	vst v5  }
0x1a6: {  	[tilespmem:s21+$0x19890] =	vst v14;
	v5 =	vmul.f32 v10, v12;
	v10 =	vld [tilespmem:s21+$0x19E90]  }
0x1a7: {  	[tilespmem:s21+$0x198C0] =	vst v11;
	v11 =	vmul.f32 v16, v12;
	v14 =	vld [tilespmem:s21+$0x19EA0]  }
0x1a8: {  	v16 =	vbroadcast v3, $0xC;
	[tilespmem:s21+$0x19E20] =	vst v7;
	v7 =	vmul.f32 v4, v12;
	v17 =	vld [tilespmem:s21+$0x19EB0]  }
0x1a9: {  	[tilespmem:s21+$0x19E50] =	vst v11;
	v8 =	vmul.f32 v8, v12;
	v11 =	vld [tilespmem:s21+$0x19EC0]  }
0x1aa: {  	[tilespmem:s21+$0x19E30] =	vst v9;
	v4 =	vmul.f32 v15, v16;
	v9 =	vld [tilespmem:s21+$0x19ED0]  }
0x1ab: {  	[tilespmem:s21+$0x19E40] =	vst v5;
	v5 =	vmul.f32 v10, v16;
	v10 =	vld [tilespmem:s21+$0x19EE0]  }
0x1ac: {  	[tilespmem:s21+$0x19E80] =	vst v4;
	v4 =	vmul.f32 v14, v16;
	v12 =	vld [tilespmem:s21+$0x19EF0]  }
0x1ad: {  	[tilespmem:s21+$0x19E90] =	vst v5;
	v5 =	vld [tilespmem:s21+$0x19F00]  }
0x1ae: {  	[tilespmem:s21+$0x198D0] =	vst v13;
	v11 =	vmul.f32 v11, v16;
	v13 =	vld [tilespmem:s21+$0x19F10]  }
0x1af: {  	[tilespmem:s21+$0x19E60] =	vst v7;
	v7 =	vmul.f32 v9, v16;
	v9 =	vld [tilespmem:s21+$0x19F20]  }
0x1b0: {  	[tilespmem:s21+$0x19EC0] =	vst v11;
	v10 =	vmul.f32 v10, v16;
	v11 =	vbroadcast v3, $0xD;
	v14 =	vld [tilespmem:s21+$0x19F30]  }
0x1b1: {  	[tilespmem:s21+$0x19ED0] =	vst v7;
	v7 =	vmul.f32 v12, v16;
	v12 =	vld [tilespmem:s21+$0x19F40]  }
0x1b2: {  	[tilespmem:s21+$0x19EE0] =	vst v10;
	v5 =	vmul.f32 v5, v11;
	v10 =	vld [tilespmem:s21+$0x19F50]  }
0x1b3: {  	[tilespmem:s21+$0x19EF0] =	vst v7;
	v7 =	vmul.f32 v13, v11;
	v13 =	vld [tilespmem:s21+$0x19F60]  }
0x1b4: {  	[tilespmem:s21+$0x19F00] =	vst v5;
	v5 =	vmul.f32 v9, v11;
	v9 =	vld [tilespmem:s21+$0x19F70]  }
0x1b5: {  	[tilespmem:s21+$0x19F10] =	vst v7;
	v7 =	vmul.f32 v14, v11;
	v14 =	vld [tilespmem:s21+$0x19F80]  }
0x1b6: {  	[tilespmem:s21+$0x19F20] =	vst v5;
	v5 =	vmul.f32 v12, v11;
	v12 =	vld [tilespmem:s21+$0x19F90]  }
0x1b7: {  	[tilespmem:s21+$0x19F30] =	vst v7;
	v7 =	vmul.f32 v10, v11;
	v10 =	vld [tilespmem:s21+$0x19FA0]  }
0x1b8: {  	v3 =	vbroadcast v3, $0xE;
	[tilespmem:s21+$0x19E70] =	vst v8;
	v8 =	vmul.f32 v13, v11;
	v13 =	vld [tilespmem:s21+$0x19FB0]  }
0x1b9: {  	[tilespmem:s21+$0x19F50] =	vst v7;
	v7 =	vmul.f32 v9, v11;
	v9 =	vld [tilespmem:s21+$0x19FC0]  }
0x1ba: {  	[tilespmem:s21+$0x19F60] =	vst v8;
	v8 =	vmul.f32 v14, v3;
	v11 =	vld [tilespmem:s21+$0x19FD0]  }
0x1bb: {  	[tilespmem:s21+$0x19F70] =	vst v7;
	v7 =	vmul.f32 v12, v3;
	v12 =	vld [tilespmem:s21+$0x19FE0]  }
0x1bc: {  	[tilespmem:s21+$0x19F80] =	vst v8;
	v8 =	vmul.f32 v10, v3;
	v10 =	vld [tilespmem:s21+$0x19FF0]  }
0x1bd: {  	[tilespmem:s21+$0x19F90] =	vst v7;
	v7 =	vmul.f32 v13, v3;
	v13 =	vld [tilespmem:s21+$0x1A000]  }
0x1be: {  	[tilespmem:s21+$0x19FA0] =	vst v8;
	v8 =	vmul.f32 v9, v3;
	v9 =	vld [tilespmem:s21+$0x1A010]  }
0x1bf: {  	[tilespmem:s21+$0x19FB0] =	vst v7;
	v7 =	vmul.f32 v11, v3;
	v11 =	vld [tilespmem:s21+$0x1A020]  }
0x1c0: {  	[tilespmem:s21+$0x19FC0] =	vst v8;
	v8 =	vmul.f32 v12, v3;
	v12 =	vld [tilespmem:s21+$0x1A030]  }
0x1c1: {  	[tilespmem:s21+$0x19F40] =	vst v5;
	v3 =	vmul.f32 v10, v3;
	v5 =	vld [tilespmem:s21+$0x1A040]  }
0x1c2: {  	[tilespmem:s21+$0x19FE0] =	vst v8;
	v8 =	vmul.f32 v13, v6;
	v10 =	vld [tilespmem:s21+$0x1A060]  }
0x1c3: {  	[tilespmem:s21+$0x19FF0] =	vst v3;
	v3 =	vmul.f32 v9, v6;
	v9 =	vld [tilespmem:s21+$0x1A070]  }
0x1c4: {  	[tilespmem:s21+$0x1A000] =	vst v8;
	v8 =	vmul.f32 v11, v6  }
0x1c5: {  	[tilespmem:s21+$0x1A010] =	vst v3;
	v3 =	vmul.f32 v12, v6  }
0x1c6: {  	v11 =	vmul.f32 v17, v16;
	[tilespmem:s21+$0x1A020] =	vst v8  }
0x1c7: {  	[tilespmem:s21+$0x1A030] =	vst v3;
	v3 =	vmul.f32 v5, v6  }
.Ltmp9:
0x1c8: {  	[tilespmem:s21+$0x19EB0] =	vst v11;
	v5 =	vmul.f32 v9, v6;
	(pc) =	sbr.rel @p2 .LBB2_16-.Ltmp9, $4  }
0x1c9: {  	[tilespmem:s21+$0x1A040] =	vst v3  }
0x1ca: {  	v3 =	vmul.f32 v10, v6;
	[tilespmem:s21+$0x1A070] =	vst v5  }
0x1cb: {  	[tilespmem:s21+$0x19FD0] =	vst v7  }
0x1cc: {  	[tilespmem:s21+$0x1A060] =	vst v3  }
0x1cd: {  	s30 =	sshllo.u32 s28, $0x1  }
0x1ce: {  	s11 =	sshll.u32 s28, $0xA;
	s9 =	smul.u32 $0x140, s30  }
0x1cf: {  	s29 =	sshrl.u32 s11, $0x2  }
0x1d0: {  	[tilespmem:s21+$0x19EA0] =	vst v4;
	s11 =	sadd.s32 $0x5780, s29;
	s9 =	sshra.s32 s9, $0x2  }
0x1d1: {  	[spmem:s2] =	stream.indirect.scatter.add.f32 [tilespmem:s7], [sflag:$0x3], $0x80, s11, s14, $0xb8;
	[tilespmem:$0x1E880] =	vst v63  }
0x1d2: {  	s9 =	sadd.s32 s9, s26  }
0x1d3: {  	s21 =	simm.s32 $0x0;
	_ =	swait.ge [sflag:s18], $0x2800;
	v2 =	vmov s9  }
0x1d4: {  	s23 =	simm.s32 $0x0;
	[sflag:s18] =	ssyncset.done $0x0;
	s9 =	sand.u32 $0x3FFFFFF0, s21  }
0x1d5: {  	s21 =	sand.u32 $0x3FFFF800, s23;
	[sflag:s18] =	ssyncadd.s32 $0xFFFFD800  }
0x1d6: {  	v9 =	vld [tilespmem:s21+$0x1C140]  }
0x1d7: {  	v10 =	vld [tilespmem:s21+$0x1C150]  }
0x1d8: {  	v3 =	vld.idx.msk [tilespmem:v2+s9+$0x0 ss:$0x1], $0xffff  }
0x1d9: {  	v11 =	vld [tilespmem:s21+$0x1C130]  }
0x1da: {  	v5 =	vld [tilespmem:s21+$0x1C0A0]  }
0x1db: {  	v6 =	vld [tilespmem:s21+$0x1C0B0]  }
0x1dc: {  	v12 =	vld [tilespmem:s21+$0x1C0E0]  }
0x1dd: {  	v13 =	vld [tilespmem:s21+$0x1C0F0];
	v4 =	vbroadcast v3, $0x0  }
0x1de: {  	v14 =	vld [tilespmem:s21+$0x1C100]  }
0x1df: {  	v15 =	vld [tilespmem:s21+$0x1C110];
	v5 =	vmul.f32 v5, v4  }
0x1e0: {  	v16 =	vld [tilespmem:s21+$0x1C120];
	v6 =	vmul.f32 v6, v4  }
0x1e1: {  	v8 =	vld [tilespmem:s21+$0x1C5F0];
	v27 =	vbroadcast v3, $0x1;
	v26 =	vmul.f32 v12, v4;
	[tilespmem:s21+$0x1C0A0] =	vst v5  }
0x1e2: {  	v28 =	vld [tilespmem:s21+$0x1C160];
	v13 =	vmul.f32 v13, v4;
	[tilespmem:s21+$0x1C0B0] =	vst v6  }
0x1e3: {  	v29 =	vld [tilespmem:s21+$0x1C170];
	v14 =	vmul.f32 v14, v27;
	[tilespmem:s21+$0x1C0E0] =	vst v26  }
0x1e4: {  	v30 =	vld [tilespmem:s21+$0x1C180];
	v15 =	vmul.f32 v15, v27;
	[tilespmem:s21+$0x1C0F0] =	vst v13  }
0x1e5: {  	v31 =	vld [tilespmem:s21+$0x1C190];
	v16 =	vmul.f32 v16, v27;
	[tilespmem:s21+$0x1C100] =	vst v14  }
0x1e6: {  	v32 =	vld [tilespmem:s21+$0x1C1A0];
	v11 =	vmul.f32 v11, v27;
	[tilespmem:s21+$0x1C110] =	vst v15  }
0x1e7: {  	v33 =	vld [tilespmem:s21+$0x1C1B0];
	v9 =	vmul.f32 v9, v27;
	[tilespmem:s21+$0x1C120] =	vst v16  }
0x1e8: {  	v34 =	vld [tilespmem:s21+$0x1C1C0];
	v17 =	vbroadcast v3, $0x2;
	v10 =	vmul.f32 v10, v27;
	[tilespmem:s21+$0x1C130] =	vst v11  }
0x1e9: {  	v35 =	vld [tilespmem:s21+$0x1C1D0];
	v12 =	vmul.f32 v29, v27;
	[tilespmem:s21+$0x1C140] =	vst v9  }
0x1ea: {  	v37 =	vld [tilespmem:s21+$0x1C1E0];
	v7 =	vbroadcast v3, $0xA;
	v36 =	vmul.f32 v30, v17;
	[tilespmem:s21+$0x1C150] =	vst v10  }
0x1eb: {  	v39 =	vld [tilespmem:s21+$0x1C1F0];
	v38 =	vmul.f32 v31, v17;
	[tilespmem:s21+$0x1C170] =	vst v12  }
0x1ec: {  	v40 =	vld [tilespmem:s21+$0x1C200];
	v5 =	vmul.f32 v8, v7;
	[tilespmem:s21+$0x1C180] =	vst v36  }
0x1ed: {  	v41 =	vld [tilespmem:s21+$0x1C210];
	v13 =	vmul.f32 v28, v27;
	[tilespmem:s21+$0x1C190] =	vst v38  }
0x1ee: {  	v42 =	vld [tilespmem:s21+$0x1C220];
	v11 =	vmul.f32 v32, v17;
	[tilespmem:s21+$0x1C5F0] =	vst v5  }
0x1ef: {  	v43 =	vld [tilespmem:s21+$0x1C230];
	v9 =	vmul.f32 v33, v17;
	[tilespmem:s21+$0x1C160] =	vst v13  }
0x1f0: {  	v44 =	vld [tilespmem:s21+$0x1C240];
	v10 =	vmul.f32 v34, v17;
	[tilespmem:s21+$0x1C1A0] =	vst v11  }
0x1f1: {  	v46 =	vld [tilespmem:s21+$0x1C250];
	v45 =	vbroadcast v3, $0x3;
	v12 =	vmul.f32 v37, v17;
	[tilespmem:s21+$0x1C1B0] =	vst v9  }
0x1f2: {  	v47 =	vld [tilespmem:s21+$0x1C260];
	v14 =	vmul.f32 v39, v17;
	[tilespmem:s21+$0x1C1C0] =	vst v10  }
0x1f3: {  	v48 =	vld [tilespmem:s21+$0x1C270];
	v15 =	vmul.f32 v40, v45;
	[tilespmem:s21+$0x1C1E0] =	vst v12  }
0x1f4: {  	v49 =	vld [tilespmem:s21+$0x1C280];
	v13 =	vmul.f32 v35, v17;
	[tilespmem:s21+$0x1C1F0] =	vst v14  }
0x1f5: {  	v50 =	vld [tilespmem:s21+$0x1C290];
	v11 =	vmul.f32 v41, v45;
	[tilespmem:s21+$0x1C200] =	vst v15  }
0x1f6: {  	v51 =	vld [tilespmem:s21+$0x1C2A0];
	v9 =	vmul.f32 v42, v45;
	[tilespmem:s21+$0x1C1D0] =	vst v13  }
0x1f7: {  	v52 =	vld [tilespmem:s21+$0x1C2B0];
	v10 =	vmul.f32 v43, v45;
	[tilespmem:s21+$0x1C210] =	vst v11  }
0x1f8: {  	v53 =	vld [tilespmem:s21+$0x1C2C0];
	v12 =	vmul.f32 v46, v45;
	[tilespmem:s21+$0x1C220] =	vst v9  }
0x1f9: {  	v55 =	vld [tilespmem:s21+$0x1C2D0];
	v14 =	vmul.f32 v47, v45;
	[tilespmem:s21+$0x1C230] =	vst v10  }
0x1fa: {  	v56 =	vld [tilespmem:s21+$0x1C2E0];
	v54 =	vbroadcast v3, $0x4;
	v15 =	vmul.f32 v48, v45;
	[tilespmem:s21+$0x1C250] =	vst v12  }
0x1fb: {  	v57 =	vld [tilespmem:s21+$0x1C2F0];
	v13 =	vmul.f32 v44, v45;
	[tilespmem:s21+$0x1C260] =	vst v14  }
0x1fc: {  	v58 =	vld [tilespmem:s21+$0x1C300];
	v11 =	vmul.f32 v49, v54;
	[tilespmem:s21+$0x1C270] =	vst v15  }
0x1fd: {  	v59 =	vld [tilespmem:s21+$0x1C310];
	v9 =	vmul.f32 v50, v54;
	[tilespmem:s21+$0x1C240] =	vst v13  }
0x1fe: {  	v60 =	vld [tilespmem:s21+$0x1C320];
	v10 =	vmul.f32 v51, v54;
	[tilespmem:s21+$0x1C280] =	vst v11  }
0x1ff: {  	v61 =	vld [tilespmem:s21+$0x1C330];
	v12 =	vmul.f32 v53, v54;
	[tilespmem:s21+$0x1C290] =	vst v9  }
0x200: {  	v62 =	vld [tilespmem:s21+$0x1C340];
	v14 =	vmul.f32 v55, v54;
	[tilespmem:s21+$0x1C2A0] =	vst v10  }
0x201: {  	v20 =	vld [tilespmem:s21+$0x1C350];
	v15 =	vmul.f32 v56, v54;
	[tilespmem:s21+$0x1C2C0] =	vst v12  }
0x202: {  	v21 =	vld [tilespmem:s21+$0x1C360];
	v63 =	vbroadcast v3, $0x5;
	v13 =	vmul.f32 v52, v54;
	[tilespmem:s21+$0x1C2D0] =	vst v14  }
0x203: {  	v22 =	vld [tilespmem:s21+$0x1C370];
	v11 =	vmul.f32 v57, v54;
	[tilespmem:s21+$0x1C2E0] =	vst v15  }
0x204: {  	v23 =	vld [tilespmem:s21+$0x1C380];
	v9 =	vmul.f32 v58, v63;
	[tilespmem:s21+$0x1C2B0] =	vst v13  }
0x205: {  	v24 =	vld [tilespmem:s21+$0x1C390];
	v10 =	vmul.f32 v59, v63;
	[tilespmem:s21+$0x1C2F0] =	vst v11  }
0x206: {  	v25 =	vld [tilespmem:s21+$0x1C3A0];
	v12 =	vmul.f32 v61, v63;
	[tilespmem:s21+$0x1C300] =	vst v9  }
0x207: {  	v29 =	vld [tilespmem:s21+$0x1C3D0];
	v14 =	vmul.f32 v62, v63;
	[tilespmem:s21+$0x1C310] =	vst v10  }
0x208: {  	v30 =	vld [tilespmem:s21+$0x1C3E0];
	v15 =	vmul.f32 v20, v63;
	[tilespmem:s21+$0x1C330] =	vst v12  }
0x209: {  	v26 =	vld [tilespmem:s21+$0x1C3B0];
	v13 =	vmul.f32 v60, v63;
	[tilespmem:s21+$0x1C340] =	vst v14  }
0x20a: {  	v27 =	vld [tilespmem:s21+$0x1C3C0];
	v28 =	vbroadcast v3, $0x6;
	v11 =	vmul.f32 v21, v63;
	[tilespmem:s21+$0x1C350] =	vst v15  }
0x20b: {  	v31 =	vld [tilespmem:s21+$0x1C3F0];
	v9 =	vmul.f32 v22, v63;
	[tilespmem:s21+$0x1C320] =	vst v13  }
0x20c: {  	v6 =	vld [tilespmem:s21+$0x1C600];
	v10 =	vmul.f32 v23, v28;
	[tilespmem:s21+$0x1C360] =	vst v11  }
0x20d: {  	v8 =	vld [tilespmem:s21+$0x1C610];
	v12 =	vmul.f32 v25, v28;
	[tilespmem:s21+$0x1C370] =	vst v9  }
0x20e: {  	v32 =	vld [tilespmem:s21+$0x1C400];
	v14 =	vmul.f32 v26, v28;
	[tilespmem:s21+$0x1C380] =	vst v10  }
0x20f: {  	v33 =	vld [tilespmem:s21+$0x1C410];
	v15 =	vmul.f32 v27, v28;
	[tilespmem:s21+$0x1C3A0] =	vst v12  }
0x210: {  	v34 =	vld [tilespmem:s21+$0x1C420];
	v13 =	vmul.f32 v24, v28;
	[tilespmem:s21+$0x1C3B0] =	vst v14  }
0x211: {  	v35 =	vld [tilespmem:s21+$0x1C430];
	v11 =	vmul.f32 v29, v28;
	[tilespmem:s21+$0x1C3C0] =	vst v15  }
0x212: {  	v37 =	vbroadcast v3, $0x7;
	v59 =	vld [tilespmem:s21+$0x1C580];
	v9 =	vmul.f32 v30, v28;
	[tilespmem:s21+$0x1C390] =	vst v13  }
0x213: {  	v20 =	vld [tilespmem:s21+$0x1C5D0];
	v10 =	vmul.f32 v31, v28;
	[tilespmem:s21+$0x1C3D0] =	vst v11  }
0x214: {  	v36 =	vld [tilespmem:s21+$0x1C440];
	v12 =	vmul.f32 v33, v37;
	[tilespmem:s21+$0x1C3E0] =	vst v9  }
0x215: {  	v38 =	vld [tilespmem:s21+$0x1C450];
	v14 =	vmul.f32 v34, v37;
	[tilespmem:s21+$0x1C3F0] =	vst v10  }
0x216: {  	v39 =	vld [tilespmem:s21+$0x1C460];
	v15 =	vmul.f32 v35, v37;
	[tilespmem:s21+$0x1C410] =	vst v12  }
0x217: {  	v40 =	vld [tilespmem:s21+$0x1C470];
	v21 =	vmul.f32 v59, v7;
	[tilespmem:s21+$0x1C420] =	vst v14  }
0x218: {  	v41 =	vld [tilespmem:s21+$0x1C480];
	v28 =	vmul.f32 v20, v7;
	[tilespmem:s21+$0x1C430] =	vst v15  }
0x219: {  	v42 =	vld [tilespmem:s21+$0x1C490];
	v13 =	vmul.f32 v32, v37;
	[tilespmem:s21+$0x1C580] =	vst v21  }
0x21a: {  	v43 =	vld [tilespmem:s21+$0x1C4A0];
	v11 =	vmul.f32 v36, v37;
	[tilespmem:s21+$0x1C5D0] =	vst v28  }
0x21b: {  	v5 =	vld [tilespmem:s21+$0x1C850];
	v46 =	vbroadcast v3, $0x8;
	v9 =	vmul.f32 v38, v37;
	[tilespmem:s21+$0x1C400] =	vst v13  }
0x21c: {  	v47 =	vld [tilespmem:s21+$0x1C4D0];
	v10 =	vmul.f32 v39, v37;
	[tilespmem:s21+$0x1C440] =	vst v11  }
0x21d: {  	v63 =	vld [tilespmem:s21+$0x1C5C0];
	v12 =	vmul.f32 v41, v46;
	[tilespmem:s21+$0x1C450] =	vst v9  }
0x21e: {  	v23 =	vld [tilespmem:s21+$0x1C080];
	v31 =	vbroadcast v3, $0xB;
	v14 =	vmul.f32 v42, v46;
	[tilespmem:s21+$0x1C460] =	vst v10  }
0x21f: {  	v48 =	vld [tilespmem:s21+$0x1C4E0];
	v15 =	vmul.f32 v43, v46;
	[tilespmem:s21+$0x1C480] =	vst v12  }
0x220: {  	v44 =	vld [tilespmem:s21+$0x1C4B0];
	v6 =	vmul.f32 v6, v31;
	[tilespmem:s21+$0x1C490] =	vst v14  }
0x221: {  	v45 =	vld [tilespmem:s21+$0x1C4C0];
	v8 =	vmul.f32 v8, v31;
	[tilespmem:s21+$0x1C4A0] =	vst v15  }
0x222: {  	v49 =	vld [tilespmem:s21+$0x1C4F0];
	v26 =	vmul.f32 v63, v7;
	[tilespmem:s21+$0x1C600] =	vst v6  }
0x223: {  	v50 =	vld [tilespmem:s21+$0x1C500];
	v32 =	vmul.f32 v4, v23;
	[tilespmem:s21+$0x1C610] =	vst v8  }
0x224: {  	v51 =	vld [tilespmem:s21+$0x1C510];
	v13 =	vmul.f32 v40, v37;
	[tilespmem:s21+$0x1C5C0] =	vst v26  }
0x225: {  	v53 =	vld [tilespmem:s21+$0x1C530];
	v11 =	vmul.f32 v44, v46;
	[tilespmem:s21+$0x1C080] =	vst v32  }
0x226: {  	v33 =	vld [tilespmem:s21+$0x1C650];
	v9 =	vmul.f32 v45, v46;
	[tilespmem:s21+$0x1C470] =	vst v13  }
0x227: {  	v55 =	vbroadcast v3, $0x9;
	v34 =	vld [tilespmem:s21+$0x1C660];
	v10 =	vmul.f32 v47, v46;
	[tilespmem:s21+$0x1C4B0] =	vst v11  }
0x228: {  	v35 =	vld [tilespmem:s21+$0x1C670];
	v12 =	vmul.f32 v49, v46;
	[tilespmem:s21+$0x1C4C0] =	vst v9  }
0x229: {  	v52 =	vld [tilespmem:s21+$0x1C520];
	v14 =	vmul.f32 v50, v55;
	[tilespmem:s21+$0x1C4D0] =	vst v10  }
0x22a: {  	v54 =	vld [tilespmem:s21+$0x1C540];
	v15 =	vmul.f32 v51, v55;
	[tilespmem:s21+$0x1C4F0] =	vst v12  }
0x22b: {  	v57 =	vld [tilespmem:s21+$0x1C560];
	v38 =	vmul.f32 v33, v31;
	[tilespmem:s21+$0x1C500] =	vst v14  }
0x22c: {  	v58 =	vld [tilespmem:s21+$0x1C570];
	v45 =	vmul.f32 v34, v31;
	[tilespmem:s21+$0x1C510] =	vst v15  }
0x22d: {  	v61 =	vld [tilespmem:s21+$0x1C5A0];
	v8 =	vmul.f32 v35, v31;
	[tilespmem:s21+$0x1C650] =	vst v38  }
0x22e: {  	v62 =	vld [tilespmem:s21+$0x1C5B0];
	v13 =	vmul.f32 v48, v46;
	[tilespmem:s21+$0x1C660] =	vst v45  }
0x22f: {  	v36 =	vld [tilespmem:s21+$0x1C680];
	v11 =	vmul.f32 v52, v55;
	[tilespmem:s21+$0x1C670] =	vst v8  }
0x230: {  	v60 =	vld [tilespmem:s21+$0x1C590];
	v9 =	vmul.f32 v53, v55;
	[tilespmem:s21+$0x1C4E0] =	vst v13  }
0x231: {  	v22 =	vld [tilespmem:s21+$0x1C5E0];
	v41 =	vbroadcast v3, $0xC;
	v10 =	vmul.f32 v54, v55;
	[tilespmem:s21+$0x1C520] =	vst v11  }
0x232: {  	v56 =	vld [tilespmem:s21+$0x1C550];
	v6 =	vbroadcast v3, $0xF;
	v12 =	vmul.f32 v57, v55;
	[tilespmem:s21+$0x1C530] =	vst v9  }
0x233: {  	v14 =	vmul.f32 v58, v55;
	[tilespmem:s21+$0x1C540] =	vst v10  }
0x234: {  	v5 =	vmul.f32 v5, v6;
	v17 =	vmul.f32 v36, v41;
	[tilespmem:s21+$0x1C560] =	vst v12  }
0x235: {  	[tilespmem:s21+$0x1C570] =	vst v14;
	v11 =	vmul.f32 v60, v7;
	v9 =	vmul.f32 v61, v7  }
0x236: {  	v24 =	vld [tilespmem:s21+$0x1C090];
	v10 =	vmul.f32 v62, v7;
	v7 =	vmul.f32 v22, v7;
	[tilespmem:s21+$0x1C850] =	vst v5  }
0x237: {  	v25 =	vld [tilespmem:s21+$0x1C0C0];
	v13 =	vmul.f32 v56, v55;
	[tilespmem:s21+$0x1C680] =	vst v17  }
0x238: {  	[tilespmem:s21+$0x1C5E0] =	vst v7;
	v7 =	vld [tilespmem:s21+$0x1C640]  }
0x239: {  	v27 =	vld [tilespmem:s21+$0x1C0D0];
	[tilespmem:s21+$0x1C550] =	vst v13  }
0x23a: {  	v43 =	vld [tilespmem:s21+$0x1C6F0];
	[tilespmem:s21+$0x1C590] =	vst v11  }
0x23b: {  	v50 =	vld [tilespmem:s21+$0x1C760];
	v14 =	vmul.f32 v24, v4;
	[tilespmem:s21+$0x1C5A0] =	vst v9  }
0x23c: {  	v29 =	vld [tilespmem:s21+$0x1C620];
	v5 =	vmul.f32 v25, v4;
	[tilespmem:s21+$0x1C5B0] =	vst v10  }
0x23d: {  	v30 =	vld [tilespmem:s21+$0x1C630];
	[tilespmem:s21+$0x1C090] =	vst v14;
	v7 =	vmul.f32 v7, v31  }
0x23e: {  	v37 =	vld [tilespmem:s21+$0x1C690];
	v49 =	vbroadcast v3, $0xD;
	v4 =	vmul.f32 v27, v4;
	[tilespmem:s21+$0x1C0C0] =	vst v5  }
0x23f: {  	v17 =	vmul.f32 v43, v41;
	[tilespmem:s21+$0x1C640] =	vst v7;
	v7 =	vld [tilespmem:s21+$0x1C6E0]  }
0x240: {  	v40 =	vld [tilespmem:s21+$0x1C6C0];
	v55 =	vmul.f32 v50, v49;
	[tilespmem:s21+$0x1C0D0] =	vst v4  }
0x241: {  	v46 =	vld [tilespmem:s21+$0x1C720];
	v9 =	vmul.f32 v29, v31;
	[tilespmem:s21+$0x1C6F0] =	vst v17  }
0x242: {  	v10 =	vmul.f32 v30, v31;
	v4 =	vld [tilespmem:s21+$0x1C710];
	[tilespmem:s21+$0x1C760] =	vst v55  }
0x243: {  	v53 =	vld [tilespmem:s21+$0x1C7A0];
	v11 =	vmul.f32 v37, v41;
	[tilespmem:s21+$0x1C620] =	vst v9  }
0x244: {  	v54 =	vld [tilespmem:s21+$0x1C7B0];
	[tilespmem:s21+$0x1C630] =	vst v10;
	v7 =	vmul.f32 v7, v41  }
0x245: {  	v42 =	vld [tilespmem:s21+$0x1C6D0];
	v14 =	vmul.f32 v40, v41;
	[tilespmem:s21+$0x1C690] =	vst v11  }
0x246: {  	v3 =	vbroadcast v3, $0xE;
	v13 =	vmul.f32 v46, v49;
	[tilespmem:s21+$0x1C6E0] =	vst v7;
	v7 =	vld [tilespmem:s21+$0x1C750]  }
0x247: {  	v44 =	vld [tilespmem:s21+$0x1C700];
	[tilespmem:s21+$0x1C6C0] =	vst v14;
	v4 =	vmul.f32 v4, v49  }
0x248: {  	v47 =	vld [tilespmem:s21+$0x1C730];
	v12 =	vmul.f32 v53, v3;
	[tilespmem:s21+$0x1C720] =	vst v13  }
0x249: {  	v8 =	vmul.f32 v54, v3;
	[tilespmem:s21+$0x1C710] =	vst v4;
	v4 =	vld [tilespmem:s21+$0x1C780]  }
0x24a: {  	v52 =	vld [tilespmem:s21+$0x1C790];
	v10 =	vmul.f32 v42, v41;
	[tilespmem:s21+$0x1C7A0] =	vst v12  }
0x24b: {  	v60 =	vld [tilespmem:s21+$0x1C820];
	[tilespmem:s21+$0x1C7B0] =	vst v8;
	v7 =	vmul.f32 v7, v49  }
0x24c: {  	v51 =	vld [tilespmem:s21+$0x1C770];
	v11 =	vmul.f32 v44, v49;
	[tilespmem:s21+$0x1C6D0] =	vst v10  }
0x24d: {  	v14 =	vmul.f32 v47, v49;
	[tilespmem:s21+$0x1C750] =	vst v7;
	v7 =	vld [tilespmem:s21+$0x1C7C0]  }
0x24e: {  	v48 =	vld [tilespmem:s21+$0x1C740];
	[tilespmem:s21+$0x1C700] =	vst v11;
	v4 =	vmul.f32 v4, v3  }
0x24f: {  	v58 =	vld [tilespmem:s21+$0x1C800];
	v13 =	vmul.f32 v52, v3;
	[tilespmem:s21+$0x1C730] =	vst v14  }
0x250: {  	v8 =	vmul.f32 v60, v6;
	[tilespmem:s21+$0x1C780] =	vst v4;
	v4 =	vld [tilespmem:s21+$0x1C7F0]  }
0x251: {  	v57 =	vld [tilespmem:s21+$0x1C7E0];
	v11 =	vmul.f32 v51, v49;
	[tilespmem:s21+$0x1C790] =	vst v13  }
0x252: {  	v59 =	vld [tilespmem:s21+$0x1C810];
	[tilespmem:s21+$0x1C820] =	vst v8;
	v7 =	vmul.f32 v7, v3  }
0x253: {  	v56 =	vld [tilespmem:s21+$0x1C7D0];
	v10 =	vmul.f32 v48, v49;
	[tilespmem:s21+$0x1C770] =	vst v11  }
0x254: {  	v13 =	vmul.f32 v58, v6;
	[tilespmem:s21+$0x1C7C0] =	vst v7;
	v7 =	vld [tilespmem:s21+$0x1C830]  }
0x255: {  	v39 =	vld [tilespmem:s21+$0x1C6B0];
	[tilespmem:s21+$0x1C740] =	vst v10;
	v4 =	vmul.f32 v4, v3  }
0x256: {  	v61 =	vld [tilespmem:s21+$0x1C840];
	v11 =	vmul.f32 v57, v3;
	[tilespmem:s21+$0x1C800] =	vst v13  }
0x257: {  	v63 =	vld [tilespmem:s21+$0x1C870];
	[tilespmem:s21+$0x1C7F0] =	vst v4;
	v4 =	vmul.f32 v59, v6  }
0x258: {  	v62 =	vld [tilespmem:s21+$0x1C860];
	[tilespmem:s21+$0x1C7E0] =	vst v11;
	v3 =	vmul.f32 v56, v3  }
0x259: {  	[tilespmem:s21+$0x1C810] =	vst v4;
	v4 =	vmul.f32 v7, v6  }
0x25a: {  	v5 =	vld [tilespmem:s21+$0x1C6A0];
	[tilespmem:s21+$0x1C7D0] =	vst v3;
	v7 =	vmul.f32 v39, v41  }
0x25b: {  	[tilespmem:s21+$0x1C830] =	vst v4;
	v4 =	vmul.f32 v61, v6  }
0x25c: {  	[tilespmem:s21+$0x1C6B0] =	vst v7;
	v7 =	vmul.f32 v63, v6  }
0x25d: {  	v6 =	vmul.f32 v62, v6;
	[tilespmem:s21+$0x1C840] =	vst v4  }
0x25e: {  	[tilespmem:s21+$0x1C870] =	vst v7  }
0x25f: {  	s23 =	simm.s32 $0x1;
	v4 =	vmul.f32 v5, v41;
	[tilespmem:s21+$0x1C860] =	vst v6  }
.LBB2_18:
0x260: {  	s9 =	sshll.u32 s23, $0x4  }
0x261: {  	p2 =	sne.s32 s23, $0x4;
	[tilespmem:s21+$0x1C6A0] =	vst v4;
	s11 =	smov.u32 s23;
	s23 =	sadd.s32 $0x1, s23  }
0x262: {  	s9 =	sand.u32 $0x3FFFFFF0, s9  }
0x263: {  	v3 =	vld.idx.msk [tilespmem:v2+s9+$0x0 ss:$0x1], $0xffff  }
0x264: {  	s9 =	sshll.u32 s11, $0xB  }
0x265: {  	s21 =	sand.u32 $0x3FFFF800, s9  }
0x266: {  	v10 =	vld [tilespmem:s21+$0x1C140]  }
0x267: {  	v11 =	vld [tilespmem:s21+$0x1C150]  }
0x268: {  	v12 =	vld [tilespmem:s21+$0x1C130]  }
0x269: {  	v4 =	vbroadcast v3, $0x0;
	v9 =	vbroadcast v3, $0x4;
	v5 =	vld [tilespmem:s21+$0x1C0A0]  }
0x26a: {  	v7 =	vld [tilespmem:s21+$0x1C0B0]  }
0x26b: {  	v8 =	vld [tilespmem:s21+$0x1C5F0]  }
0x26c: {  	v13 =	vld [tilespmem:s21+$0x1C0E0]  }
0x26d: {  	v14 =	vld [tilespmem:s21+$0x1C0F0]  }
0x26e: {  	v6 =	vbroadcast v3, $0xA;
	v5 =	vmul.f32 v5, v4;
	v15 =	vld [tilespmem:s21+$0x1C100]  }
0x26f: {  	v7 =	vmul.f32 v7, v4;
	v16 =	vld [tilespmem:s21+$0x1C110]  }
0x270: {  	[tilespmem:s21+$0x1C0A0] =	vst v5;
	v17 =	vld [tilespmem:s21+$0x1C120];
	v5 =	vmul.f32 v8, v6  }
0x271: {  	[tilespmem:s21+$0x1C0B0] =	vst v7;
	v8 =	vmul.f32 v13, v4;
	v13 =	vbroadcast v3, $0x1;
	v7 =	vld [tilespmem:s21+$0x1C600]  }
0x272: {  	v14 =	vmul.f32 v14, v4;
	[tilespmem:s21+$0x1C5F0] =	vst v5;
	v5 =	vld [tilespmem:s21+$0x1C850]  }
0x273: {  	[tilespmem:s21+$0x1C0E0] =	vst v8;
	v15 =	vmul.f32 v15, v13;
	v8 =	vld [tilespmem:s21+$0x1C610]  }
0x274: {  	[tilespmem:s21+$0x1C0F0] =	vst v14;
	v14 =	vmul.f32 v16, v13;
	v16 =	vld [tilespmem:s21+$0x1C160]  }
0x275: {  	[tilespmem:s21+$0x1C100] =	vst v15;
	v15 =	vmul.f32 v17, v13;
	v17 =	vld [tilespmem:s21+$0x1C170]  }
0x276: {  	v12 =	vmul.f32 v12, v13;
	[tilespmem:s21+$0x1C110] =	vst v14;
	v14 =	vld [tilespmem:s21+$0x1C180]  }
0x277: {  	v10 =	vmul.f32 v10, v13;
	[tilespmem:s21+$0x1C120] =	vst v15;
	v15 =	vld [tilespmem:s21+$0x1C190]  }
0x278: {  	v11 =	vmul.f32 v11, v13;
	[tilespmem:s21+$0x1C130] =	vst v12;
	v12 =	vld [tilespmem:s21+$0x1C1A0]  }
0x279: {  	[tilespmem:s21+$0x1C140] =	vst v10;
	v10 =	vmul.f32 v16, v13;
	v16 =	vbroadcast v3, $0x2;
	v18 =	vld [tilespmem:s21+$0x1C1B0]  }
0x27a: {  	[tilespmem:s21+$0x1C150] =	vst v11;
	v11 =	vmul.f32 v17, v13;
	v13 =	vld [tilespmem:s21+$0x1C1C0]  }
0x27b: {  	[tilespmem:s21+$0x1C160] =	vst v10;
	v10 =	vmul.f32 v14, v16;
	v14 =	vld [tilespmem:s21+$0x1C1D0]  }
0x27c: {  	[tilespmem:s21+$0x1C170] =	vst v11;
	v11 =	vmul.f32 v15, v16;
	v15 =	vld [tilespmem:s21+$0x1C1E0]  }
0x27d: {  	[tilespmem:s21+$0x1C180] =	vst v10;
	v10 =	vmul.f32 v12, v16;
	v12 =	vld [tilespmem:s21+$0x1C1F0]  }
0x27e: {  	[tilespmem:s21+$0x1C190] =	vst v11;
	v11 =	vmul.f32 v18, v16;
	v17 =	vld [tilespmem:s21+$0x1C200]  }
0x27f: {  	[tilespmem:s21+$0x1C1A0] =	vst v10;
	v10 =	vmul.f32 v13, v16;
	v13 =	vld [tilespmem:s21+$0x1C210]  }
0x280: {  	[tilespmem:s21+$0x1C1B0] =	vst v11;
	v11 =	vmul.f32 v14, v16;
	v14 =	vld [tilespmem:s21+$0x1C220]  }
0x281: {  	[tilespmem:s21+$0x1C1C0] =	vst v10;
	v10 =	vmul.f32 v15, v16;
	v15 =	vbroadcast v3, $0x3;
	v18 =	vld [tilespmem:s21+$0x1C230]  }
0x282: {  	[tilespmem:s21+$0x1C1D0] =	vst v11;
	v11 =	vmul.f32 v12, v16;
	v12 =	vld [tilespmem:s21+$0x1C240]  }
0x283: {  	[tilespmem:s21+$0x1C1E0] =	vst v10;
	v10 =	vmul.f32 v17, v15;
	v16 =	vld [tilespmem:s21+$0x1C250]  }
0x284: {  	[tilespmem:s21+$0x1C1F0] =	vst v11;
	v11 =	vmul.f32 v13, v15;
	v13 =	vld [tilespmem:s21+$0x1C260]  }
0x285: {  	[tilespmem:s21+$0x1C200] =	vst v10;
	v10 =	vmul.f32 v14, v15;
	v14 =	vld [tilespmem:s21+$0x1C270]  }
0x286: {  	[tilespmem:s21+$0x1C210] =	vst v11;
	v11 =	vmul.f32 v18, v15;
	v17 =	vld [tilespmem:s21+$0x1C280]  }
0x287: {  	[tilespmem:s21+$0x1C220] =	vst v10;
	v10 =	vmul.f32 v12, v15;
	v12 =	vld [tilespmem:s21+$0x1C290]  }
0x288: {  	[tilespmem:s21+$0x1C230] =	vst v11;
	v11 =	vmul.f32 v16, v15;
	v16 =	vld [tilespmem:s21+$0x1C2A0]  }
0x289: {  	[tilespmem:s21+$0x1C240] =	vst v10;
	v10 =	vmul.f32 v13, v15;
	v13 =	vld [tilespmem:s21+$0x1C2B0]  }
0x28a: {  	[tilespmem:s21+$0x1C250] =	vst v11;
	v11 =	vmul.f32 v14, v15;
	v14 =	vld [tilespmem:s21+$0x1C2C0]  }
0x28b: {  	[tilespmem:s21+$0x1C260] =	vst v10;
	v10 =	vmul.f32 v17, v9;
	v15 =	vld [tilespmem:s21+$0x1C2D0]  }
0x28c: {  	[tilespmem:s21+$0x1C270] =	vst v11;
	v11 =	vmul.f32 v12, v9;
	v12 =	vld [tilespmem:s21+$0x1C2E0]  }
0x28d: {  	[tilespmem:s21+$0x1C280] =	vst v10;
	v10 =	vmul.f32 v16, v9;
	v16 =	vld [tilespmem:s21+$0x1C2F0]  }
0x28e: {  	[tilespmem:s21+$0x1C290] =	vst v11;
	v11 =	vmul.f32 v13, v9;
	v13 =	vld [tilespmem:s21+$0x1C300]  }
0x28f: {  	[tilespmem:s21+$0x1C2A0] =	vst v10;
	v10 =	vmul.f32 v14, v9;
	v14 =	vld [tilespmem:s21+$0x1C310]  }
0x290: {  	[tilespmem:s21+$0x1C2B0] =	vst v11;
	v11 =	vmul.f32 v15, v9;
	v15 =	vld [tilespmem:s21+$0x1C320]  }
0x291: {  	[tilespmem:s21+$0x1C2C0] =	vst v10;
	v10 =	vmul.f32 v12, v9;
	v12 =	vbroadcast v3, $0x5;
	v17 =	vld [tilespmem:s21+$0x1C330]  }
0x292: {  	[tilespmem:s21+$0x1C2D0] =	vst v11;
	v9 =	vmul.f32 v16, v9;
	v11 =	vld [tilespmem:s21+$0x1C340]  }
0x293: {  	[tilespmem:s21+$0x1C2E0] =	vst v10;
	v10 =	vmul.f32 v13, v12;
	v13 =	vld [tilespmem:s21+$0x1C350]  }
0x294: {  	[tilespmem:s21+$0x1C2F0] =	vst v9;
	v9 =	vmul.f32 v14, v12;
	v14 =	vld [tilespmem:s21+$0x1C360]  }
0x295: {  	[tilespmem:s21+$0x1C300] =	vst v10;
	v10 =	vmul.f32 v15, v12;
	v15 =	vld [tilespmem:s21+$0x1C370]  }
0x296: {  	[tilespmem:s21+$0x1C310] =	vst v9;
	v9 =	vmul.f32 v17, v12;
	v16 =	vld [tilespmem:s21+$0x1C380]  }
0x297: {  	[tilespmem:s21+$0x1C320] =	vst v10;
	v10 =	vmul.f32 v11, v12;
	v11 =	vld [tilespmem:s21+$0x1C390]  }
0x298: {  	[tilespmem:s21+$0x1C330] =	vst v9;
	v9 =	vmul.f32 v13, v12;
	v13 =	vld [tilespmem:s21+$0x1C3A0]  }
0x299: {  	[tilespmem:s21+$0x1C340] =	vst v10;
	v10 =	vmul.f32 v14, v12;
	v14 =	vbroadcast v3, $0x6;
	v17 =	vld [tilespmem:s21+$0x1C3B0]  }
0x29a: {  	[tilespmem:s21+$0x1C350] =	vst v9;
	v9 =	vmul.f32 v15, v12;
	v12 =	vld [tilespmem:s21+$0x1C3C0]  }
0x29b: {  	[tilespmem:s21+$0x1C360] =	vst v10;
	v10 =	vmul.f32 v16, v14;
	v15 =	vld [tilespmem:s21+$0x1C3D0]  }
0x29c: {  	[tilespmem:s21+$0x1C370] =	vst v9;
	v9 =	vmul.f32 v11, v14;
	v11 =	vld [tilespmem:s21+$0x1C3E0]  }
0x29d: {  	[tilespmem:s21+$0x1C380] =	vst v10;
	v10 =	vmul.f32 v13, v14;
	v13 =	vld [tilespmem:s21+$0x1C3F0]  }
0x29e: {  	[tilespmem:s21+$0x1C390] =	vst v9;
	v9 =	vmul.f32 v17, v14;
	v16 =	vld [tilespmem:s21+$0x1C400]  }
0x29f: {  	[tilespmem:s21+$0x1C3A0] =	vst v10;
	v10 =	vmul.f32 v12, v14;
	v12 =	vld [tilespmem:s21+$0x1C410]  }
0x2a0: {  	[tilespmem:s21+$0x1C3B0] =	vst v9;
	v9 =	vmul.f32 v15, v14;
	v15 =	vld [tilespmem:s21+$0x1C420]  }
0x2a1: {  	[tilespmem:s21+$0x1C3C0] =	vst v10;
	v10 =	vmul.f32 v11, v14;
	v11 =	vbroadcast v3, $0x7;
	v17 =	vld [tilespmem:s21+$0x1C430]  }
0x2a2: {  	[tilespmem:s21+$0x1C3D0] =	vst v9;
	v9 =	vmul.f32 v13, v14;
	v13 =	vld [tilespmem:s21+$0x1C440]  }
0x2a3: {  	[tilespmem:s21+$0x1C3E0] =	vst v10;
	v10 =	vmul.f32 v16, v11;
	v14 =	vld [tilespmem:s21+$0x1C450]  }
0x2a4: {  	[tilespmem:s21+$0x1C3F0] =	vst v9;
	v9 =	vmul.f32 v12, v11;
	v12 =	vld [tilespmem:s21+$0x1C460]  }
0x2a5: {  	[tilespmem:s21+$0x1C400] =	vst v10;
	v10 =	vmul.f32 v15, v11;
	v15 =	vld [tilespmem:s21+$0x1C470]  }
0x2a6: {  	[tilespmem:s21+$0x1C410] =	vst v9;
	v9 =	vmul.f32 v17, v11;
	v16 =	vld [tilespmem:s21+$0x1C480]  }
0x2a7: {  	[tilespmem:s21+$0x1C420] =	vst v10;
	v10 =	vmul.f32 v13, v11;
	v13 =	vld [tilespmem:s21+$0x1C490]  }
0x2a8: {  	[tilespmem:s21+$0x1C430] =	vst v9;
	v9 =	vmul.f32 v14, v11;
	v14 =	vld [tilespmem:s21+$0x1C4A0]  }
0x2a9: {  	[tilespmem:s21+$0x1C440] =	vst v10;
	v10 =	vmul.f32 v12, v11;
	v12 =	vbroadcast v3, $0x8;
	v17 =	vld [tilespmem:s21+$0x1C4B0]  }
0x2aa: {  	[tilespmem:s21+$0x1C450] =	vst v9;
	v9 =	vmul.f32 v15, v11;
	v11 =	vld [tilespmem:s21+$0x1C4C0]  }
0x2ab: {  	[tilespmem:s21+$0x1C460] =	vst v10;
	v10 =	vmul.f32 v16, v12;
	v15 =	vld [tilespmem:s21+$0x1C4D0]  }
0x2ac: {  	[tilespmem:s21+$0x1C470] =	vst v9;
	v9 =	vmul.f32 v13, v12;
	v13 =	vld [tilespmem:s21+$0x1C4E0]  }
0x2ad: {  	[tilespmem:s21+$0x1C480] =	vst v10;
	v10 =	vmul.f32 v14, v12;
	v14 =	vld [tilespmem:s21+$0x1C4F0]  }
0x2ae: {  	[tilespmem:s21+$0x1C490] =	vst v9;
	v9 =	vmul.f32 v17, v12;
	v16 =	vld [tilespmem:s21+$0x1C500]  }
0x2af: {  	[tilespmem:s21+$0x1C4A0] =	vst v10;
	v10 =	vmul.f32 v11, v12;
	v11 =	vld [tilespmem:s21+$0x1C510]  }
0x2b0: {  	[tilespmem:s21+$0x1C4B0] =	vst v9;
	v9 =	vmul.f32 v15, v12;
	v15 =	vld [tilespmem:s21+$0x1C520]  }
0x2b1: {  	[tilespmem:s21+$0x1C4C0] =	vst v10;
	v10 =	vmul.f32 v13, v12;
	v13 =	vbroadcast v3, $0x9;
	v17 =	vld [tilespmem:s21+$0x1C530]  }
0x2b2: {  	[tilespmem:s21+$0x1C4D0] =	vst v9;
	v9 =	vmul.f32 v14, v12;
	v12 =	vld [tilespmem:s21+$0x1C540]  }
0x2b3: {  	[tilespmem:s21+$0x1C4E0] =	vst v10;
	v10 =	vmul.f32 v16, v13;
	v14 =	vld [tilespmem:s21+$0x1C550]  }
0x2b4: {  	[tilespmem:s21+$0x1C4F0] =	vst v9;
	v9 =	vmul.f32 v11, v13;
	v11 =	vld [tilespmem:s21+$0x1C560]  }
0x2b5: {  	[tilespmem:s21+$0x1C500] =	vst v10;
	v10 =	vmul.f32 v15, v13;
	v15 =	vld [tilespmem:s21+$0x1C570]  }
0x2b6: {  	[tilespmem:s21+$0x1C510] =	vst v9;
	v9 =	vmul.f32 v17, v13;
	v16 =	vld [tilespmem:s21+$0x1C580]  }
0x2b7: {  	[tilespmem:s21+$0x1C520] =	vst v10;
	v10 =	vmul.f32 v12, v13;
	v12 =	vld [tilespmem:s21+$0x1C590]  }
0x2b8: {  	[tilespmem:s21+$0x1C530] =	vst v9;
	v9 =	vmul.f32 v14, v13;
	v14 =	vld [tilespmem:s21+$0x1C5A0]  }
0x2b9: {  	[tilespmem:s21+$0x1C540] =	vst v10;
	v10 =	vmul.f32 v11, v13;
	v11 =	vld [tilespmem:s21+$0x1C5B0]  }
0x2ba: {  	[tilespmem:s21+$0x1C550] =	vst v9;
	v9 =	vmul.f32 v15, v13;
	v13 =	vld [tilespmem:s21+$0x1C5C0]  }
0x2bb: {  	[tilespmem:s21+$0x1C560] =	vst v10;
	v10 =	vmul.f32 v16, v6;
	v15 =	vld [tilespmem:s21+$0x1C5D0]  }
0x2bc: {  	[tilespmem:s21+$0x1C570] =	vst v9;
	v9 =	vmul.f32 v12, v6;
	v12 =	vld [tilespmem:s21+$0x1C5E0]  }
0x2bd: {  	v16 =	vld [tilespmem:s21+$0x1C080];
	[tilespmem:s21+$0x1C580] =	vst v10;
	v10 =	vmul.f32 v14, v6  }
0x2be: {  	v14 =	vld [tilespmem:s21+$0x1C090];
	[tilespmem:s21+$0x1C590] =	vst v9;
	v9 =	vmul.f32 v11, v6  }
0x2bf: {  	v11 =	vld [tilespmem:s21+$0x1C0C0];
	[tilespmem:s21+$0x1C5A0] =	vst v10;
	v10 =	vmul.f32 v13, v6  }
0x2c0: {  	v13 =	vld [tilespmem:s21+$0x1C0D0];
	[tilespmem:s21+$0x1C5B0] =	vst v9;
	v9 =	vmul.f32 v15, v6  }
0x2c1: {  	[tilespmem:s21+$0x1C5C0] =	vst v10;
	v10 =	vmul.f32 v12, v6;
	v12 =	vbroadcast v3, $0xB;
	v15 =	vld [tilespmem:s21+$0x1C620]  }
0x2c2: {  	v6 =	vbroadcast v3, $0xF;
	v16 =	vmul.f32 v4, v16;
	[tilespmem:s21+$0x1C5D0] =	vst v9;
	v9 =	vld [tilespmem:s21+$0x1C630]  }
0x2c3: {  	v14 =	vmul.f32 v14, v4;
	[tilespmem:s21+$0x1C5E0] =	vst v10;
	v7 =	vmul.f32 v7, v12;
	v10 =	vld [tilespmem:s21+$0x1C640]  }
0x2c4: {  	v8 =	vmul.f32 v8, v12;
	[tilespmem:s21+$0x1C080] =	vst v16;
	v11 =	vmul.f32 v11, v4;
	v16 =	vld [tilespmem:s21+$0x1C650]  }
0x2c5: {  	v5 =	vmul.f32 v5, v6;
	v13 =	vmul.f32 v13, v4;
	[tilespmem:s21+$0x1C600] =	vst v7;
	v4 =	vld [tilespmem:s21+$0x1C660]  }
0x2c6: {  	[tilespmem:s21+$0x1C610] =	vst v8;
	v7 =	vmul.f32 v15, v12;
	v8 =	vld [tilespmem:s21+$0x1C670]  }
0x2c7: {  	v9 =	vmul.f32 v9, v12;
	v15 =	vld [tilespmem:s21+$0x1C680];
	[tilespmem:s21+$0x1C850] =	vst v5  }
0x2c8: {  	[tilespmem:s21+$0x1C090] =	vst v14;
	v5 =	vmul.f32 v10, v12;
	v10 =	vld [tilespmem:s21+$0x1C690]  }
0x2c9: {  	[tilespmem:s21+$0x1C0C0] =	vst v11;
	v11 =	vmul.f32 v16, v12;
	v14 =	vld [tilespmem:s21+$0x1C6A0]  }
0x2ca: {  	v16 =	vbroadcast v3, $0xC;
	[tilespmem:s21+$0x1C620] =	vst v7;
	v7 =	vmul.f32 v4, v12;
	v17 =	vld [tilespmem:s21+$0x1C6B0]  }
0x2cb: {  	[tilespmem:s21+$0x1C650] =	vst v11;
	v8 =	vmul.f32 v8, v12;
	v11 =	vld [tilespmem:s21+$0x1C6C0]  }
0x2cc: {  	[tilespmem:s21+$0x1C630] =	vst v9;
	v4 =	vmul.f32 v15, v16;
	v9 =	vld [tilespmem:s21+$0x1C6D0]  }
0x2cd: {  	[tilespmem:s21+$0x1C640] =	vst v5;
	v5 =	vmul.f32 v10, v16;
	v10 =	vld [tilespmem:s21+$0x1C6E0]  }
0x2ce: {  	[tilespmem:s21+$0x1C680] =	vst v4;
	v4 =	vmul.f32 v14, v16;
	v12 =	vld [tilespmem:s21+$0x1C6F0]  }
0x2cf: {  	[tilespmem:s21+$0x1C690] =	vst v5;
	v5 =	vld [tilespmem:s21+$0x1C700]  }
0x2d0: {  	[tilespmem:s21+$0x1C0D0] =	vst v13;
	v11 =	vmul.f32 v11, v16;
	v13 =	vld [tilespmem:s21+$0x1C710]  }
0x2d1: {  	[tilespmem:s21+$0x1C660] =	vst v7;
	v7 =	vmul.f32 v9, v16;
	v9 =	vld [tilespmem:s21+$0x1C720]  }
0x2d2: {  	[tilespmem:s21+$0x1C6C0] =	vst v11;
	v10 =	vmul.f32 v10, v16;
	v11 =	vbroadcast v3, $0xD;
	v14 =	vld [tilespmem:s21+$0x1C730]  }
0x2d3: {  	[tilespmem:s21+$0x1C6D0] =	vst v7;
	v7 =	vmul.f32 v12, v16;
	v12 =	vld [tilespmem:s21+$0x1C740]  }
0x2d4: {  	[tilespmem:s21+$0x1C6E0] =	vst v10;
	v5 =	vmul.f32 v5, v11;
	v10 =	vld [tilespmem:s21+$0x1C750]  }
0x2d5: {  	[tilespmem:s21+$0x1C6F0] =	vst v7;
	v7 =	vmul.f32 v13, v11;
	v13 =	vld [tilespmem:s21+$0x1C760]  }
0x2d6: {  	[tilespmem:s21+$0x1C700] =	vst v5;
	v5 =	vmul.f32 v9, v11;
	v9 =	vld [tilespmem:s21+$0x1C770]  }
0x2d7: {  	[tilespmem:s21+$0x1C710] =	vst v7;
	v7 =	vmul.f32 v14, v11;
	v14 =	vld [tilespmem:s21+$0x1C780]  }
0x2d8: {  	[tilespmem:s21+$0x1C720] =	vst v5;
	v5 =	vmul.f32 v12, v11;
	v12 =	vld [tilespmem:s21+$0x1C790]  }
0x2d9: {  	[tilespmem:s21+$0x1C730] =	vst v7;
	v7 =	vmul.f32 v10, v11;
	v10 =	vld [tilespmem:s21+$0x1C7A0]  }
0x2da: {  	v3 =	vbroadcast v3, $0xE;
	[tilespmem:s21+$0x1C670] =	vst v8;
	v8 =	vmul.f32 v13, v11;
	v13 =	vld [tilespmem:s21+$0x1C7B0]  }
0x2db: {  	[tilespmem:s21+$0x1C750] =	vst v7;
	v7 =	vmul.f32 v9, v11;
	v9 =	vld [tilespmem:s21+$0x1C7C0]  }
0x2dc: {  	[tilespmem:s21+$0x1C760] =	vst v8;
	v8 =	vmul.f32 v14, v3;
	v11 =	vld [tilespmem:s21+$0x1C7D0]  }
0x2dd: {  	[tilespmem:s21+$0x1C770] =	vst v7;
	v7 =	vmul.f32 v12, v3;
	v12 =	vld [tilespmem:s21+$0x1C7E0]  }
0x2de: {  	[tilespmem:s21+$0x1C780] =	vst v8;
	v8 =	vmul.f32 v10, v3;
	v10 =	vld [tilespmem:s21+$0x1C7F0]  }
0x2df: {  	[tilespmem:s21+$0x1C790] =	vst v7;
	v7 =	vmul.f32 v13, v3;
	v13 =	vld [tilespmem:s21+$0x1C800]  }
0x2e0: {  	[tilespmem:s21+$0x1C7A0] =	vst v8;
	v8 =	vmul.f32 v9, v3;
	v9 =	vld [tilespmem:s21+$0x1C810]  }
0x2e1: {  	[tilespmem:s21+$0x1C7B0] =	vst v7;
	v7 =	vmul.f32 v11, v3;
	v11 =	vld [tilespmem:s21+$0x1C820]  }
0x2e2: {  	[tilespmem:s21+$0x1C7C0] =	vst v8;
	v8 =	vmul.f32 v12, v3;
	v12 =	vld [tilespmem:s21+$0x1C830]  }
0x2e3: {  	[tilespmem:s21+$0x1C740] =	vst v5;
	v3 =	vmul.f32 v10, v3;
	v5 =	vld [tilespmem:s21+$0x1C840]  }
0x2e4: {  	[tilespmem:s21+$0x1C7E0] =	vst v8;
	v8 =	vmul.f32 v13, v6;
	v10 =	vld [tilespmem:s21+$0x1C860]  }
0x2e5: {  	[tilespmem:s21+$0x1C7F0] =	vst v3;
	v3 =	vmul.f32 v9, v6;
	v9 =	vld [tilespmem:s21+$0x1C870]  }
0x2e6: {  	[tilespmem:s21+$0x1C800] =	vst v8;
	v8 =	vmul.f32 v11, v6  }
0x2e7: {  	[tilespmem:s21+$0x1C810] =	vst v3;
	v3 =	vmul.f32 v12, v6  }
0x2e8: {  	v11 =	vmul.f32 v17, v16;
	[tilespmem:s21+$0x1C820] =	vst v8  }
0x2e9: {  	[tilespmem:s21+$0x1C830] =	vst v3;
	v3 =	vmul.f32 v5, v6  }
.Ltmp10:
0x2ea: {  	[tilespmem:s21+$0x1C6B0] =	vst v11;
	v5 =	vmul.f32 v9, v6;
	(pc) =	sbr.rel @p2 .LBB2_18-.Ltmp10, $4  }
0x2eb: {  	[tilespmem:s21+$0x1C840] =	vst v3  }
0x2ec: {  	v3 =	vmul.f32 v10, v6;
	[tilespmem:s21+$0x1C870] =	vst v5  }
0x2ed: {  	[tilespmem:s21+$0x1C7D0] =	vst v7  }
0x2ee: {  	[tilespmem:s21+$0x1C860] =	vst v3  }
0x2ef: {  	s9 =	sshll.u32 s30, $0x7  }
0x2f0: {  	p2 =	seq.s32 s28, $0x7;
	s9 =	sand.u32 $0x3FFFFF80, s9  }
.Ltmp11:
0x2f1: {  	[tilespmem:s21+$0x1C6A0] =	vst v4;
	s9 =	sadd.s32 $0x5780, s9;
	(pc) =	sbr.rel @p2 .LBB2_21-.Ltmp11, $4  }
0x2f2: {  	[spmem:s2] =	stream.indirect.scatter.add.f32 [tilespmem:s16], [sflag:$0x4], $0x80, s9, s14, $0xb8;
	[tilespmem:$0x1E880] =	vst v63  }
0x2f3: {  	_ =	swait.ge [sflag:s19], $0x2800  }
0x2f4: {  	[sflag:s19] =	ssyncset.done $0x0  }
0x2f5: {  	[sflag:s19] =	ssyncadd.s32 $0xFFFFD800  }
0x2f6: {  	s9 =	sadd.s32 $0x5080, s29  }
0x2f7: {  	[tilespmem:s7], [sflag:$0x1] =	stream.indirect.gather [hbm4b:s1+s14], $0x80, s9, s14, $0xb8;
	[tilespmem:$0x1E880] =	vst v63  }
.Ltmp12:
0x2f8: {  	_ = 	snop;
	(pc) =	sbr.rel .LBB2_15-.Ltmp12, $4  }
0x2f9: {  	_ =	swait.ge [sflag:s20], $0x2800  }
0x2fa: {  	[sflag:s20] =	ssyncset.done $0x0  }
0x2fb: {  	s30 =	sadd.s32 $0x5100, s29;
	s28 =	sadd.s32 $0x1, s28;
	[sflag:s20] =	ssyncadd.s32 $0xFFFFD800  }
0x2fc: {  	[tilespmem:s16], [sflag:$0x2] =	stream.indirect.gather [hbm4b:s1+s14], $0x80, s30, s14, $0xb8;
	[tilespmem:$0x1E880] =	vst v63  }
.LBB2_22:
0x2fd: {  	[bflag:$0x0] =	sbarrier.arrive $0xFFFF  }
0x2fe: {  	s13 =	rddreg [dreg:$0x7]  }
0x2ff: {  	[tilespmem:s7], [sflag:$0x6] =	stream.linear.gather [spmem:s13], $0x2800, $0x38;
	[tilespmem:$0x1E880] =	vst v63  }
0x300: {  	_ =	swait.ge [sflag:s4], $0x2800  }
0x301: {  	s11 =	rddreg [dreg:$0x11]  }
.Ltmp13:
0x302: {  	[sflag:s4] =	ssyncset.done $0x0;
	s9 =	sshrl.u32 s11, $0x3;
	(pc) =	sbr.rel @!p1 .LBB2_24-.Ltmp13, $4  }
0x303: {  	[sflag:s4] =	ssyncadd.s32 $0xFFFFD800;
	s9 =	sadd.s32 s10, s9  }
0x304: {  	[hbm4b:s9+s3] =	stream.linear.scatter [tilespmem:s7], [sflag:$0x6], $0x2800, $0x38;
	[tilespmem:$0x1E880] =	vst v63  }
0x305: {  	_ =	swait.ge [sflag:s4], $0x2800  }
0x306: {  	s9 =	sadd.s32 $0xFFFFFFFF, s22;
	[sflag:s4] =	ssyncset.done $0x0  }
.LBB2_23:
0x307: {  	[sflag:s4] =	ssyncadd.s32 $0xFFFFD800;
	s11 =	sadd.s32 $0x2800, s11;
	s13 =	sadd.s32 $0x2800, s13  }
0x308: {  	[tilespmem:s7], [sflag:$0x6] =	stream.linear.gather [spmem:s13], $0x2800, $0x38;
	[tilespmem:$0x1E880] =	vst v63  }
0x309: {  	p1 =	sne.s32 s9, $0x1;
	s9 =	sadd.s32 $0xFFFFFFFF, s9;
	_ =	swait.ge [sflag:s4], $0x2800  }
.Ltmp14:
0x30a: {  	s21 =	sshrl.u32 s11, $0x3;
	[sflag:s4] =	ssyncset.done $0x0;
	(pc) =	sbr.rel @p1 .LBB2_23-.Ltmp14, $4  }
0x30b: {  	s21 =	sadd.s32 s10, s21;
	[sflag:s4] =	ssyncadd.s32 $0xFFFFD800  }
0x30c: {  	[hbm4b:s21+s3] =	stream.linear.scatter [tilespmem:s7], [sflag:$0x6], $0x2800, $0x38;
	[tilespmem:$0x1E880] =	vst v63  }
0x30d: {  	_ =	swait.ge [sflag:s4], $0x2800  }
0x30e: {  	[sflag:s4] =	ssyncset.done $0x0  }
.LBB2_24:
0x30f: {  	[sflag:s4] =	ssyncadd.s32 $0xFFFFD800;
	s9 =	simm.s32 @!p0 $0x19880;
	s11 =	rddreg [dreg:$0x8]  }
0x310: {  	[tilespmem:s9], [sflag:$0x6] =	stream.linear.gather @!p0 [spmem:s11], $0x2000, $0x38;
	[tilespmem:$0x1E880] =	vst v63  }
0x311: {  	s11 =	simm.s32 @!p0 $0x6  }
0x312: {  	_ =	swait.ge @!p0 [sflag:s11], $0x2000  }
0x313: {  	[sflag:s11] =	ssyncset.done @!p0 $0x0  }
0x314: {  	s13 =	rddreg [dreg:$0x9];
	[sflag:s11] =	ssyncadd.s32 @!p0 $0xFFFFE000;
	s11 =	simm.s32 @!p0 $0x0  }
0x315: {  	[hbm4b:s13+s11] =	stream.linear.scatter @!p0 [tilespmem:s9], [sflag:$0x5], $0x2000, $0x38;
	[tilespmem:$0x1E880] =	vst v63  }
0x316: {  	s9 =	simm.s32 @!p0 $0x5  }
0x317: {  	_ =	swait.ge @!p0 [sflag:s9], $0x2000  }
0x318: {  	[sflag:s9] =	ssyncset.done @!p0 $0x0  }
0x319: {  	s11 =	rddreg [dreg:$0xa];
	[sflag:s9] =	ssyncadd.s32 @!p0 $0xFFFFE000  }
0x31a: {  	[hbm4b:s11+s3] =	stream.linear.scatter [tilespmem:s3], [sflag:$0x5], $0x3E8, $0x38;
	[tilespmem:$0x1E880] =	vst v63  }
0x31b: {  	_ =	swait.ge [sflag:s0], $0x3E8  }
0x31c: {  	[sflag:s0] =	ssyncset.done $0x0  }
0x31d: {  	s15 =	simm.s32 $0x3E8;
	s13 =	rddreg [dreg:$0xc];
	[sflag:s0] =	ssyncadd.s32 $0xFFFFFC18  }
0x31e: {  	[hbm4b:s13+s3] =	stream.linear.scatter [tilespmem:s15], [sflag:$0x5], $0x3E8, $0x38;
	[tilespmem:$0x1E880] =	vst v63  }
0x31f: {  	_ =	swait.ge [sflag:s0], $0x3E8  }
0x320: {  	[sflag:s0] =	ssyncset.done $0x0  }
0x321: {  	s23 =	simm.s32 $0x7D0;
	s21 =	rddreg [dreg:$0xd];
	[sflag:s0] =	ssyncadd.s32 $0xFFFFFC18  }
0x322: {  	[hbm4b:s21+s3] =	stream.linear.scatter [tilespmem:s23], [sflag:$0x5], $0x3E8, $0x38;
	[tilespmem:$0x1E880] =	vst v63  }
0x323: {  	_ =	swait.ge [sflag:s0], $0x3E8  }
0x324: {  	[sflag:s0] =	ssyncset.done $0x0  }
0x325: {  	s25 =	simm.s32 $0xBB8;
	s24 =	rddreg [dreg:$0xe];
	[sflag:s0] =	ssyncadd.s32 $0xFFFFFC18  }
0x326: {  	[hbm4b:s24+s3] =	stream.linear.scatter [tilespmem:s25], [sflag:$0x5], $0x3E8, $0x38;
	[tilespmem:$0x1E880] =	vst v63  }
0x327: {  	_ =	swait.ge [sflag:s0], $0x3E8  }
0x328: {  	[sflag:s0] =	ssyncset.done $0x0  }
0x329: {  	s28 =	simm.s32 $0xFA0;
	s26 =	rddreg [dreg:$0x10];
	[sflag:s0] =	ssyncadd.s32 $0xFFFFFC18  }
0x32a: {  	[hbm4b:s26+s3] =	stream.linear.scatter [tilespmem:s28], [sflag:$0x5], $0x3E8, $0x38;
	[tilespmem:$0x1E880] =	vst v63  }
0x32b: {  	_ =	swait.ge [sflag:s0], $0x3E8  }
0x32c: {  	[sflag:s0] =	ssyncset.done $0x0  }
0x32d: {  	s30 =	simm.s32 $0x1388;
	s29 =	rddreg [dreg:$0x12];
	[sflag:s0] =	ssyncadd.s32 $0xFFFFFC18  }
0x32e: {  	[hbm4b:s29+s3] =	stream.linear.scatter [tilespmem:s30], [sflag:$0x5], $0x3E8, $0x38;
	[tilespmem:$0x1E880] =	vst v63  }
0x32f: {  	_ =	swait.ge [sflag:s0], $0x3E8  }
0x330: {  	[sflag:s0] =	ssyncset.done $0x0  }
0x331: {  	s15 =	simm.s32 $0x1770;
	s13 =	rddreg [dreg:$0x13];
	[sflag:s0] =	ssyncadd.s32 $0xFFFFFC18  }
0x332: {  	[hbm4b:s13+s3] =	stream.linear.scatter [tilespmem:s15], [sflag:$0x5], $0x3E8, $0x38;
	[tilespmem:$0x1E880] =	vst v63  }
0x333: {  	_ =	swait.ge [sflag:s0], $0x3E8  }
0x334: {  	[sflag:s0] =	ssyncset.done $0x0  }
0x335: {  	s23 =	simm.s32 $0x1B58;
	s21 =	rddreg [dreg:$0x14];
	[sflag:s0] =	ssyncadd.s32 $0xFFFFFC18  }
0x336: {  	[hbm4b:s21+s3] =	stream.linear.scatter [tilespmem:s23], [sflag:$0x5], $0x3E8, $0x38;
	[tilespmem:$0x1E880] =	vst v63  }
0x337: {  	_ =	swait.ge [sflag:s0], $0x3E8  }
0x338: {  	[sflag:s0] =	ssyncset.done $0x0  }
0x339: {  	s25 =	simm.s32 $0x1F40;
	s24 =	rddreg [dreg:$0x15];
	[sflag:s0] =	ssyncadd.s32 $0xFFFFFC18  }
0x33a: {  	[hbm4b:s24+s3] =	stream.linear.scatter [tilespmem:s25], [sflag:$0x5], $0x3E8, $0x38;
	[tilespmem:$0x1E880] =	vst v63  }
0x33b: {  	_ =	swait.ge [sflag:s0], $0x3E8  }
0x33c: {  	[sflag:s0] =	ssyncset.done $0x0  }
0x33d: {  	s28 =	simm.s32 $0x2328;
	s26 =	rddreg [dreg:$0x16];
	[sflag:s0] =	ssyncadd.s32 $0xFFFFFC18  }
0x33e: {  	[hbm4b:s26+s3] =	stream.linear.scatter [tilespmem:s28], [sflag:$0x5], $0x3E8, $0x38;
	[tilespmem:$0x1E880] =	vst v63  }
0x33f: {  	_ =	swait.ge [sflag:s0], $0x3E8  }
0x340: {  	s29 =	rddreg [dreg:$0x18]  }
0x341: {  	s30 =	rddreg [dreg:$0xb];
	s11 =	sadd.s32 $0x1, s29  }
0x342: {  	p1 =	sne.s32 s11, s30  }
.Ltmp15:
0x343: {  	_ = 	snop;
	(pc) =	sbr.rel @p1 .LBB2_1-.Ltmp15, $3  }
0x344: {  	_ =	sdelay $0x1  }
0x345: {  	[sflag:s0] =	ssyncset.done $0x0  }
0x346: {  	[sflag:s0] =	ssyncadd.s32 $0xFFFFFC18  }
0x347: {  	_ =	sfence.sel $0x180000  }
0x348: {  	[bflag:$0x0] =	sbarrier.arrive $0xFFFF  }
0x349: {  	_ =	strace $0x90000047  }
0x34a: {  	s0 =	stileid.u32;
	[bflag:$0x2] =	sbarrier.arrive $0xFFFF  }
0x34b: {  	p0 =	sne.s32 s0, $0x0;
	s0 =	rddreg [dreg:$0x3]  }
0x34c: {  	s0 =	sadd.s32 @!p0 $0x100000, s0  }
0x34d: {  	[sflag:s0] =	ssyncadd.tile.s32 @!p0 $0x1;
	_ =	shalt  }
.Lfunc_end2:
_tile_overlayer_lowered:
.L_overlay_start_2:
0x34e: {  	(tag) =	ssettag $0x2  }
0x34f: {  	s0 =	rddreg [dreg:$0x0];
	s2 =	stileid.u32  }
0x350: {  	s1 =	rddreg [dreg:$0x1];
	p0 =	sne.s32 s2, $0x0  }
0x351: {  	s3 =	rddreg [dreg:$0x2];
	[bflag:$0x3] =	sbarrier.arrive $0xFFFF;
	s2 =	simm.s32 @!p0 $0x1C05  }
0x352: {  	[timem:s3], [sflag:s2] =	dma.local @!p0 [hbm:s0], s1  }
0x353: {  	s0 =	simm.s32 @!p0 $0x5  }
0x354: {  	_ =	swait.ge @!p0 [sflag:s0], s1  }
0x355: {  	s1 =	ssub.s32 @!p0 $0x0, s1;
	[sflag:s0] =	ssyncset.done @!p0 $0x0  }
0x356: {  	[sflag:s0] =	ssyncadd.s32 @!p0 s1  }
0x357: {  	[bflag:$0x3] =	sbarrier.arrive $0xFFFF  }
0x358: {  	_ =	shalt  }

</sc_bundles>
